<compile_context>
chip_gen: v7x
topology: tpu7x:2x2x1
jax: 0.10.2.dev20260603
libtpu: 0.0.44.dev20260713+nightly
codegen_flags: <defaults>
</compile_context>

<pallas_src>
import jax
import jax.numpy as jnp
from jax import lax
from jax.experimental import pallas as pl
from jax.experimental.pallas import tpu as pltpu
from jax.experimental.pallas import tpu_sc as plsc

B, H, W, C = 8, 112, 112, 96
E = H * W * C
F = (2 * H) * (2 * W) * C

NC, NS, L = 2, 16, 16

NCHUNK = 3
CS = F // NCHUNK
ACC_T = CS // NS
E_T = E // NS
ROW = 128
ROWS_BLK = 21
BLK = ROWS_BLK * ROW
NBLK = E_T // BLK
ZB = 3_136
IR_B = H * C
IR_T = IR_B // NS
RB = BLK // W
B_PER_CORE = B // NC


def _unpool_body(pool_hbm, ind_hbm, out_hbm,
                 ind_raw0, val_raw0, ind_raw1, val_raw1,
                 idx_st0, val_st0, idx_st1, val_st1, zbuf,
                 acc_sh, sem_i0, sem_i1, sem_s0, sem_s1):
    c = lax.axis_index("c")
    s = lax.axis_index("s")

    zero16 = jnp.zeros((L,), jnp.float32)

    def _z(i):
        zbuf[pl.ds(i * L, L)] = zero16
    pl.loop(0, ZB // L)(_z)

    raws = ((ind_raw0, val_raw0, sem_i0), (ind_raw1, val_raw1, sem_i1))
    stages = ((idx_st0, val_st0, sem_s0), (idx_st1, val_st1, sem_s1))

    def chunk_task(b, kk):
        lo = kk * CS
        in_row = b * IR_B + s * IR_T
        out_base = b * F + lo

        def _zero_slice(z):
            pltpu.sync_copy(
                zbuf, acc_sh.at[pl.ds(s * ACC_T + z * ZB, ZB)])
        pl.loop(0, ACC_T // ZB)(_zero_slice)
        plsc.subcore_barrier()

        def fire_input(blk, p):
            ir, vr, sem = raws[p]
            base = in_row + (blk % NBLK) * RB
            pltpu.async_copy(ind_hbm.at[pl.ds(base, RB), :], ir, sem)
            pltpu.async_copy(pool_hbm.at[pl.ds(base, RB), :], vr, sem)

        def wait_input(p):
            ir, vr, sem = raws[p]
            pltpu.make_async_copy(
                ind_hbm.at[pl.ds(0, RB), :], ir, sem).wait()
            pltpu.make_async_copy(
                pool_hbm.at[pl.ds(0, RB), :], vr, sem).wait()

        def drain_scatter(p):
            _, vs, sem = stages[p]
            for r in range(ROWS_BLK):
                pltpu.make_async_copy(
                    vs.at[r], acc_sh.at[pl.ds(0, ROW)], sem).wait()

        def do_block(p):
            ir, vr, _ = raws[p]
            xs, vs, sem = stages[p]

            def _row(r):
                for v in range(W // L):
                    idx = ir[r, pl.ds(v * L, L)]
                    val = vr[r, pl.ds(v * L, L)]
                    loc = idx - lo
                    ok = (idx >= lo) & (loc < CS)
                    p = r * W + v * L
                    pr = lax.shift_right_logical(p, 7)
                    pc = lax.bitwise_and(p, ROW - 1)
                    xs[pr, pl.ds(pc, L)] = jnp.where(
                        ok, loc, lax.shift_right_logical(idx, 2))
                    vs[pr, pl.ds(pc, L)] = jnp.where(ok, val, 0.0)
            pl.loop(0, RB)(_row)

            for r in range(ROWS_BLK):
                pltpu.async_copy(vs.at[r], acc_sh.at[xs.at[r]], sem,
                                 add=True)

        fire_input(0, 0)
        fire_input(1, 1)

        def _pair(i, first):
            wait_input(0)
            if not first:
                drain_scatter(0)
            do_block(0)
            fire_input(i + 2, 0)
            wait_input(1)
            if not first:
                drain_scatter(1)
            do_block(1)
            fire_input(i + 3, 1)
        _pair(0, True)
        pl.loop(2, NBLK, step=2)(lambda i: _pair(i, False))

        wait_input(0)
        wait_input(1)
        drain_scatter(0)
        drain_scatter(1)

        plsc.subcore_barrier()
        pltpu.sync_copy(
            acc_sh.at[pl.ds(s * ACC_T, ACC_T)],
            out_hbm.at[pl.ds(out_base + s * ACC_T, ACC_T)])

    def _batch(b_local):
        def _chunk(kk):
            chunk_task(c * B_PER_CORE + b_local, kk)
        pl.loop(0, NCHUNK)(_chunk)
    pl.loop(0, B_PER_CORE)(_batch)


@jax.jit
def _unpool(pool_flat, ind_flat):
    mesh = plsc.VectorSubcoreMesh(
        core_axis_name="c", subcore_axis_name="s",
        num_cores=NC, num_subcores=NS)
    return pl.kernel(
        _unpool_body,
        out_type=jax.ShapeDtypeStruct((B * F,), jnp.float32),
        mesh=mesh,
        scratch_types=[
            pltpu.VMEM((RB, W), jnp.int32),
            pltpu.VMEM((RB, W), jnp.float32),
            pltpu.VMEM((RB, W), jnp.int32),
            pltpu.VMEM((RB, W), jnp.float32),
            pltpu.VMEM((ROWS_BLK, ROW), jnp.int32),
            pltpu.VMEM((ROWS_BLK, ROW), jnp.float32),
            pltpu.VMEM((ROWS_BLK, ROW), jnp.int32),
            pltpu.VMEM((ROWS_BLK, ROW), jnp.float32),
            pltpu.VMEM((ZB,), jnp.float32),
            pltpu.VMEM_SHARED((CS,), jnp.float32),
            pltpu.SemaphoreType.DMA,
            pltpu.SemaphoreType.DMA,
            pltpu.SemaphoreType.DMA,
            pltpu.SemaphoreType.DMA,
        ],
    )(pool_flat, ind_flat)


def kernel(pool, ind):
    pool2 = pool.transpose(0, 1, 3, 2).reshape(B * H * C, W)
    ind2 = ind.astype(jnp.int32).transpose(0, 1, 3, 2).reshape(B * H * C, W)
    out = _unpool(pool2, ind2)
    return out.reshape(B, 2 * H, 2 * W, C)

# --- scband reference (transcript-rebuilt; emitter-appended) ---
"""Pipeline reference for scband-max-unpooling2-d-39668317946016 (READ-ONLY COPY).

The authoritative reference and input builder live on the scoring server;
editing this copy changes nothing except your own understanding.
"""

import jax, jax.numpy as jnp
import numpy as np

SIZE = (2, 2)

def setup_inputs(seed: int = 0) -> dict:
    key = jax.random.key(seed)
    k1, k2 = jax.random.split(key)
    B, H, W, C = 8, 112, 112, 96
    pool = jax.random.normal(k1, (B, H, W, C), dtype=jnp.float32)
    out_flat_per_batch = (H * SIZE[0]) * (W * SIZE[1]) * C
    ind = jax.random.randint(k2, (B, H, W, C), 0, out_flat_per_batch, dtype=jnp.int64)
    return {"pool": pool, "ind": ind}

def reference(pool, ind):
    B, H, W, C = pool.shape
    H2 = H * SIZE[0]
    W2 = W * SIZE[1]
    flat_out = H2 * W2 * C
    pool_flat = pool.reshape(B, H * W * C)
    ind_flat = ind.reshape(B, H * W * C)
    batch_idx = jnp.arange(B, dtype=ind_flat.dtype)[:, None]
    # tf.scatter_nd sums values at duplicate indices -> use .at[].add
    ret = jnp.zeros((B, flat_out), dtype=pool.dtype).at[
        jnp.broadcast_to(batch_idx, ind_flat.shape), ind_flat
    ].add(pool_flat)
    return ret.reshape(B, H2, W2, C)

if __name__ == "__main__":
    import jax
    _d = setup_inputs()
    print(jax.jit(kernel)(*tuple(_d.values())))

</pallas_src>

<mosaic_0001>
#map = affine_map<(d0, d1) -> (0, 0)>
#map1 = affine_map<(d0, d1) -> (0)>
module attributes {stable_mosaic.version = 14 : i64} {
  func.func @_unpool_body(%arg0: i32, %arg1: i32, %arg2: memref<86016x112xf32, #tpu.memory_space<hbm>>, %arg3: memref<86016x112xi32, #tpu.memory_space<hbm>>, %arg4: memref<38535168xf32, #tpu.memory_space<hbm>>, %arg5: memref<24x112xi32, #tpu.memory_space<vmem>>, %arg6: memref<24x112xf32, #tpu.memory_space<vmem>>, %arg7: memref<24x112xi32, #tpu.memory_space<vmem>>, %arg8: memref<24x112xf32, #tpu.memory_space<vmem>>, %arg9: memref<21x128xi32, #tpu.memory_space<vmem>>, %arg10: memref<21x128xf32, #tpu.memory_space<vmem>>, %arg11: memref<21x128xi32, #tpu.memory_space<vmem>>, %arg12: memref<21x128xf32, #tpu.memory_space<vmem>>, %arg13: memref<3136xf32, #tpu.memory_space<vmem>>, %arg14: memref<1605632xf32, #tpu.memory_space<vmem_shared>>, %arg15: memref<!tpu.dma_semaphore, #tpu.memory_space<semaphore_mem>>, %arg16: memref<!tpu.dma_semaphore, #tpu.memory_space<semaphore_mem>>, %arg17: memref<!tpu.dma_semaphore, #tpu.memory_space<semaphore_mem>>, %arg18: memref<!tpu.dma_semaphore, #tpu.memory_space<semaphore_mem>>) attributes {dimension_semantics = [#tpu.dimension_semantics<core_parallel>, #tpu.dimension_semantics<subcore_parallel>], iteration_bounds = array<i64: 2, 16>, scalar_prefetch = 0 : i64, scratch_operands = 14 : i64, tpu.core_type = #tpu.core_type<sc_vector_subcore>, window_params = [{transform_indices = #map}, {transform_indices = #map}, {transform_indices = #map1}]} {
    %broadcast_in_dim3A = arith.constant 0.000000e+00 : f32
    %broadcast_in_dim3A_0 = vector.broadcast %broadcast_in_dim3A : f32 to vector<16xf32>
    %scan3A = arith.constant 0 : i32
    %scan3A_1 = arith.constant 196 : i32
    %scan3A_2 = arith.addi %scan3A, %scan3A_1 : i32
    %scan3A_3 = arith.constant 1 : i32
    scf.for %scan3A_10 = %scan3A to %scan3A_2 step %scan3A_3  : i32 {
      %mul3A = arith.constant 1 : i32
      %mul3A_11 = arith.muli %scan3A_10, %mul3A : i32
      %add3A = arith.constant 0 : i32
      %add3A_12 = arith.addi %add3A, %mul3A_11 : i32
      %mul3A_13 = arith.constant 16 : i32
      %mul3A_14 = arith.muli %add3A_12, %mul3A_13 : i32
      %swap3A = arith.index_cast %mul3A_14 : i32 to index
      %swap3A_15 = tpu.vector_load %arg13[%swap3A] {strides = array<i32>} : memref<3136xf32, #tpu.memory_space<vmem>>, vector<16xf32>,
      %swap3A_16 = vector.shape_cast %swap3A_15 : vector<16xf32> to vector<16xf32>
      %swap3A_17 = vector.shape_cast %broadcast_in_dim3A_0 : vector<16xf32> to vector<16xf32>
      tpu.vector_store %arg13[%swap3A], %swap3A_17 {strides = array<i32>} : memref<3136xf32, #tpu.memory_space<vmem>>, vector<16xf32>,
    }
    %scan3A_4 = arith.constant 196 : i32
    %scan3A_5 = arith.constant 0 : i32
    %scan3A_6 = arith.constant 4 : i32
    %scan3A_7 = arith.addi %scan3A_5, %scan3A_6 : i32
    %scan3A_8 = arith.constant 1 : i32
    scf.for %scan3A_10 = %scan3A_5 to %scan3A_7 step %scan3A_8  : i32 {
      %mul3A = arith.constant 1 : i32
      %mul3A_11 = arith.muli %scan3A_10, %mul3A : i32
      %add3A = arith.constant 0 : i32
      %add3A_12 = arith.addi %add3A, %mul3A_11 : i32
      %scan3A_13 = arith.constant 0 : i32
      %scan3A_14 = arith.constant 3 : i32
      %scan3A_15 = arith.addi %scan3A_13, %scan3A_14 : i32
      %scan3A_16 = arith.constant 1 : i32
      scf.for %scan3A_18 = %scan3A_13 to %scan3A_15 step %scan3A_16  : i32 {
        %mul3A_19 = arith.constant 1 : i32
        %mul3A_20 = arith.muli %scan3A_18, %mul3A_19 : i32
        %add3A_21 = arith.constant 0 : i32
        %add3A_22 = arith.addi %add3A_21, %mul3A_20 : i32
        %mul3A_23 = arith.constant 4 : i32
        %mul3A_24 = arith.muli %arg0, %mul3A_23 : i32
        %add3A_25 = arith.addi %mul3A_24, %add3A_12 : i32
        %mul3A_26 = arith.constant 1605632 : i32
        %mul3A_27 = arith.muli %add3A_22, %mul3A_26 : i32
        %mul3A_28 = arith.constant 10752 : i32
        %mul3A_29 = arith.muli %add3A_25, %mul3A_28 : i32
        %mul3A_30 = arith.constant 672 : i32
        %mul3A_31 = arith.muli %arg1, %mul3A_30 : i32
        %add3A_32 = arith.addi %mul3A_29, %mul3A_31 : i32
        %mul3A_33 = arith.constant 4816896 : i32
        %mul3A_34 = arith.muli %add3A_25, %mul3A_33 : i32
        %add3A_35 = arith.addi %mul3A_34, %mul3A_27 : i32
        %scan3A_36 = arith.constant 0 : i32
        %scan3A_37 = arith.constant 32 : i32
        %scan3A_38 = arith.addi %scan3A_36, %scan3A_37 : i32
        %scan3A_39 = arith.constant 1 : i32
        scf.for %scan3A_1030 = %scan3A_36 to %scan3A_38 step %scan3A_39  : i32 {
          %mul3A_1031 = arith.constant 1 : i32
          %mul3A_1032 = arith.muli %scan3A_1030, %mul3A_1031 : i32
          %add3A_1033 = arith.constant 0 : i32
          %add3A_1034 = arith.addi %add3A_1033, %mul3A_1032 : i32
          %mul3A_1035 = arith.constant 100352 : i32
          %mul3A_1036 = arith.muli %arg1, %mul3A_1035 : i32
          %mul3A_1037 = arith.constant 3136 : i32
          %mul3A_1038 = arith.muli %add3A_1034, %mul3A_1037 : i32
          %add3A_1039 = arith.addi %mul3A_1036, %mul3A_1038 : i32
          "tpu.region"() ({
            %run_scoped3A = tpu.sem_alloc : memref<!tpu.dma_semaphore, #tpu.memory_space<semaphore_mem>>
            %dma_start3A_1040 = tpu.memref_slice %arg14[%add3A_1039] : memref<1605632xf32, #tpu.memory_space<vmem_shared>> -> memref<3136xf32, #tpu.memory_space<vmem_shared>>
            %dma_start3A_1041 = tpu.memref_slice %arg14[%add3A_1039] : memref<1605632xf32, #tpu.memory_space<vmem_shared>> -> memref<3136xf32, #tpu.memory_space<vmem_shared>>
            tpu.enqueue_dma source(%arg13 : memref<3136xf32, #tpu.memory_space<vmem>>) target(%dma_start3A_1041 : memref<3136xf32, #tpu.memory_space<vmem_shared>>) target_semaphore(%run_scoped3A : memref<!tpu.dma_semaphore, #tpu.memory_space<semaphore_mem>>)
            %dma_wait3A_1042 = tpu.memref_slice %arg14[%add3A_1039] : memref<1605632xf32, #tpu.memory_space<vmem_shared>> -> memref<3136xf32, #tpu.memory_space<vmem_shared>>
            %dma_wait3A_1043 = tpu.memref_slice %arg14[%add3A_1039] : memref<1605632xf32, #tpu.memory_space<vmem_shared>> -> memref<3136xf32, #tpu.memory_space<vmem_shared>>
            tpu.wait_dma2 semaphore(%run_scoped3A : memref<!tpu.dma_semaphore, #tpu.memory_space<semaphore_mem>>) src(%arg13 : memref<3136xf32, #tpu.memory_space<vmem>>) dst(%dma_wait3A_1043 : memref<3136xf32, #tpu.memory_space<vmem_shared>>)
            tpu.yield
          }) : () -> ()
        }
        %scan3A_40 = arith.constant 32 : i32
        %barrier3A = arith.constant 0 : index
        tpu.barrier barrier_id(%barrier3A)
        %add3A_41 = arith.constant 0 : i32
        %add3A_42 = arith.addi %add3A_32, %add3A_41 : i32
        %dma_start3A = arith.constant 0 : i32
        %dma_start3A_43 = tpu.memref_slice %arg3[%add3A_42, %dma_start3A] : memref<86016x112xi32, #tpu.memory_space<hbm>> -> memref<24x112xi32, #tpu.memory_space<hbm>>
        %dma_start3A_44 = arith.constant 0 : i32
        %dma_start3A_45 = tpu.memref_slice %arg3[%add3A_42, %dma_start3A_44] : memref<86016x112xi32, #tpu.memory_space<hbm>> -> memref<24x112xi32, #tpu.memory_space<hbm>>
        tpu.enqueue_dma source(%dma_start3A_45 : memref<24x112xi32, #tpu.memory_space<hbm>>) target(%arg5 : memref<24x112xi32, #tpu.memory_space<vmem>>) target_semaphore(%arg15 : memref<!tpu.dma_semaphore, #tpu.memory_space<semaphore_mem>>)
        %dma_start3A_46 = arith.constant 0 : i32
        %dma_start3A_47 = tpu.memref_slice %arg2[%add3A_42, %dma_start3A_46] : memref<86016x112xf32, #tpu.memory_space<hbm>> -> memref<24x112xf32, #tpu.memory_space<hbm>>
        %dma_start3A_48 = arith.constant 0 : i32
        %dma_start3A_49 = tpu.memref_slice %arg2[%add3A_42, %dma_start3A_48] : memref<86016x112xf32, #tpu.memory_space<hbm>> -> memref<24x112xf32, #tpu.memory_space<hbm>>
        tpu.enqueue_dma source(%dma_start3A_49 : memref<24x112xf32, #tpu.memory_space<hbm>>) target(%arg6 : memref<24x112xf32, #tpu.memory_space<vmem>>) target_semaphore(%arg15 : memref<!tpu.dma_semaphore, #tpu.memory_space<semaphore_mem>>)
        %add3A_50 = arith.constant 24 : i32
        %add3A_51 = arith.addi %add3A_32, %add3A_50 : i32
        %dma_start3A_52 = arith.constant 0 : i32
        %dma_start3A_53 = tpu.memref_slice %arg3[%add3A_51, %dma_start3A_52] : memref<86016x112xi32, #tpu.memory_space<hbm>> -> memref<24x112xi32, #tpu.memory_space<hbm>>
        %dma_start3A_54 = arith.constant 0 : i32
        %dma_start3A_55 = tpu.memref_slice %arg3[%add3A_51, %dma_start3A_54] : memref<86016x112xi32, #tpu.memory_space<hbm>> -> memref<24x112xi32, #tpu.memory_space<hbm>>
        tpu.enqueue_dma source(%dma_start3A_55 : memref<24x112xi32, #tpu.memory_space<hbm>>) target(%arg7 : memref<24x112xi32, #tpu.memory_space<vmem>>) target_semaphore(%arg16 : memref<!tpu.dma_semaphore, #tpu.memory_space<semaphore_mem>>)
        %dma_start3A_56 = arith.constant 0 : i32
        %dma_start3A_57 = tpu.memref_slice %arg2[%add3A_51, %dma_start3A_56] : memref<86016x112xf32, #tpu.memory_space<hbm>> -> memref<24x112xf32, #tpu.memory_space<hbm>>
        %dma_start3A_58 = arith.constant 0 : i32
        %dma_start3A_59 = tpu.memref_slice %arg2[%add3A_51, %dma_start3A_58] : memref<86016x112xf32, #tpu.memory_space<hbm>> -> memref<24x112xf32, #tpu.memory_space<hbm>>
        tpu.enqueue_dma source(%dma_start3A_59 : memref<24x112xf32, #tpu.memory_space<hbm>>) target(%arg8 : memref<24x112xf32, #tpu.memory_space<vmem>>) target_semaphore(%arg16 : memref<!tpu.dma_semaphore, #tpu.memory_space<semaphore_mem>>)
        %dma_wait3A = arith.constant 0 : i32
        %dma_wait3A_60 = arith.constant 0 : i32
        %dma_wait3A_61 = tpu.memref_slice %arg3[%dma_wait3A, %dma_wait3A_60] : memref<86016x112xi32, #tpu.memory_space<hbm>> -> memref<24x112xi32, #tpu.memory_space<hbm>>
        %dma_wait3A_62 = arith.constant 0 : i32
        %dma_wait3A_63 = arith.constant 0 : i32
        %dma_wait3A_64 = tpu.memref_slice %arg3[%dma_wait3A_62, %dma_wait3A_63] : memref<86016x112xi32, #tpu.memory_space<hbm>> -> memref<24x112xi32, #tpu.memory_space<hbm>>
        tpu.wait_dma2 semaphore(%arg15 : memref<!tpu.dma_semaphore, #tpu.memory_space<semaphore_mem>>) src(%dma_wait3A_64 : memref<24x112xi32, #tpu.memory_space<hbm>>) dst(%arg5 : memref<24x112xi32, #tpu.memory_space<vmem>>)
        %dma_wait3A_65 = arith.constant 0 : i32
        %dma_wait3A_66 = arith.constant 0 : i32
        %dma_wait3A_67 = tpu.memref_slice %arg2[%dma_wait3A_65, %dma_wait3A_66] : memref<86016x112xf32, #tpu.memory_space<hbm>> -> memref<24x112xf32, #tpu.memory_space<hbm>>
        %dma_wait3A_68 = arith.constant 0 : i32
        %dma_wait3A_69 = arith.constant 0 : i32
        %dma_wait3A_70 = tpu.memref_slice %arg2[%dma_wait3A_68, %dma_wait3A_69] : memref<86016x112xf32, #tpu.memory_space<hbm>> -> memref<24x112xf32, #tpu.memory_space<hbm>>
        tpu.wait_dma2 semaphore(%arg15 : memref<!tpu.dma_semaphore, #tpu.memory_space<semaphore_mem>>) src(%dma_wait3A_70 : memref<24x112xf32, #tpu.memory_space<hbm>>) dst(%arg6 : memref<24x112xf32, #tpu.memory_space<vmem>>)
        %scan3A_71 = arith.constant 0 : i32
        %scan3A_72 = arith.constant 24 : i32
        %scan3A_73 = arith.addi %scan3A_71, %scan3A_72 : i32
        %scan3A_74 = arith.constant 1 : i32
        scf.for %scan3A_1030 = %scan3A_71 to %scan3A_73 step %scan3A_74  : i32 {
          %mul3A_1031 = arith.constant 1 : i32
          %mul3A_1032 = arith.muli %scan3A_1030, %mul3A_1031 : i32
          %add3A_1033 = arith.constant 0 : i32
          %add3A_1034 = arith.addi %add3A_1033, %mul3A_1032 : i32
          %get3A = arith.index_cast %add3A_1034 : i32 to index
          %get3A_1035 = arith.constant 0 : index
          %get3A_1036 = tpu.vector_load %arg5[%get3A, %get3A_1035] {strides = array<i32>} : memref<24x112xi32, #tpu.memory_space<vmem>>, vector<1x16xi32>,
          %get3A_1037 = vector.shape_cast %get3A_1036 : vector<1x16xi32> to vector<16xi32>
          %get3A_1038 = arith.index_cast %add3A_1034 : i32 to index
          %get3A_1039 = arith.constant 0 : index
          %get3A_1040 = tpu.vector_load %arg6[%get3A_1038, %get3A_1039] {strides = array<i32>} : memref<24x112xf32, #tpu.memory_space<vmem>>, vector<1x16xf32>,
          %get3A_1041 = vector.shape_cast %get3A_1040 : vector<1x16xf32> to vector<16xf32>
          %sub3A = vector.broadcast %mul3A_27 : i32 to vector<16xi32>
          %sub3A_1042 = arith.subi %get3A_1037, %sub3A : vector<16xi32>
          %ge3A = vector.broadcast %mul3A_27 : i32 to vector<16xi32>
          %ge3A_1043 = arith.cmpi sge, %get3A_1037, %ge3A : vector<16xi32>
          %lt3A = arith.constant 1605632 : i32
          %lt3A_1044 = vector.broadcast %lt3A : i32 to vector<16xi32>
          %lt3A_1045 = arith.cmpi slt, %sub3A_1042, %lt3A_1044 : vector<16xi32>
          %and3A = arith.andi %ge3A_1043, %lt3A_1045 : vector<16xi1>
          %mul3A_1046 = arith.constant 112 : i32
          %mul3A_1047 = arith.muli %add3A_1034, %mul3A_1046 : i32
          %add3A_1048 = arith.constant 0 : i32
          %add3A_1049 = arith.addi %mul3A_1047, %add3A_1048 : i32
          %shift_right_logical3A = arith.constant 7 : i32
          %shift_right_logical3A_1050 = arith.shrui %add3A_1049, %shift_right_logical3A : i32
          %and3A_1051 = arith.constant 127 : i32
          %and3A_1052 = arith.andi %add3A_1049, %and3A_1051 : i32
          %shift_right_logical3A_1053 = arith.constant 2 : i32
          %shift_right_logical3A_1054 = vector.broadcast %shift_right_logical3A_1053 : i32 to vector<16xi32>
          %shift_right_logical3A_1055 = arith.shrui %get3A_1037, %shift_right_logical3A_1054 : vector<16xi32>
          %select_n3A = arith.select %and3A, %sub3A_1042, %shift_right_logical3A_1055 : vector<16xi1>, vector<16xi32>
          %swap3A = arith.index_cast %shift_right_logical3A_1050 : i32 to index
          %swap3A_1056 = arith.index_cast %and3A_1052 : i32 to index
          %swap3A_1057 = tpu.vector_load %arg9[%swap3A, %swap3A_1056] {strides = array<i32>} : memref<21x128xi32, #tpu.memory_space<vmem>>, vector<1x16xi32>,
          %swap3A_1058 = vector.shape_cast %swap3A_1057 : vector<1x16xi32> to vector<16xi32>
          %swap3A_1059 = vector.shape_cast %select_n3A : vector<16xi32> to vector<1x16xi32>
          tpu.vector_store %arg9[%swap3A, %swap3A_1056], %swap3A_1059 {strides = array<i32>} : memref<21x128xi32, #tpu.memory_space<vmem>>, vector<1x16xi32>,
          %jit3A = arith.constant 0.000000e+00 : f32
          %broadcast_in_dim3A_1060 = vector.broadcast %jit3A : f32 to vector<16xf32>
          %select_n3A_1061 = arith.select %and3A, %get3A_1041, %broadcast_in_dim3A_1060 : vector<16xi1>, vector<16xf32>
          %swap3A_1062 = arith.index_cast %shift_right_logical3A_1050 : i32 to index
          %swap3A_1063 = arith.index_cast %and3A_1052 : i32 to index
          %swap3A_1064 = tpu.vector_load %arg10[%swap3A_1062, %swap3A_1063] {strides = array<i32>} : memref<21x128xf32, #tpu.memory_space<vmem>>, vector<1x16xf32>,
          %swap3A_1065 = vector.shape_cast %swap3A_1064 : vector<1x16xf32> to vector<16xf32>
          %swap3A_1066 = vector.shape_cast %select_n3A_1061 : vector<16xf32> to vector<1x16xf32>
          tpu.vector_store %arg10[%swap3A_1062, %swap3A_1063], %swap3A_1066 {strides = array<i32>} : memref<21x128xf32, #tpu.memory_space<vmem>>, vector<1x16xf32>,
          %get3A_1067 = arith.index_cast %add3A_1034 : i32 to index
          %get3A_1068 = arith.constant 16 : index
          %get3A_1069 = tpu.vector_load %arg5[%get3A_1067, %get3A_1068] {strides = array<i32>} : memref<24x112xi32, #tpu.memory_space<vmem>>, vector<1x16xi32>,
          %get3A_1070 = vector.shape_cast %get3A_1069 : vector<1x16xi32> to vector<16xi32>
          %get3A_1071 = arith.index_cast %add3A_1034 : i32 to index
          %get3A_1072 = arith.constant 16 : index
          %get3A_1073 = tpu.vector_load %arg6[%get3A_1071, %get3A_1072] {strides = array<i32>} : memref<24x112xf32, #tpu.memory_space<vmem>>, vector<1x16xf32>,
          %get3A_1074 = vector.shape_cast %get3A_1073 : vector<1x16xf32> to vector<16xf32>
          %sub3A_1075 = vector.broadcast %mul3A_27 : i32 to vector<16xi32>
          %sub3A_1076 = arith.subi %get3A_1070, %sub3A_1075 : vector<16xi32>
          %ge3A_1077 = vector.broadcast %mul3A_27 : i32 to vector<16xi32>
          %ge3A_1078 = arith.cmpi sge, %get3A_1070, %ge3A_1077 : vector<16xi32>
          %lt3A_1079 = arith.constant 1605632 : i32
          %lt3A_1080 = vector.broadcast %lt3A_1079 : i32 to vector<16xi32>
          %lt3A_1081 = arith.cmpi slt, %sub3A_1076, %lt3A_1080 : vector<16xi32>
          %and3A_1082 = arith.andi %ge3A_1078, %lt3A_1081 : vector<16xi1>
          %mul3A_1083 = arith.constant 112 : i32
          %mul3A_1084 = arith.muli %add3A_1034, %mul3A_1083 : i32
          %add3A_1085 = arith.constant 16 : i32
          %add3A_1086 = arith.addi %mul3A_1084, %add3A_1085 : i32
          %shift_right_logical3A_1087 = arith.constant 7 : i32
          %shift_right_logical3A_1088 = arith.shrui %add3A_1086, %shift_right_logical3A_1087 : i32
          %and3A_1089 = arith.constant 127 : i32
          %and3A_1090 = arith.andi %add3A_1086, %and3A_1089 : i32
          %shift_right_logical3A_1091 = arith.constant 2 : i32
          %shift_right_logical3A_1092 = vector.broadcast %shift_right_logical3A_1091 : i32 to vector<16xi32>
          %shift_right_logical3A_1093 = arith.shrui %get3A_1070, %shift_right_logical3A_1092 : vector<16xi32>
          %select_n3A_1094 = arith.select %and3A_1082, %sub3A_1076, %shift_right_logical3A_1093 : vector<16xi1>, vector<16xi32>
          %swap3A_1095 = arith.index_cast %shift_right_logical3A_1088 : i32 to index
          %swap3A_1096 = arith.index_cast %and3A_1090 : i32 to index
          %swap3A_1097 = tpu.vector_load %arg9[%swap3A_1095, %swap3A_1096] {strides = array<i32>} : memref<21x128xi32, #tpu.memory_space<vmem>>, vector<1x16xi32>,
          %swap3A_1098 = vector.shape_cast %swap3A_1097 : vector<1x16xi32> to vector<16xi32>
          %swap3A_1099 = vector.shape_cast %select_n3A_1094 : vector<16xi32> to vector<1x16xi32>
          tpu.vector_store %arg9[%swap3A_1095, %swap3A_1096], %swap3A_1099 {strides = array<i32>} : memref<21x128xi32, #tpu.memory_space<vmem>>, vector<1x16xi32>,
          %jit3A_1100 = arith.constant 0.000000e+00 : f32
          %broadcast_in_dim3A_1101 = vector.broadcast %jit3A_1100 : f32 to vector<16xf32>
          %select_n3A_1102 = arith.select %and3A_1082, %get3A_1074, %broadcast_in_dim3A_1101 : vector<16xi1>, vector<16xf32>
          %swap3A_1103 = arith.index_cast %shift_right_logical3A_1088 : i32 to index
          %swap3A_1104 = arith.index_cast %and3A_1090 : i32 to index
          %swap3A_1105 = tpu.vector_load %arg10[%swap3A_1103, %swap3A_1104] {strides = array<i32>} : memref<21x128xf32, #tpu.memory_space<vmem>>, vector<1x16xf32>,
          %swap3A_1106 = vector.shape_cast %swap3A_1105 : vector<1x16xf32> to vector<16xf32>
          %swap3A_1107 = vector.shape_cast %select_n3A_1102 : vector<16xf32> to vector<1x16xf32>
          tpu.vector_store %arg10[%swap3A_1103, %swap3A_1104], %swap3A_1107 {strides = array<i32>} : memref<21x128xf32, #tpu.memory_space<vmem>>, vector<1x16xf32>,
          %get3A_1108 = arith.index_cast %add3A_1034 : i32 to index
          %get3A_1109 = arith.constant 32 : index
          %get3A_1110 = tpu.vector_load %arg5[%get3A_1108, %get3A_1109] {strides = array<i32>} : memref<24x112xi32, #tpu.memory_space<vmem>>, vector<1x16xi32>,
          %get3A_1111 = vector.shape_cast %get3A_1110 : vector<1x16xi32> to vector<16xi32>
          %get3A_1112 = arith.index_cast %add3A_1034 : i32 to index
          %get3A_1113 = arith.constant 32 : index
          %get3A_1114 = tpu.vector_load %arg6[%get3A_1112, %get3A_1113] {strides = array<i32>} : memref<24x112xf32, #tpu.memory_space<vmem>>, vector<1x16xf32>,
          %get3A_1115 = vector.shape_cast %get3A_1114 : vector<1x16xf32> to vector<16xf32>
          %sub3A_1116 = vector.broadcast %mul3A_27 : i32 to vector<16xi32>
          %sub3A_1117 = arith.subi %get3A_1111, %sub3A_1116 : vector<16xi32>
          %ge3A_1118 = vector.broadcast %mul3A_27 : i32 to vector<16xi32>
          %ge3A_1119 = arith.cmpi sge, %get3A_1111, %ge3A_1118 : vector<16xi32>
          %lt3A_1120 = arith.constant 1605632 : i32
          %lt3A_1121 = vector.broadcast %lt3A_1120 : i32 to vector<16xi32>
          %lt3A_1122 = arith.cmpi slt, %sub3A_1117, %lt3A_1121 : vector<16xi32>
          %and3A_1123 = arith.andi %ge3A_1119, %lt3A_1122 : vector<16xi1>
          %mul3A_1124 = arith.constant 112 : i32
          %mul3A_1125 = arith.muli %add3A_1034, %mul3A_1124 : i32
          %add3A_1126 = arith.constant 32 : i32
          %add3A_1127 = arith.addi %mul3A_1125, %add3A_1126 : i32
          %shift_right_logical3A_1128 = arith.constant 7 : i32
          %shift_right_logical3A_1129 = arith.shrui %add3A_1127, %shift_right_logical3A_1128 : i32
          %and3A_1130 = arith.constant 127 : i32
          %and3A_1131 = arith.andi %add3A_1127, %and3A_1130 : i32
          %shift_right_logical3A_1132 = arith.constant 2 : i32
          %shift_right_logical3A_1133 = vector.broadcast %shift_right_logical3A_1132 : i32 to vector<16xi32>
          %shift_right_logical3A_1134 = arith.shrui %get3A_1111, %shift_right_logical3A_1133 : vector<16xi32>
          %select_n3A_1135 = arith.select %and3A_1123, %sub3A_1117, %shift_right_logical3A_1134 : vector<16xi1>, vector<16xi32>
          %swap3A_1136 = arith.index_cast %shift_right_logical3A_1129 : i32 to index
          %swap3A_1137 = arith.index_cast %and3A_1131 : i32 to index
          %swap3A_1138 = tpu.vector_load %arg9[%swap3A_1136, %swap3A_1137] {strides = array<i32>} : memref<21x128xi32, #tpu.memory_space<vmem>>, vector<1x16xi32>,
          %swap3A_1139 = vector.shape_cast %swap3A_1138 : vector<1x16xi32> to vector<16xi32>
          %swap3A_1140 = vector.shape_cast %select_n3A_1135 : vector<16xi32> to vector<1x16xi32>
          tpu.vector_store %arg9[%swap3A_1136, %swap3A_1137], %swap3A_1140 {strides = array<i32>} : memref<21x128xi32, #tpu.memory_space<vmem>>, vector<1x16xi32>,
          %jit3A_1141 = arith.constant 0.000000e+00 : f32
          %broadcast_in_dim3A_1142 = vector.broadcast %jit3A_1141 : f32 to vector<16xf32>
          %select_n3A_1143 = arith.select %and3A_1123, %get3A_1115, %broadcast_in_dim3A_1142 : vector<16xi1>, vector<16xf32>
          %swap3A_1144 = arith.index_cast %shift_right_logical3A_1129 : i32 to index
          %swap3A_1145 = arith.index_cast %and3A_1131 : i32 to index
          %swap3A_1146 = tpu.vector_load %arg10[%swap3A_1144, %swap3A_1145] {strides = array<i32>} : memref<21x128xf32, #tpu.memory_space<vmem>>, vector<1x16xf32>,
          %swap3A_1147 = vector.shape_cast %swap3A_1146 : vector<1x16xf32> to vector<16xf32>
          %swap3A_1148 = vector.shape_cast %select_n3A_1143 : vector<16xf32> to vector<1x16xf32>
          tpu.vector_store %arg10[%swap3A_1144, %swap3A_1145], %swap3A_1148 {strides = array<i32>} : memref<21x128xf32, #tpu.memory_space<vmem>>, vector<1x16xf32>,
          %get3A_1149 = arith.index_cast %add3A_1034 : i32 to index
          %get3A_1150 = arith.constant 48 : index
          %get3A_1151 = tpu.vector_load %arg5[%get3A_1149, %get3A_1150] {strides = array<i32>} : memref<24x112xi32, #tpu.memory_space<vmem>>, vector<1x16xi32>,
          %get3A_1152 = vector.shape_cast %get3A_1151 : vector<1x16xi32> to vector<16xi32>
          %get3A_1153 = arith.index_cast %add3A_1034 : i32 to index
          %get3A_1154 = arith.constant 48 : index
          %get3A_1155 = tpu.vector_load %arg6[%get3A_1153, %get3A_1154] {strides = array<i32>} : memref<24x112xf32, #tpu.memory_space<vmem>>, vector<1x16xf32>,
          %get3A_1156 = vector.shape_cast %get3A_1155 : vector<1x16xf32> to vector<16xf32>
          %sub3A_1157 = vector.broadcast %mul3A_27 : i32 to vector<16xi32>
          %sub3A_1158 = arith.subi %get3A_1152, %sub3A_1157 : vector<16xi32>
          %ge3A_1159 = vector.broadcast %mul3A_27 : i32 to vector<16xi32>
          %ge3A_1160 = arith.cmpi sge, %get3A_1152, %ge3A_1159 : vector<16xi32>
          %lt3A_1161 = arith.constant 1605632 : i32
          %lt3A_1162 = vector.broadcast %lt3A_1161 : i32 to vector<16xi32>
          %lt3A_1163 = arith.cmpi slt, %sub3A_1158, %lt3A_1162 : vector<16xi32>
          %and3A_1164 = arith.andi %ge3A_1160, %lt3A_1163 : vector<16xi1>
          %mul3A_1165 = arith.constant 112 : i32
          %mul3A_1166 = arith.muli %add3A_1034, %mul3A_1165 : i32
          %add3A_1167 = arith.constant 48 : i32
          %add3A_1168 = arith.addi %mul3A_1166, %add3A_1167 : i32
          %shift_right_logical3A_1169 = arith.constant 7 : i32
          %shift_right_logical3A_1170 = arith.shrui %add3A_1168, %shift_right_logical3A_1169 : i32
          %and3A_1171 = arith.constant 127 : i32
          %and3A_1172 = arith.andi %add3A_1168, %and3A_1171 : i32
          %shift_right_logical3A_1173 = arith.constant 2 : i32
          %shift_right_logical3A_1174 = vector.broadcast %shift_right_logical3A_1173 : i32 to vector<16xi32>
          %shift_right_logical3A_1175 = arith.shrui %get3A_1152, %shift_right_logical3A_1174 : vector<16xi32>
          %select_n3A_1176 = arith.select %and3A_1164, %sub3A_1158, %shift_right_logical3A_1175 : vector<16xi1>, vector<16xi32>
          %swap3A_1177 = arith.index_cast %shift_right_logical3A_1170 : i32 to index
          %swap3A_1178 = arith.index_cast %and3A_1172 : i32 to index
          %swap3A_1179 = tpu.vector_load %arg9[%swap3A_1177, %swap3A_1178] {strides = array<i32>} : memref<21x128xi32, #tpu.memory_space<vmem>>, vector<1x16xi32>,
          %swap3A_1180 = vector.shape_cast %swap3A_1179 : vector<1x16xi32> to vector<16xi32>
          %swap3A_1181 = vector.shape_cast %select_n3A_1176 : vector<16xi32> to vector<1x16xi32>
          tpu.vector_store %arg9[%swap3A_1177, %swap3A_1178], %swap3A_1181 {strides = array<i32>} : memref<21x128xi32, #tpu.memory_space<vmem>>, vector<1x16xi32>,
          %jit3A_1182 = arith.constant 0.000000e+00 : f32
          %broadcast_in_dim3A_1183 = vector.broadcast %jit3A_1182 : f32 to vector<16xf32>
          %select_n3A_1184 = arith.select %and3A_1164, %get3A_1156, %broadcast_in_dim3A_1183 : vector<16xi1>, vector<16xf32>
          %swap3A_1185 = arith.index_cast %shift_right_logical3A_1170 : i32 to index
          %swap3A_1186 = arith.index_cast %and3A_1172 : i32 to index
          %swap3A_1187 = tpu.vector_load %arg10[%swap3A_1185, %swap3A_1186] {strides = array<i32>} : memref<21x128xf32, #tpu.memory_space<vmem>>, vector<1x16xf32>,
          %swap3A_1188 = vector.shape_cast %swap3A_1187 : vector<1x16xf32> to vector<16xf32>
          %swap3A_1189 = vector.shape_cast %select_n3A_1184 : vector<16xf32> to vector<1x16xf32>
          tpu.vector_store %arg10[%swap3A_1185, %swap3A_1186], %swap3A_1189 {strides = array<i32>} : memref<21x128xf32, #tpu.memory_space<vmem>>, vector<1x16xf32>,
          %get3A_1190 = arith.index_cast %add3A_1034 : i32 to index
          %get3A_1191 = arith.constant 64 : index
          %get3A_1192 = tpu.vector_load %arg5[%get3A_1190, %get3A_1191] {strides = array<i32>} : memref<24x112xi32, #tpu.memory_space<vmem>>, vector<1x16xi32>,
          %get3A_1193 = vector.shape_cast %get3A_1192 : vector<1x16xi32> to vector<16xi32>
          %get3A_1194 = arith.index_cast %add3A_1034 : i32 to index
          %get3A_1195 = arith.constant 64 : index
          %get3A_1196 = tpu.vector_load %arg6[%get3A_1194, %get3A_1195] {strides = array<i32>} : memref<24x112xf32, #tpu.memory_space<vmem>>, vector<1x16xf32>,
          %get3A_1197 = vector.shape_cast %get3A_1196 : vector<1x16xf32> to vector<16xf32>
          %sub3A_1198 = vector.broadcast %mul3A_27 : i32 to vector<16xi32>
          %sub3A_1199 = arith.subi %get3A_1193, %sub3A_1198 : vector<16xi32>
          %ge3A_1200 = vector.broadcast %mul3A_27 : i32 to vector<16xi32>
          %ge3A_1201 = arith.cmpi sge, %get3A_1193, %ge3A_1200 : vector<16xi32>
          %lt3A_1202 = arith.constant 1605632 : i32
          %lt3A_1203 = vector.broadcast %lt3A_1202 : i32 to vector<16xi32>
          %lt3A_1204 = arith.cmpi slt, %sub3A_1199, %lt3A_1203 : vector<16xi32>
          %and3A_1205 = arith.andi %ge3A_1201, %lt3A_1204 : vector<16xi1>
          %mul3A_1206 = arith.constant 112 : i32
          %mul3A_1207 = arith.muli %add3A_1034, %mul3A_1206 : i32
          %add3A_1208 = arith.constant 64 : i32
          %add3A_1209 = arith.addi %mul3A_1207, %add3A_1208 : i32
          %shift_right_logical3A_1210 = arith.constant 7 : i32
          %shift_right_logical3A_1211 = arith.shrui %add3A_1209, %shift_right_logical3A_1210 : i32
          %and3A_1212 = arith.constant 127 : i32
          %and3A_1213 = arith.andi %add3A_1209, %and3A_1212 : i32
          %shift_right_logical3A_1214 = arith.constant 2 : i32
          %shift_right_logical3A_1215 = vector.broadcast %shift_right_logical3A_1214 : i32 to vector<16xi32>
          %shift_right_logical3A_1216 = arith.shrui %get3A_1193, %shift_right_logical3A_1215 : vector<16xi32>
          %select_n3A_1217 = arith.select %and3A_1205, %sub3A_1199, %shift_right_logical3A_1216 : vector<16xi1>, vector<16xi32>
          %swap3A_1218 = arith.index_cast %shift_right_logical3A_1211 : i32 to index
          %swap3A_1219 = arith.index_cast %and3A_1213 : i32 to index
          %swap3A_1220 = tpu.vector_load %arg9[%swap3A_1218, %swap3A_1219] {strides = array<i32>} : memref<21x128xi32, #tpu.memory_space<vmem>>, vector<1x16xi32>,
          %swap3A_1221 = vector.shape_cast %swap3A_1220 : vector<1x16xi32> to vector<16xi32>
          %swap3A_1222 = vector.shape_cast %select_n3A_1217 : vector<16xi32> to vector<1x16xi32>
          tpu.vector_store %arg9[%swap3A_1218, %swap3A_1219], %swap3A_1222 {strides = array<i32>} : memref<21x128xi32, #tpu.memory_space<vmem>>, vector<1x16xi32>,
          %jit3A_1223 = arith.constant 0.000000e+00 : f32
          %broadcast_in_dim3A_1224 = vector.broadcast %jit3A_1223 : f32 to vector<16xf32>
          %select_n3A_1225 = arith.select %and3A_1205, %get3A_1197, %broadcast_in_dim3A_1224 : vector<16xi1>, vector<16xf32>
          %swap3A_1226 = arith.index_cast %shift_right_logical3A_1211 : i32 to index
          %swap3A_1227 = arith.index_cast %and3A_1213 : i32 to index
          %swap3A_1228 = tpu.vector_load %arg10[%swap3A_1226, %swap3A_1227] {strides = array<i32>} : memref<21x128xf32, #tpu.memory_space<vmem>>, vector<1x16xf32>,
          %swap3A_1229 = vector.shape_cast %swap3A_1228 : vector<1x16xf32> to vector<16xf32>
          %swap3A_1230 = vector.shape_cast %select_n3A_1225 : vector<16xf32> to vector<1x16xf32>
          tpu.vector_store %arg10[%swap3A_1226, %swap3A_1227], %swap3A_1230 {strides = array<i32>} : memref<21x128xf32, #tpu.memory_space<vmem>>, vector<1x16xf32>,
          %get3A_1231 = arith.index_cast %add3A_1034 : i32 to index
          %get3A_1232 = arith.constant 80 : index
          %get3A_1233 = tpu.vector_load %arg5[%get3A_1231, %get3A_1232] {strides = array<i32>} : memref<24x112xi32, #tpu.memory_space<vmem>>, vector<1x16xi32>,
          %get3A_1234 = vector.shape_cast %get3A_1233 : vector<1x16xi32> to vector<16xi32>
          %get3A_1235 = arith.index_cast %add3A_1034 : i32 to index
          %get3A_1236 = arith.constant 80 : index
          %get3A_1237 = tpu.vector_load %arg6[%get3A_1235, %get3A_1236] {strides = array<i32>} : memref<24x112xf32, #tpu.memory_space<vmem>>, vector<1x16xf32>,
          %get3A_1238 = vector.shape_cast %get3A_1237 : vector<1x16xf32> to vector<16xf32>
          %sub3A_1239 = vector.broadcast %mul3A_27 : i32 to vector<16xi32>
          %sub3A_1240 = arith.subi %get3A_1234, %sub3A_1239 : vector<16xi32>
          %ge3A_1241 = vector.broadcast %mul3A_27 : i32 to vector<16xi32>
          %ge3A_1242 = arith.cmpi sge, %get3A_1234, %ge3A_1241 : vector<16xi32>
          %lt3A_1243 = arith.constant 1605632 : i32
          %lt3A_1244 = vector.broadcast %lt3A_1243 : i32 to vector<16xi32>
          %lt3A_1245 = arith.cmpi slt, %sub3A_1240, %lt3A_1244 : vector<16xi32>
          %and3A_1246 = arith.andi %ge3A_1242, %lt3A_1245 : vector<16xi1>
          %mul3A_1247 = arith.constant 112 : i32
          %mul3A_1248 = arith.muli %add3A_1034, %mul3A_1247 : i32
          %add3A_1249 = arith.constant 80 : i32
          %add3A_1250 = arith.addi %mul3A_1248, %add3A_1249 : i32
          %shift_right_logical3A_1251 = arith.constant 7 : i32
          %shift_right_logical3A_1252 = arith.shrui %add3A_1250, %shift_right_logical3A_1251 : i32
          %and3A_1253 = arith.constant 127 : i32
          %and3A_1254 = arith.andi %add3A_1250, %and3A_1253 : i32
          %shift_right_logical3A_1255 = arith.constant 2 : i32
          %shift_right_logical3A_1256 = vector.broadcast %shift_right_logical3A_1255 : i32 to vector<16xi32>
          %shift_right_logical3A_1257 = arith.shrui %get3A_1234, %shift_right_logical3A_1256 : vector<16xi32>
          %select_n3A_1258 = arith.select %and3A_1246, %sub3A_1240, %shift_right_logical3A_1257 : vector<16xi1>, vector<16xi32>
          %swap3A_1259 = arith.index_cast %shift_right_logical3A_1252 : i32 to index
          %swap3A_1260 = arith.index_cast %and3A_1254 : i32 to index
          %swap3A_1261 = tpu.vector_load %arg9[%swap3A_1259, %swap3A_1260] {strides = array<i32>} : memref<21x128xi32, #tpu.memory_space<vmem>>, vector<1x16xi32>,
          %swap3A_1262 = vector.shape_cast %swap3A_1261 : vector<1x16xi32> to vector<16xi32>
          %swap3A_1263 = vector.shape_cast %select_n3A_1258 : vector<16xi32> to vector<1x16xi32>
          tpu.vector_store %arg9[%swap3A_1259, %swap3A_1260], %swap3A_1263 {strides = array<i32>} : memref<21x128xi32, #tpu.memory_space<vmem>>, vector<1x16xi32>,
          %jit3A_1264 = arith.constant 0.000000e+00 : f32
          %broadcast_in_dim3A_1265 = vector.broadcast %jit3A_1264 : f32 to vector<16xf32>
          %select_n3A_1266 = arith.select %and3A_1246, %get3A_1238, %broadcast_in_dim3A_1265 : vector<16xi1>, vector<16xf32>
          %swap3A_1267 = arith.index_cast %shift_right_logical3A_1252 : i32 to index
          %swap3A_1268 = arith.index_cast %and3A_1254 : i32 to index
          %swap3A_1269 = tpu.vector_load %arg10[%swap3A_1267, %swap3A_1268] {strides = array<i32>} : memref<21x128xf32, #tpu.memory_space<vmem>>, vector<1x16xf32>,
          %swap3A_1270 = vector.shape_cast %swap3A_1269 : vector<1x16xf32> to vector<16xf32>
          %swap3A_1271 = vector.shape_cast %select_n3A_1266 : vector<16xf32> to vector<1x16xf32>
          tpu.vector_store %arg10[%swap3A_1267, %swap3A_1268], %swap3A_1271 {strides = array<i32>} : memref<21x128xf32, #tpu.memory_space<vmem>>, vector<1x16xf32>,
          %get3A_1272 = arith.index_cast %add3A_1034 : i32 to index
          %get3A_1273 = arith.constant 96 : index
          %get3A_1274 = tpu.vector_load %arg5[%get3A_1272, %get3A_1273] {strides = array<i32>} : memref<24x112xi32, #tpu.memory_space<vmem>>, vector<1x16xi32>,
          %get3A_1275 = vector.shape_cast %get3A_1274 : vector<1x16xi32> to vector<16xi32>
          %get3A_1276 = arith.index_cast %add3A_1034 : i32 to index
          %get3A_1277 = arith.constant 96 : index
          %get3A_1278 = tpu.vector_load %arg6[%get3A_1276, %get3A_1277] {strides = array<i32>} : memref<24x112xf32, #tpu.memory_space<vmem>>, vector<1x16xf32>,
          %get3A_1279 = vector.shape_cast %get3A_1278 : vector<1x16xf32> to vector<16xf32>
          %sub3A_1280 = vector.broadcast %mul3A_27 : i32 to vector<16xi32>
          %sub3A_1281 = arith.subi %get3A_1275, %sub3A_1280 : vector<16xi32>
          %ge3A_1282 = vector.broadcast %mul3A_27 : i32 to vector<16xi32>
          %ge3A_1283 = arith.cmpi sge, %get3A_1275, %ge3A_1282 : vector<16xi32>
          %lt3A_1284 = arith.constant 1605632 : i32
          %lt3A_1285 = vector.broadcast %lt3A_1284 : i32 to vector<16xi32>
          %lt3A_1286 = arith.cmpi slt, %sub3A_1281, %lt3A_1285 : vector<16xi32>
          %and3A_1287 = arith.andi %ge3A_1283, %lt3A_1286 : vector<16xi1>
          %mul3A_1288 = arith.constant 112 : i32
          %mul3A_1289 = arith.muli %add3A_1034, %mul3A_1288 : i32
          %add3A_1290 = arith.constant 96 : i32
          %add3A_1291 = arith.addi %mul3A_1289, %add3A_1290 : i32
          %shift_right_logical3A_1292 = arith.constant 7 : i32
          %shift_right_logical3A_1293 = arith.shrui %add3A_1291, %shift_right_logical3A_1292 : i32
          %and3A_1294 = arith.constant 127 : i32
          %and3A_1295 = arith.andi %add3A_1291, %and3A_1294 : i32
          %shift_right_logical3A_1296 = arith.constant 2 : i32
          %shift_right_logical3A_1297 = vector.broadcast %shift_right_logical3A_1296 : i32 to vector<16xi32>
          %shift_right_logical3A_1298 = arith.shrui %get3A_1275, %shift_right_logical3A_1297 : vector<16xi32>
          %select_n3A_1299 = arith.select %and3A_1287, %sub3A_1281, %shift_right_logical3A_1298 : vector<16xi1>, vector<16xi32>
          %swap3A_1300 = arith.index_cast %shift_right_logical3A_1293 : i32 to index
          %swap3A_1301 = arith.index_cast %and3A_1295 : i32 to index
          %swap3A_1302 = tpu.vector_load %arg9[%swap3A_1300, %swap3A_1301] {strides = array<i32>} : memref<21x128xi32, #tpu.memory_space<vmem>>, vector<1x16xi32>,
          %swap3A_1303 = vector.shape_cast %swap3A_1302 : vector<1x16xi32> to vector<16xi32>
          %swap3A_1304 = vector.shape_cast %select_n3A_1299 : vector<16xi32> to vector<1x16xi32>
          tpu.vector_store %arg9[%swap3A_1300, %swap3A_1301], %swap3A_1304 {strides = array<i32>} : memref<21x128xi32, #tpu.memory_space<vmem>>, vector<1x16xi32>,
          %jit3A_1305 = arith.constant 0.000000e+00 : f32
          %broadcast_in_dim3A_1306 = vector.broadcast %jit3A_1305 : f32 to vector<16xf32>
          %select_n3A_1307 = arith.select %and3A_1287, %get3A_1279, %broadcast_in_dim3A_1306 : vector<16xi1>, vector<16xf32>
          %swap3A_1308 = arith.index_cast %shift_right_logical3A_1293 : i32 to index
          %swap3A_1309 = arith.index_cast %and3A_1295 : i32 to index
          %swap3A_1310 = tpu.vector_load %arg10[%swap3A_1308, %swap3A_1309] {strides = array<i32>} : memref<21x128xf32, #tpu.memory_space<vmem>>, vector<1x16xf32>,
          %swap3A_1311 = vector.shape_cast %swap3A_1310 : vector<1x16xf32> to vector<16xf32>
          %swap3A_1312 = vector.shape_cast %select_n3A_1307 : vector<16xf32> to vector<1x16xf32>
          tpu.vector_store %arg10[%swap3A_1308, %swap3A_1309], %swap3A_1312 {strides = array<i32>} : memref<21x128xf32, #tpu.memory_space<vmem>>, vector<1x16xf32>,
        }
        %scan3A_75 = arith.constant 24 : i32
        %dma_start3A_76 = arith.constant 0 : i32
        %dma_start3A_77 = arith.constant 0 : i32
        %dma_start3A_78 = arith.constant 0 : i32
        %dma_start3A_79 = tpu.memref_slice %arg10[%dma_start3A_76, %dma_start3A_78] : memref<21x128xf32, #tpu.memory_space<vmem>> -> memref<1x128xf32, #tpu.memory_space<vmem>>
        %dma_start3A_80 = tpu.memref_squeeze %dma_start3A_79 : memref<1x128xf32, #tpu.memory_space<vmem>> -> memref<128xf32, #tpu.memory_space<vmem>>
        %dma_start3A_81 = arith.constant 0 : i32
        %dma_start3A_82 = tpu.memref_slice %arg9[%dma_start3A_77, %dma_start3A_81] : memref<21x128xi32, #tpu.memory_space<vmem>> -> memref<1x128xi32, #tpu.memory_space<vmem>>
        %dma_start3A_83 = tpu.memref_squeeze %dma_start3A_82 : memref<1x128xi32, #tpu.memory_space<vmem>> -> memref<128xi32, #tpu.memory_space<vmem>>
        %dma_start3A_84 = arith.constant 0 : i32
        %dma_start3A_85 = tpu.memref_slice %arg14[%dma_start3A_84] : memref<1605632xf32, #tpu.memory_space<vmem_shared>> -> memref<1605632xf32, #tpu.memory_space<vmem_shared>>
        tpu.enqueue_indirect_dma source(%dma_start3A_80 : memref<128xf32, #tpu.memory_space<vmem>>) target(%dma_start3A_85 : memref<1605632xf32, #tpu.memory_space<vmem_shared>>) offsets(%dma_start3A_83 : memref<128xi32, #tpu.memory_space<vmem>>) semaphore(%arg17 : memref<!tpu.dma_semaphore, #tpu.memory_space<semaphore_mem>>) {add = true}
        %dma_start3A_86 = arith.constant 1 : i32
        %dma_start3A_87 = arith.constant 1 : i32
        %dma_start3A_88 = arith.constant 0 : i32
        %dma_start3A_89 = tpu.memref_slice %arg10[%dma_start3A_86, %dma_start3A_88] : memref<21x128xf32, #tpu.memory_space<vmem>> -> memref<1x128xf32, #tpu.memory_space<vmem>>
        %dma_start3A_90 = tpu.memref_squeeze %dma_start3A_89 : memref<1x128xf32, #tpu.memory_space<vmem>> -> memref<128xf32, #tpu.memory_space<vmem>>
        %dma_start3A_91 = arith.constant 0 : i32
        %dma_start3A_92 = tpu.memref_slice %arg9[%dma_start3A_87, %dma_start3A_91] : memref<21x128xi32, #tpu.memory_space<vmem>> -> memref<1x128xi32, #tpu.memory_space<vmem>>
        %dma_start3A_93 = tpu.memref_squeeze %dma_start3A_92 : memref<1x128xi32, #tpu.memory_space<vmem>> -> memref<128xi32, #tpu.memory_space<vmem>>
        %dma_start3A_94 = arith.constant 0 : i32
        %dma_start3A_95 = tpu.memref_slice %arg14[%dma_start3A_94] : memref<1605632xf32, #tpu.memory_space<vmem_shared>> -> memref<1605632xf32, #tpu.memory_space<vmem_shared>>
        tpu.enqueue_indirect_dma source(%dma_start3A_90 : memref<128xf32, #tpu.memory_space<vmem>>) target(%dma_start3A_95 : memref<1605632xf32, #tpu.memory_space<vmem_shared>>) offsets(%dma_start3A_93 : memref<128xi32, #tpu.memory_space<vmem>>) semaphore(%arg17 : memref<!tpu.dma_semaphore, #tpu.memory_space<semaphore_mem>>) {add = true}
        %dma_start3A_96 = arith.constant 2 : i32
        %dma_start3A_97 = arith.constant 2 : i32
        %dma_start3A_98 = arith.constant 0 : i32
        %dma_start3A_99 = tpu.memref_slice %arg10[%dma_start3A_96, %dma_start3A_98] : memref<21x128xf32, #tpu.memory_space<vmem>> -> memref<1x128xf32, #tpu.memory_space<vmem>>
        %dma_start3A_100 = tpu.memref_squeeze %dma_start3A_99 : memref<1x128xf32, #tpu.memory_space<vmem>> -> memref<128xf32, #tpu.memory_space<vmem>>
        %dma_start3A_101 = arith.constant 0 : i32
        %dma_start3A_102 = tpu.memref_slice %arg9[%dma_start3A_97, %dma_start3A_101] : memref<21x128xi32, #tpu.memory_space<vmem>> -> memref<1x128xi32, #tpu.memory_space<vmem>>
        %dma_start3A_103 = tpu.memref_squeeze %dma_start3A_102 : memref<1x128xi32, #tpu.memory_space<vmem>> -> memref<128xi32, #tpu.memory_space<vmem>>
        %dma_start3A_104 = arith.constant 0 : i32
        %dma_start3A_105 = tpu.memref_slice %arg14[%dma_start3A_104] : memref<1605632xf32, #tpu.memory_space<vmem_shared>> -> memref<1605632xf32, #tpu.memory_space<vmem_shared>>
        tpu.enqueue_indirect_dma source(%dma_start3A_100 : memref<128xf32, #tpu.memory_space<vmem>>) target(%dma_start3A_105 : memref<1605632xf32, #tpu.memory_space<vmem_shared>>) offsets(%dma_start3A_103 : memref<128xi32, #tpu.memory_space<vmem>>) semaphore(%arg17 : memref<!tpu.dma_semaphore, #tpu.memory_space<semaphore_mem>>) {add = true}
        %dma_start3A_106 = arith.constant 3 : i32
        %dma_start3A_107 = arith.constant 3 : i32
        %dma_start3A_108 = arith.constant 0 : i32
        %dma_start3A_109 = tpu.memref_slice %arg10[%dma_start3A_106, %dma_start3A_108] : memref<21x128xf32, #tpu.memory_space<vmem>> -> memref<1x128xf32, #tpu.memory_space<vmem>>
        %dma_start3A_110 = tpu.memref_squeeze %dma_start3A_109 : memref<1x128xf32, #tpu.memory_space<vmem>> -> memref<128xf32, #tpu.memory_space<vmem>>
        %dma_start3A_111 = arith.constant 0 : i32
        %dma_start3A_112 = tpu.memref_slice %arg9[%dma_start3A_107, %dma_start3A_111] : memref<21x128xi32, #tpu.memory_space<vmem>> -> memref<1x128xi32, #tpu.memory_space<vmem>>
        %dma_start3A_113 = tpu.memref_squeeze %dma_start3A_112 : memref<1x128xi32, #tpu.memory_space<vmem>> -> memref<128xi32, #tpu.memory_space<vmem>>
        %dma_start3A_114 = arith.constant 0 : i32
        %dma_start3A_115 = tpu.memref_slice %arg14[%dma_start3A_114] : memref<1605632xf32, #tpu.memory_space<vmem_shared>> -> memref<1605632xf32, #tpu.memory_space<vmem_shared>>
        tpu.enqueue_indirect_dma source(%dma_start3A_110 : memref<128xf32, #tpu.memory_space<vmem>>) target(%dma_start3A_115 : memref<1605632xf32, #tpu.memory_space<vmem_shared>>) offsets(%dma_start3A_113 : memref<128xi32, #tpu.memory_space<vmem>>) semaphore(%arg17 : memref<!tpu.dma_semaphore, #tpu.memory_space<semaphore_mem>>) {add = true}
        %dma_start3A_116 = arith.constant 4 : i32
        %dma_start3A_117 = arith.constant 4 : i32
        %dma_start3A_118 = arith.constant 0 : i32
        %dma_start3A_119 = tpu.memref_slice %arg10[%dma_start3A_116, %dma_start3A_118] : memref<21x128xf32, #tpu.memory_space<vmem>> -> memref<1x128xf32, #tpu.memory_space<vmem>>
        %dma_start3A_120 = tpu.memref_squeeze %dma_start3A_119 : memref<1x128xf32, #tpu.memory_space<vmem>> -> memref<128xf32, #tpu.memory_space<vmem>>
        %dma_start3A_121 = arith.constant 0 : i32
        %dma_start3A_122 = tpu.memref_slice %arg9[%dma_start3A_117, %dma_start3A_121] : memref<21x128xi32, #tpu.memory_space<vmem>> -> memref<1x128xi32, #tpu.memory_space<vmem>>
        %dma_start3A_123 = tpu.memref_squeeze %dma_start3A_122 : memref<1x128xi32, #tpu.memory_space<vmem>> -> memref<128xi32, #tpu.memory_space<vmem>>
        %dma_start3A_124 = arith.constant 0 : i32
        %dma_start3A_125 = tpu.memref_slice %arg14[%dma_start3A_124] : memref<1605632xf32, #tpu.memory_space<vmem_shared>> -> memref<1605632xf32, #tpu.memory_space<vmem_shared>>
        tpu.enqueue_indirect_dma source(%dma_start3A_120 : memref<128xf32, #tpu.memory_space<vmem>>) target(%dma_start3A_125 : memref<1605632xf32, #tpu.memory_space<vmem_shared>>) offsets(%dma_start3A_123 : memref<128xi32, #tpu.memory_space<vmem>>) semaphore(%arg17 : memref<!tpu.dma_semaphore, #tpu.memory_space<semaphore_mem>>) {add = true}
        %dma_start3A_126 = arith.constant 5 : i32
        %dma_start3A_127 = arith.constant 5 : i32
        %dma_start3A_128 = arith.constant 0 : i32
        %dma_start3A_129 = tpu.memref_slice %arg10[%dma_start3A_126, %dma_start3A_128] : memref<21x128xf32, #tpu.memory_space<vmem>> -> memref<1x128xf32, #tpu.memory_space<vmem>>
        %dma_start3A_130 = tpu.memref_squeeze %dma_start3A_129 : memref<1x128xf32, #tpu.memory_space<vmem>> -> memref<128xf32, #tpu.memory_space<vmem>>
        %dma_start3A_131 = arith.constant 0 : i32
        %dma_start3A_132 = tpu.memref_slice %arg9[%dma_start3A_127, %dma_start3A_131] : memref<21x128xi32, #tpu.memory_space<vmem>> -> memref<1x128xi32, #tpu.memory_space<vmem>>
        %dma_start3A_133 = tpu.memref_squeeze %dma_start3A_132 : memref<1x128xi32, #tpu.memory_space<vmem>> -> memref<128xi32, #tpu.memory_space<vmem>>
        %dma_start3A_134 = arith.constant 0 : i32
        %dma_start3A_135 = tpu.memref_slice %arg14[%dma_start3A_134] : memref<1605632xf32, #tpu.memory_space<vmem_shared>> -> memref<1605632xf32, #tpu.memory_space<vmem_shared>>
        tpu.enqueue_indirect_dma source(%dma_start3A_130 : memref<128xf32, #tpu.memory_space<vmem>>) target(%dma_start3A_135 : memref<1605632xf32, #tpu.memory_space<vmem_shared>>) offsets(%dma_start3A_133 : memref<128xi32, #tpu.memory_space<vmem>>) semaphore(%arg17 : memref<!tpu.dma_semaphore, #tpu.memory_space<semaphore_mem>>) {add = true}
        %dma_start3A_136 = arith.constant 6 : i32
        %dma_start3A_137 = arith.constant 6 : i32
        %dma_start3A_138 = arith.constant 0 : i32
        %dma_start3A_139 = tpu.memref_slice %arg10[%dma_start3A_136, %dma_start3A_138] : memref<21x128xf32, #tpu.memory_space<vmem>> -> memref<1x128xf32, #tpu.memory_space<vmem>>
        %dma_start3A_140 = tpu.memref_squeeze %dma_start3A_139 : memref<1x128xf32, #tpu.memory_space<vmem>> -> memref<128xf32, #tpu.memory_space<vmem>>
        %dma_start3A_141 = arith.constant 0 : i32
        %dma_start3A_142 = tpu.memref_slice %arg9[%dma_start3A_137, %dma_start3A_141] : memref<21x128xi32, #tpu.memory_space<vmem>> -> memref<1x128xi32, #tpu.memory_space<vmem>>
        %dma_start3A_143 = tpu.memref_squeeze %dma_start3A_142 : memref<1x128xi32, #tpu.memory_space<vmem>> -> memref<128xi32, #tpu.memory_space<vmem>>
        %dma_start3A_144 = arith.constant 0 : i32
        %dma_start3A_145 = tpu.memref_slice %arg14[%dma_start3A_144] : memref<1605632xf32, #tpu.memory_space<vmem_shared>> -> memref<1605632xf32, #tpu.memory_space<vmem_shared>>
        tpu.enqueue_indirect_dma source(%dma_start3A_140 : memref<128xf32, #tpu.memory_space<vmem>>) target(%dma_start3A_145 : memref<1605632xf32, #tpu.memory_space<vmem_shared>>) offsets(%dma_start3A_143 : memref<128xi32, #tpu.memory_space<vmem>>) semaphore(%arg17 : memref<!tpu.dma_semaphore, #tpu.memory_space<semaphore_mem>>) {add = true}
        %dma_start3A_146 = arith.constant 7 : i32
        %dma_start3A_147 = arith.constant 7 : i32
        %dma_start3A_148 = arith.constant 0 : i32
        %dma_start3A_149 = tpu.memref_slice %arg10[%dma_start3A_146, %dma_start3A_148] : memref<21x128xf32, #tpu.memory_space<vmem>> -> memref<1x128xf32, #tpu.memory_space<vmem>>
        %dma_start3A_150 = tpu.memref_squeeze %dma_start3A_149 : memref<1x128xf32, #tpu.memory_space<vmem>> -> memref<128xf32, #tpu.memory_space<vmem>>
        %dma_start3A_151 = arith.constant 0 : i32
        %dma_start3A_152 = tpu.memref_slice %arg9[%dma_start3A_147, %dma_start3A_151] : memref<21x128xi32, #tpu.memory_space<vmem>> -> memref<1x128xi32, #tpu.memory_space<vmem>>
        %dma_start3A_153 = tpu.memref_squeeze %dma_start3A_152 : memref<1x128xi32, #tpu.memory_space<vmem>> -> memref<128xi32, #tpu.memory_space<vmem>>
        %dma_start3A_154 = arith.constant 0 : i32
        %dma_start3A_155 = tpu.memref_slice %arg14[%dma_start3A_154] : memref<1605632xf32, #tpu.memory_space<vmem_shared>> -> memref<1605632xf32, #tpu.memory_space<vmem_shared>>
        tpu.enqueue_indirect_dma source(%dma_start3A_150 : memref<128xf32, #tpu.memory_space<vmem>>) target(%dma_start3A_155 : memref<1605632xf32, #tpu.memory_space<vmem_shared>>) offsets(%dma_start3A_153 : memref<128xi32, #tpu.memory_space<vmem>>) semaphore(%arg17 : memref<!tpu.dma_semaphore, #tpu.memory_space<semaphore_mem>>) {add = true}
        %dma_start3A_156 = arith.constant 8 : i32
        %dma_start3A_157 = arith.constant 8 : i32
        %dma_start3A_158 = arith.constant 0 : i32
        %dma_start3A_159 = tpu.memref_slice %arg10[%dma_start3A_156, %dma_start3A_158] : memref<21x128xf32, #tpu.memory_space<vmem>> -> memref<1x128xf32, #tpu.memory_space<vmem>>
        %dma_start3A_160 = tpu.memref_squeeze %dma_start3A_159 : memref<1x128xf32, #tpu.memory_space<vmem>> -> memref<128xf32, #tpu.memory_space<vmem>>
        %dma_start3A_161 = arith.constant 0 : i32
        %dma_start3A_162 = tpu.memref_slice %arg9[%dma_start3A_157, %dma_start3A_161] : memref<21x128xi32, #tpu.memory_space<vmem>> -> memref<1x128xi32, #tpu.memory_space<vmem>>
        %dma_start3A_163 = tpu.memref_squeeze %dma_start3A_162 : memref<1x128xi32, #tpu.memory_space<vmem>> -> memref<128xi32, #tpu.memory_space<vmem>>
        %dma_start3A_164 = arith.constant 0 : i32
        %dma_start3A_165 = tpu.memref_slice %arg14[%dma_start3A_164] : memref<1605632xf32, #tpu.memory_space<vmem_shared>> -> memref<1605632xf32, #tpu.memory_space<vmem_shared>>
        tpu.enqueue_indirect_dma source(%dma_start3A_160 : memref<128xf32, #tpu.memory_space<vmem>>) target(%dma_start3A_165 : memref<1605632xf32, #tpu.memory_space<vmem_shared>>) offsets(%dma_start3A_163 : memref<128xi32, #tpu.memory_space<vmem>>) semaphore(%arg17 : memref<!tpu.dma_semaphore, #tpu.memory_space<semaphore_mem>>) {add = true}
        %dma_start3A_166 = arith.constant 9 : i32
        %dma_start3A_167 = arith.constant 9 : i32
        %dma_start3A_168 = arith.constant 0 : i32
        %dma_start3A_169 = tpu.memref_slice %arg10[%dma_start3A_166, %dma_start3A_168] : memref<21x128xf32, #tpu.memory_space<vmem>> -> memref<1x128xf32, #tpu.memory_space<vmem>>
        %dma_start3A_170 = tpu.memref_squeeze %dma_start3A_169 : memref<1x128xf32, #tpu.memory_space<vmem>> -> memref<128xf32, #tpu.memory_space<vmem>>
        %dma_start3A_171 = arith.constant 0 : i32
        %dma_start3A_172 = tpu.memref_slice %arg9[%dma_start3A_167, %dma_start3A_171] : memref<21x128xi32, #tpu.memory_space<vmem>> -> memref<1x128xi32, #tpu.memory_space<vmem>>
        %dma_start3A_173 = tpu.memref_squeeze %dma_start3A_172 : memref<1x128xi32, #tpu.memory_space<vmem>> -> memref<128xi32, #tpu.memory_space<vmem>>
        %dma_start3A_174 = arith.constant 0 : i32
        %dma_start3A_175 = tpu.memref_slice %arg14[%dma_start3A_174] : memref<1605632xf32, #tpu.memory_space<vmem_shared>> -> memref<1605632xf32, #tpu.memory_space<vmem_shared>>
        tpu.enqueue_indirect_dma source(%dma_start3A_170 : memref<128xf32, #tpu.memory_space<vmem>>) target(%dma_start3A_175 : memref<1605632xf32, #tpu.memory_space<vmem_shared>>) offsets(%dma_start3A_173 : memref<128xi32, #tpu.memory_space<vmem>>) semaphore(%arg17 : memref<!tpu.dma_semaphore, #tpu.memory_space<semaphore_mem>>) {add = true}
        %dma_start3A_176 = arith.constant 10 : i32
        %dma_start3A_177 = arith.constant 10 : i32
        %dma_start3A_178 = arith.constant 0 : i32
        %dma_start3A_179 = tpu.memref_slice %arg10[%dma_start3A_176, %dma_start3A_178] : memref<21x128xf32, #tpu.memory_space<vmem>> -> memref<1x128xf32, #tpu.memory_space<vmem>>
        %dma_start3A_180 = tpu.memref_squeeze %dma_start3A_179 : memref<1x128xf32, #tpu.memory_space<vmem>> -> memref<128xf32, #tpu.memory_space<vmem>>
        %dma_start3A_181 = arith.constant 0 : i32
        %dma_start3A_182 = tpu.memref_slice %arg9[%dma_start3A_177, %dma_start3A_181] : memref<21x128xi32, #tpu.memory_space<vmem>> -> memref<1x128xi32, #tpu.memory_space<vmem>>
        %dma_start3A_183 = tpu.memref_squeeze %dma_start3A_182 : memref<1x128xi32, #tpu.memory_space<vmem>> -> memref<128xi32, #tpu.memory_space<vmem>>
        %dma_start3A_184 = arith.constant 0 : i32
        %dma_start3A_185 = tpu.memref_slice %arg14[%dma_start3A_184] : memref<1605632xf32, #tpu.memory_space<vmem_shared>> -> memref<1605632xf32, #tpu.memory_space<vmem_shared>>
        tpu.enqueue_indirect_dma source(%dma_start3A_180 : memref<128xf32, #tpu.memory_space<vmem>>) target(%dma_start3A_185 : memref<1605632xf32, #tpu.memory_space<vmem_shared>>) offsets(%dma_start3A_183 : memref<128xi32, #tpu.memory_space<vmem>>) semaphore(%arg17 : memref<!tpu.dma_semaphore, #tpu.memory_space<semaphore_mem>>) {add = true}
        %dma_start3A_186 = arith.constant 11 : i32
        %dma_start3A_187 = arith.constant 11 : i32
        %dma_start3A_188 = arith.constant 0 : i32
        %dma_start3A_189 = tpu.memref_slice %arg10[%dma_start3A_186, %dma_start3A_188] : memref<21x128xf32, #tpu.memory_space<vmem>> -> memref<1x128xf32, #tpu.memory_space<vmem>>
        %dma_start3A_190 = tpu.memref_squeeze %dma_start3A_189 : memref<1x128xf32, #tpu.memory_space<vmem>> -> memref<128xf32, #tpu.memory_space<vmem>>
        %dma_start3A_191 = arith.constant 0 : i32
        %dma_start3A_192 = tpu.memref_slice %arg9[%dma_start3A_187, %dma_start3A_191] : memref<21x128xi32, #tpu.memory_space<vmem>> -> memref<1x128xi32, #tpu.memory_space<vmem>>
        %dma_start3A_193 = tpu.memref_squeeze %dma_start3A_192 : memref<1x128xi32, #tpu.memory_space<vmem>> -> memref<128xi32, #tpu.memory_space<vmem>>
        %dma_start3A_194 = arith.constant 0 : i32
        %dma_start3A_195 = tpu.memref_slice %arg14[%dma_start3A_194] : memref<1605632xf32, #tpu.memory_space<vmem_shared>> -> memref<1605632xf32, #tpu.memory_space<vmem_shared>>
        tpu.enqueue_indirect_dma source(%dma_start3A_190 : memref<128xf32, #tpu.memory_space<vmem>>) target(%dma_start3A_195 : memref<1605632xf32, #tpu.memory_space<vmem_shared>>) offsets(%dma_start3A_193 : memref<128xi32, #tpu.memory_space<vmem>>) semaphore(%arg17 : memref<!tpu.dma_semaphore, #tpu.memory_space<semaphore_mem>>) {add = true}
        %dma_start3A_196 = arith.constant 12 : i32
        %dma_start3A_197 = arith.constant 12 : i32
        %dma_start3A_198 = arith.constant 0 : i32
        %dma_start3A_199 = tpu.memref_slice %arg10[%dma_start3A_196, %dma_start3A_198] : memref<21x128xf32, #tpu.memory_space<vmem>> -> memref<1x128xf32, #tpu.memory_space<vmem>>
        %dma_start3A_200 = tpu.memref_squeeze %dma_start3A_199 : memref<1x128xf32, #tpu.memory_space<vmem>> -> memref<128xf32, #tpu.memory_space<vmem>>
        %dma_start3A_201 = arith.constant 0 : i32
        %dma_start3A_202 = tpu.memref_slice %arg9[%dma_start3A_197, %dma_start3A_201] : memref<21x128xi32, #tpu.memory_space<vmem>> -> memref<1x128xi32, #tpu.memory_space<vmem>>
        %dma_start3A_203 = tpu.memref_squeeze %dma_start3A_202 : memref<1x128xi32, #tpu.memory_space<vmem>> -> memref<128xi32, #tpu.memory_space<vmem>>
        %dma_start3A_204 = arith.constant 0 : i32
        %dma_start3A_205 = tpu.memref_slice %arg14[%dma_start3A_204] : memref<1605632xf32, #tpu.memory_space<vmem_shared>> -> memref<1605632xf32, #tpu.memory_space<vmem_shared>>
        tpu.enqueue_indirect_dma source(%dma_start3A_200 : memref<128xf32, #tpu.memory_space<vmem>>) target(%dma_start3A_205 : memref<1605632xf32, #tpu.memory_space<vmem_shared>>) offsets(%dma_start3A_203 : memref<128xi32, #tpu.memory_space<vmem>>) semaphore(%arg17 : memref<!tpu.dma_semaphore, #tpu.memory_space<semaphore_mem>>) {add = true}
        %dma_start3A_206 = arith.constant 13 : i32
        %dma_start3A_207 = arith.constant 13 : i32
        %dma_start3A_208 = arith.constant 0 : i32
        %dma_start3A_209 = tpu.memref_slice %arg10[%dma_start3A_206, %dma_start3A_208] : memref<21x128xf32, #tpu.memory_space<vmem>> -> memref<1x128xf32, #tpu.memory_space<vmem>>
        %dma_start3A_210 = tpu.memref_squeeze %dma_start3A_209 : memref<1x128xf32, #tpu.memory_space<vmem>> -> memref<128xf32, #tpu.memory_space<vmem>>
        %dma_start3A_211 = arith.constant 0 : i32
        %dma_start3A_212 = tpu.memref_slice %arg9[%dma_start3A_207, %dma_start3A_211] : memref<21x128xi32, #tpu.memory_space<vmem>> -> memref<1x128xi32, #tpu.memory_space<vmem>>
        %dma_start3A_213 = tpu.memref_squeeze %dma_start3A_212 : memref<1x128xi32, #tpu.memory_space<vmem>> -> memref<128xi32, #tpu.memory_space<vmem>>
        %dma_start3A_214 = arith.constant 0 : i32
        %dma_start3A_215 = tpu.memref_slice %arg14[%dma_start3A_214] : memref<1605632xf32, #tpu.memory_space<vmem_shared>> -> memref<1605632xf32, #tpu.memory_space<vmem_shared>>
        tpu.enqueue_indirect_dma source(%dma_start3A_210 : memref<128xf32, #tpu.memory_space<vmem>>) target(%dma_start3A_215 : memref<1605632xf32, #tpu.memory_space<vmem_shared>>) offsets(%dma_start3A_213 : memref<128xi32, #tpu.memory_space<vmem>>) semaphore(%arg17 : memref<!tpu.dma_semaphore, #tpu.memory_space<semaphore_mem>>) {add = true}
        %dma_start3A_216 = arith.constant 14 : i32
        %dma_start3A_217 = arith.constant 14 : i32
        %dma_start3A_218 = arith.constant 0 : i32
        %dma_start3A_219 = tpu.memref_slice %arg10[%dma_start3A_216, %dma_start3A_218] : memref<21x128xf32, #tpu.memory_space<vmem>> -> memref<1x128xf32, #tpu.memory_space<vmem>>
        %dma_start3A_220 = tpu.memref_squeeze %dma_start3A_219 : memref<1x128xf32, #tpu.memory_space<vmem>> -> memref<128xf32, #tpu.memory_space<vmem>>
        %dma_start3A_221 = arith.constant 0 : i32
        %dma_start3A_222 = tpu.memref_slice %arg9[%dma_start3A_217, %dma_start3A_221] : memref<21x128xi32, #tpu.memory_space<vmem>> -> memref<1x128xi32, #tpu.memory_space<vmem>>
        %dma_start3A_223 = tpu.memref_squeeze %dma_start3A_222 : memref<1x128xi32, #tpu.memory_space<vmem>> -> memref<128xi32, #tpu.memory_space<vmem>>
        %dma_start3A_224 = arith.constant 0 : i32
        %dma_start3A_225 = tpu.memref_slice %arg14[%dma_start3A_224] : memref<1605632xf32, #tpu.memory_space<vmem_shared>> -> memref<1605632xf32, #tpu.memory_space<vmem_shared>>
        tpu.enqueue_indirect_dma source(%dma_start3A_220 : memref<128xf32, #tpu.memory_space<vmem>>) target(%dma_start3A_225 : memref<1605632xf32, #tpu.memory_space<vmem_shared>>) offsets(%dma_start3A_223 : memref<128xi32, #tpu.memory_space<vmem>>) semaphore(%arg17 : memref<!tpu.dma_semaphore, #tpu.memory_space<semaphore_mem>>) {add = true}
        %dma_start3A_226 = arith.constant 15 : i32
        %dma_start3A_227 = arith.constant 15 : i32
        %dma_start3A_228 = arith.constant 0 : i32
        %dma_start3A_229 = tpu.memref_slice %arg10[%dma_start3A_226, %dma_start3A_228] : memref<21x128xf32, #tpu.memory_space<vmem>> -> memref<1x128xf32, #tpu.memory_space<vmem>>
        %dma_start3A_230 = tpu.memref_squeeze %dma_start3A_229 : memref<1x128xf32, #tpu.memory_space<vmem>> -> memref<128xf32, #tpu.memory_space<vmem>>
        %dma_start3A_231 = arith.constant 0 : i32
        %dma_start3A_232 = tpu.memref_slice %arg9[%dma_start3A_227, %dma_start3A_231] : memref<21x128xi32, #tpu.memory_space<vmem>> -> memref<1x128xi32, #tpu.memory_space<vmem>>
        %dma_start3A_233 = tpu.memref_squeeze %dma_start3A_232 : memref<1x128xi32, #tpu.memory_space<vmem>> -> memref<128xi32, #tpu.memory_space<vmem>>
        %dma_start3A_234 = arith.constant 0 : i32
        %dma_start3A_235 = tpu.memref_slice %arg14[%dma_start3A_234] : memref<1605632xf32, #tpu.memory_space<vmem_shared>> -> memref<1605632xf32, #tpu.memory_space<vmem_shared>>
        tpu.enqueue_indirect_dma source(%dma_start3A_230 : memref<128xf32, #tpu.memory_space<vmem>>) target(%dma_start3A_235 : memref<1605632xf32, #tpu.memory_space<vmem_shared>>) offsets(%dma_start3A_233 : memref<128xi32, #tpu.memory_space<vmem>>) semaphore(%arg17 : memref<!tpu.dma_semaphore, #tpu.memory_space<semaphore_mem>>) {add = true}
        %dma_start3A_236 = arith.constant 16 : i32
        %dma_start3A_237 = arith.constant 16 : i32
        %dma_start3A_238 = arith.constant 0 : i32
        %dma_start3A_239 = tpu.memref_slice %arg10[%dma_start3A_236, %dma_start3A_238] : memref<21x128xf32, #tpu.memory_space<vmem>> -> memref<1x128xf32, #tpu.memory_space<vmem>>
        %dma_start3A_240 = tpu.memref_squeeze %dma_start3A_239 : memref<1x128xf32, #tpu.memory_space<vmem>> -> memref<128xf32, #tpu.memory_space<vmem>>
        %dma_start3A_241 = arith.constant 0 : i32
        %dma_start3A_242 = tpu.memref_slice %arg9[%dma_start3A_237, %dma_start3A_241] : memref<21x128xi32, #tpu.memory_space<vmem>> -> memref<1x128xi32, #tpu.memory_space<vmem>>
        %dma_start3A_243 = tpu.memref_squeeze %dma_start3A_242 : memref<1x128xi32, #tpu.memory_space<vmem>> -> memref<128xi32, #tpu.memory_space<vmem>>
        %dma_start3A_244 = arith.constant 0 : i32
        %dma_start3A_245 = tpu.memref_slice %arg14[%dma_start3A_244] : memref<1605632xf32, #tpu.memory_space<vmem_shared>> -> memref<1605632xf32, #tpu.memory_space<vmem_shared>>
        tpu.enqueue_indirect_dma source(%dma_start3A_240 : memref<128xf32, #tpu.memory_space<vmem>>) target(%dma_start3A_245 : memref<1605632xf32, #tpu.memory_space<vmem_shared>>) offsets(%dma_start3A_243 : memref<128xi32, #tpu.memory_space<vmem>>) semaphore(%arg17 : memref<!tpu.dma_semaphore, #tpu.memory_space<semaphore_mem>>) {add = true}
        %dma_start3A_246 = arith.constant 17 : i32
        %dma_start3A_247 = arith.constant 17 : i32
        %dma_start3A_248 = arith.constant 0 : i32
        %dma_start3A_249 = tpu.memref_slice %arg10[%dma_start3A_246, %dma_start3A_248] : memref<21x128xf32, #tpu.memory_space<vmem>> -> memref<1x128xf32, #tpu.memory_space<vmem>>
        %dma_start3A_250 = tpu.memref_squeeze %dma_start3A_249 : memref<1x128xf32, #tpu.memory_space<vmem>> -> memref<128xf32, #tpu.memory_space<vmem>>
        %dma_start3A_251 = arith.constant 0 : i32
        %dma_start3A_252 = tpu.memref_slice %arg9[%dma_start3A_247, %dma_start3A_251] : memref<21x128xi32, #tpu.memory_space<vmem>> -> memref<1x128xi32, #tpu.memory_space<vmem>>
        %dma_start3A_253 = tpu.memref_squeeze %dma_start3A_252 : memref<1x128xi32, #tpu.memory_space<vmem>> -> memref<128xi32, #tpu.memory_space<vmem>>
        %dma_start3A_254 = arith.constant 0 : i32
        %dma_start3A_255 = tpu.memref_slice %arg14[%dma_start3A_254] : memref<1605632xf32, #tpu.memory_space<vmem_shared>> -> memref<1605632xf32, #tpu.memory_space<vmem_shared>>
        tpu.enqueue_indirect_dma source(%dma_start3A_250 : memref<128xf32, #tpu.memory_space<vmem>>) target(%dma_start3A_255 : memref<1605632xf32, #tpu.memory_space<vmem_shared>>) offsets(%dma_start3A_253 : memref<128xi32, #tpu.memory_space<vmem>>) semaphore(%arg17 : memref<!tpu.dma_semaphore, #tpu.memory_space<semaphore_mem>>) {add = true}
        %dma_start3A_256 = arith.constant 18 : i32
        %dma_start3A_257 = arith.constant 18 : i32
        %dma_start3A_258 = arith.constant 0 : i32
        %dma_start3A_259 = tpu.memref_slice %arg10[%dma_start3A_256, %dma_start3A_258] : memref<21x128xf32, #tpu.memory_space<vmem>> -> memref<1x128xf32, #tpu.memory_space<vmem>>
        %dma_start3A_260 = tpu.memref_squeeze %dma_start3A_259 : memref<1x128xf32, #tpu.memory_space<vmem>> -> memref<128xf32, #tpu.memory_space<vmem>>
        %dma_start3A_261 = arith.constant 0 : i32
        %dma_start3A_262 = tpu.memref_slice %arg9[%dma_start3A_257, %dma_start3A_261] : memref<21x128xi32, #tpu.memory_space<vmem>> -> memref<1x128xi32, #tpu.memory_space<vmem>>
        %dma_start3A_263 = tpu.memref_squeeze %dma_start3A_262 : memref<1x128xi32, #tpu.memory_space<vmem>> -> memref<128xi32, #tpu.memory_space<vmem>>
        %dma_start3A_264 = arith.constant 0 : i32
        %dma_start3A_265 = tpu.memref_slice %arg14[%dma_start3A_264] : memref<1605632xf32, #tpu.memory_space<vmem_shared>> -> memref<1605632xf32, #tpu.memory_space<vmem_shared>>
        tpu.enqueue_indirect_dma source(%dma_start3A_260 : memref<128xf32, #tpu.memory_space<vmem>>) target(%dma_start3A_265 : memref<1605632xf32, #tpu.memory_space<vmem_shared>>) offsets(%dma_start3A_263 : memref<128xi32, #tpu.memory_space<vmem>>) semaphore(%arg17 : memref<!tpu.dma_semaphore, #tpu.memory_space<semaphore_mem>>) {add = true}
        %dma_start3A_266 = arith.constant 19 : i32
        %dma_start3A_267 = arith.constant 19 : i32
        %dma_start3A_268 = arith.constant 0 : i32
        %dma_start3A_269 = tpu.memref_slice %arg10[%dma_start3A_266, %dma_start3A_268] : memref<21x128xf32, #tpu.memory_space<vmem>> -> memref<1x128xf32, #tpu.memory_space<vmem>>
        %dma_start3A_270 = tpu.memref_squeeze %dma_start3A_269 : memref<1x128xf32, #tpu.memory_space<vmem>> -> memref<128xf32, #tpu.memory_space<vmem>>
        %dma_start3A_271 = arith.constant 0 : i32
        %dma_start3A_272 = tpu.memref_slice %arg9[%dma_start3A_267, %dma_start3A_271] : memref<21x128xi32, #tpu.memory_space<vmem>> -> memref<1x128xi32, #tpu.memory_space<vmem>>
        %dma_start3A_273 = tpu.memref_squeeze %dma_start3A_272 : memref<1x128xi32, #tpu.memory_space<vmem>> -> memref<128xi32, #tpu.memory_space<vmem>>
        %dma_start3A_274 = arith.constant 0 : i32
        %dma_start3A_275 = tpu.memref_slice %arg14[%dma_start3A_274] : memref<1605632xf32, #tpu.memory_space<vmem_shared>> -> memref<1605632xf32, #tpu.memory_space<vmem_shared>>
        tpu.enqueue_indirect_dma source(%dma_start3A_270 : memref<128xf32, #tpu.memory_space<vmem>>) target(%dma_start3A_275 : memref<1605632xf32, #tpu.memory_space<vmem_shared>>) offsets(%dma_start3A_273 : memref<128xi32, #tpu.memory_space<vmem>>) semaphore(%arg17 : memref<!tpu.dma_semaphore, #tpu.memory_space<semaphore_mem>>) {add = true}
        %dma_start3A_276 = arith.constant 20 : i32
        %dma_start3A_277 = arith.constant 20 : i32
        %dma_start3A_278 = arith.constant 0 : i32
        %dma_start3A_279 = tpu.memref_slice %arg10[%dma_start3A_276, %dma_start3A_278] : memref<21x128xf32, #tpu.memory_space<vmem>> -> memref<1x128xf32, #tpu.memory_space<vmem>>
        %dma_start3A_280 = tpu.memref_squeeze %dma_start3A_279 : memref<1x128xf32, #tpu.memory_space<vmem>> -> memref<128xf32, #tpu.memory_space<vmem>>
        %dma_start3A_281 = arith.constant 0 : i32
        %dma_start3A_282 = tpu.memref_slice %arg9[%dma_start3A_277, %dma_start3A_281] : memref<21x128xi32, #tpu.memory_space<vmem>> -> memref<1x128xi32, #tpu.memory_space<vmem>>
        %dma_start3A_283 = tpu.memref_squeeze %dma_start3A_282 : memref<1x128xi32, #tpu.memory_space<vmem>> -> memref<128xi32, #tpu.memory_space<vmem>>
        %dma_start3A_284 = arith.constant 0 : i32
        %dma_start3A_285 = tpu.memref_slice %arg14[%dma_start3A_284] : memref<1605632xf32, #tpu.memory_space<vmem_shared>> -> memref<1605632xf32, #tpu.memory_space<vmem_shared>>
        tpu.enqueue_indirect_dma source(%dma_start3A_280 : memref<128xf32, #tpu.memory_space<vmem>>) target(%dma_start3A_285 : memref<1605632xf32, #tpu.memory_space<vmem_shared>>) offsets(%dma_start3A_283 : memref<128xi32, #tpu.memory_space<vmem>>) semaphore(%arg17 : memref<!tpu.dma_semaphore, #tpu.memory_space<semaphore_mem>>) {add = true}
        %add3A_286 = arith.constant 48 : i32
        %add3A_287 = arith.addi %add3A_32, %add3A_286 : i32
        %dma_start3A_288 = arith.constant 0 : i32
        %dma_start3A_289 = tpu.memref_slice %arg3[%add3A_287, %dma_start3A_288] : memref<86016x112xi32, #tpu.memory_space<hbm>> -> memref<24x112xi32, #tpu.memory_space<hbm>>
        %dma_start3A_290 = arith.constant 0 : i32
        %dma_start3A_291 = tpu.memref_slice %arg3[%add3A_287, %dma_start3A_290] : memref<86016x112xi32, #tpu.memory_space<hbm>> -> memref<24x112xi32, #tpu.memory_space<hbm>>
        tpu.enqueue_dma source(%dma_start3A_291 : memref<24x112xi32, #tpu.memory_space<hbm>>) target(%arg5 : memref<24x112xi32, #tpu.memory_space<vmem>>) target_semaphore(%arg15 : memref<!tpu.dma_semaphore, #tpu.memory_space<semaphore_mem>>)
        %dma_start3A_292 = arith.constant 0 : i32
        %dma_start3A_293 = tpu.memref_slice %arg2[%add3A_287, %dma_start3A_292] : memref<86016x112xf32, #tpu.memory_space<hbm>> -> memref<24x112xf32, #tpu.memory_space<hbm>>
        %dma_start3A_294 = arith.constant 0 : i32
        %dma_start3A_295 = tpu.memref_slice %arg2[%add3A_287, %dma_start3A_294] : memref<86016x112xf32, #tpu.memory_space<hbm>> -> memref<24x112xf32, #tpu.memory_space<hbm>>
        tpu.enqueue_dma source(%dma_start3A_295 : memref<24x112xf32, #tpu.memory_space<hbm>>) target(%arg6 : memref<24x112xf32, #tpu.memory_space<vmem>>) target_semaphore(%arg15 : memref<!tpu.dma_semaphore, #tpu.memory_space<semaphore_mem>>)
        %dma_wait3A_296 = arith.constant 0 : i32
        %dma_wait3A_297 = arith.constant 0 : i32
        %dma_wait3A_298 = tpu.memref_slice %arg3[%dma_wait3A_296, %dma_wait3A_297] : memref<86016x112xi32, #tpu.memory_space<hbm>> -> memref<24x112xi32, #tpu.memory_space<hbm>>
        %dma_wait3A_299 = arith.constant 0 : i32
        %dma_wait3A_300 = arith.constant 0 : i32
        %dma_wait3A_301 = tpu.memref_slice %arg3[%dma_wait3A_299, %dma_wait3A_300] : memref<86016x112xi32, #tpu.memory_space<hbm>> -> memref<24x112xi32, #tpu.memory_space<hbm>>
        tpu.wait_dma2 semaphore(%arg16 : memref<!tpu.dma_semaphore, #tpu.memory_space<semaphore_mem>>) src(%dma_wait3A_301 : memref<24x112xi32, #tpu.memory_space<hbm>>) dst(%arg7 : memref<24x112xi32, #tpu.memory_space<vmem>>)
        %dma_wait3A_302 = arith.constant 0 : i32
        %dma_wait3A_303 = arith.constant 0 : i32
        %dma_wait3A_304 = tpu.memref_slice %arg2[%dma_wait3A_302, %dma_wait3A_303] : memref<86016x112xf32, #tpu.memory_space<hbm>> -> memref<24x112xf32, #tpu.memory_space<hbm>>
        %dma_wait3A_305 = arith.constant 0 : i32
        %dma_wait3A_306 = arith.constant 0 : i32
        %dma_wait3A_307 = tpu.memref_slice %arg2[%dma_wait3A_305, %dma_wait3A_306] : memref<86016x112xf32, #tpu.memory_space<hbm>> -> memref<24x112xf32, #tpu.memory_space<hbm>>
        tpu.wait_dma2 semaphore(%arg16 : memref<!tpu.dma_semaphore, #tpu.memory_space<semaphore_mem>>) src(%dma_wait3A_307 : memref<24x112xf32, #tpu.memory_space<hbm>>) dst(%arg8 : memref<24x112xf32, #tpu.memory_space<vmem>>)
        %scan3A_308 = arith.constant 0 : i32
        %scan3A_309 = arith.constant 24 : i32
        %scan3A_310 = arith.addi %scan3A_308, %scan3A_309 : i32
        %scan3A_311 = arith.constant 1 : i32
        scf.for %scan3A_1030 = %scan3A_308 to %scan3A_310 step %scan3A_311  : i32 {
          %mul3A_1031 = arith.constant 1 : i32
          %mul3A_1032 = arith.muli %scan3A_1030, %mul3A_1031 : i32
          %add3A_1033 = arith.constant 0 : i32
          %add3A_1034 = arith.addi %add3A_1033, %mul3A_1032 : i32
          %get3A = arith.index_cast %add3A_1034 : i32 to index
          %get3A_1035 = arith.constant 0 : index
          %get3A_1036 = tpu.vector_load %arg7[%get3A, %get3A_1035] {strides = array<i32>} : memref<24x112xi32, #tpu.memory_space<vmem>>, vector<1x16xi32>,
          %get3A_1037 = vector.shape_cast %get3A_1036 : vector<1x16xi32> to vector<16xi32>
          %get3A_1038 = arith.index_cast %add3A_1034 : i32 to index
          %get3A_1039 = arith.constant 0 : index
          %get3A_1040 = tpu.vector_load %arg8[%get3A_1038, %get3A_1039] {strides = array<i32>} : memref<24x112xf32, #tpu.memory_space<vmem>>, vector<1x16xf32>,
          %get3A_1041 = vector.shape_cast %get3A_1040 : vector<1x16xf32> to vector<16xf32>
          %sub3A = vector.broadcast %mul3A_27 : i32 to vector<16xi32>
          %sub3A_1042 = arith.subi %get3A_1037, %sub3A : vector<16xi32>
          %ge3A = vector.broadcast %mul3A_27 : i32 to vector<16xi32>
          %ge3A_1043 = arith.cmpi sge, %get3A_1037, %ge3A : vector<16xi32>
          %lt3A = arith.constant 1605632 : i32
          %lt3A_1044 = vector.broadcast %lt3A : i32 to vector<16xi32>
          %lt3A_1045 = arith.cmpi slt, %sub3A_1042, %lt3A_1044 : vector<16xi32>
          %and3A = arith.andi %ge3A_1043, %lt3A_1045 : vector<16xi1>
          %mul3A_1046 = arith.constant 112 : i32
          %mul3A_1047 = arith.muli %add3A_1034, %mul3A_1046 : i32
          %add3A_1048 = arith.constant 0 : i32
          %add3A_1049 = arith.addi %mul3A_1047, %add3A_1048 : i32
          %shift_right_logical3A = arith.constant 7 : i32
          %shift_right_logical3A_1050 = arith.shrui %add3A_1049, %shift_right_logical3A : i32
          %and3A_1051 = arith.constant 127 : i32
          %and3A_1052 = arith.andi %add3A_1049, %and3A_1051 : i32
          %shift_right_logical3A_1053 = arith.constant 2 : i32
          %shift_right_logical3A_1054 = vector.broadcast %shift_right_logical3A_1053 : i32 to vector<16xi32>
          %shift_right_logical3A_1055 = arith.shrui %get3A_1037, %shift_right_logical3A_1054 : vector<16xi32>
          %select_n3A = arith.select %and3A, %sub3A_1042, %shift_right_logical3A_1055 : vector<16xi1>, vector<16xi32>
          %swap3A = arith.index_cast %shift_right_logical3A_1050 : i32 to index
          %swap3A_1056 = arith.index_cast %and3A_1052 : i32 to index
          %swap3A_1057 = tpu.vector_load %arg11[%swap3A, %swap3A_1056] {strides = array<i32>} : memref<21x128xi32, #tpu.memory_space<vmem>>, vector<1x16xi32>,
          %swap3A_1058 = vector.shape_cast %swap3A_1057 : vector<1x16xi32> to vector<16xi32>
          %swap3A_1059 = vector.shape_cast %select_n3A : vector<16xi32> to vector<1x16xi32>
          tpu.vector_store %arg11[%swap3A, %swap3A_1056], %swap3A_1059 {strides = array<i32>} : memref<21x128xi32, #tpu.memory_space<vmem>>, vector<1x16xi32>,
          %jit3A = arith.constant 0.000000e+00 : f32
          %broadcast_in_dim3A_1060 = vector.broadcast %jit3A : f32 to vector<16xf32>
          %select_n3A_1061 = arith.select %and3A, %get3A_1041, %broadcast_in_dim3A_1060 : vector<16xi1>, vector<16xf32>
          %swap3A_1062 = arith.index_cast %shift_right_logical3A_1050 : i32 to index
          %swap3A_1063 = arith.index_cast %and3A_1052 : i32 to index
          %swap3A_1064 = tpu.vector_load %arg12[%swap3A_1062, %swap3A_1063] {strides = array<i32>} : memref<21x128xf32, #tpu.memory_space<vmem>>, vector<1x16xf32>,
          %swap3A_1065 = vector.shape_cast %swap3A_1064 : vector<1x16xf32> to vector<16xf32>
          %swap3A_1066 = vector.shape_cast %select_n3A_1061 : vector<16xf32> to vector<1x16xf32>
          tpu.vector_store %arg12[%swap3A_1062, %swap3A_1063], %swap3A_1066 {strides = array<i32>} : memref<21x128xf32, #tpu.memory_space<vmem>>, vector<1x16xf32>,
          %get3A_1067 = arith.index_cast %add3A_1034 : i32 to index
          %get3A_1068 = arith.constant 16 : index
          %get3A_1069 = tpu.vector_load %arg7[%get3A_1067, %get3A_1068] {strides = array<i32>} : memref<24x112xi32, #tpu.memory_space<vmem>>, vector<1x16xi32>,
          %get3A_1070 = vector.shape_cast %get3A_1069 : vector<1x16xi32> to vector<16xi32>
          %get3A_1071 = arith.index_cast %add3A_1034 : i32 to index
          %get3A_1072 = arith.constant 16 : index
          %get3A_1073 = tpu.vector_load %arg8[%get3A_1071, %get3A_1072] {strides = array<i32>} : memref<24x112xf32, #tpu.memory_space<vmem>>, vector<1x16xf32>,
          %get3A_1074 = vector.shape_cast %get3A_1073 : vector<1x16xf32> to vector<16xf32>
          %sub3A_1075 = vector.broadcast %mul3A_27 : i32 to vector<16xi32>
          %sub3A_1076 = arith.subi %get3A_1070, %sub3A_1075 : vector<16xi32>
          %ge3A_1077 = vector.broadcast %mul3A_27 : i32 to vector<16xi32>
          %ge3A_1078 = arith.cmpi sge, %get3A_1070, %ge3A_1077 : vector<16xi32>
          %lt3A_1079 = arith.constant 1605632 : i32
          %lt3A_1080 = vector.broadcast %lt3A_1079 : i32 to vector<16xi32>
          %lt3A_1081 = arith.cmpi slt, %sub3A_1076, %lt3A_1080 : vector<16xi32>
          %and3A_1082 = arith.andi %ge3A_1078, %lt3A_1081 : vector<16xi1>
          %mul3A_1083 = arith.constant 112 : i32
          %mul3A_1084 = arith.muli %add3A_1034, %mul3A_1083 : i32
          %add3A_1085 = arith.constant 16 : i32
          %add3A_1086 = arith.addi %mul3A_1084, %add3A_1085 : i32
          %shift_right_logical3A_1087 = arith.constant 7 : i32
          %shift_right_logical3A_1088 = arith.shrui %add3A_1086, %shift_right_logical3A_1087 : i32
          %and3A_1089 = arith.constant 127 : i32
          %and3A_1090 = arith.andi %add3A_1086, %and3A_1089 : i32
          %shift_right_logical3A_1091 = arith.constant 2 : i32
          %shift_right_logical3A_1092 = vector.broadcast %shift_right_logical3A_1091 : i32 to vector<16xi32>
          %shift_right_logical3A_1093 = arith.shrui %get3A_1070, %shift_right_logical3A_1092 : vector<16xi32>
          %select_n3A_1094 = arith.select %and3A_1082, %sub3A_1076, %shift_right_logical3A_1093 : vector<16xi1>, vector<16xi32>
          %swap3A_1095 = arith.index_cast %shift_right_logical3A_1088 : i32 to index
          %swap3A_1096 = arith.index_cast %and3A_1090 : i32 to index
          %swap3A_1097 = tpu.vector_load %arg11[%swap3A_1095, %swap3A_1096] {strides = array<i32>} : memref<21x128xi32, #tpu.memory_space<vmem>>, vector<1x16xi32>,
          %swap3A_1098 = vector.shape_cast %swap3A_1097 : vector<1x16xi32> to vector<16xi32>
          %swap3A_1099 = vector.shape_cast %select_n3A_1094 : vector<16xi32> to vector<1x16xi32>
          tpu.vector_store %arg11[%swap3A_1095, %swap3A_1096], %swap3A_1099 {strides = array<i32>} : memref<21x128xi32, #tpu.memory_space<vmem>>, vector<1x16xi32>,
          %jit3A_1100 = arith.constant 0.000000e+00 : f32
          %broadcast_in_dim3A_1101 = vector.broadcast %jit3A_1100 : f32 to vector<16xf32>
          %select_n3A_1102 = arith.select %and3A_1082, %get3A_1074, %broadcast_in_dim3A_1101 : vector<16xi1>, vector<16xf32>
          %swap3A_1103 = arith.index_cast %shift_right_logical3A_1088 : i32 to index
          %swap3A_1104 = arith.index_cast %and3A_1090 : i32 to index
          %swap3A_1105 = tpu.vector_load %arg12[%swap3A_1103, %swap3A_1104] {strides = array<i32>} : memref<21x128xf32, #tpu.memory_space<vmem>>, vector<1x16xf32>,
          %swap3A_1106 = vector.shape_cast %swap3A_1105 : vector<1x16xf32> to vector<16xf32>
          %swap3A_1107 = vector.shape_cast %select_n3A_1102 : vector<16xf32> to vector<1x16xf32>
          tpu.vector_store %arg12[%swap3A_1103, %swap3A_1104], %swap3A_1107 {strides = array<i32>} : memref<21x128xf32, #tpu.memory_space<vmem>>, vector<1x16xf32>,
          %get3A_1108 = arith.index_cast %add3A_1034 : i32 to index
          %get3A_1109 = arith.constant 32 : index
          %get3A_1110 = tpu.vector_load %arg7[%get3A_1108, %get3A_1109] {strides = array<i32>} : memref<24x112xi32, #tpu.memory_space<vmem>>, vector<1x16xi32>,
          %get3A_1111 = vector.shape_cast %get3A_1110 : vector<1x16xi32> to vector<16xi32>
          %get3A_1112 = arith.index_cast %add3A_1034 : i32 to index
          %get3A_1113 = arith.constant 32 : index
          %get3A_1114 = tpu.vector_load %arg8[%get3A_1112, %get3A_1113] {strides = array<i32>} : memref<24x112xf32, #tpu.memory_space<vmem>>, vector<1x16xf32>,
          %get3A_1115 = vector.shape_cast %get3A_1114 : vector<1x16xf32> to vector<16xf32>
          %sub3A_1116 = vector.broadcast %mul3A_27 : i32 to vector<16xi32>
          %sub3A_1117 = arith.subi %get3A_1111, %sub3A_1116 : vector<16xi32>
          %ge3A_1118 = vector.broadcast %mul3A_27 : i32 to vector<16xi32>
          %ge3A_1119 = arith.cmpi sge, %get3A_1111, %ge3A_1118 : vector<16xi32>
          %lt3A_1120 = arith.constant 1605632 : i32
          %lt3A_1121 = vector.broadcast %lt3A_1120 : i32 to vector<16xi32>
          %lt3A_1122 = arith.cmpi slt, %sub3A_1117, %lt3A_1121 : vector<16xi32>
          %and3A_1123 = arith.andi %ge3A_1119, %lt3A_1122 : vector<16xi1>
          %mul3A_1124 = arith.constant 112 : i32
          %mul3A_1125 = arith.muli %add3A_1034, %mul3A_1124 : i32
          %add3A_1126 = arith.constant 32 : i32
          %add3A_1127 = arith.addi %mul3A_1125, %add3A_1126 : i32
          %shift_right_logical3A_1128 = arith.constant 7 : i32
          %shift_right_logical3A_1129 = arith.shrui %add3A_1127, %shift_right_logical3A_1128 : i32
          %and3A_1130 = arith.constant 127 : i32
          %and3A_1131 = arith.andi %add3A_1127, %and3A_1130 : i32
          %shift_right_logical3A_1132 = arith.constant 2 : i32
          %shift_right_logical3A_1133 = vector.broadcast %shift_right_logical3A_1132 : i32 to vector<16xi32>
          %shift_right_logical3A_1134 = arith.shrui %get3A_1111, %shift_right_logical3A_1133 : vector<16xi32>
          %select_n3A_1135 = arith.select %and3A_1123, %sub3A_1117, %shift_right_logical3A_1134 : vector<16xi1>, vector<16xi32>
          %swap3A_1136 = arith.index_cast %shift_right_logical3A_1129 : i32 to index
          %swap3A_1137 = arith.index_cast %and3A_1131 : i32 to index
          %swap3A_1138 = tpu.vector_load %arg11[%swap3A_1136, %swap3A_1137] {strides = array<i32>} : memref<21x128xi32, #tpu.memory_space<vmem>>, vector<1x16xi32>,
          %swap3A_1139 = vector.shape_cast %swap3A_1138 : vector<1x16xi32> to vector<16xi32>
          %swap3A_1140 = vector.shape_cast %select_n3A_1135 : vector<16xi32> to vector<1x16xi32>
          tpu.vector_store %arg11[%swap3A_1136, %swap3A_1137], %swap3A_1140 {strides = array<i32>} : memref<21x128xi32, #tpu.memory_space<vmem>>, vector<1x16xi32>,
          %jit3A_1141 = arith.constant 0.000000e+00 : f32
          %broadcast_in_dim3A_1142 = vector.broadcast %jit3A_1141 : f32 to vector<16xf32>
          %select_n3A_1143 = arith.select %and3A_1123, %get3A_1115, %broadcast_in_dim3A_1142 : vector<16xi1>, vector<16xf32>
          %swap3A_1144 = arith.index_cast %shift_right_logical3A_1129 : i32 to index
          %swap3A_1145 = arith.index_cast %and3A_1131 : i32 to index
          %swap3A_1146 = tpu.vector_load %arg12[%swap3A_1144, %swap3A_1145] {strides = array<i32>} : memref<21x128xf32, #tpu.memory_space<vmem>>, vector<1x16xf32>,
          %swap3A_1147 = vector.shape_cast %swap3A_1146 : vector<1x16xf32> to vector<16xf32>
          %swap3A_1148 = vector.shape_cast %select_n3A_1143 : vector<16xf32> to vector<1x16xf32>
          tpu.vector_store %arg12[%swap3A_1144, %swap3A_1145], %swap3A_1148 {strides = array<i32>} : memref<21x128xf32, #tpu.memory_space<vmem>>, vector<1x16xf32>,
          %get3A_1149 = arith.index_cast %add3A_1034 : i32 to index
          %get3A_1150 = arith.constant 48 : index
          %get3A_1151 = tpu.vector_load %arg7[%get3A_1149, %get3A_1150] {strides = array<i32>} : memref<24x112xi32, #tpu.memory_space<vmem>>, vector<1x16xi32>,
          %get3A_1152 = vector.shape_cast %get3A_1151 : vector<1x16xi32> to vector<16xi32>
          %get3A_1153 = arith.index_cast %add3A_1034 : i32 to index
          %get3A_1154 = arith.constant 48 : index
          %get3A_1155 = tpu.vector_load %arg8[%get3A_1153, %get3A_1154] {strides = array<i32>} : memref<24x112xf32, #tpu.memory_space<vmem>>, vector<1x16xf32>,
          %get3A_1156 = vector.shape_cast %get3A_1155 : vector<1x16xf32> to vector<16xf32>
          %sub3A_1157 = vector.broadcast %mul3A_27 : i32 to vector<16xi32>
          %sub3A_1158 = arith.subi %get3A_1152, %sub3A_1157 : vector<16xi32>
          %ge3A_1159 = vector.broadcast %mul3A_27 : i32 to vector<16xi32>
          %ge3A_1160 = arith.cmpi sge, %get3A_1152, %ge3A_1159 : vector<16xi32>
          %lt3A_1161 = arith.constant 1605632 : i32
          %lt3A_1162 = vector.broadcast %lt3A_1161 : i32 to vector<16xi32>
          %lt3A_1163 = arith.cmpi slt, %sub3A_1158, %lt3A_1162 : vector<16xi32>
          %and3A_1164 = arith.andi %ge3A_1160, %lt3A_1163 : vector<16xi1>
          %mul3A_1165 = arith.constant 112 : i32
          %mul3A_1166 = arith.muli %add3A_1034, %mul3A_1165 : i32
          %add3A_1167 = arith.constant 48 : i32
          %add3A_1168 = arith.addi %mul3A_1166, %add3A_1167 : i32
          %shift_right_logical3A_1169 = arith.constant 7 : i32
          %shift_right_logical3A_1170 = arith.shrui %add3A_1168, %shift_right_logical3A_1169 : i32
          %and3A_1171 = arith.constant 127 : i32
          %and3A_1172 = arith.andi %add3A_1168, %and3A_1171 : i32
          %shift_right_logical3A_1173 = arith.constant 2 : i32
          %shift_right_logical3A_1174 = vector.broadcast %shift_right_logical3A_1173 : i32 to vector<16xi32>
          %shift_right_logical3A_1175 = arith.shrui %get3A_1152, %shift_right_logical3A_1174 : vector<16xi32>
          %select_n3A_1176 = arith.select %and3A_1164, %sub3A_1158, %shift_right_logical3A_1175 : vector<16xi1>, vector<16xi32>
          %swap3A_1177 = arith.index_cast %shift_right_logical3A_1170 : i32 to index
          %swap3A_1178 = arith.index_cast %and3A_1172 : i32 to index
          %swap3A_1179 = tpu.vector_load %arg11[%swap3A_1177, %swap3A_1178] {strides = array<i32>} : memref<21x128xi32, #tpu.memory_space<vmem>>, vector<1x16xi32>,
          %swap3A_1180 = vector.shape_cast %swap3A_1179 : vector<1x16xi32> to vector<16xi32>
          %swap3A_1181 = vector.shape_cast %select_n3A_1176 : vector<16xi32> to vector<1x16xi32>
          tpu.vector_store %arg11[%swap3A_1177, %swap3A_1178], %swap3A_1181 {strides = array<i32>} : memref<21x128xi32, #tpu.memory_space<vmem>>, vector<1x16xi32>,
          %jit3A_1182 = arith.constant 0.000000e+00 : f32
          %broadcast_in_dim3A_1183 = vector.broadcast %jit3A_1182 : f32 to vector<16xf32>
          %select_n3A_1184 = arith.select %and3A_1164, %get3A_1156, %broadcast_in_dim3A_1183 : vector<16xi1>, vector<16xf32>
          %swap3A_1185 = arith.index_cast %shift_right_logical3A_1170 : i32 to index
          %swap3A_1186 = arith.index_cast %and3A_1172 : i32 to index
          %swap3A_1187 = tpu.vector_load %arg12[%swap3A_1185, %swap3A_1186] {strides = array<i32>} : memref<21x128xf32, #tpu.memory_space<vmem>>, vector<1x16xf32>,
          %swap3A_1188 = vector.shape_cast %swap3A_1187 : vector<1x16xf32> to vector<16xf32>
          %swap3A_1189 = vector.shape_cast %select_n3A_1184 : vector<16xf32> to vector<1x16xf32>
          tpu.vector_store %arg12[%swap3A_1185, %swap3A_1186], %swap3A_1189 {strides = array<i32>} : memref<21x128xf32, #tpu.memory_space<vmem>>, vector<1x16xf32>,
          %get3A_1190 = arith.index_cast %add3A_1034 : i32 to index
          %get3A_1191 = arith.constant 64 : index
          %get3A_1192 = tpu.vector_load %arg7[%get3A_1190, %get3A_1191] {strides = array<i32>} : memref<24x112xi32, #tpu.memory_space<vmem>>, vector<1x16xi32>,
          %get3A_1193 = vector.shape_cast %get3A_1192 : vector<1x16xi32> to vector<16xi32>
          %get3A_1194 = arith.index_cast %add3A_1034 : i32 to index
          %get3A_1195 = arith.constant 64 : index
          %get3A_1196 = tpu.vector_load %arg8[%get3A_1194, %get3A_1195] {strides = array<i32>} : memref<24x112xf32, #tpu.memory_space<vmem>>, vector<1x16xf32>,
          %get3A_1197 = vector.shape_cast %get3A_1196 : vector<1x16xf32> to vector<16xf32>
          %sub3A_1198 = vector.broadcast %mul3A_27 : i32 to vector<16xi32>
          %sub3A_1199 = arith.subi %get3A_1193, %sub3A_1198 : vector<16xi32>
          %ge3A_1200 = vector.broadcast %mul3A_27 : i32 to vector<16xi32>
          %ge3A_1201 = arith.cmpi sge, %get3A_1193, %ge3A_1200 : vector<16xi32>
          %lt3A_1202 = arith.constant 1605632 : i32
          %lt3A_1203 = vector.broadcast %lt3A_1202 : i32 to vector<16xi32>
          %lt3A_1204 = arith.cmpi slt, %sub3A_1199, %lt3A_1203 : vector<16xi32>
          %and3A_1205 = arith.andi %ge3A_1201, %lt3A_1204 : vector<16xi1>
          %mul3A_1206 = arith.constant 112 : i32
          %mul3A_1207 = arith.muli %add3A_1034, %mul3A_1206 : i32
          %add3A_1208 = arith.constant 64 : i32
          %add3A_1209 = arith.addi %mul3A_1207, %add3A_1208 : i32
          %shift_right_logical3A_1210 = arith.constant 7 : i32
          %shift_right_logical3A_1211 = arith.shrui %add3A_1209, %shift_right_logical3A_1210 : i32
          %and3A_1212 = arith.constant 127 : i32
          %and3A_1213 = arith.andi %add3A_1209, %and3A_1212 : i32
          %shift_right_logical3A_1214 = arith.constant 2 : i32
          %shift_right_logical3A_1215 = vector.broadcast %shift_right_logical3A_1214 : i32 to vector<16xi32>
          %shift_right_logical3A_1216 = arith.shrui %get3A_1193, %shift_right_logical3A_1215 : vector<16xi32>
          %select_n3A_1217 = arith.select %and3A_1205, %sub3A_1199, %shift_right_logical3A_1216 : vector<16xi1>, vector<16xi32>
          %swap3A_1218 = arith.index_cast %shift_right_logical3A_1211 : i32 to index
          %swap3A_1219 = arith.index_cast %and3A_1213 : i32 to index
          %swap3A_1220 = tpu.vector_load %arg11[%swap3A_1218, %swap3A_1219] {strides = array<i32>} : memref<21x128xi32, #tpu.memory_space<vmem>>, vector<1x16xi32>,
          %swap3A_1221 = vector.shape_cast %swap3A_1220 : vector<1x16xi32> to vector<16xi32>
          %swap3A_1222 = vector.shape_cast %select_n3A_1217 : vector<16xi32> to vector<1x16xi32>
          tpu.vector_store %arg11[%swap3A_1218, %swap3A_1219], %swap3A_1222 {strides = array<i32>} : memref<21x128xi32, #tpu.memory_space<vmem>>, vector<1x16xi32>,
          %jit3A_1223 = arith.constant 0.000000e+00 : f32
          %broadcast_in_dim3A_1224 = vector.broadcast %jit3A_1223 : f32 to vector<16xf32>
          %select_n3A_1225 = arith.select %and3A_1205, %get3A_1197, %broadcast_in_dim3A_1224 : vector<16xi1>, vector<16xf32>
          %swap3A_1226 = arith.index_cast %shift_right_logical3A_1211 : i32 to index
          %swap3A_1227 = arith.index_cast %and3A_1213 : i32 to index
          %swap3A_1228 = tpu.vector_load %arg12[%swap3A_1226, %swap3A_1227] {strides = array<i32>} : memref<21x128xf32, #tpu.memory_space<vmem>>, vector<1x16xf32>,
          %swap3A_1229 = vector.shape_cast %swap3A_1228 : vector<1x16xf32> to vector<16xf32>
          %swap3A_1230 = vector.shape_cast %select_n3A_1225 : vector<16xf32> to vector<1x16xf32>
          tpu.vector_store %arg12[%swap3A_1226, %swap3A_1227], %swap3A_1230 {strides = array<i32>} : memref<21x128xf32, #tpu.memory_space<vmem>>, vector<1x16xf32>,
          %get3A_1231 = arith.index_cast %add3A_1034 : i32 to index
          %get3A_1232 = arith.constant 80 : index
          %get3A_1233 = tpu.vector_load %arg7[%get3A_1231, %get3A_1232] {strides = array<i32>} : memref<24x112xi32, #tpu.memory_space<vmem>>, vector<1x16xi32>,
          %get3A_1234 = vector.shape_cast %get3A_1233 : vector<1x16xi32> to vector<16xi32>
          %get3A_1235 = arith.index_cast %add3A_1034 : i32 to index
          %get3A_1236 = arith.constant 80 : index
          %get3A_1237 = tpu.vector_load %arg8[%get3A_1235, %get3A_1236] {strides = array<i32>} : memref<24x112xf32, #tpu.memory_space<vmem>>, vector<1x16xf32>,
          %get3A_1238 = vector.shape_cast %get3A_1237 : vector<1x16xf32> to vector<16xf32>
          %sub3A_1239 = vector.broadcast %mul3A_27 : i32 to vector<16xi32>
          %sub3A_1240 = arith.subi %get3A_1234, %sub3A_1239 : vector<16xi32>
          %ge3A_1241 = vector.broadcast %mul3A_27 : i32 to vector<16xi32>
          %ge3A_1242 = arith.cmpi sge, %get3A_1234, %ge3A_1241 : vector<16xi32>
          %lt3A_1243 = arith.constant 1605632 : i32
          %lt3A_1244 = vector.broadcast %lt3A_1243 : i32 to vector<16xi32>
          %lt3A_1245 = arith.cmpi slt, %sub3A_1240, %lt3A_1244 : vector<16xi32>
          %and3A_1246 = arith.andi %ge3A_1242, %lt3A_1245 : vector<16xi1>
          %mul3A_1247 = arith.constant 112 : i32
          %mul3A_1248 = arith.muli %add3A_1034, %mul3A_1247 : i32
          %add3A_1249 = arith.constant 80 : i32
          %add3A_1250 = arith.addi %mul3A_1248, %add3A_1249 : i32
          %shift_right_logical3A_1251 = arith.constant 7 : i32
          %shift_right_logical3A_1252 = arith.shrui %add3A_1250, %shift_right_logical3A_1251 : i32
          %and3A_1253 = arith.constant 127 : i32
          %and3A_1254 = arith.andi %add3A_1250, %and3A_1253 : i32
          %shift_right_logical3A_1255 = arith.constant 2 : i32
          %shift_right_logical3A_1256 = vector.broadcast %shift_right_logical3A_1255 : i32 to vector<16xi32>
          %shift_right_logical3A_1257 = arith.shrui %get3A_1234, %shift_right_logical3A_1256 : vector<16xi32>
          %select_n3A_1258 = arith.select %and3A_1246, %sub3A_1240, %shift_right_logical3A_1257 : vector<16xi1>, vector<16xi32>
          %swap3A_1259 = arith.index_cast %shift_right_logical3A_1252 : i32 to index
          %swap3A_1260 = arith.index_cast %and3A_1254 : i32 to index
          %swap3A_1261 = tpu.vector_load %arg11[%swap3A_1259, %swap3A_1260] {strides = array<i32>} : memref<21x128xi32, #tpu.memory_space<vmem>>, vector<1x16xi32>,
          %swap3A_1262 = vector.shape_cast %swap3A_1261 : vector<1x16xi32> to vector<16xi32>
          %swap3A_1263 = vector.shape_cast %select_n3A_1258 : vector<16xi32> to vector<1x16xi32>
          tpu.vector_store %arg11[%swap3A_1259, %swap3A_1260], %swap3A_1263 {strides = array<i32>} : memref<21x128xi32, #tpu.memory_space<vmem>>, vector<1x16xi32>,
          %jit3A_1264 = arith.constant 0.000000e+00 : f32
          %broadcast_in_dim3A_1265 = vector.broadcast %jit3A_1264 : f32 to vector<16xf32>
          %select_n3A_1266 = arith.select %and3A_1246, %get3A_1238, %broadcast_in_dim3A_1265 : vector<16xi1>, vector<16xf32>
          %swap3A_1267 = arith.index_cast %shift_right_logical3A_1252 : i32 to index
          %swap3A_1268 = arith.index_cast %and3A_1254 : i32 to index
          %swap3A_1269 = tpu.vector_load %arg12[%swap3A_1267, %swap3A_1268] {strides = array<i32>} : memref<21x128xf32, #tpu.memory_space<vmem>>, vector<1x16xf32>,
          %swap3A_1270 = vector.shape_cast %swap3A_1269 : vector<1x16xf32> to vector<16xf32>
          %swap3A_1271 = vector.shape_cast %select_n3A_1266 : vector<16xf32> to vector<1x16xf32>
          tpu.vector_store %arg12[%swap3A_1267, %swap3A_1268], %swap3A_1271 {strides = array<i32>} : memref<21x128xf32, #tpu.memory_space<vmem>>, vector<1x16xf32>,
          %get3A_1272 = arith.index_cast %add3A_1034 : i32 to index
          %get3A_1273 = arith.constant 96 : index
          %get3A_1274 = tpu.vector_load %arg7[%get3A_1272, %get3A_1273] {strides = array<i32>} : memref<24x112xi32, #tpu.memory_space<vmem>>, vector<1x16xi32>,
          %get3A_1275 = vector.shape_cast %get3A_1274 : vector<1x16xi32> to vector<16xi32>
          %get3A_1276 = arith.index_cast %add3A_1034 : i32 to index
          %get3A_1277 = arith.constant 96 : index
          %get3A_1278 = tpu.vector_load %arg8[%get3A_1276, %get3A_1277] {strides = array<i32>} : memref<24x112xf32, #tpu.memory_space<vmem>>, vector<1x16xf32>,
          %get3A_1279 = vector.shape_cast %get3A_1278 : vector<1x16xf32> to vector<16xf32>
          %sub3A_1280 = vector.broadcast %mul3A_27 : i32 to vector<16xi32>
          %sub3A_1281 = arith.subi %get3A_1275, %sub3A_1280 : vector<16xi32>
          %ge3A_1282 = vector.broadcast %mul3A_27 : i32 to vector<16xi32>
          %ge3A_1283 = arith.cmpi sge, %get3A_1275, %ge3A_1282 : vector<16xi32>
          %lt3A_1284 = arith.constant 1605632 : i32
          %lt3A_1285 = vector.broadcast %lt3A_1284 : i32 to vector<16xi32>
          %lt3A_1286 = arith.cmpi slt, %sub3A_1281, %lt3A_1285 : vector<16xi32>
          %and3A_1287 = arith.andi %ge3A_1283, %lt3A_1286 : vector<16xi1>
          %mul3A_1288 = arith.constant 112 : i32
          %mul3A_1289 = arith.muli %add3A_1034, %mul3A_1288 : i32
          %add3A_1290 = arith.constant 96 : i32
          %add3A_1291 = arith.addi %mul3A_1289, %add3A_1290 : i32
          %shift_right_logical3A_1292 = arith.constant 7 : i32
          %shift_right_logical3A_1293 = arith.shrui %add3A_1291, %shift_right_logical3A_1292 : i32
          %and3A_1294 = arith.constant 127 : i32
          %and3A_1295 = arith.andi %add3A_1291, %and3A_1294 : i32
          %shift_right_logical3A_1296 = arith.constant 2 : i32
          %shift_right_logical3A_1297 = vector.broadcast %shift_right_logical3A_1296 : i32 to vector<16xi32>
          %shift_right_logical3A_1298 = arith.shrui %get3A_1275, %shift_right_logical3A_1297 : vector<16xi32>
          %select_n3A_1299 = arith.select %and3A_1287, %sub3A_1281, %shift_right_logical3A_1298 : vector<16xi1>, vector<16xi32>
          %swap3A_1300 = arith.index_cast %shift_right_logical3A_1293 : i32 to index
          %swap3A_1301 = arith.index_cast %and3A_1295 : i32 to index
          %swap3A_1302 = tpu.vector_load %arg11[%swap3A_1300, %swap3A_1301] {strides = array<i32>} : memref<21x128xi32, #tpu.memory_space<vmem>>, vector<1x16xi32>,
          %swap3A_1303 = vector.shape_cast %swap3A_1302 : vector<1x16xi32> to vector<16xi32>
          %swap3A_1304 = vector.shape_cast %select_n3A_1299 : vector<16xi32> to vector<1x16xi32>
          tpu.vector_store %arg11[%swap3A_1300, %swap3A_1301], %swap3A_1304 {strides = array<i32>} : memref<21x128xi32, #tpu.memory_space<vmem>>, vector<1x16xi32>,
          %jit3A_1305 = arith.constant 0.000000e+00 : f32
          %broadcast_in_dim3A_1306 = vector.broadcast %jit3A_1305 : f32 to vector<16xf32>
          %select_n3A_1307 = arith.select %and3A_1287, %get3A_1279, %broadcast_in_dim3A_1306 : vector<16xi1>, vector<16xf32>
          %swap3A_1308 = arith.index_cast %shift_right_logical3A_1293 : i32 to index
          %swap3A_1309 = arith.index_cast %and3A_1295 : i32 to index
          %swap3A_1310 = tpu.vector_load %arg12[%swap3A_1308, %swap3A_1309] {strides = array<i32>} : memref<21x128xf32, #tpu.memory_space<vmem>>, vector<1x16xf32>,
          %swap3A_1311 = vector.shape_cast %swap3A_1310 : vector<1x16xf32> to vector<16xf32>
          %swap3A_1312 = vector.shape_cast %select_n3A_1307 : vector<16xf32> to vector<1x16xf32>
          tpu.vector_store %arg12[%swap3A_1308, %swap3A_1309], %swap3A_1312 {strides = array<i32>} : memref<21x128xf32, #tpu.memory_space<vmem>>, vector<1x16xf32>,
        }
        %scan3A_312 = arith.constant 24 : i32
        %dma_start3A_313 = arith.constant 0 : i32
        %dma_start3A_314 = arith.constant 0 : i32
        %dma_start3A_315 = arith.constant 0 : i32
        %dma_start3A_316 = tpu.memref_slice %arg12[%dma_start3A_313, %dma_start3A_315] : memref<21x128xf32, #tpu.memory_space<vmem>> -> memref<1x128xf32, #tpu.memory_space<vmem>>
        %dma_start3A_317 = tpu.memref_squeeze %dma_start3A_316 : memref<1x128xf32, #tpu.memory_space<vmem>> -> memref<128xf32, #tpu.memory_space<vmem>>
        %dma_start3A_318 = arith.constant 0 : i32
        %dma_start3A_319 = tpu.memref_slice %arg11[%dma_start3A_314, %dma_start3A_318] : memref<21x128xi32, #tpu.memory_space<vmem>> -> memref<1x128xi32, #tpu.memory_space<vmem>>
        %dma_start3A_320 = tpu.memref_squeeze %dma_start3A_319 : memref<1x128xi32, #tpu.memory_space<vmem>> -> memref<128xi32, #tpu.memory_space<vmem>>
        %dma_start3A_321 = arith.constant 0 : i32
        %dma_start3A_322 = tpu.memref_slice %arg14[%dma_start3A_321] : memref<1605632xf32, #tpu.memory_space<vmem_shared>> -> memref<1605632xf32, #tpu.memory_space<vmem_shared>>
        tpu.enqueue_indirect_dma source(%dma_start3A_317 : memref<128xf32, #tpu.memory_space<vmem>>) target(%dma_start3A_322 : memref<1605632xf32, #tpu.memory_space<vmem_shared>>) offsets(%dma_start3A_320 : memref<128xi32, #tpu.memory_space<vmem>>) semaphore(%arg18 : memref<!tpu.dma_semaphore, #tpu.memory_space<semaphore_mem>>) {add = true}
        %dma_start3A_323 = arith.constant 1 : i32
        %dma_start3A_324 = arith.constant 1 : i32
        %dma_start3A_325 = arith.constant 0 : i32
        %dma_start3A_326 = tpu.memref_slice %arg12[%dma_start3A_323, %dma_start3A_325] : memref<21x128xf32, #tpu.memory_space<vmem>> -> memref<1x128xf32, #tpu.memory_space<vmem>>
        %dma_start3A_327 = tpu.memref_squeeze %dma_start3A_326 : memref<1x128xf32, #tpu.memory_space<vmem>> -> memref<128xf32, #tpu.memory_space<vmem>>
        %dma_start3A_328 = arith.constant 0 : i32
        %dma_start3A_329 = tpu.memref_slice %arg11[%dma_start3A_324, %dma_start3A_328] : memref<21x128xi32, #tpu.memory_space<vmem>> -> memref<1x128xi32, #tpu.memory_space<vmem>>
        %dma_start3A_330 = tpu.memref_squeeze %dma_start3A_329 : memref<1x128xi32, #tpu.memory_space<vmem>> -> memref<128xi32, #tpu.memory_space<vmem>>
        %dma_start3A_331 = arith.constant 0 : i32
        %dma_start3A_332 = tpu.memref_slice %arg14[%dma_start3A_331] : memref<1605632xf32, #tpu.memory_space<vmem_shared>> -> memref<1605632xf32, #tpu.memory_space<vmem_shared>>
        tpu.enqueue_indirect_dma source(%dma_start3A_327 : memref<128xf32, #tpu.memory_space<vmem>>) target(%dma_start3A_332 : memref<1605632xf32, #tpu.memory_space<vmem_shared>>) offsets(%dma_start3A_330 : memref<128xi32, #tpu.memory_space<vmem>>) semaphore(%arg18 : memref<!tpu.dma_semaphore, #tpu.memory_space<semaphore_mem>>) {add = true}
        %dma_start3A_333 = arith.constant 2 : i32
        %dma_start3A_334 = arith.constant 2 : i32
        %dma_start3A_335 = arith.constant 0 : i32
        %dma_start3A_336 = tpu.memref_slice %arg12[%dma_start3A_333, %dma_start3A_335] : memref<21x128xf32, #tpu.memory_space<vmem>> -> memref<1x128xf32, #tpu.memory_space<vmem>>
        %dma_start3A_337 = tpu.memref_squeeze %dma_start3A_336 : memref<1x128xf32, #tpu.memory_space<vmem>> -> memref<128xf32, #tpu.memory_space<vmem>>
        %dma_start3A_338 = arith.constant 0 : i32
        %dma_start3A_339 = tpu.memref_slice %arg11[%dma_start3A_334, %dma_start3A_338] : memref<21x128xi32, #tpu.memory_space<vmem>> -> memref<1x128xi32, #tpu.memory_space<vmem>>
        %dma_start3A_340 = tpu.memref_squeeze %dma_start3A_339 : memref<1x128xi32, #tpu.memory_space<vmem>> -> memref<128xi32, #tpu.memory_space<vmem>>
        %dma_start3A_341 = arith.constant 0 : i32
        %dma_start3A_342 = tpu.memref_slice %arg14[%dma_start3A_341] : memref<1605632xf32, #tpu.memory_space<vmem_shared>> -> memref<1605632xf32, #tpu.memory_space<vmem_shared>>
        tpu.enqueue_indirect_dma source(%dma_start3A_337 : memref<128xf32, #tpu.memory_space<vmem>>) target(%dma_start3A_342 : memref<1605632xf32, #tpu.memory_space<vmem_shared>>) offsets(%dma_start3A_340 : memref<128xi32, #tpu.memory_space<vmem>>) semaphore(%arg18 : memref<!tpu.dma_semaphore, #tpu.memory_space<semaphore_mem>>) {add = true}
        %dma_start3A_343 = arith.constant 3 : i32
        %dma_start3A_344 = arith.constant 3 : i32
        %dma_start3A_345 = arith.constant 0 : i32
        %dma_start3A_346 = tpu.memref_slice %arg12[%dma_start3A_343, %dma_start3A_345] : memref<21x128xf32, #tpu.memory_space<vmem>> -> memref<1x128xf32, #tpu.memory_space<vmem>>
        %dma_start3A_347 = tpu.memref_squeeze %dma_start3A_346 : memref<1x128xf32, #tpu.memory_space<vmem>> -> memref<128xf32, #tpu.memory_space<vmem>>
        %dma_start3A_348 = arith.constant 0 : i32
        %dma_start3A_349 = tpu.memref_slice %arg11[%dma_start3A_344, %dma_start3A_348] : memref<21x128xi32, #tpu.memory_space<vmem>> -> memref<1x128xi32, #tpu.memory_space<vmem>>
        %dma_start3A_350 = tpu.memref_squeeze %dma_start3A_349 : memref<1x128xi32, #tpu.memory_space<vmem>> -> memref<128xi32, #tpu.memory_space<vmem>>
        %dma_start3A_351 = arith.constant 0 : i32
        %dma_start3A_352 = tpu.memref_slice %arg14[%dma_start3A_351] : memref<1605632xf32, #tpu.memory_space<vmem_shared>> -> memref<1605632xf32, #tpu.memory_space<vmem_shared>>
        tpu.enqueue_indirect_dma source(%dma_start3A_347 : memref<128xf32, #tpu.memory_space<vmem>>) target(%dma_start3A_352 : memref<1605632xf32, #tpu.memory_space<vmem_shared>>) offsets(%dma_start3A_350 : memref<128xi32, #tpu.memory_space<vmem>>) semaphore(%arg18 : memref<!tpu.dma_semaphore, #tpu.memory_space<semaphore_mem>>) {add = true}
        %dma_start3A_353 = arith.constant 4 : i32
        %dma_start3A_354 = arith.constant 4 : i32
        %dma_start3A_355 = arith.constant 0 : i32
        %dma_start3A_356 = tpu.memref_slice %arg12[%dma_start3A_353, %dma_start3A_355] : memref<21x128xf32, #tpu.memory_space<vmem>> -> memref<1x128xf32, #tpu.memory_space<vmem>>
        %dma_start3A_357 = tpu.memref_squeeze %dma_start3A_356 : memref<1x128xf32, #tpu.memory_space<vmem>> -> memref<128xf32, #tpu.memory_space<vmem>>
        %dma_start3A_358 = arith.constant 0 : i32
        %dma_start3A_359 = tpu.memref_slice %arg11[%dma_start3A_354, %dma_start3A_358] : memref<21x128xi32, #tpu.memory_space<vmem>> -> memref<1x128xi32, #tpu.memory_space<vmem>>
        %dma_start3A_360 = tpu.memref_squeeze %dma_start3A_359 : memref<1x128xi32, #tpu.memory_space<vmem>> -> memref<128xi32, #tpu.memory_space<vmem>>
        %dma_start3A_361 = arith.constant 0 : i32
        %dma_start3A_362 = tpu.memref_slice %arg14[%dma_start3A_361] : memref<1605632xf32, #tpu.memory_space<vmem_shared>> -> memref<1605632xf32, #tpu.memory_space<vmem_shared>>
        tpu.enqueue_indirect_dma source(%dma_start3A_357 : memref<128xf32, #tpu.memory_space<vmem>>) target(%dma_start3A_362 : memref<1605632xf32, #tpu.memory_space<vmem_shared>>) offsets(%dma_start3A_360 : memref<128xi32, #tpu.memory_space<vmem>>) semaphore(%arg18 : memref<!tpu.dma_semaphore, #tpu.memory_space<semaphore_mem>>) {add = true}
        %dma_start3A_363 = arith.constant 5 : i32
        %dma_start3A_364 = arith.constant 5 : i32
        %dma_start3A_365 = arith.constant 0 : i32
        %dma_start3A_366 = tpu.memref_slice %arg12[%dma_start3A_363, %dma_start3A_365] : memref<21x128xf32, #tpu.memory_space<vmem>> -> memref<1x128xf32, #tpu.memory_space<vmem>>
        %dma_start3A_367 = tpu.memref_squeeze %dma_start3A_366 : memref<1x128xf32, #tpu.memory_space<vmem>> -> memref<128xf32, #tpu.memory_space<vmem>>
        %dma_start3A_368 = arith.constant 0 : i32
        %dma_start3A_369 = tpu.memref_slice %arg11[%dma_start3A_364, %dma_start3A_368] : memref<21x128xi32, #tpu.memory_space<vmem>> -> memref<1x128xi32, #tpu.memory_space<vmem>>
        %dma_start3A_370 = tpu.memref_squeeze %dma_start3A_369 : memref<1x128xi32, #tpu.memory_space<vmem>> -> memref<128xi32, #tpu.memory_space<vmem>>
        %dma_start3A_371 = arith.constant 0 : i32
        %dma_start3A_372 = tpu.memref_slice %arg14[%dma_start3A_371] : memref<1605632xf32, #tpu.memory_space<vmem_shared>> -> memref<1605632xf32, #tpu.memory_space<vmem_shared>>
        tpu.enqueue_indirect_dma source(%dma_start3A_367 : memref<128xf32, #tpu.memory_space<vmem>>) target(%dma_start3A_372 : memref<1605632xf32, #tpu.memory_space<vmem_shared>>) offsets(%dma_start3A_370 : memref<128xi32, #tpu.memory_space<vmem>>) semaphore(%arg18 : memref<!tpu.dma_semaphore, #tpu.memory_space<semaphore_mem>>) {add = true}
        %dma_start3A_373 = arith.constant 6 : i32
        %dma_start3A_374 = arith.constant 6 : i32
        %dma_start3A_375 = arith.constant 0 : i32
        %dma_start3A_376 = tpu.memref_slice %arg12[%dma_start3A_373, %dma_start3A_375] : memref<21x128xf32, #tpu.memory_space<vmem>> -> memref<1x128xf32, #tpu.memory_space<vmem>>
        %dma_start3A_377 = tpu.memref_squeeze %dma_start3A_376 : memref<1x128xf32, #tpu.memory_space<vmem>> -> memref<128xf32, #tpu.memory_space<vmem>>
        %dma_start3A_378 = arith.constant 0 : i32
        %dma_start3A_379 = tpu.memref_slice %arg11[%dma_start3A_374, %dma_start3A_378] : memref<21x128xi32, #tpu.memory_space<vmem>> -> memref<1x128xi32, #tpu.memory_space<vmem>>
        %dma_start3A_380 = tpu.memref_squeeze %dma_start3A_379 : memref<1x128xi32, #tpu.memory_space<vmem>> -> memref<128xi32, #tpu.memory_space<vmem>>
        %dma_start3A_381 = arith.constant 0 : i32
        %dma_start3A_382 = tpu.memref_slice %arg14[%dma_start3A_381] : memref<1605632xf32, #tpu.memory_space<vmem_shared>> -> memref<1605632xf32, #tpu.memory_space<vmem_shared>>
        tpu.enqueue_indirect_dma source(%dma_start3A_377 : memref<128xf32, #tpu.memory_space<vmem>>) target(%dma_start3A_382 : memref<1605632xf32, #tpu.memory_space<vmem_shared>>) offsets(%dma_start3A_380 : memref<128xi32, #tpu.memory_space<vmem>>) semaphore(%arg18 : memref<!tpu.dma_semaphore, #tpu.memory_space<semaphore_mem>>) {add = true}
        %dma_start3A_383 = arith.constant 7 : i32
        %dma_start3A_384 = arith.constant 7 : i32
        %dma_start3A_385 = arith.constant 0 : i32
        %dma_start3A_386 = tpu.memref_slice %arg12[%dma_start3A_383, %dma_start3A_385] : memref<21x128xf32, #tpu.memory_space<vmem>> -> memref<1x128xf32, #tpu.memory_space<vmem>>
        %dma_start3A_387 = tpu.memref_squeeze %dma_start3A_386 : memref<1x128xf32, #tpu.memory_space<vmem>> -> memref<128xf32, #tpu.memory_space<vmem>>
        %dma_start3A_388 = arith.constant 0 : i32
        %dma_start3A_389 = tpu.memref_slice %arg11[%dma_start3A_384, %dma_start3A_388] : memref<21x128xi32, #tpu.memory_space<vmem>> -> memref<1x128xi32, #tpu.memory_space<vmem>>
        %dma_start3A_390 = tpu.memref_squeeze %dma_start3A_389 : memref<1x128xi32, #tpu.memory_space<vmem>> -> memref<128xi32, #tpu.memory_space<vmem>>
        %dma_start3A_391 = arith.constant 0 : i32
        %dma_start3A_392 = tpu.memref_slice %arg14[%dma_start3A_391] : memref<1605632xf32, #tpu.memory_space<vmem_shared>> -> memref<1605632xf32, #tpu.memory_space<vmem_shared>>
        tpu.enqueue_indirect_dma source(%dma_start3A_387 : memref<128xf32, #tpu.memory_space<vmem>>) target(%dma_start3A_392 : memref<1605632xf32, #tpu.memory_space<vmem_shared>>) offsets(%dma_start3A_390 : memref<128xi32, #tpu.memory_space<vmem>>) semaphore(%arg18 : memref<!tpu.dma_semaphore, #tpu.memory_space<semaphore_mem>>) {add = true}
        %dma_start3A_393 = arith.constant 8 : i32
        %dma_start3A_394 = arith.constant 8 : i32
        %dma_start3A_395 = arith.constant 0 : i32
        %dma_start3A_396 = tpu.memref_slice %arg12[%dma_start3A_393, %dma_start3A_395] : memref<21x128xf32, #tpu.memory_space<vmem>> -> memref<1x128xf32, #tpu.memory_space<vmem>>
        %dma_start3A_397 = tpu.memref_squeeze %dma_start3A_396 : memref<1x128xf32, #tpu.memory_space<vmem>> -> memref<128xf32, #tpu.memory_space<vmem>>
        %dma_start3A_398 = arith.constant 0 : i32
        %dma_start3A_399 = tpu.memref_slice %arg11[%dma_start3A_394, %dma_start3A_398] : memref<21x128xi32, #tpu.memory_space<vmem>> -> memref<1x128xi32, #tpu.memory_space<vmem>>
        %dma_start3A_400 = tpu.memref_squeeze %dma_start3A_399 : memref<1x128xi32, #tpu.memory_space<vmem>> -> memref<128xi32, #tpu.memory_space<vmem>>
        %dma_start3A_401 = arith.constant 0 : i32
        %dma_start3A_402 = tpu.memref_slice %arg14[%dma_start3A_401] : memref<1605632xf32, #tpu.memory_space<vmem_shared>> -> memref<1605632xf32, #tpu.memory_space<vmem_shared>>
        tpu.enqueue_indirect_dma source(%dma_start3A_397 : memref<128xf32, #tpu.memory_space<vmem>>) target(%dma_start3A_402 : memref<1605632xf32, #tpu.memory_space<vmem_shared>>) offsets(%dma_start3A_400 : memref<128xi32, #tpu.memory_space<vmem>>) semaphore(%arg18 : memref<!tpu.dma_semaphore, #tpu.memory_space<semaphore_mem>>) {add = true}
        %dma_start3A_403 = arith.constant 9 : i32
        %dma_start3A_404 = arith.constant 9 : i32
        %dma_start3A_405 = arith.constant 0 : i32
        %dma_start3A_406 = tpu.memref_slice %arg12[%dma_start3A_403, %dma_start3A_405] : memref<21x128xf32, #tpu.memory_space<vmem>> -> memref<1x128xf32, #tpu.memory_space<vmem>>
        %dma_start3A_407 = tpu.memref_squeeze %dma_start3A_406 : memref<1x128xf32, #tpu.memory_space<vmem>> -> memref<128xf32, #tpu.memory_space<vmem>>
        %dma_start3A_408 = arith.constant 0 : i32
        %dma_start3A_409 = tpu.memref_slice %arg11[%dma_start3A_404, %dma_start3A_408] : memref<21x128xi32, #tpu.memory_space<vmem>> -> memref<1x128xi32, #tpu.memory_space<vmem>>
        %dma_start3A_410 = tpu.memref_squeeze %dma_start3A_409 : memref<1x128xi32, #tpu.memory_space<vmem>> -> memref<128xi32, #tpu.memory_space<vmem>>
        %dma_start3A_411 = arith.constant 0 : i32
        %dma_start3A_412 = tpu.memref_slice %arg14[%dma_start3A_411] : memref<1605632xf32, #tpu.memory_space<vmem_shared>> -> memref<1605632xf32, #tpu.memory_space<vmem_shared>>
        tpu.enqueue_indirect_dma source(%dma_start3A_407 : memref<128xf32, #tpu.memory_space<vmem>>) target(%dma_start3A_412 : memref<1605632xf32, #tpu.memory_space<vmem_shared>>) offsets(%dma_start3A_410 : memref<128xi32, #tpu.memory_space<vmem>>) semaphore(%arg18 : memref<!tpu.dma_semaphore, #tpu.memory_space<semaphore_mem>>) {add = true}
        %dma_start3A_413 = arith.constant 10 : i32
        %dma_start3A_414 = arith.constant 10 : i32
        %dma_start3A_415 = arith.constant 0 : i32
        %dma_start3A_416 = tpu.memref_slice %arg12[%dma_start3A_413, %dma_start3A_415] : memref<21x128xf32, #tpu.memory_space<vmem>> -> memref<1x128xf32, #tpu.memory_space<vmem>>
        %dma_start3A_417 = tpu.memref_squeeze %dma_start3A_416 : memref<1x128xf32, #tpu.memory_space<vmem>> -> memref<128xf32, #tpu.memory_space<vmem>>
        %dma_start3A_418 = arith.constant 0 : i32
        %dma_start3A_419 = tpu.memref_slice %arg11[%dma_start3A_414, %dma_start3A_418] : memref<21x128xi32, #tpu.memory_space<vmem>> -> memref<1x128xi32, #tpu.memory_space<vmem>>
        %dma_start3A_420 = tpu.memref_squeeze %dma_start3A_419 : memref<1x128xi32, #tpu.memory_space<vmem>> -> memref<128xi32, #tpu.memory_space<vmem>>
        %dma_start3A_421 = arith.constant 0 : i32
        %dma_start3A_422 = tpu.memref_slice %arg14[%dma_start3A_421] : memref<1605632xf32, #tpu.memory_space<vmem_shared>> -> memref<1605632xf32, #tpu.memory_space<vmem_shared>>
        tpu.enqueue_indirect_dma source(%dma_start3A_417 : memref<128xf32, #tpu.memory_space<vmem>>) target(%dma_start3A_422 : memref<1605632xf32, #tpu.memory_space<vmem_shared>>) offsets(%dma_start3A_420 : memref<128xi32, #tpu.memory_space<vmem>>) semaphore(%arg18 : memref<!tpu.dma_semaphore, #tpu.memory_space<semaphore_mem>>) {add = true}
        %dma_start3A_423 = arith.constant 11 : i32
        %dma_start3A_424 = arith.constant 11 : i32
        %dma_start3A_425 = arith.constant 0 : i32
        %dma_start3A_426 = tpu.memref_slice %arg12[%dma_start3A_423, %dma_start3A_425] : memref<21x128xf32, #tpu.memory_space<vmem>> -> memref<1x128xf32, #tpu.memory_space<vmem>>
        %dma_start3A_427 = tpu.memref_squeeze %dma_start3A_426 : memref<1x128xf32, #tpu.memory_space<vmem>> -> memref<128xf32, #tpu.memory_space<vmem>>
        %dma_start3A_428 = arith.constant 0 : i32
        %dma_start3A_429 = tpu.memref_slice %arg11[%dma_start3A_424, %dma_start3A_428] : memref<21x128xi32, #tpu.memory_space<vmem>> -> memref<1x128xi32, #tpu.memory_space<vmem>>
        %dma_start3A_430 = tpu.memref_squeeze %dma_start3A_429 : memref<1x128xi32, #tpu.memory_space<vmem>> -> memref<128xi32, #tpu.memory_space<vmem>>
        %dma_start3A_431 = arith.constant 0 : i32
        %dma_start3A_432 = tpu.memref_slice %arg14[%dma_start3A_431] : memref<1605632xf32, #tpu.memory_space<vmem_shared>> -> memref<1605632xf32, #tpu.memory_space<vmem_shared>>
        tpu.enqueue_indirect_dma source(%dma_start3A_427 : memref<128xf32, #tpu.memory_space<vmem>>) target(%dma_start3A_432 : memref<1605632xf32, #tpu.memory_space<vmem_shared>>) offsets(%dma_start3A_430 : memref<128xi32, #tpu.memory_space<vmem>>) semaphore(%arg18 : memref<!tpu.dma_semaphore, #tpu.memory_space<semaphore_mem>>) {add = true}
        %dma_start3A_433 = arith.constant 12 : i32
        %dma_start3A_434 = arith.constant 12 : i32
        %dma_start3A_435 = arith.constant 0 : i32
        %dma_start3A_436 = tpu.memref_slice %arg12[%dma_start3A_433, %dma_start3A_435] : memref<21x128xf32, #tpu.memory_space<vmem>> -> memref<1x128xf32, #tpu.memory_space<vmem>>
        %dma_start3A_437 = tpu.memref_squeeze %dma_start3A_436 : memref<1x128xf32, #tpu.memory_space<vmem>> -> memref<128xf32, #tpu.memory_space<vmem>>
        %dma_start3A_438 = arith.constant 0 : i32
        %dma_start3A_439 = tpu.memref_slice %arg11[%dma_start3A_434, %dma_start3A_438] : memref<21x128xi32, #tpu.memory_space<vmem>> -> memref<1x128xi32, #tpu.memory_space<vmem>>
        %dma_start3A_440 = tpu.memref_squeeze %dma_start3A_439 : memref<1x128xi32, #tpu.memory_space<vmem>> -> memref<128xi32, #tpu.memory_space<vmem>>
        %dma_start3A_441 = arith.constant 0 : i32
        %dma_start3A_442 = tpu.memref_slice %arg14[%dma_start3A_441] : memref<1605632xf32, #tpu.memory_space<vmem_shared>> -> memref<1605632xf32, #tpu.memory_space<vmem_shared>>
        tpu.enqueue_indirect_dma source(%dma_start3A_437 : memref<128xf32, #tpu.memory_space<vmem>>) target(%dma_start3A_442 : memref<1605632xf32, #tpu.memory_space<vmem_shared>>) offsets(%dma_start3A_440 : memref<128xi32, #tpu.memory_space<vmem>>) semaphore(%arg18 : memref<!tpu.dma_semaphore, #tpu.memory_space<semaphore_mem>>) {add = true}
        %dma_start3A_443 = arith.constant 13 : i32
        %dma_start3A_444 = arith.constant 13 : i32
        %dma_start3A_445 = arith.constant 0 : i32
        %dma_start3A_446 = tpu.memref_slice %arg12[%dma_start3A_443, %dma_start3A_445] : memref<21x128xf32, #tpu.memory_space<vmem>> -> memref<1x128xf32, #tpu.memory_space<vmem>>
        %dma_start3A_447 = tpu.memref_squeeze %dma_start3A_446 : memref<1x128xf32, #tpu.memory_space<vmem>> -> memref<128xf32, #tpu.memory_space<vmem>>
        %dma_start3A_448 = arith.constant 0 : i32
        %dma_start3A_449 = tpu.memref_slice %arg11[%dma_start3A_444, %dma_start3A_448] : memref<21x128xi32, #tpu.memory_space<vmem>> -> memref<1x128xi32, #tpu.memory_space<vmem>>
        %dma_start3A_450 = tpu.memref_squeeze %dma_start3A_449 : memref<1x128xi32, #tpu.memory_space<vmem>> -> memref<128xi32, #tpu.memory_space<vmem>>
        %dma_start3A_451 = arith.constant 0 : i32
        %dma_start3A_452 = tpu.memref_slice %arg14[%dma_start3A_451] : memref<1605632xf32, #tpu.memory_space<vmem_shared>> -> memref<1605632xf32, #tpu.memory_space<vmem_shared>>
        tpu.enqueue_indirect_dma source(%dma_start3A_447 : memref<128xf32, #tpu.memory_space<vmem>>) target(%dma_start3A_452 : memref<1605632xf32, #tpu.memory_space<vmem_shared>>) offsets(%dma_start3A_450 : memref<128xi32, #tpu.memory_space<vmem>>) semaphore(%arg18 : memref<!tpu.dma_semaphore, #tpu.memory_space<semaphore_mem>>) {add = true}
        %dma_start3A_453 = arith.constant 14 : i32
        %dma_start3A_454 = arith.constant 14 : i32
        %dma_start3A_455 = arith.constant 0 : i32
        %dma_start3A_456 = tpu.memref_slice %arg12[%dma_start3A_453, %dma_start3A_455] : memref<21x128xf32, #tpu.memory_space<vmem>> -> memref<1x128xf32, #tpu.memory_space<vmem>>
        %dma_start3A_457 = tpu.memref_squeeze %dma_start3A_456 : memref<1x128xf32, #tpu.memory_space<vmem>> -> memref<128xf32, #tpu.memory_space<vmem>>
        %dma_start3A_458 = arith.constant 0 : i32
        %dma_start3A_459 = tpu.memref_slice %arg11[%dma_start3A_454, %dma_start3A_458] : memref<21x128xi32, #tpu.memory_space<vmem>> -> memref<1x128xi32, #tpu.memory_space<vmem>>
        %dma_start3A_460 = tpu.memref_squeeze %dma_start3A_459 : memref<1x128xi32, #tpu.memory_space<vmem>> -> memref<128xi32, #tpu.memory_space<vmem>>
        %dma_start3A_461 = arith.constant 0 : i32
        %dma_start3A_462 = tpu.memref_slice %arg14[%dma_start3A_461] : memref<1605632xf32, #tpu.memory_space<vmem_shared>> -> memref<1605632xf32, #tpu.memory_space<vmem_shared>>
        tpu.enqueue_indirect_dma source(%dma_start3A_457 : memref<128xf32, #tpu.memory_space<vmem>>) target(%dma_start3A_462 : memref<1605632xf32, #tpu.memory_space<vmem_shared>>) offsets(%dma_start3A_460 : memref<128xi32, #tpu.memory_space<vmem>>) semaphore(%arg18 : memref<!tpu.dma_semaphore, #tpu.memory_space<semaphore_mem>>) {add = true}
        %dma_start3A_463 = arith.constant 15 : i32
        %dma_start3A_464 = arith.constant 15 : i32
        %dma_start3A_465 = arith.constant 0 : i32
        %dma_start3A_466 = tpu.memref_slice %arg12[%dma_start3A_463, %dma_start3A_465] : memref<21x128xf32, #tpu.memory_space<vmem>> -> memref<1x128xf32, #tpu.memory_space<vmem>>
        %dma_start3A_467 = tpu.memref_squeeze %dma_start3A_466 : memref<1x128xf32, #tpu.memory_space<vmem>> -> memref<128xf32, #tpu.memory_space<vmem>>
        %dma_start3A_468 = arith.constant 0 : i32
        %dma_start3A_469 = tpu.memref_slice %arg11[%dma_start3A_464, %dma_start3A_468] : memref<21x128xi32, #tpu.memory_space<vmem>> -> memref<1x128xi32, #tpu.memory_space<vmem>>
        %dma_start3A_470 = tpu.memref_squeeze %dma_start3A_469 : memref<1x128xi32, #tpu.memory_space<vmem>> -> memref<128xi32, #tpu.memory_space<vmem>>
        %dma_start3A_471 = arith.constant 0 : i32
        %dma_start3A_472 = tpu.memref_slice %arg14[%dma_start3A_471] : memref<1605632xf32, #tpu.memory_space<vmem_shared>> -> memref<1605632xf32, #tpu.memory_space<vmem_shared>>
        tpu.enqueue_indirect_dma source(%dma_start3A_467 : memref<128xf32, #tpu.memory_space<vmem>>) target(%dma_start3A_472 : memref<1605632xf32, #tpu.memory_space<vmem_shared>>) offsets(%dma_start3A_470 : memref<128xi32, #tpu.memory_space<vmem>>) semaphore(%arg18 : memref<!tpu.dma_semaphore, #tpu.memory_space<semaphore_mem>>) {add = true}
        %dma_start3A_473 = arith.constant 16 : i32
        %dma_start3A_474 = arith.constant 16 : i32
        %dma_start3A_475 = arith.constant 0 : i32
        %dma_start3A_476 = tpu.memref_slice %arg12[%dma_start3A_473, %dma_start3A_475] : memref<21x128xf32, #tpu.memory_space<vmem>> -> memref<1x128xf32, #tpu.memory_space<vmem>>
        %dma_start3A_477 = tpu.memref_squeeze %dma_start3A_476 : memref<1x128xf32, #tpu.memory_space<vmem>> -> memref<128xf32, #tpu.memory_space<vmem>>
        %dma_start3A_478 = arith.constant 0 : i32
        %dma_start3A_479 = tpu.memref_slice %arg11[%dma_start3A_474, %dma_start3A_478] : memref<21x128xi32, #tpu.memory_space<vmem>> -> memref<1x128xi32, #tpu.memory_space<vmem>>
        %dma_start3A_480 = tpu.memref_squeeze %dma_start3A_479 : memref<1x128xi32, #tpu.memory_space<vmem>> -> memref<128xi32, #tpu.memory_space<vmem>>
        %dma_start3A_481 = arith.constant 0 : i32
        %dma_start3A_482 = tpu.memref_slice %arg14[%dma_start3A_481] : memref<1605632xf32, #tpu.memory_space<vmem_shared>> -> memref<1605632xf32, #tpu.memory_space<vmem_shared>>
        tpu.enqueue_indirect_dma source(%dma_start3A_477 : memref<128xf32, #tpu.memory_space<vmem>>) target(%dma_start3A_482 : memref<1605632xf32, #tpu.memory_space<vmem_shared>>) offsets(%dma_start3A_480 : memref<128xi32, #tpu.memory_space<vmem>>) semaphore(%arg18 : memref<!tpu.dma_semaphore, #tpu.memory_space<semaphore_mem>>) {add = true}
        %dma_start3A_483 = arith.constant 17 : i32
        %dma_start3A_484 = arith.constant 17 : i32
        %dma_start3A_485 = arith.constant 0 : i32
        %dma_start3A_486 = tpu.memref_slice %arg12[%dma_start3A_483, %dma_start3A_485] : memref<21x128xf32, #tpu.memory_space<vmem>> -> memref<1x128xf32, #tpu.memory_space<vmem>>
        %dma_start3A_487 = tpu.memref_squeeze %dma_start3A_486 : memref<1x128xf32, #tpu.memory_space<vmem>> -> memref<128xf32, #tpu.memory_space<vmem>>
        %dma_start3A_488 = arith.constant 0 : i32
        %dma_start3A_489 = tpu.memref_slice %arg11[%dma_start3A_484, %dma_start3A_488] : memref<21x128xi32, #tpu.memory_space<vmem>> -> memref<1x128xi32, #tpu.memory_space<vmem>>
        %dma_start3A_490 = tpu.memref_squeeze %dma_start3A_489 : memref<1x128xi32, #tpu.memory_space<vmem>> -> memref<128xi32, #tpu.memory_space<vmem>>
        %dma_start3A_491 = arith.constant 0 : i32
        %dma_start3A_492 = tpu.memref_slice %arg14[%dma_start3A_491] : memref<1605632xf32, #tpu.memory_space<vmem_shared>> -> memref<1605632xf32, #tpu.memory_space<vmem_shared>>
        tpu.enqueue_indirect_dma source(%dma_start3A_487 : memref<128xf32, #tpu.memory_space<vmem>>) target(%dma_start3A_492 : memref<1605632xf32, #tpu.memory_space<vmem_shared>>) offsets(%dma_start3A_490 : memref<128xi32, #tpu.memory_space<vmem>>) semaphore(%arg18 : memref<!tpu.dma_semaphore, #tpu.memory_space<semaphore_mem>>) {add = true}
        %dma_start3A_493 = arith.constant 18 : i32
        %dma_start3A_494 = arith.constant 18 : i32
        %dma_start3A_495 = arith.constant 0 : i32
        %dma_start3A_496 = tpu.memref_slice %arg12[%dma_start3A_493, %dma_start3A_495] : memref<21x128xf32, #tpu.memory_space<vmem>> -> memref<1x128xf32, #tpu.memory_space<vmem>>
        %dma_start3A_497 = tpu.memref_squeeze %dma_start3A_496 : memref<1x128xf32, #tpu.memory_space<vmem>> -> memref<128xf32, #tpu.memory_space<vmem>>
        %dma_start3A_498 = arith.constant 0 : i32
        %dma_start3A_499 = tpu.memref_slice %arg11[%dma_start3A_494, %dma_start3A_498] : memref<21x128xi32, #tpu.memory_space<vmem>> -> memref<1x128xi32, #tpu.memory_space<vmem>>
        %dma_start3A_500 = tpu.memref_squeeze %dma_start3A_499 : memref<1x128xi32, #tpu.memory_space<vmem>> -> memref<128xi32, #tpu.memory_space<vmem>>
        %dma_start3A_501 = arith.constant 0 : i32
        %dma_start3A_502 = tpu.memref_slice %arg14[%dma_start3A_501] : memref<1605632xf32, #tpu.memory_space<vmem_shared>> -> memref<1605632xf32, #tpu.memory_space<vmem_shared>>
        tpu.enqueue_indirect_dma source(%dma_start3A_497 : memref<128xf32, #tpu.memory_space<vmem>>) target(%dma_start3A_502 : memref<1605632xf32, #tpu.memory_space<vmem_shared>>) offsets(%dma_start3A_500 : memref<128xi32, #tpu.memory_space<vmem>>) semaphore(%arg18 : memref<!tpu.dma_semaphore, #tpu.memory_space<semaphore_mem>>) {add = true}
        %dma_start3A_503 = arith.constant 19 : i32
        %dma_start3A_504 = arith.constant 19 : i32
        %dma_start3A_505 = arith.constant 0 : i32
        %dma_start3A_506 = tpu.memref_slice %arg12[%dma_start3A_503, %dma_start3A_505] : memref<21x128xf32, #tpu.memory_space<vmem>> -> memref<1x128xf32, #tpu.memory_space<vmem>>
        %dma_start3A_507 = tpu.memref_squeeze %dma_start3A_506 : memref<1x128xf32, #tpu.memory_space<vmem>> -> memref<128xf32, #tpu.memory_space<vmem>>
        %dma_start3A_508 = arith.constant 0 : i32
        %dma_start3A_509 = tpu.memref_slice %arg11[%dma_start3A_504, %dma_start3A_508] : memref<21x128xi32, #tpu.memory_space<vmem>> -> memref<1x128xi32, #tpu.memory_space<vmem>>
        %dma_start3A_510 = tpu.memref_squeeze %dma_start3A_509 : memref<1x128xi32, #tpu.memory_space<vmem>> -> memref<128xi32, #tpu.memory_space<vmem>>
        %dma_start3A_511 = arith.constant 0 : i32
        %dma_start3A_512 = tpu.memref_slice %arg14[%dma_start3A_511] : memref<1605632xf32, #tpu.memory_space<vmem_shared>> -> memref<1605632xf32, #tpu.memory_space<vmem_shared>>
        tpu.enqueue_indirect_dma source(%dma_start3A_507 : memref<128xf32, #tpu.memory_space<vmem>>) target(%dma_start3A_512 : memref<1605632xf32, #tpu.memory_space<vmem_shared>>) offsets(%dma_start3A_510 : memref<128xi32, #tpu.memory_space<vmem>>) semaphore(%arg18 : memref<!tpu.dma_semaphore, #tpu.memory_space<semaphore_mem>>) {add = true}
        %dma_start3A_513 = arith.constant 20 : i32
        %dma_start3A_514 = arith.constant 20 : i32
        %dma_start3A_515 = arith.constant 0 : i32
        %dma_start3A_516 = tpu.memref_slice %arg12[%dma_start3A_513, %dma_start3A_515] : memref<21x128xf32, #tpu.memory_space<vmem>> -> memref<1x128xf32, #tpu.memory_space<vmem>>
        %dma_start3A_517 = tpu.memref_squeeze %dma_start3A_516 : memref<1x128xf32, #tpu.memory_space<vmem>> -> memref<128xf32, #tpu.memory_space<vmem>>
        %dma_start3A_518 = arith.constant 0 : i32
        %dma_start3A_519 = tpu.memref_slice %arg11[%dma_start3A_514, %dma_start3A_518] : memref<21x128xi32, #tpu.memory_space<vmem>> -> memref<1x128xi32, #tpu.memory_space<vmem>>
        %dma_start3A_520 = tpu.memref_squeeze %dma_start3A_519 : memref<1x128xi32, #tpu.memory_space<vmem>> -> memref<128xi32, #tpu.memory_space<vmem>>
        %dma_start3A_521 = arith.constant 0 : i32
        %dma_start3A_522 = tpu.memref_slice %arg14[%dma_start3A_521] : memref<1605632xf32, #tpu.memory_space<vmem_shared>> -> memref<1605632xf32, #tpu.memory_space<vmem_shared>>
        tpu.enqueue_indirect_dma source(%dma_start3A_517 : memref<128xf32, #tpu.memory_space<vmem>>) target(%dma_start3A_522 : memref<1605632xf32, #tpu.memory_space<vmem_shared>>) offsets(%dma_start3A_520 : memref<128xi32, #tpu.memory_space<vmem>>) semaphore(%arg18 : memref<!tpu.dma_semaphore, #tpu.memory_space<semaphore_mem>>) {add = true}
        %add3A_523 = arith.constant 72 : i32
        %add3A_524 = arith.addi %add3A_32, %add3A_523 : i32
        %dma_start3A_525 = arith.constant 0 : i32
        %dma_start3A_526 = tpu.memref_slice %arg3[%add3A_524, %dma_start3A_525] : memref<86016x112xi32, #tpu.memory_space<hbm>> -> memref<24x112xi32, #tpu.memory_space<hbm>>
        %dma_start3A_527 = arith.constant 0 : i32
        %dma_start3A_528 = tpu.memref_slice %arg3[%add3A_524, %dma_start3A_527] : memref<86016x112xi32, #tpu.memory_space<hbm>> -> memref<24x112xi32, #tpu.memory_space<hbm>>
        tpu.enqueue_dma source(%dma_start3A_528 : memref<24x112xi32, #tpu.memory_space<hbm>>) target(%arg7 : memref<24x112xi32, #tpu.memory_space<vmem>>) target_semaphore(%arg16 : memref<!tpu.dma_semaphore, #tpu.memory_space<semaphore_mem>>)
        %dma_start3A_529 = arith.constant 0 : i32
        %dma_start3A_530 = tpu.memref_slice %arg2[%add3A_524, %dma_start3A_529] : memref<86016x112xf32, #tpu.memory_space<hbm>> -> memref<24x112xf32, #tpu.memory_space<hbm>>
        %dma_start3A_531 = arith.constant 0 : i32
        %dma_start3A_532 = tpu.memref_slice %arg2[%add3A_524, %dma_start3A_531] : memref<86016x112xf32, #tpu.memory_space<hbm>> -> memref<24x112xf32, #tpu.memory_space<hbm>>
        tpu.enqueue_dma source(%dma_start3A_532 : memref<24x112xf32, #tpu.memory_space<hbm>>) target(%arg8 : memref<24x112xf32, #tpu.memory_space<vmem>>) target_semaphore(%arg16 : memref<!tpu.dma_semaphore, #tpu.memory_space<semaphore_mem>>)
        %scan3A_533 = arith.constant 0 : i32
        %scan3A_534 = arith.constant 13 : i32
        %scan3A_535 = arith.addi %scan3A_533, %scan3A_534 : i32
        %scan3A_536 = arith.constant 1 : i32
        scf.for %scan3A_1030 = %scan3A_533 to %scan3A_535 step %scan3A_536  : i32 {
          %mul3A_1031 = arith.constant 2 : i32
          %mul3A_1032 = arith.muli %scan3A_1030, %mul3A_1031 : i32
          %add3A_1033 = arith.constant 2 : i32
          %add3A_1034 = arith.addi %add3A_1033, %mul3A_1032 : i32
          %dma_wait3A_1035 = arith.constant 0 : i32
          %dma_wait3A_1036 = arith.constant 0 : i32
          %dma_wait3A_1037 = tpu.memref_slice %arg3[%dma_wait3A_1035, %dma_wait3A_1036] : memref<86016x112xi32, #tpu.memory_space<hbm>> -> memref<24x112xi32, #tpu.memory_space<hbm>>
          %dma_wait3A_1038 = arith.constant 0 : i32
          %dma_wait3A_1039 = arith.constant 0 : i32
          %dma_wait3A_1040 = tpu.memref_slice %arg3[%dma_wait3A_1038, %dma_wait3A_1039] : memref<86016x112xi32, #tpu.memory_space<hbm>> -> memref<24x112xi32, #tpu.memory_space<hbm>>
          tpu.wait_dma2 semaphore(%arg15 : memref<!tpu.dma_semaphore, #tpu.memory_space<semaphore_mem>>) src(%dma_wait3A_1040 : memref<24x112xi32, #tpu.memory_space<hbm>>) dst(%arg5 : memref<24x112xi32, #tpu.memory_space<vmem>>)
          %dma_wait3A_1041 = arith.constant 0 : i32
          %dma_wait3A_1042 = arith.constant 0 : i32
          %dma_wait3A_1043 = tpu.memref_slice %arg2[%dma_wait3A_1041, %dma_wait3A_1042] : memref<86016x112xf32, #tpu.memory_space<hbm>> -> memref<24x112xf32, #tpu.memory_space<hbm>>
          %dma_wait3A_1044 = arith.constant 0 : i32
          %dma_wait3A_1045 = arith.constant 0 : i32
          %dma_wait3A_1046 = tpu.memref_slice %arg2[%dma_wait3A_1044, %dma_wait3A_1045] : memref<86016x112xf32, #tpu.memory_space<hbm>> -> memref<24x112xf32, #tpu.memory_space<hbm>>
          tpu.wait_dma2 semaphore(%arg15 : memref<!tpu.dma_semaphore, #tpu.memory_space<semaphore_mem>>) src(%dma_wait3A_1046 : memref<24x112xf32, #tpu.memory_space<hbm>>) dst(%arg6 : memref<24x112xf32, #tpu.memory_space<vmem>>)
          %dma_wait3A_1047 = arith.constant 0 : i32
          %dma_wait3A_1048 = arith.constant 0 : i32
          %dma_wait3A_1049 = tpu.memref_slice %arg10[%dma_wait3A_1047, %dma_wait3A_1048] : memref<21x128xf32, #tpu.memory_space<vmem>> -> memref<1x128xf32, #tpu.memory_space<vmem>>
          %dma_wait3A_1050 = tpu.memref_squeeze %dma_wait3A_1049 : memref<1x128xf32, #tpu.memory_space<vmem>> -> memref<128xf32, #tpu.memory_space<vmem>>
          %dma_wait3A_1051 = arith.constant 0 : i32
          %dma_wait3A_1052 = tpu.memref_slice %arg14[%dma_wait3A_1051] : memref<1605632xf32, #tpu.memory_space<vmem_shared>> -> memref<128xf32, #tpu.memory_space<vmem_shared>>
          %dma_wait3A_1053 = arith.constant 0 : i32
          %dma_wait3A_1054 = tpu.memref_slice %arg14[%dma_wait3A_1053] : memref<1605632xf32, #tpu.memory_space<vmem_shared>> -> memref<128xf32, #tpu.memory_space<vmem_shared>>
          %dma_wait3A_1055 = arith.constant 0 : i32
          %dma_wait3A_1056 = tpu.memref_slice %arg10[%dma_wait3A_1047, %dma_wait3A_1055] : memref<21x128xf32, #tpu.memory_space<vmem>> -> memref<1x128xf32, #tpu.memory_space<vmem>>
          %dma_wait3A_1057 = tpu.memref_squeeze %dma_wait3A_1056 : memref<1x128xf32, #tpu.memory_space<vmem>> -> memref<128xf32, #tpu.memory_space<vmem>>
          tpu.wait_dma2 semaphore(%arg17 : memref<!tpu.dma_semaphore, #tpu.memory_space<semaphore_mem>>) src(%dma_wait3A_1057 : memref<128xf32, #tpu.memory_space<vmem>>) dst(%dma_wait3A_1054 : memref<128xf32, #tpu.memory_space<vmem_shared>>)
          %dma_wait3A_1058 = arith.constant 1 : i32
          %dma_wait3A_1059 = arith.constant 0 : i32
          %dma_wait3A_1060 = tpu.memref_slice %arg10[%dma_wait3A_1058, %dma_wait3A_1059] : memref<21x128xf32, #tpu.memory_space<vmem>> -> memref<1x128xf32, #tpu.memory_space<vmem>>
          %dma_wait3A_1061 = tpu.memref_squeeze %dma_wait3A_1060 : memref<1x128xf32, #tpu.memory_space<vmem>> -> memref<128xf32, #tpu.memory_space<vmem>>
          %dma_wait3A_1062 = arith.constant 0 : i32
          %dma_wait3A_1063 = tpu.memref_slice %arg14[%dma_wait3A_1062] : memref<1605632xf32, #tpu.memory_space<vmem_shared>> -> memref<128xf32, #tpu.memory_space<vmem_shared>>
          %dma_wait3A_1064 = arith.constant 0 : i32
          %dma_wait3A_1065 = tpu.memref_slice %arg14[%dma_wait3A_1064] : memref<1605632xf32, #tpu.memory_space<vmem_shared>> -> memref<128xf32, #tpu.memory_space<vmem_shared>>
          %dma_wait3A_1066 = arith.constant 0 : i32
          %dma_wait3A_1067 = tpu.memref_slice %arg10[%dma_wait3A_1058, %dma_wait3A_1066] : memref<21x128xf32, #tpu.memory_space<vmem>> -> memref<1x128xf32, #tpu.memory_space<vmem>>
          %dma_wait3A_1068 = tpu.memref_squeeze %dma_wait3A_1067 : memref<1x128xf32, #tpu.memory_space<vmem>> -> memref<128xf32, #tpu.memory_space<vmem>>
          tpu.wait_dma2 semaphore(%arg17 : memref<!tpu.dma_semaphore, #tpu.memory_space<semaphore_mem>>) src(%dma_wait3A_1068 : memref<128xf32, #tpu.memory_space<vmem>>) dst(%dma_wait3A_1065 : memref<128xf32, #tpu.memory_space<vmem_shared>>)
          %dma_wait3A_1069 = arith.constant 2 : i32
          %dma_wait3A_1070 = arith.constant 0 : i32
          %dma_wait3A_1071 = tpu.memref_slice %arg10[%dma_wait3A_1069, %dma_wait3A_1070] : memref<21x128xf32, #tpu.memory_space<vmem>> -> memref<1x128xf32, #tpu.memory_space<vmem>>
          %dma_wait3A_1072 = tpu.memref_squeeze %dma_wait3A_1071 : memref<1x128xf32, #tpu.memory_space<vmem>> -> memref<128xf32, #tpu.memory_space<vmem>>
          %dma_wait3A_1073 = arith.constant 0 : i32
          %dma_wait3A_1074 = tpu.memref_slice %arg14[%dma_wait3A_1073] : memref<1605632xf32, #tpu.memory_space<vmem_shared>> -> memref<128xf32, #tpu.memory_space<vmem_shared>>
          %dma_wait3A_1075 = arith.constant 0 : i32
          %dma_wait3A_1076 = tpu.memref_slice %arg14[%dma_wait3A_1075] : memref<1605632xf32, #tpu.memory_space<vmem_shared>> -> memref<128xf32, #tpu.memory_space<vmem_shared>>
          %dma_wait3A_1077 = arith.constant 0 : i32
          %dma_wait3A_1078 = tpu.memref_slice %arg10[%dma_wait3A_1069, %dma_wait3A_1077] : memref<21x128xf32, #tpu.memory_space<vmem>> -> memref<1x128xf32, #tpu.memory_space<vmem>>
          %dma_wait3A_1079 = tpu.memref_squeeze %dma_wait3A_1078 : memref<1x128xf32, #tpu.memory_space<vmem>> -> memref<128xf32, #tpu.memory_space<vmem>>
          tpu.wait_dma2 semaphore(%arg17 : memref<!tpu.dma_semaphore, #tpu.memory_space<semaphore_mem>>) src(%dma_wait3A_1079 : memref<128xf32, #tpu.memory_space<vmem>>) dst(%dma_wait3A_1076 : memref<128xf32, #tpu.memory_space<vmem_shared>>)
          %dma_wait3A_1080 = arith.constant 3 : i32
          %dma_wait3A_1081 = arith.constant 0 : i32
          %dma_wait3A_1082 = tpu.memref_slice %arg10[%dma_wait3A_1080, %dma_wait3A_1081] : memref<21x128xf32, #tpu.memory_space<vmem>> -> memref<1x128xf32, #tpu.memory_space<vmem>>
          %dma_wait3A_1083 = tpu.memref_squeeze %dma_wait3A_1082 : memref<1x128xf32, #tpu.memory_space<vmem>> -> memref<128xf32, #tpu.memory_space<vmem>>
          %dma_wait3A_1084 = arith.constant 0 : i32
          %dma_wait3A_1085 = tpu.memref_slice %arg14[%dma_wait3A_1084] : memref<1605632xf32, #tpu.memory_space<vmem_shared>> -> memref<128xf32, #tpu.memory_space<vmem_shared>>
          %dma_wait3A_1086 = arith.constant 0 : i32
          %dma_wait3A_1087 = tpu.memref_slice %arg14[%dma_wait3A_1086] : memref<1605632xf32, #tpu.memory_space<vmem_shared>> -> memref<128xf32, #tpu.memory_space<vmem_shared>>
          %dma_wait3A_1088 = arith.constant 0 : i32
          %dma_wait3A_1089 = tpu.memref_slice %arg10[%dma_wait3A_1080, %dma_wait3A_1088] : memref<21x128xf32, #tpu.memory_space<vmem>> -> memref<1x128xf32, #tpu.memory_space<vmem>>
          %dma_wait3A_1090 = tpu.memref_squeeze %dma_wait3A_1089 : memref<1x128xf32, #tpu.memory_space<vmem>> -> memref<128xf32, #tpu.memory_space<vmem>>
          tpu.wait_dma2 semaphore(%arg17 : memref<!tpu.dma_semaphore, #tpu.memory_space<semaphore_mem>>) src(%dma_wait3A_1090 : memref<128xf32, #tpu.memory_space<vmem>>) dst(%dma_wait3A_1087 : memref<128xf32, #tpu.memory_space<vmem_shared>>)
          %dma_wait3A_1091 = arith.constant 4 : i32
          %dma_wait3A_1092 = arith.constant 0 : i32
          %dma_wait3A_1093 = tpu.memref_slice %arg10[%dma_wait3A_1091, %dma_wait3A_1092] : memref<21x128xf32, #tpu.memory_space<vmem>> -> memref<1x128xf32, #tpu.memory_space<vmem>>
          %dma_wait3A_1094 = tpu.memref_squeeze %dma_wait3A_1093 : memref<1x128xf32, #tpu.memory_space<vmem>> -> memref<128xf32, #tpu.memory_space<vmem>>
          %dma_wait3A_1095 = arith.constant 0 : i32
          %dma_wait3A_1096 = tpu.memref_slice %arg14[%dma_wait3A_1095] : memref<1605632xf32, #tpu.memory_space<vmem_shared>> -> memref<128xf32, #tpu.memory_space<vmem_shared>>
          %dma_wait3A_1097 = arith.constant 0 : i32
          %dma_wait3A_1098 = tpu.memref_slice %arg14[%dma_wait3A_1097] : memref<1605632xf32, #tpu.memory_space<vmem_shared>> -> memref<128xf32, #tpu.memory_space<vmem_shared>>
          %dma_wait3A_1099 = arith.constant 0 : i32
          %dma_wait3A_1100 = tpu.memref_slice %arg10[%dma_wait3A_1091, %dma_wait3A_1099] : memref<21x128xf32, #tpu.memory_space<vmem>> -> memref<1x128xf32, #tpu.memory_space<vmem>>
          %dma_wait3A_1101 = tpu.memref_squeeze %dma_wait3A_1100 : memref<1x128xf32, #tpu.memory_space<vmem>> -> memref<128xf32, #tpu.memory_space<vmem>>
          tpu.wait_dma2 semaphore(%arg17 : memref<!tpu.dma_semaphore, #tpu.memory_space<semaphore_mem>>) src(%dma_wait3A_1101 : memref<128xf32, #tpu.memory_space<vmem>>) dst(%dma_wait3A_1098 : memref<128xf32, #tpu.memory_space<vmem_shared>>)
          %dma_wait3A_1102 = arith.constant 5 : i32
          %dma_wait3A_1103 = arith.constant 0 : i32
          %dma_wait3A_1104 = tpu.memref_slice %arg10[%dma_wait3A_1102, %dma_wait3A_1103] : memref<21x128xf32, #tpu.memory_space<vmem>> -> memref<1x128xf32, #tpu.memory_space<vmem>>
          %dma_wait3A_1105 = tpu.memref_squeeze %dma_wait3A_1104 : memref<1x128xf32, #tpu.memory_space<vmem>> -> memref<128xf32, #tpu.memory_space<vmem>>
          %dma_wait3A_1106 = arith.constant 0 : i32
          %dma_wait3A_1107 = tpu.memref_slice %arg14[%dma_wait3A_1106] : memref<1605632xf32, #tpu.memory_space<vmem_shared>> -> memref<128xf32, #tpu.memory_space<vmem_shared>>
          %dma_wait3A_1108 = arith.constant 0 : i32
          %dma_wait3A_1109 = tpu.memref_slice %arg14[%dma_wait3A_1108] : memref<1605632xf32, #tpu.memory_space<vmem_shared>> -> memref<128xf32, #tpu.memory_space<vmem_shared>>
          %dma_wait3A_1110 = arith.constant 0 : i32
          %dma_wait3A_1111 = tpu.memref_slice %arg10[%dma_wait3A_1102, %dma_wait3A_1110] : memref<21x128xf32, #tpu.memory_space<vmem>> -> memref<1x128xf32, #tpu.memory_space<vmem>>
          %dma_wait3A_1112 = tpu.memref_squeeze %dma_wait3A_1111 : memref<1x128xf32, #tpu.memory_space<vmem>> -> memref<128xf32, #tpu.memory_space<vmem>>
          tpu.wait_dma2 semaphore(%arg17 : memref<!tpu.dma_semaphore, #tpu.memory_space<semaphore_mem>>) src(%dma_wait3A_1112 : memref<128xf32, #tpu.memory_space<vmem>>) dst(%dma_wait3A_1109 : memref<128xf32, #tpu.memory_space<vmem_shared>>)
          %dma_wait3A_1113 = arith.constant 6 : i32
          %dma_wait3A_1114 = arith.constant 0 : i32
          %dma_wait3A_1115 = tpu.memref_slice %arg10[%dma_wait3A_1113, %dma_wait3A_1114] : memref<21x128xf32, #tpu.memory_space<vmem>> -> memref<1x128xf32, #tpu.memory_space<vmem>>
          %dma_wait3A_1116 = tpu.memref_squeeze %dma_wait3A_1115 : memref<1x128xf32, #tpu.memory_space<vmem>> -> memref<128xf32, #tpu.memory_space<vmem>>
          %dma_wait3A_1117 = arith.constant 0 : i32
          %dma_wait3A_1118 = tpu.memref_slice %arg14[%dma_wait3A_1117] : memref<1605632xf32, #tpu.memory_space<vmem_shared>> -> memref<128xf32, #tpu.memory_space<vmem_shared>>
          %dma_wait3A_1119 = arith.constant 0 : i32
          %dma_wait3A_1120 = tpu.memref_slice %arg14[%dma_wait3A_1119] : memref<1605632xf32, #tpu.memory_space<vmem_shared>> -> memref<128xf32, #tpu.memory_space<vmem_shared>>
          %dma_wait3A_1121 = arith.constant 0 : i32
          %dma_wait3A_1122 = tpu.memref_slice %arg10[%dma_wait3A_1113, %dma_wait3A_1121] : memref<21x128xf32, #tpu.memory_space<vmem>> -> memref<1x128xf32, #tpu.memory_space<vmem>>
          %dma_wait3A_1123 = tpu.memref_squeeze %dma_wait3A_1122 : memref<1x128xf32, #tpu.memory_space<vmem>> -> memref<128xf32, #tpu.memory_space<vmem>>
          tpu.wait_dma2 semaphore(%arg17 : memref<!tpu.dma_semaphore, #tpu.memory_space<semaphore_mem>>) src(%dma_wait3A_1123 : memref<128xf32, #tpu.memory_space<vmem>>) dst(%dma_wait3A_1120 : memref<128xf32, #tpu.memory_space<vmem_shared>>)
          %dma_wait3A_1124 = arith.constant 7 : i32
          %dma_wait3A_1125 = arith.constant 0 : i32
          %dma_wait3A_1126 = tpu.memref_slice %arg10[%dma_wait3A_1124, %dma_wait3A_1125] : memref<21x128xf32, #tpu.memory_space<vmem>> -> memref<1x128xf32, #tpu.memory_space<vmem>>
          %dma_wait3A_1127 = tpu.memref_squeeze %dma_wait3A_1126 : memref<1x128xf32, #tpu.memory_space<vmem>> -> memref<128xf32, #tpu.memory_space<vmem>>
          %dma_wait3A_1128 = arith.constant 0 : i32
          %dma_wait3A_1129 = tpu.memref_slice %arg14[%dma_wait3A_1128] : memref<1605632xf32, #tpu.memory_space<vmem_shared>> -> memref<128xf32, #tpu.memory_space<vmem_shared>>
          %dma_wait3A_1130 = arith.constant 0 : i32
          %dma_wait3A_1131 = tpu.memref_slice %arg14[%dma_wait3A_1130] : memref<1605632xf32, #tpu.memory_space<vmem_shared>> -> memref<128xf32, #tpu.memory_space<vmem_shared>>
          %dma_wait3A_1132 = arith.constant 0 : i32
          %dma_wait3A_1133 = tpu.memref_slice %arg10[%dma_wait3A_1124, %dma_wait3A_1132] : memref<21x128xf32, #tpu.memory_space<vmem>> -> memref<1x128xf32, #tpu.memory_space<vmem>>
          %dma_wait3A_1134 = tpu.memref_squeeze %dma_wait3A_1133 : memref<1x128xf32, #tpu.memory_space<vmem>> -> memref<128xf32, #tpu.memory_space<vmem>>
          tpu.wait_dma2 semaphore(%arg17 : memref<!tpu.dma_semaphore, #tpu.memory_space<semaphore_mem>>) src(%dma_wait3A_1134 : memref<128xf32, #tpu.memory_space<vmem>>) dst(%dma_wait3A_1131 : memref<128xf32, #tpu.memory_space<vmem_shared>>)
          %dma_wait3A_1135 = arith.constant 8 : i32
          %dma_wait3A_1136 = arith.constant 0 : i32
          %dma_wait3A_1137 = tpu.memref_slice %arg10[%dma_wait3A_1135, %dma_wait3A_1136] : memref<21x128xf32, #tpu.memory_space<vmem>> -> memref<1x128xf32, #tpu.memory_space<vmem>>
          %dma_wait3A_1138 = tpu.memref_squeeze %dma_wait3A_1137 : memref<1x128xf32, #tpu.memory_space<vmem>> -> memref<128xf32, #tpu.memory_space<vmem>>
          %dma_wait3A_1139 = arith.constant 0 : i32
          %dma_wait3A_1140 = tpu.memref_slice %arg14[%dma_wait3A_1139] : memref<1605632xf32, #tpu.memory_space<vmem_shared>> -> memref<128xf32, #tpu.memory_space<vmem_shared>>
          %dma_wait3A_1141 = arith.constant 0 : i32
          %dma_wait3A_1142 = tpu.memref_slice %arg14[%dma_wait3A_1141] : memref<1605632xf32, #tpu.memory_space<vmem_shared>> -> memref<128xf32, #tpu.memory_space<vmem_shared>>
          %dma_wait3A_1143 = arith.constant 0 : i32
          %dma_wait3A_1144 = tpu.memref_slice %arg10[%dma_wait3A_1135, %dma_wait3A_1143] : memref<21x128xf32, #tpu.memory_space<vmem>> -> memref<1x128xf32, #tpu.memory_space<vmem>>
          %dma_wait3A_1145 = tpu.memref_squeeze %dma_wait3A_1144 : memref<1x128xf32, #tpu.memory_space<vmem>> -> memref<128xf32, #tpu.memory_space<vmem>>
          tpu.wait_dma2 semaphore(%arg17 : memref<!tpu.dma_semaphore, #tpu.memory_space<semaphore_mem>>) src(%dma_wait3A_1145 : memref<128xf32, #tpu.memory_space<vmem>>) dst(%dma_wait3A_1142 : memref<128xf32, #tpu.memory_space<vmem_shared>>)
          %dma_wait3A_1146 = arith.constant 9 : i32
          %dma_wait3A_1147 = arith.constant 0 : i32
          %dma_wait3A_1148 = tpu.memref_slice %arg10[%dma_wait3A_1146, %dma_wait3A_1147] : memref<21x128xf32, #tpu.memory_space<vmem>> -> memref<1x128xf32, #tpu.memory_space<vmem>>
          %dma_wait3A_1149 = tpu.memref_squeeze %dma_wait3A_1148 : memref<1x128xf32, #tpu.memory_space<vmem>> -> memref<128xf32, #tpu.memory_space<vmem>>
          %dma_wait3A_1150 = arith.constant 0 : i32
          %dma_wait3A_1151 = tpu.memref_slice %arg14[%dma_wait3A_1150] : memref<1605632xf32, #tpu.memory_space<vmem_shared>> -> memref<128xf32, #tpu.memory_space<vmem_shared>>
          %dma_wait3A_1152 = arith.constant 0 : i32
          %dma_wait3A_1153 = tpu.memref_slice %arg14[%dma_wait3A_1152] : memref<1605632xf32, #tpu.memory_space<vmem_shared>> -> memref<128xf32, #tpu.memory_space<vmem_shared>>
          %dma_wait3A_1154 = arith.constant 0 : i32
          %dma_wait3A_1155 = tpu.memref_slice %arg10[%dma_wait3A_1146, %dma_wait3A_1154] : memref<21x128xf32, #tpu.memory_space<vmem>> -> memref<1x128xf32, #tpu.memory_space<vmem>>
          %dma_wait3A_1156 = tpu.memref_squeeze %dma_wait3A_1155 : memref<1x128xf32, #tpu.memory_space<vmem>> -> memref<128xf32, #tpu.memory_space<vmem>>
          tpu.wait_dma2 semaphore(%arg17 : memref<!tpu.dma_semaphore, #tpu.memory_space<semaphore_mem>>) src(%dma_wait3A_1156 : memref<128xf32, #tpu.memory_space<vmem>>) dst(%dma_wait3A_1153 : memref<128xf32, #tpu.memory_space<vmem_shared>>)
          %dma_wait3A_1157 = arith.constant 10 : i32
          %dma_wait3A_1158 = arith.constant 0 : i32
          %dma_wait3A_1159 = tpu.memref_slice %arg10[%dma_wait3A_1157, %dma_wait3A_1158] : memref<21x128xf32, #tpu.memory_space<vmem>> -> memref<1x128xf32, #tpu.memory_space<vmem>>
          %dma_wait3A_1160 = tpu.memref_squeeze %dma_wait3A_1159 : memref<1x128xf32, #tpu.memory_space<vmem>> -> memref<128xf32, #tpu.memory_space<vmem>>
          %dma_wait3A_1161 = arith.constant 0 : i32
          %dma_wait3A_1162 = tpu.memref_slice %arg14[%dma_wait3A_1161] : memref<1605632xf32, #tpu.memory_space<vmem_shared>> -> memref<128xf32, #tpu.memory_space<vmem_shared>>
          %dma_wait3A_1163 = arith.constant 0 : i32
          %dma_wait3A_1164 = tpu.memref_slice %arg14[%dma_wait3A_1163] : memref<1605632xf32, #tpu.memory_space<vmem_shared>> -> memref<128xf32, #tpu.memory_space<vmem_shared>>
          %dma_wait3A_1165 = arith.constant 0 : i32
          %dma_wait3A_1166 = tpu.memref_slice %arg10[%dma_wait3A_1157, %dma_wait3A_1165] : memref<21x128xf32, #tpu.memory_space<vmem>> -> memref<1x128xf32, #tpu.memory_space<vmem>>
          %dma_wait3A_1167 = tpu.memref_squeeze %dma_wait3A_1166 : memref<1x128xf32, #tpu.memory_space<vmem>> -> memref<128xf32, #tpu.memory_space<vmem>>
          tpu.wait_dma2 semaphore(%arg17 : memref<!tpu.dma_semaphore, #tpu.memory_space<semaphore_mem>>) src(%dma_wait3A_1167 : memref<128xf32, #tpu.memory_space<vmem>>) dst(%dma_wait3A_1164 : memref<128xf32, #tpu.memory_space<vmem_shared>>)
          %dma_wait3A_1168 = arith.constant 11 : i32
          %dma_wait3A_1169 = arith.constant 0 : i32
          %dma_wait3A_1170 = tpu.memref_slice %arg10[%dma_wait3A_1168, %dma_wait3A_1169] : memref<21x128xf32, #tpu.memory_space<vmem>> -> memref<1x128xf32, #tpu.memory_space<vmem>>
          %dma_wait3A_1171 = tpu.memref_squeeze %dma_wait3A_1170 : memref<1x128xf32, #tpu.memory_space<vmem>> -> memref<128xf32, #tpu.memory_space<vmem>>
          %dma_wait3A_1172 = arith.constant 0 : i32
          %dma_wait3A_1173 = tpu.memref_slice %arg14[%dma_wait3A_1172] : memref<1605632xf32, #tpu.memory_space<vmem_shared>> -> memref<128xf32, #tpu.memory_space<vmem_shared>>
          %dma_wait3A_1174 = arith.constant 0 : i32
          %dma_wait3A_1175 = tpu.memref_slice %arg14[%dma_wait3A_1174] : memref<1605632xf32, #tpu.memory_space<vmem_shared>> -> memref<128xf32, #tpu.memory_space<vmem_shared>>
          %dma_wait3A_1176 = arith.constant 0 : i32
          %dma_wait3A_1177 = tpu.memref_slice %arg10[%dma_wait3A_1168, %dma_wait3A_1176] : memref<21x128xf32, #tpu.memory_space<vmem>> -> memref<1x128xf32, #tpu.memory_space<vmem>>
          %dma_wait3A_1178 = tpu.memref_squeeze %dma_wait3A_1177 : memref<1x128xf32, #tpu.memory_space<vmem>> -> memref<128xf32, #tpu.memory_space<vmem>>
          tpu.wait_dma2 semaphore(%arg17 : memref<!tpu.dma_semaphore, #tpu.memory_space<semaphore_mem>>) src(%dma_wait3A_1178 : memref<128xf32, #tpu.memory_space<vmem>>) dst(%dma_wait3A_1175 : memref<128xf32, #tpu.memory_space<vmem_shared>>)
          %dma_wait3A_1179 = arith.constant 12 : i32
          %dma_wait3A_1180 = arith.constant 0 : i32
          %dma_wait3A_1181 = tpu.memref_slice %arg10[%dma_wait3A_1179, %dma_wait3A_1180] : memref<21x128xf32, #tpu.memory_space<vmem>> -> memref<1x128xf32, #tpu.memory_space<vmem>>
          %dma_wait3A_1182 = tpu.memref_squeeze %dma_wait3A_1181 : memref<1x128xf32, #tpu.memory_space<vmem>> -> memref<128xf32, #tpu.memory_space<vmem>>
          %dma_wait3A_1183 = arith.constant 0 : i32
          %dma_wait3A_1184 = tpu.memref_slice %arg14[%dma_wait3A_1183] : memref<1605632xf32, #tpu.memory_space<vmem_shared>> -> memref<128xf32, #tpu.memory_space<vmem_shared>>
          %dma_wait3A_1185 = arith.constant 0 : i32
          %dma_wait3A_1186 = tpu.memref_slice %arg14[%dma_wait3A_1185] : memref<1605632xf32, #tpu.memory_space<vmem_shared>> -> memref<128xf32, #tpu.memory_space<vmem_shared>>
          %dma_wait3A_1187 = arith.constant 0 : i32
          %dma_wait3A_1188 = tpu.memref_slice %arg10[%dma_wait3A_1179, %dma_wait3A_1187] : memref<21x128xf32, #tpu.memory_space<vmem>> -> memref<1x128xf32, #tpu.memory_space<vmem>>
          %dma_wait3A_1189 = tpu.memref_squeeze %dma_wait3A_1188 : memref<1x128xf32, #tpu.memory_space<vmem>> -> memref<128xf32, #tpu.memory_space<vmem>>
          tpu.wait_dma2 semaphore(%arg17 : memref<!tpu.dma_semaphore, #tpu.memory_space<semaphore_mem>>) src(%dma_wait3A_1189 : memref<128xf32, #tpu.memory_space<vmem>>) dst(%dma_wait3A_1186 : memref<128xf32, #tpu.memory_space<vmem_shared>>)
          %dma_wait3A_1190 = arith.constant 13 : i32
          %dma_wait3A_1191 = arith.constant 0 : i32
          %dma_wait3A_1192 = tpu.memref_slice %arg10[%dma_wait3A_1190, %dma_wait3A_1191] : memref<21x128xf32, #tpu.memory_space<vmem>> -> memref<1x128xf32, #tpu.memory_space<vmem>>
          %dma_wait3A_1193 = tpu.memref_squeeze %dma_wait3A_1192 : memref<1x128xf32, #tpu.memory_space<vmem>> -> memref<128xf32, #tpu.memory_space<vmem>>
          %dma_wait3A_1194 = arith.constant 0 : i32
          %dma_wait3A_1195 = tpu.memref_slice %arg14[%dma_wait3A_1194] : memref<1605632xf32, #tpu.memory_space<vmem_shared>> -> memref<128xf32, #tpu.memory_space<vmem_shared>>
          %dma_wait3A_1196 = arith.constant 0 : i32
          %dma_wait3A_1197 = tpu.memref_slice %arg14[%dma_wait3A_1196] : memref<1605632xf32, #tpu.memory_space<vmem_shared>> -> memref<128xf32, #tpu.memory_space<vmem_shared>>
          %dma_wait3A_1198 = arith.constant 0 : i32
          %dma_wait3A_1199 = tpu.memref_slice %arg10[%dma_wait3A_1190, %dma_wait3A_1198] : memref<21x128xf32, #tpu.memory_space<vmem>> -> memref<1x128xf32, #tpu.memory_space<vmem>>
          %dma_wait3A_1200 = tpu.memref_squeeze %dma_wait3A_1199 : memref<1x128xf32, #tpu.memory_space<vmem>> -> memref<128xf32, #tpu.memory_space<vmem>>
          tpu.wait_dma2 semaphore(%arg17 : memref<!tpu.dma_semaphore, #tpu.memory_space<semaphore_mem>>) src(%dma_wait3A_1200 : memref<128xf32, #tpu.memory_space<vmem>>) dst(%dma_wait3A_1197 : memref<128xf32, #tpu.memory_space<vmem_shared>>)
          %dma_wait3A_1201 = arith.constant 14 : i32
          %dma_wait3A_1202 = arith.constant 0 : i32
          %dma_wait3A_1203 = tpu.memref_slice %arg10[%dma_wait3A_1201, %dma_wait3A_1202] : memref<21x128xf32, #tpu.memory_space<vmem>> -> memref<1x128xf32, #tpu.memory_space<vmem>>
          %dma_wait3A_1204 = tpu.memref_squeeze %dma_wait3A_1203 : memref<1x128xf32, #tpu.memory_space<vmem>> -> memref<128xf32, #tpu.memory_space<vmem>>
          %dma_wait3A_1205 = arith.constant 0 : i32
          %dma_wait3A_1206 = tpu.memref_slice %arg14[%dma_wait3A_1205] : memref<1605632xf32, #tpu.memory_space<vmem_shared>> -> memref<128xf32, #tpu.memory_space<vmem_shared>>
          %dma_wait3A_1207 = arith.constant 0 : i32
          %dma_wait3A_1208 = tpu.memref_slice %arg14[%dma_wait3A_1207] : memref<1605632xf32, #tpu.memory_space<vmem_shared>> -> memref<128xf32, #tpu.memory_space<vmem_shared>>
          %dma_wait3A_1209 = arith.constant 0 : i32
          %dma_wait3A_1210 = tpu.memref_slice %arg10[%dma_wait3A_1201, %dma_wait3A_1209] : memref<21x128xf32, #tpu.memory_space<vmem>> -> memref<1x128xf32, #tpu.memory_space<vmem>>
          %dma_wait3A_1211 = tpu.memref_squeeze %dma_wait3A_1210 : memref<1x128xf32, #tpu.memory_space<vmem>> -> memref<128xf32, #tpu.memory_space<vmem>>
          tpu.wait_dma2 semaphore(%arg17 : memref<!tpu.dma_semaphore, #tpu.memory_space<semaphore_mem>>) src(%dma_wait3A_1211 : memref<128xf32, #tpu.memory_space<vmem>>) dst(%dma_wait3A_1208 : memref<128xf32, #tpu.memory_space<vmem_shared>>)
          %dma_wait3A_1212 = arith.constant 15 : i32
          %dma_wait3A_1213 = arith.constant 0 : i32
          %dma_wait3A_1214 = tpu.memref_slice %arg10[%dma_wait3A_1212, %dma_wait3A_1213] : memref<21x128xf32, #tpu.memory_space<vmem>> -> memref<1x128xf32, #tpu.memory_space<vmem>>
          %dma_wait3A_1215 = tpu.memref_squeeze %dma_wait3A_1214 : memref<1x128xf32, #tpu.memory_space<vmem>> -> memref<128xf32, #tpu.memory_space<vmem>>
          %dma_wait3A_1216 = arith.constant 0 : i32
          %dma_wait3A_1217 = tpu.memref_slice %arg14[%dma_wait3A_1216] : memref<1605632xf32, #tpu.memory_space<vmem_shared>> -> memref<128xf32, #tpu.memory_space<vmem_shared>>
          %dma_wait3A_1218 = arith.constant 0 : i32
          %dma_wait3A_1219 = tpu.memref_slice %arg14[%dma_wait3A_1218] : memref<1605632xf32, #tpu.memory_space<vmem_shared>> -> memref<128xf32, #tpu.memory_space<vmem_shared>>
          %dma_wait3A_1220 = arith.constant 0 : i32
          %dma_wait3A_1221 = tpu.memref_slice %arg10[%dma_wait3A_1212, %dma_wait3A_1220] : memref<21x128xf32, #tpu.memory_space<vmem>> -> memref<1x128xf32, #tpu.memory_space<vmem>>
          %dma_wait3A_1222 = tpu.memref_squeeze %dma_wait3A_1221 : memref<1x128xf32, #tpu.memory_space<vmem>> -> memref<128xf32, #tpu.memory_space<vmem>>
          tpu.wait_dma2 semaphore(%arg17 : memref<!tpu.dma_semaphore, #tpu.memory_space<semaphore_mem>>) src(%dma_wait3A_1222 : memref<128xf32, #tpu.memory_space<vmem>>) dst(%dma_wait3A_1219 : memref<128xf32, #tpu.memory_space<vmem_shared>>)
          %dma_wait3A_1223 = arith.constant 16 : i32
          %dma_wait3A_1224 = arith.constant 0 : i32
          %dma_wait3A_1225 = tpu.memref_slice %arg10[%dma_wait3A_1223, %dma_wait3A_1224] : memref<21x128xf32, #tpu.memory_space<vmem>> -> memref<1x128xf32, #tpu.memory_space<vmem>>
          %dma_wait3A_1226 = tpu.memref_squeeze %dma_wait3A_1225 : memref<1x128xf32, #tpu.memory_space<vmem>> -> memref<128xf32, #tpu.memory_space<vmem>>
          %dma_wait3A_1227 = arith.constant 0 : i32
          %dma_wait3A_1228 = tpu.memref_slice %arg14[%dma_wait3A_1227] : memref<1605632xf32, #tpu.memory_space<vmem_shared>> -> memref<128xf32, #tpu.memory_space<vmem_shared>>
          %dma_wait3A_1229 = arith.constant 0 : i32
          %dma_wait3A_1230 = tpu.memref_slice %arg14[%dma_wait3A_1229] : memref<1605632xf32, #tpu.memory_space<vmem_shared>> -> memref<128xf32, #tpu.memory_space<vmem_shared>>
          %dma_wait3A_1231 = arith.constant 0 : i32
          %dma_wait3A_1232 = tpu.memref_slice %arg10[%dma_wait3A_1223, %dma_wait3A_1231] : memref<21x128xf32, #tpu.memory_space<vmem>> -> memref<1x128xf32, #tpu.memory_space<vmem>>
          %dma_wait3A_1233 = tpu.memref_squeeze %dma_wait3A_1232 : memref<1x128xf32, #tpu.memory_space<vmem>> -> memref<128xf32, #tpu.memory_space<vmem>>
          tpu.wait_dma2 semaphore(%arg17 : memref<!tpu.dma_semaphore, #tpu.memory_space<semaphore_mem>>) src(%dma_wait3A_1233 : memref<128xf32, #tpu.memory_space<vmem>>) dst(%dma_wait3A_1230 : memref<128xf32, #tpu.memory_space<vmem_shared>>)
          %dma_wait3A_1234 = arith.constant 17 : i32
          %dma_wait3A_1235 = arith.constant 0 : i32
          %dma_wait3A_1236 = tpu.memref_slice %arg10[%dma_wait3A_1234, %dma_wait3A_1235] : memref<21x128xf32, #tpu.memory_space<vmem>> -> memref<1x128xf32, #tpu.memory_space<vmem>>
          %dma_wait3A_1237 = tpu.memref_squeeze %dma_wait3A_1236 : memref<1x128xf32, #tpu.memory_space<vmem>> -> memref<128xf32, #tpu.memory_space<vmem>>
          %dma_wait3A_1238 = arith.constant 0 : i32
          %dma_wait3A_1239 = tpu.memref_slice %arg14[%dma_wait3A_1238] : memref<1605632xf32, #tpu.memory_space<vmem_shared>> -> memref<128xf32, #tpu.memory_space<vmem_shared>>
          %dma_wait3A_1240 = arith.constant 0 : i32
          %dma_wait3A_1241 = tpu.memref_slice %arg14[%dma_wait3A_1240] : memref<1605632xf32, #tpu.memory_space<vmem_shared>> -> memref<128xf32, #tpu.memory_space<vmem_shared>>
          %dma_wait3A_1242 = arith.constant 0 : i32
          %dma_wait3A_1243 = tpu.memref_slice %arg10[%dma_wait3A_1234, %dma_wait3A_1242] : memref<21x128xf32, #tpu.memory_space<vmem>> -> memref<1x128xf32, #tpu.memory_space<vmem>>
          %dma_wait3A_1244 = tpu.memref_squeeze %dma_wait3A_1243 : memref<1x128xf32, #tpu.memory_space<vmem>> -> memref<128xf32, #tpu.memory_space<vmem>>
          tpu.wait_dma2 semaphore(%arg17 : memref<!tpu.dma_semaphore, #tpu.memory_space<semaphore_mem>>) src(%dma_wait3A_1244 : memref<128xf32, #tpu.memory_space<vmem>>) dst(%dma_wait3A_1241 : memref<128xf32, #tpu.memory_space<vmem_shared>>)
          %dma_wait3A_1245 = arith.constant 18 : i32
          %dma_wait3A_1246 = arith.constant 0 : i32
          %dma_wait3A_1247 = tpu.memref_slice %arg10[%dma_wait3A_1245, %dma_wait3A_1246] : memref<21x128xf32, #tpu.memory_space<vmem>> -> memref<1x128xf32, #tpu.memory_space<vmem>>
          %dma_wait3A_1248 = tpu.memref_squeeze %dma_wait3A_1247 : memref<1x128xf32, #tpu.memory_space<vmem>> -> memref<128xf32, #tpu.memory_space<vmem>>
          %dma_wait3A_1249 = arith.constant 0 : i32
          %dma_wait3A_1250 = tpu.memref_slice %arg14[%dma_wait3A_1249] : memref<1605632xf32, #tpu.memory_space<vmem_shared>> -> memref<128xf32, #tpu.memory_space<vmem_shared>>
          %dma_wait3A_1251 = arith.constant 0 : i32
          %dma_wait3A_1252 = tpu.memref_slice %arg14[%dma_wait3A_1251] : memref<1605632xf32, #tpu.memory_space<vmem_shared>> -> memref<128xf32, #tpu.memory_space<vmem_shared>>
          %dma_wait3A_1253 = arith.constant 0 : i32
          %dma_wait3A_1254 = tpu.memref_slice %arg10[%dma_wait3A_1245, %dma_wait3A_1253] : memref<21x128xf32, #tpu.memory_space<vmem>> -> memref<1x128xf32, #tpu.memory_space<vmem>>
          %dma_wait3A_1255 = tpu.memref_squeeze %dma_wait3A_1254 : memref<1x128xf32, #tpu.memory_space<vmem>> -> memref<128xf32, #tpu.memory_space<vmem>>
          tpu.wait_dma2 semaphore(%arg17 : memref<!tpu.dma_semaphore, #tpu.memory_space<semaphore_mem>>) src(%dma_wait3A_1255 : memref<128xf32, #tpu.memory_space<vmem>>) dst(%dma_wait3A_1252 : memref<128xf32, #tpu.memory_space<vmem_shared>>)
          %dma_wait3A_1256 = arith.constant 19 : i32
          %dma_wait3A_1257 = arith.constant 0 : i32
          %dma_wait3A_1258 = tpu.memref_slice %arg10[%dma_wait3A_1256, %dma_wait3A_1257] : memref<21x128xf32, #tpu.memory_space<vmem>> -> memref<1x128xf32, #tpu.memory_space<vmem>>
          %dma_wait3A_1259 = tpu.memref_squeeze %dma_wait3A_1258 : memref<1x128xf32, #tpu.memory_space<vmem>> -> memref<128xf32, #tpu.memory_space<vmem>>
          %dma_wait3A_1260 = arith.constant 0 : i32
          %dma_wait3A_1261 = tpu.memref_slice %arg14[%dma_wait3A_1260] : memref<1605632xf32, #tpu.memory_space<vmem_shared>> -> memref<128xf32, #tpu.memory_space<vmem_shared>>
          %dma_wait3A_1262 = arith.constant 0 : i32
          %dma_wait3A_1263 = tpu.memref_slice %arg14[%dma_wait3A_1262] : memref<1605632xf32, #tpu.memory_space<vmem_shared>> -> memref<128xf32, #tpu.memory_space<vmem_shared>>
          %dma_wait3A_1264 = arith.constant 0 : i32
          %dma_wait3A_1265 = tpu.memref_slice %arg10[%dma_wait3A_1256, %dma_wait3A_1264] : memref<21x128xf32, #tpu.memory_space<vmem>> -> memref<1x128xf32, #tpu.memory_space<vmem>>
          %dma_wait3A_1266 = tpu.memref_squeeze %dma_wait3A_1265 : memref<1x128xf32, #tpu.memory_space<vmem>> -> memref<128xf32, #tpu.memory_space<vmem>>
          tpu.wait_dma2 semaphore(%arg17 : memref<!tpu.dma_semaphore, #tpu.memory_space<semaphore_mem>>) src(%dma_wait3A_1266 : memref<128xf32, #tpu.memory_space<vmem>>) dst(%dma_wait3A_1263 : memref<128xf32, #tpu.memory_space<vmem_shared>>)
          %dma_wait3A_1267 = arith.constant 20 : i32
          %dma_wait3A_1268 = arith.constant 0 : i32
          %dma_wait3A_1269 = tpu.memref_slice %arg10[%dma_wait3A_1267, %dma_wait3A_1268] : memref<21x128xf32, #tpu.memory_space<vmem>> -> memref<1x128xf32, #tpu.memory_space<vmem>>
          %dma_wait3A_1270 = tpu.memref_squeeze %dma_wait3A_1269 : memref<1x128xf32, #tpu.memory_space<vmem>> -> memref<128xf32, #tpu.memory_space<vmem>>
          %dma_wait3A_1271 = arith.constant 0 : i32
          %dma_wait3A_1272 = tpu.memref_slice %arg14[%dma_wait3A_1271] : memref<1605632xf32, #tpu.memory_space<vmem_shared>> -> memref<128xf32, #tpu.memory_space<vmem_shared>>
          %dma_wait3A_1273 = arith.constant 0 : i32
          %dma_wait3A_1274 = tpu.memref_slice %arg14[%dma_wait3A_1273] : memref<1605632xf32, #tpu.memory_space<vmem_shared>> -> memref<128xf32, #tpu.memory_space<vmem_shared>>
          %dma_wait3A_1275 = arith.constant 0 : i32
          %dma_wait3A_1276 = tpu.memref_slice %arg10[%dma_wait3A_1267, %dma_wait3A_1275] : memref<21x128xf32, #tpu.memory_space<vmem>> -> memref<1x128xf32, #tpu.memory_space<vmem>>
          %dma_wait3A_1277 = tpu.memref_squeeze %dma_wait3A_1276 : memref<1x128xf32, #tpu.memory_space<vmem>> -> memref<128xf32, #tpu.memory_space<vmem>>
          tpu.wait_dma2 semaphore(%arg17 : memref<!tpu.dma_semaphore, #tpu.memory_space<semaphore_mem>>) src(%dma_wait3A_1277 : memref<128xf32, #tpu.memory_space<vmem>>) dst(%dma_wait3A_1274 : memref<128xf32, #tpu.memory_space<vmem_shared>>)
          %scan3A_1278 = arith.constant 0 : i32
          %scan3A_1279 = arith.constant 24 : i32
          %scan3A_1280 = arith.addi %scan3A_1278, %scan3A_1279 : i32
          %scan3A_1281 = arith.constant 1 : i32
          scf.for %scan3A_2002 = %scan3A_1278 to %scan3A_1280 step %scan3A_1281  : i32 {
            %mul3A_2003 = arith.constant 1 : i32
            %mul3A_2004 = arith.muli %scan3A_2002, %mul3A_2003 : i32
            %add3A_2005 = arith.constant 0 : i32
            %add3A_2006 = arith.addi %add3A_2005, %mul3A_2004 : i32
            %get3A = arith.index_cast %add3A_2006 : i32 to index
            %get3A_2007 = arith.constant 0 : index
            %get3A_2008 = tpu.vector_load %arg5[%get3A, %get3A_2007] {strides = array<i32>} : memref<24x112xi32, #tpu.memory_space<vmem>>, vector<1x16xi32>,
            %get3A_2009 = vector.shape_cast %get3A_2008 : vector<1x16xi32> to vector<16xi32>
            %get3A_2010 = arith.index_cast %add3A_2006 : i32 to index
            %get3A_2011 = arith.constant 0 : index
            %get3A_2012 = tpu.vector_load %arg6[%get3A_2010, %get3A_2011] {strides = array<i32>} : memref<24x112xf32, #tpu.memory_space<vmem>>, vector<1x16xf32>,
            %get3A_2013 = vector.shape_cast %get3A_2012 : vector<1x16xf32> to vector<16xf32>
            %sub3A = vector.broadcast %mul3A_27 : i32 to vector<16xi32>
            %sub3A_2014 = arith.subi %get3A_2009, %sub3A : vector<16xi32>
            %ge3A = vector.broadcast %mul3A_27 : i32 to vector<16xi32>
            %ge3A_2015 = arith.cmpi sge, %get3A_2009, %ge3A : vector<16xi32>
            %lt3A_2016 = arith.constant 1605632 : i32
            %lt3A_2017 = vector.broadcast %lt3A_2016 : i32 to vector<16xi32>
            %lt3A_2018 = arith.cmpi slt, %sub3A_2014, %lt3A_2017 : vector<16xi32>
            %and3A_2019 = arith.andi %ge3A_2015, %lt3A_2018 : vector<16xi1>
            %mul3A_2020 = arith.constant 112 : i32
            %mul3A_2021 = arith.muli %add3A_2006, %mul3A_2020 : i32
            %add3A_2022 = arith.constant 0 : i32
            %add3A_2023 = arith.addi %mul3A_2021, %add3A_2022 : i32
            %shift_right_logical3A = arith.constant 7 : i32
            %shift_right_logical3A_2024 = arith.shrui %add3A_2023, %shift_right_logical3A : i32
            %and3A_2025 = arith.constant 127 : i32
            %and3A_2026 = arith.andi %add3A_2023, %and3A_2025 : i32
            %shift_right_logical3A_2027 = arith.constant 2 : i32
            %shift_right_logical3A_2028 = vector.broadcast %shift_right_logical3A_2027 : i32 to vector<16xi32>
            %shift_right_logical3A_2029 = arith.shrui %get3A_2009, %shift_right_logical3A_2028 : vector<16xi32>
            %select_n3A_2030 = arith.select %and3A_2019, %sub3A_2014, %shift_right_logical3A_2029 : vector<16xi1>, vector<16xi32>
            %swap3A = arith.index_cast %shift_right_logical3A_2024 : i32 to index
            %swap3A_2031 = arith.index_cast %and3A_2026 : i32 to index
            %swap3A_2032 = tpu.vector_load %arg9[%swap3A, %swap3A_2031] {strides = array<i32>} : memref<21x128xi32, #tpu.memory_space<vmem>>, vector<1x16xi32>,
            %swap3A_2033 = vector.shape_cast %swap3A_2032 : vector<1x16xi32> to vector<16xi32>
            %swap3A_2034 = vector.shape_cast %select_n3A_2030 : vector<16xi32> to vector<1x16xi32>
            tpu.vector_store %arg9[%swap3A, %swap3A_2031], %swap3A_2034 {strides = array<i32>} : memref<21x128xi32, #tpu.memory_space<vmem>>, vector<1x16xi32>,
            %jit3A_2035 = arith.constant 0.000000e+00 : f32
            %broadcast_in_dim3A_2036 = vector.broadcast %jit3A_2035 : f32 to vector<16xf32>
            %select_n3A_2037 = arith.select %and3A_2019, %get3A_2013, %broadcast_in_dim3A_2036 : vector<16xi1>, vector<16xf32>
            %swap3A_2038 = arith.index_cast %shift_right_logical3A_2024 : i32 to index
            %swap3A_2039 = arith.index_cast %and3A_2026 : i32 to index
            %swap3A_2040 = tpu.vector_load %arg10[%swap3A_2038, %swap3A_2039] {strides = array<i32>} : memref<21x128xf32, #tpu.memory_space<vmem>>, vector<1x16xf32>,
            %swap3A_2041 = vector.shape_cast %swap3A_2040 : vector<1x16xf32> to vector<16xf32>
            %swap3A_2042 = vector.shape_cast %select_n3A_2037 : vector<16xf32> to vector<1x16xf32>
            tpu.vector_store %arg10[%swap3A_2038, %swap3A_2039], %swap3A_2042 {strides = array<i32>} : memref<21x128xf32, #tpu.memory_space<vmem>>, vector<1x16xf32>,
            %get3A_2043 = arith.index_cast %add3A_2006 : i32 to index
            %get3A_2044 = arith.constant 16 : index
            %get3A_2045 = tpu.vector_load %arg5[%get3A_2043, %get3A_2044] {strides = array<i32>} : memref<24x112xi32, #tpu.memory_space<vmem>>, vector<1x16xi32>,
            %get3A_2046 = vector.shape_cast %get3A_2045 : vector<1x16xi32> to vector<16xi32>
            %get3A_2047 = arith.index_cast %add3A_2006 : i32 to index
            %get3A_2048 = arith.constant 16 : index
            %get3A_2049 = tpu.vector_load %arg6[%get3A_2047, %get3A_2048] {strides = array<i32>} : memref<24x112xf32, #tpu.memory_space<vmem>>, vector<1x16xf32>,
            %get3A_2050 = vector.shape_cast %get3A_2049 : vector<1x16xf32> to vector<16xf32>
            %sub3A_2051 = vector.broadcast %mul3A_27 : i32 to vector<16xi32>
            %sub3A_2052 = arith.subi %get3A_2046, %sub3A_2051 : vector<16xi32>
            %ge3A_2053 = vector.broadcast %mul3A_27 : i32 to vector<16xi32>
            %ge3A_2054 = arith.cmpi sge, %get3A_2046, %ge3A_2053 : vector<16xi32>
            %lt3A_2055 = arith.constant 1605632 : i32
            %lt3A_2056 = vector.broadcast %lt3A_2055 : i32 to vector<16xi32>
            %lt3A_2057 = arith.cmpi slt, %sub3A_2052, %lt3A_2056 : vector<16xi32>
            %and3A_2058 = arith.andi %ge3A_2054, %lt3A_2057 : vector<16xi1>
            %mul3A_2059 = arith.constant 112 : i32
            %mul3A_2060 = arith.muli %add3A_2006, %mul3A_2059 : i32
            %add3A_2061 = arith.constant 16 : i32
            %add3A_2062 = arith.addi %mul3A_2060, %add3A_2061 : i32
            %shift_right_logical3A_2063 = arith.constant 7 : i32
            %shift_right_logical3A_2064 = arith.shrui %add3A_2062, %shift_right_logical3A_2063 : i32
            %and3A_2065 = arith.constant 127 : i32
            %and3A_2066 = arith.andi %add3A_2062, %and3A_2065 : i32
            %shift_right_logical3A_2067 = arith.constant 2 : i32
            %shift_right_logical3A_2068 = vector.broadcast %shift_right_logical3A_2067 : i32 to vector<16xi32>
            %shift_right_logical3A_2069 = arith.shrui %get3A_2046, %shift_right_logical3A_2068 : vector<16xi32>
            %select_n3A_2070 = arith.select %and3A_2058, %sub3A_2052, %shift_right_logical3A_2069 : vector<16xi1>, vector<16xi32>
            %swap3A_2071 = arith.index_cast %shift_right_logical3A_2064 : i32 to index
            %swap3A_2072 = arith.index_cast %and3A_2066 : i32 to index
            %swap3A_2073 = tpu.vector_load %arg9[%swap3A_2071, %swap3A_2072] {strides = array<i32>} : memref<21x128xi32, #tpu.memory_space<vmem>>, vector<1x16xi32>,
            %swap3A_2074 = vector.shape_cast %swap3A_2073 : vector<1x16xi32> to vector<16xi32>
            %swap3A_2075 = vector.shape_cast %select_n3A_2070 : vector<16xi32> to vector<1x16xi32>
            tpu.vector_store %arg9[%swap3A_2071, %swap3A_2072], %swap3A_2075 {strides = array<i32>} : memref<21x128xi32, #tpu.memory_space<vmem>>, vector<1x16xi32>,
            %jit3A_2076 = arith.constant 0.000000e+00 : f32
            %broadcast_in_dim3A_2077 = vector.broadcast %jit3A_2076 : f32 to vector<16xf32>
            %select_n3A_2078 = arith.select %and3A_2058, %get3A_2050, %broadcast_in_dim3A_2077 : vector<16xi1>, vector<16xf32>
            %swap3A_2079 = arith.index_cast %shift_right_logical3A_2064 : i32 to index
            %swap3A_2080 = arith.index_cast %and3A_2066 : i32 to index
            %swap3A_2081 = tpu.vector_load %arg10[%swap3A_2079, %swap3A_2080] {strides = array<i32>} : memref<21x128xf32, #tpu.memory_space<vmem>>, vector<1x16xf32>,
            %swap3A_2082 = vector.shape_cast %swap3A_2081 : vector<1x16xf32> to vector<16xf32>
            %swap3A_2083 = vector.shape_cast %select_n3A_2078 : vector<16xf32> to vector<1x16xf32>
            tpu.vector_store %arg10[%swap3A_2079, %swap3A_2080], %swap3A_2083 {strides = array<i32>} : memref<21x128xf32, #tpu.memory_space<vmem>>, vector<1x16xf32>,
            %get3A_2084 = arith.index_cast %add3A_2006 : i32 to index
            %get3A_2085 = arith.constant 32 : index
            %get3A_2086 = tpu.vector_load %arg5[%get3A_2084, %get3A_2085] {strides = array<i32>} : memref<24x112xi32, #tpu.memory_space<vmem>>, vector<1x16xi32>,
            %get3A_2087 = vector.shape_cast %get3A_2086 : vector<1x16xi32> to vector<16xi32>
            %get3A_2088 = arith.index_cast %add3A_2006 : i32 to index
            %get3A_2089 = arith.constant 32 : index
            %get3A_2090 = tpu.vector_load %arg6[%get3A_2088, %get3A_2089] {strides = array<i32>} : memref<24x112xf32, #tpu.memory_space<vmem>>, vector<1x16xf32>,
            %get3A_2091 = vector.shape_cast %get3A_2090 : vector<1x16xf32> to vector<16xf32>
            %sub3A_2092 = vector.broadcast %mul3A_27 : i32 to vector<16xi32>
            %sub3A_2093 = arith.subi %get3A_2087, %sub3A_2092 : vector<16xi32>
            %ge3A_2094 = vector.broadcast %mul3A_27 : i32 to vector<16xi32>
            %ge3A_2095 = arith.cmpi sge, %get3A_2087, %ge3A_2094 : vector<16xi32>
            %lt3A_2096 = arith.constant 1605632 : i32
            %lt3A_2097 = vector.broadcast %lt3A_2096 : i32 to vector<16xi32>
            %lt3A_2098 = arith.cmpi slt, %sub3A_2093, %lt3A_2097 : vector<16xi32>
            %and3A_2099 = arith.andi %ge3A_2095, %lt3A_2098 : vector<16xi1>
            %mul3A_2100 = arith.constant 112 : i32
            %mul3A_2101 = arith.muli %add3A_2006, %mul3A_2100 : i32
            %add3A_2102 = arith.constant 32 : i32
            %add3A_2103 = arith.addi %mul3A_2101, %add3A_2102 : i32
            %shift_right_logical3A_2104 = arith.constant 7 : i32
            %shift_right_logical3A_2105 = arith.shrui %add3A_2103, %shift_right_logical3A_2104 : i32
            %and3A_2106 = arith.constant 127 : i32
            %and3A_2107 = arith.andi %add3A_2103, %and3A_2106 : i32
            %shift_right_logical3A_2108 = arith.constant 2 : i32
            %shift_right_logical3A_2109 = vector.broadcast %shift_right_logical3A_2108 : i32 to vector<16xi32>
            %shift_right_logical3A_2110 = arith.shrui %get3A_2087, %shift_right_logical3A_2109 : vector<16xi32>
            %select_n3A_2111 = arith.select %and3A_2099, %sub3A_2093, %shift_right_logical3A_2110 : vector<16xi1>, vector<16xi32>
            %swap3A_2112 = arith.index_cast %shift_right_logical3A_2105 : i32 to index
            %swap3A_2113 = arith.index_cast %and3A_2107 : i32 to index
            %swap3A_2114 = tpu.vector_load %arg9[%swap3A_2112, %swap3A_2113] {strides = array<i32>} : memref<21x128xi32, #tpu.memory_space<vmem>>, vector<1x16xi32>,
            %swap3A_2115 = vector.shape_cast %swap3A_2114 : vector<1x16xi32> to vector<16xi32>
            %swap3A_2116 = vector.shape_cast %select_n3A_2111 : vector<16xi32> to vector<1x16xi32>
            tpu.vector_store %arg9[%swap3A_2112, %swap3A_2113], %swap3A_2116 {strides = array<i32>} : memref<21x128xi32, #tpu.memory_space<vmem>>, vector<1x16xi32>,
            %jit3A_2117 = arith.constant 0.000000e+00 : f32
            %broadcast_in_dim3A_2118 = vector.broadcast %jit3A_2117 : f32 to vector<16xf32>
            %select_n3A_2119 = arith.select %and3A_2099, %get3A_2091, %broadcast_in_dim3A_2118 : vector<16xi1>, vector<16xf32>
            %swap3A_2120 = arith.index_cast %shift_right_logical3A_2105 : i32 to index
            %swap3A_2121 = arith.index_cast %and3A_2107 : i32 to index
            %swap3A_2122 = tpu.vector_load %arg10[%swap3A_2120, %swap3A_2121] {strides = array<i32>} : memref<21x128xf32, #tpu.memory_space<vmem>>, vector<1x16xf32>,
            %swap3A_2123 = vector.shape_cast %swap3A_2122 : vector<1x16xf32> to vector<16xf32>
            %swap3A_2124 = vector.shape_cast %select_n3A_2119 : vector<16xf32> to vector<1x16xf32>
            tpu.vector_store %arg10[%swap3A_2120, %swap3A_2121], %swap3A_2124 {strides = array<i32>} : memref<21x128xf32, #tpu.memory_space<vmem>>, vector<1x16xf32>,
            %get3A_2125 = arith.index_cast %add3A_2006 : i32 to index
            %get3A_2126 = arith.constant 48 : index
            %get3A_2127 = tpu.vector_load %arg5[%get3A_2125, %get3A_2126] {strides = array<i32>} : memref<24x112xi32, #tpu.memory_space<vmem>>, vector<1x16xi32>,
            %get3A_2128 = vector.shape_cast %get3A_2127 : vector<1x16xi32> to vector<16xi32>
            %get3A_2129 = arith.index_cast %add3A_2006 : i32 to index
            %get3A_2130 = arith.constant 48 : index
            %get3A_2131 = tpu.vector_load %arg6[%get3A_2129, %get3A_2130] {strides = array<i32>} : memref<24x112xf32, #tpu.memory_space<vmem>>, vector<1x16xf32>,
            %get3A_2132 = vector.shape_cast %get3A_2131 : vector<1x16xf32> to vector<16xf32>
            %sub3A_2133 = vector.broadcast %mul3A_27 : i32 to vector<16xi32>
            %sub3A_2134 = arith.subi %get3A_2128, %sub3A_2133 : vector<16xi32>
            %ge3A_2135 = vector.broadcast %mul3A_27 : i32 to vector<16xi32>
            %ge3A_2136 = arith.cmpi sge, %get3A_2128, %ge3A_2135 : vector<16xi32>
            %lt3A_2137 = arith.constant 1605632 : i32
            %lt3A_2138 = vector.broadcast %lt3A_2137 : i32 to vector<16xi32>
            %lt3A_2139 = arith.cmpi slt, %sub3A_2134, %lt3A_2138 : vector<16xi32>
            %and3A_2140 = arith.andi %ge3A_2136, %lt3A_2139 : vector<16xi1>
            %mul3A_2141 = arith.constant 112 : i32
            %mul3A_2142 = arith.muli %add3A_2006, %mul3A_2141 : i32
            %add3A_2143 = arith.constant 48 : i32
            %add3A_2144 = arith.addi %mul3A_2142, %add3A_2143 : i32
            %shift_right_logical3A_2145 = arith.constant 7 : i32
            %shift_right_logical3A_2146 = arith.shrui %add3A_2144, %shift_right_logical3A_2145 : i32
            %and3A_2147 = arith.constant 127 : i32
            %and3A_2148 = arith.andi %add3A_2144, %and3A_2147 : i32
            %shift_right_logical3A_2149 = arith.constant 2 : i32
            %shift_right_logical3A_2150 = vector.broadcast %shift_right_logical3A_2149 : i32 to vector<16xi32>
            %shift_right_logical3A_2151 = arith.shrui %get3A_2128, %shift_right_logical3A_2150 : vector<16xi32>
            %select_n3A_2152 = arith.select %and3A_2140, %sub3A_2134, %shift_right_logical3A_2151 : vector<16xi1>, vector<16xi32>
            %swap3A_2153 = arith.index_cast %shift_right_logical3A_2146 : i32 to index
            %swap3A_2154 = arith.index_cast %and3A_2148 : i32 to index
            %swap3A_2155 = tpu.vector_load %arg9[%swap3A_2153, %swap3A_2154] {strides = array<i32>} : memref<21x128xi32, #tpu.memory_space<vmem>>, vector<1x16xi32>,
            %swap3A_2156 = vector.shape_cast %swap3A_2155 : vector<1x16xi32> to vector<16xi32>
            %swap3A_2157 = vector.shape_cast %select_n3A_2152 : vector<16xi32> to vector<1x16xi32>
            tpu.vector_store %arg9[%swap3A_2153, %swap3A_2154], %swap3A_2157 {strides = array<i32>} : memref<21x128xi32, #tpu.memory_space<vmem>>, vector<1x16xi32>,
            %jit3A_2158 = arith.constant 0.000000e+00 : f32
            %broadcast_in_dim3A_2159 = vector.broadcast %jit3A_2158 : f32 to vector<16xf32>
            %select_n3A_2160 = arith.select %and3A_2140, %get3A_2132, %broadcast_in_dim3A_2159 : vector<16xi1>, vector<16xf32>
            %swap3A_2161 = arith.index_cast %shift_right_logical3A_2146 : i32 to index
            %swap3A_2162 = arith.index_cast %and3A_2148 : i32 to index
            %swap3A_2163 = tpu.vector_load %arg10[%swap3A_2161, %swap3A_2162] {strides = array<i32>} : memref<21x128xf32, #tpu.memory_space<vmem>>, vector<1x16xf32>,
            %swap3A_2164 = vector.shape_cast %swap3A_2163 : vector<1x16xf32> to vector<16xf32>
            %swap3A_2165 = vector.shape_cast %select_n3A_2160 : vector<16xf32> to vector<1x16xf32>
            tpu.vector_store %arg10[%swap3A_2161, %swap3A_2162], %swap3A_2165 {strides = array<i32>} : memref<21x128xf32, #tpu.memory_space<vmem>>, vector<1x16xf32>,
            %get3A_2166 = arith.index_cast %add3A_2006 : i32 to index
            %get3A_2167 = arith.constant 64 : index
            %get3A_2168 = tpu.vector_load %arg5[%get3A_2166, %get3A_2167] {strides = array<i32>} : memref<24x112xi32, #tpu.memory_space<vmem>>, vector<1x16xi32>,
            %get3A_2169 = vector.shape_cast %get3A_2168 : vector<1x16xi32> to vector<16xi32>
            %get3A_2170 = arith.index_cast %add3A_2006 : i32 to index
            %get3A_2171 = arith.constant 64 : index
            %get3A_2172 = tpu.vector_load %arg6[%get3A_2170, %get3A_2171] {strides = array<i32>} : memref<24x112xf32, #tpu.memory_space<vmem>>, vector<1x16xf32>,
            %get3A_2173 = vector.shape_cast %get3A_2172 : vector<1x16xf32> to vector<16xf32>
            %sub3A_2174 = vector.broadcast %mul3A_27 : i32 to vector<16xi32>
            %sub3A_2175 = arith.subi %get3A_2169, %sub3A_2174 : vector<16xi32>
            %ge3A_2176 = vector.broadcast %mul3A_27 : i32 to vector<16xi32>
            %ge3A_2177 = arith.cmpi sge, %get3A_2169, %ge3A_2176 : vector<16xi32>
            %lt3A_2178 = arith.constant 1605632 : i32
            %lt3A_2179 = vector.broadcast %lt3A_2178 : i32 to vector<16xi32>
            %lt3A_2180 = arith.cmpi slt, %sub3A_2175, %lt3A_2179 : vector<16xi32>
            %and3A_2181 = arith.andi %ge3A_2177, %lt3A_2180 : vector<16xi1>
            %mul3A_2182 = arith.constant 112 : i32
            %mul3A_2183 = arith.muli %add3A_2006, %mul3A_2182 : i32
            %add3A_2184 = arith.constant 64 : i32
            %add3A_2185 = arith.addi %mul3A_2183, %add3A_2184 : i32
            %shift_right_logical3A_2186 = arith.constant 7 : i32
            %shift_right_logical3A_2187 = arith.shrui %add3A_2185, %shift_right_logical3A_2186 : i32
            %and3A_2188 = arith.constant 127 : i32
            %and3A_2189 = arith.andi %add3A_2185, %and3A_2188 : i32
            %shift_right_logical3A_2190 = arith.constant 2 : i32
            %shift_right_logical3A_2191 = vector.broadcast %shift_right_logical3A_2190 : i32 to vector<16xi32>
            %shift_right_logical3A_2192 = arith.shrui %get3A_2169, %shift_right_logical3A_2191 : vector<16xi32>
            %select_n3A_2193 = arith.select %and3A_2181, %sub3A_2175, %shift_right_logical3A_2192 : vector<16xi1>, vector<16xi32>
            %swap3A_2194 = arith.index_cast %shift_right_logical3A_2187 : i32 to index
            %swap3A_2195 = arith.index_cast %and3A_2189 : i32 to index
            %swap3A_2196 = tpu.vector_load %arg9[%swap3A_2194, %swap3A_2195] {strides = array<i32>} : memref<21x128xi32, #tpu.memory_space<vmem>>, vector<1x16xi32>,
            %swap3A_2197 = vector.shape_cast %swap3A_2196 : vector<1x16xi32> to vector<16xi32>
            %swap3A_2198 = vector.shape_cast %select_n3A_2193 : vector<16xi32> to vector<1x16xi32>
            tpu.vector_store %arg9[%swap3A_2194, %swap3A_2195], %swap3A_2198 {strides = array<i32>} : memref<21x128xi32, #tpu.memory_space<vmem>>, vector<1x16xi32>,
            %jit3A_2199 = arith.constant 0.000000e+00 : f32
            %broadcast_in_dim3A_2200 = vector.broadcast %jit3A_2199 : f32 to vector<16xf32>
            %select_n3A_2201 = arith.select %and3A_2181, %get3A_2173, %broadcast_in_dim3A_2200 : vector<16xi1>, vector<16xf32>
            %swap3A_2202 = arith.index_cast %shift_right_logical3A_2187 : i32 to index
            %swap3A_2203 = arith.index_cast %and3A_2189 : i32 to index
            %swap3A_2204 = tpu.vector_load %arg10[%swap3A_2202, %swap3A_2203] {strides = array<i32>} : memref<21x128xf32, #tpu.memory_space<vmem>>, vector<1x16xf32>,
            %swap3A_2205 = vector.shape_cast %swap3A_2204 : vector<1x16xf32> to vector<16xf32>
            %swap3A_2206 = vector.shape_cast %select_n3A_2201 : vector<16xf32> to vector<1x16xf32>
            tpu.vector_store %arg10[%swap3A_2202, %swap3A_2203], %swap3A_2206 {strides = array<i32>} : memref<21x128xf32, #tpu.memory_space<vmem>>, vector<1x16xf32>,
            %get3A_2207 = arith.index_cast %add3A_2006 : i32 to index
            %get3A_2208 = arith.constant 80 : index
            %get3A_2209 = tpu.vector_load %arg5[%get3A_2207, %get3A_2208] {strides = array<i32>} : memref<24x112xi32, #tpu.memory_space<vmem>>, vector<1x16xi32>,
            %get3A_2210 = vector.shape_cast %get3A_2209 : vector<1x16xi32> to vector<16xi32>
            %get3A_2211 = arith.index_cast %add3A_2006 : i32 to index
            %get3A_2212 = arith.constant 80 : index
            %get3A_2213 = tpu.vector_load %arg6[%get3A_2211, %get3A_2212] {strides = array<i32>} : memref<24x112xf32, #tpu.memory_space<vmem>>, vector<1x16xf32>,
            %get3A_2214 = vector.shape_cast %get3A_2213 : vector<1x16xf32> to vector<16xf32>
            %sub3A_2215 = vector.broadcast %mul3A_27 : i32 to vector<16xi32>
            %sub3A_2216 = arith.subi %get3A_2210, %sub3A_2215 : vector<16xi32>
            %ge3A_2217 = vector.broadcast %mul3A_27 : i32 to vector<16xi32>
            %ge3A_2218 = arith.cmpi sge, %get3A_2210, %ge3A_2217 : vector<16xi32>
            %lt3A_2219 = arith.constant 1605632 : i32
            %lt3A_2220 = vector.broadcast %lt3A_2219 : i32 to vector<16xi32>
            %lt3A_2221 = arith.cmpi slt, %sub3A_2216, %lt3A_2220 : vector<16xi32>
            %and3A_2222 = arith.andi %ge3A_2218, %lt3A_2221 : vector<16xi1>
            %mul3A_2223 = arith.constant 112 : i32
            %mul3A_2224 = arith.muli %add3A_2006, %mul3A_2223 : i32
            %add3A_2225 = arith.constant 80 : i32
            %add3A_2226 = arith.addi %mul3A_2224, %add3A_2225 : i32
            %shift_right_logical3A_2227 = arith.constant 7 : i32
            %shift_right_logical3A_2228 = arith.shrui %add3A_2226, %shift_right_logical3A_2227 : i32
            %and3A_2229 = arith.constant 127 : i32
            %and3A_2230 = arith.andi %add3A_2226, %and3A_2229 : i32
            %shift_right_logical3A_2231 = arith.constant 2 : i32
            %shift_right_logical3A_2232 = vector.broadcast %shift_right_logical3A_2231 : i32 to vector<16xi32>
            %shift_right_logical3A_2233 = arith.shrui %get3A_2210, %shift_right_logical3A_2232 : vector<16xi32>
            %select_n3A_2234 = arith.select %and3A_2222, %sub3A_2216, %shift_right_logical3A_2233 : vector<16xi1>, vector<16xi32>
            %swap3A_2235 = arith.index_cast %shift_right_logical3A_2228 : i32 to index
            %swap3A_2236 = arith.index_cast %and3A_2230 : i32 to index
            %swap3A_2237 = tpu.vector_load %arg9[%swap3A_2235, %swap3A_2236] {strides = array<i32>} : memref<21x128xi32, #tpu.memory_space<vmem>>, vector<1x16xi32>,
            %swap3A_2238 = vector.shape_cast %swap3A_2237 : vector<1x16xi32> to vector<16xi32>
            %swap3A_2239 = vector.shape_cast %select_n3A_2234 : vector<16xi32> to vector<1x16xi32>
            tpu.vector_store %arg9[%swap3A_2235, %swap3A_2236], %swap3A_2239 {strides = array<i32>} : memref<21x128xi32, #tpu.memory_space<vmem>>, vector<1x16xi32>,
            %jit3A_2240 = arith.constant 0.000000e+00 : f32
            %broadcast_in_dim3A_2241 = vector.broadcast %jit3A_2240 : f32 to vector<16xf32>
            %select_n3A_2242 = arith.select %and3A_2222, %get3A_2214, %broadcast_in_dim3A_2241 : vector<16xi1>, vector<16xf32>
            %swap3A_2243 = arith.index_cast %shift_right_logical3A_2228 : i32 to index
            %swap3A_2244 = arith.index_cast %and3A_2230 : i32 to index
            %swap3A_2245 = tpu.vector_load %arg10[%swap3A_2243, %swap3A_2244] {strides = array<i32>} : memref<21x128xf32, #tpu.memory_space<vmem>>, vector<1x16xf32>,
            %swap3A_2246 = vector.shape_cast %swap3A_2245 : vector<1x16xf32> to vector<16xf32>
            %swap3A_2247 = vector.shape_cast %select_n3A_2242 : vector<16xf32> to vector<1x16xf32>
            tpu.vector_store %arg10[%swap3A_2243, %swap3A_2244], %swap3A_2247 {strides = array<i32>} : memref<21x128xf32, #tpu.memory_space<vmem>>, vector<1x16xf32>,
            %get3A_2248 = arith.index_cast %add3A_2006 : i32 to index
            %get3A_2249 = arith.constant 96 : index
            %get3A_2250 = tpu.vector_load %arg5[%get3A_2248, %get3A_2249] {strides = array<i32>} : memref<24x112xi32, #tpu.memory_space<vmem>>, vector<1x16xi32>,
            %get3A_2251 = vector.shape_cast %get3A_2250 : vector<1x16xi32> to vector<16xi32>
            %get3A_2252 = arith.index_cast %add3A_2006 : i32 to index
            %get3A_2253 = arith.constant 96 : index
            %get3A_2254 = tpu.vector_load %arg6[%get3A_2252, %get3A_2253] {strides = array<i32>} : memref<24x112xf32, #tpu.memory_space<vmem>>, vector<1x16xf32>,
            %get3A_2255 = vector.shape_cast %get3A_2254 : vector<1x16xf32> to vector<16xf32>
            %sub3A_2256 = vector.broadcast %mul3A_27 : i32 to vector<16xi32>
            %sub3A_2257 = arith.subi %get3A_2251, %sub3A_2256 : vector<16xi32>
            %ge3A_2258 = vector.broadcast %mul3A_27 : i32 to vector<16xi32>
            %ge3A_2259 = arith.cmpi sge, %get3A_2251, %ge3A_2258 : vector<16xi32>
            %lt3A_2260 = arith.constant 1605632 : i32
            %lt3A_2261 = vector.broadcast %lt3A_2260 : i32 to vector<16xi32>
            %lt3A_2262 = arith.cmpi slt, %sub3A_2257, %lt3A_2261 : vector<16xi32>
            %and3A_2263 = arith.andi %ge3A_2259, %lt3A_2262 : vector<16xi1>
            %mul3A_2264 = arith.constant 112 : i32
            %mul3A_2265 = arith.muli %add3A_2006, %mul3A_2264 : i32
            %add3A_2266 = arith.constant 96 : i32
            %add3A_2267 = arith.addi %mul3A_2265, %add3A_2266 : i32
            %shift_right_logical3A_2268 = arith.constant 7 : i32
            %shift_right_logical3A_2269 = arith.shrui %add3A_2267, %shift_right_logical3A_2268 : i32
            %and3A_2270 = arith.constant 127 : i32
            %and3A_2271 = arith.andi %add3A_2267, %and3A_2270 : i32
            %shift_right_logical3A_2272 = arith.constant 2 : i32
            %shift_right_logical3A_2273 = vector.broadcast %shift_right_logical3A_2272 : i32 to vector<16xi32>
            %shift_right_logical3A_2274 = arith.shrui %get3A_2251, %shift_right_logical3A_2273 : vector<16xi32>
            %select_n3A_2275 = arith.select %and3A_2263, %sub3A_2257, %shift_right_logical3A_2274 : vector<16xi1>, vector<16xi32>
            %swap3A_2276 = arith.index_cast %shift_right_logical3A_2269 : i32 to index
            %swap3A_2277 = arith.index_cast %and3A_2271 : i32 to index
            %swap3A_2278 = tpu.vector_load %arg9[%swap3A_2276, %swap3A_2277] {strides = array<i32>} : memref<21x128xi32, #tpu.memory_space<vmem>>, vector<1x16xi32>,
            %swap3A_2279 = vector.shape_cast %swap3A_2278 : vector<1x16xi32> to vector<16xi32>
            %swap3A_2280 = vector.shape_cast %select_n3A_2275 : vector<16xi32> to vector<1x16xi32>
            tpu.vector_store %arg9[%swap3A_2276, %swap3A_2277], %swap3A_2280 {strides = array<i32>} : memref<21x128xi32, #tpu.memory_space<vmem>>, vector<1x16xi32>,
            %jit3A_2281 = arith.constant 0.000000e+00 : f32
            %broadcast_in_dim3A_2282 = vector.broadcast %jit3A_2281 : f32 to vector<16xf32>
            %select_n3A_2283 = arith.select %and3A_2263, %get3A_2255, %broadcast_in_dim3A_2282 : vector<16xi1>, vector<16xf32>
            %swap3A_2284 = arith.index_cast %shift_right_logical3A_2269 : i32 to index
            %swap3A_2285 = arith.index_cast %and3A_2271 : i32 to index
            %swap3A_2286 = tpu.vector_load %arg10[%swap3A_2284, %swap3A_2285] {strides = array<i32>} : memref<21x128xf32, #tpu.memory_space<vmem>>, vector<1x16xf32>,
            %swap3A_2287 = vector.shape_cast %swap3A_2286 : vector<1x16xf32> to vector<16xf32>
            %swap3A_2288 = vector.shape_cast %select_n3A_2283 : vector<16xf32> to vector<1x16xf32>
            tpu.vector_store %arg10[%swap3A_2284, %swap3A_2285], %swap3A_2288 {strides = array<i32>} : memref<21x128xf32, #tpu.memory_space<vmem>>, vector<1x16xf32>,
          }
          %scan3A_1282 = arith.constant 24 : i32
          %dma_start3A_1283 = arith.constant 0 : i32
          %dma_start3A_1284 = arith.constant 0 : i32
          %dma_start3A_1285 = arith.constant 0 : i32
          %dma_start3A_1286 = tpu.memref_slice %arg10[%dma_start3A_1283, %dma_start3A_1285] : memref<21x128xf32, #tpu.memory_space<vmem>> -> memref<1x128xf32, #tpu.memory_space<vmem>>
          %dma_start3A_1287 = tpu.memref_squeeze %dma_start3A_1286 : memref<1x128xf32, #tpu.memory_space<vmem>> -> memref<128xf32, #tpu.memory_space<vmem>>
          %dma_start3A_1288 = arith.constant 0 : i32
          %dma_start3A_1289 = tpu.memref_slice %arg9[%dma_start3A_1284, %dma_start3A_1288] : memref<21x128xi32, #tpu.memory_space<vmem>> -> memref<1x128xi32, #tpu.memory_space<vmem>>
          %dma_start3A_1290 = tpu.memref_squeeze %dma_start3A_1289 : memref<1x128xi32, #tpu.memory_space<vmem>> -> memref<128xi32, #tpu.memory_space<vmem>>
          %dma_start3A_1291 = arith.constant 0 : i32
          %dma_start3A_1292 = tpu.memref_slice %arg14[%dma_start3A_1291] : memref<1605632xf32, #tpu.memory_space<vmem_shared>> -> memref<1605632xf32, #tpu.memory_space<vmem_shared>>
          tpu.enqueue_indirect_dma source(%dma_start3A_1287 : memref<128xf32, #tpu.memory_space<vmem>>) target(%dma_start3A_1292 : memref<1605632xf32, #tpu.memory_space<vmem_shared>>) offsets(%dma_start3A_1290 : memref<128xi32, #tpu.memory_space<vmem>>) semaphore(%arg17 : memref<!tpu.dma_semaphore, #tpu.memory_space<semaphore_mem>>) {add = true}
          %dma_start3A_1293 = arith.constant 1 : i32
          %dma_start3A_1294 = arith.constant 1 : i32
          %dma_start3A_1295 = arith.constant 0 : i32
          %dma_start3A_1296 = tpu.memref_slice %arg10[%dma_start3A_1293, %dma_start3A_1295] : memref<21x128xf32, #tpu.memory_space<vmem>> -> memref<1x128xf32, #tpu.memory_space<vmem>>
          %dma_start3A_1297 = tpu.memref_squeeze %dma_start3A_1296 : memref<1x128xf32, #tpu.memory_space<vmem>> -> memref<128xf32, #tpu.memory_space<vmem>>
          %dma_start3A_1298 = arith.constant 0 : i32
          %dma_start3A_1299 = tpu.memref_slice %arg9[%dma_start3A_1294, %dma_start3A_1298] : memref<21x128xi32, #tpu.memory_space<vmem>> -> memref<1x128xi32, #tpu.memory_space<vmem>>
          %dma_start3A_1300 = tpu.memref_squeeze %dma_start3A_1299 : memref<1x128xi32, #tpu.memory_space<vmem>> -> memref<128xi32, #tpu.memory_space<vmem>>
          %dma_start3A_1301 = arith.constant 0 : i32
          %dma_start3A_1302 = tpu.memref_slice %arg14[%dma_start3A_1301] : memref<1605632xf32, #tpu.memory_space<vmem_shared>> -> memref<1605632xf32, #tpu.memory_space<vmem_shared>>
          tpu.enqueue_indirect_dma source(%dma_start3A_1297 : memref<128xf32, #tpu.memory_space<vmem>>) target(%dma_start3A_1302 : memref<1605632xf32, #tpu.memory_space<vmem_shared>>) offsets(%dma_start3A_1300 : memref<128xi32, #tpu.memory_space<vmem>>) semaphore(%arg17 : memref<!tpu.dma_semaphore, #tpu.memory_space<semaphore_mem>>) {add = true}
          %dma_start3A_1303 = arith.constant 2 : i32
          %dma_start3A_1304 = arith.constant 2 : i32
          %dma_start3A_1305 = arith.constant 0 : i32
          %dma_start3A_1306 = tpu.memref_slice %arg10[%dma_start3A_1303, %dma_start3A_1305] : memref<21x128xf32, #tpu.memory_space<vmem>> -> memref<1x128xf32, #tpu.memory_space<vmem>>
          %dma_start3A_1307 = tpu.memref_squeeze %dma_start3A_1306 : memref<1x128xf32, #tpu.memory_space<vmem>> -> memref<128xf32, #tpu.memory_space<vmem>>
          %dma_start3A_1308 = arith.constant 0 : i32
          %dma_start3A_1309 = tpu.memref_slice %arg9[%dma_start3A_1304, %dma_start3A_1308] : memref<21x128xi32, #tpu.memory_space<vmem>> -> memref<1x128xi32, #tpu.memory_space<vmem>>
          %dma_start3A_1310 = tpu.memref_squeeze %dma_start3A_1309 : memref<1x128xi32, #tpu.memory_space<vmem>> -> memref<128xi32, #tpu.memory_space<vmem>>
          %dma_start3A_1311 = arith.constant 0 : i32
          %dma_start3A_1312 = tpu.memref_slice %arg14[%dma_start3A_1311] : memref<1605632xf32, #tpu.memory_space<vmem_shared>> -> memref<1605632xf32, #tpu.memory_space<vmem_shared>>
          tpu.enqueue_indirect_dma source(%dma_start3A_1307 : memref<128xf32, #tpu.memory_space<vmem>>) target(%dma_start3A_1312 : memref<1605632xf32, #tpu.memory_space<vmem_shared>>) offsets(%dma_start3A_1310 : memref<128xi32, #tpu.memory_space<vmem>>) semaphore(%arg17 : memref<!tpu.dma_semaphore, #tpu.memory_space<semaphore_mem>>) {add = true}
          %dma_start3A_1313 = arith.constant 3 : i32
          %dma_start3A_1314 = arith.constant 3 : i32
          %dma_start3A_1315 = arith.constant 0 : i32
          %dma_start3A_1316 = tpu.memref_slice %arg10[%dma_start3A_1313, %dma_start3A_1315] : memref<21x128xf32, #tpu.memory_space<vmem>> -> memref<1x128xf32, #tpu.memory_space<vmem>>
          %dma_start3A_1317 = tpu.memref_squeeze %dma_start3A_1316 : memref<1x128xf32, #tpu.memory_space<vmem>> -> memref<128xf32, #tpu.memory_space<vmem>>
          %dma_start3A_1318 = arith.constant 0 : i32
          %dma_start3A_1319 = tpu.memref_slice %arg9[%dma_start3A_1314, %dma_start3A_1318] : memref<21x128xi32, #tpu.memory_space<vmem>> -> memref<1x128xi32, #tpu.memory_space<vmem>>
          %dma_start3A_1320 = tpu.memref_squeeze %dma_start3A_1319 : memref<1x128xi32, #tpu.memory_space<vmem>> -> memref<128xi32, #tpu.memory_space<vmem>>
          %dma_start3A_1321 = arith.constant 0 : i32
          %dma_start3A_1322 = tpu.memref_slice %arg14[%dma_start3A_1321] : memref<1605632xf32, #tpu.memory_space<vmem_shared>> -> memref<1605632xf32, #tpu.memory_space<vmem_shared>>
          tpu.enqueue_indirect_dma source(%dma_start3A_1317 : memref<128xf32, #tpu.memory_space<vmem>>) target(%dma_start3A_1322 : memref<1605632xf32, #tpu.memory_space<vmem_shared>>) offsets(%dma_start3A_1320 : memref<128xi32, #tpu.memory_space<vmem>>) semaphore(%arg17 : memref<!tpu.dma_semaphore, #tpu.memory_space<semaphore_mem>>) {add = true}
          %dma_start3A_1323 = arith.constant 4 : i32
          %dma_start3A_1324 = arith.constant 4 : i32
          %dma_start3A_1325 = arith.constant 0 : i32
          %dma_start3A_1326 = tpu.memref_slice %arg10[%dma_start3A_1323, %dma_start3A_1325] : memref<21x128xf32, #tpu.memory_space<vmem>> -> memref<1x128xf32, #tpu.memory_space<vmem>>
          %dma_start3A_1327 = tpu.memref_squeeze %dma_start3A_1326 : memref<1x128xf32, #tpu.memory_space<vmem>> -> memref<128xf32, #tpu.memory_space<vmem>>
          %dma_start3A_1328 = arith.constant 0 : i32
          %dma_start3A_1329 = tpu.memref_slice %arg9[%dma_start3A_1324, %dma_start3A_1328] : memref<21x128xi32, #tpu.memory_space<vmem>> -> memref<1x128xi32, #tpu.memory_space<vmem>>
          %dma_start3A_1330 = tpu.memref_squeeze %dma_start3A_1329 : memref<1x128xi32, #tpu.memory_space<vmem>> -> memref<128xi32, #tpu.memory_space<vmem>>
          %dma_start3A_1331 = arith.constant 0 : i32
          %dma_start3A_1332 = tpu.memref_slice %arg14[%dma_start3A_1331] : memref<1605632xf32, #tpu.memory_space<vmem_shared>> -> memref<1605632xf32, #tpu.memory_space<vmem_shared>>
          tpu.enqueue_indirect_dma source(%dma_start3A_1327 : memref<128xf32, #tpu.memory_space<vmem>>) target(%dma_start3A_1332 : memref<1605632xf32, #tpu.memory_space<vmem_shared>>) offsets(%dma_start3A_1330 : memref<128xi32, #tpu.memory_space<vmem>>) semaphore(%arg17 : memref<!tpu.dma_semaphore, #tpu.memory_space<semaphore_mem>>) {add = true}
          %dma_start3A_1333 = arith.constant 5 : i32
          %dma_start3A_1334 = arith.constant 5 : i32
          %dma_start3A_1335 = arith.constant 0 : i32
          %dma_start3A_1336 = tpu.memref_slice %arg10[%dma_start3A_1333, %dma_start3A_1335] : memref<21x128xf32, #tpu.memory_space<vmem>> -> memref<1x128xf32, #tpu.memory_space<vmem>>
          %dma_start3A_1337 = tpu.memref_squeeze %dma_start3A_1336 : memref<1x128xf32, #tpu.memory_space<vmem>> -> memref<128xf32, #tpu.memory_space<vmem>>
          %dma_start3A_1338 = arith.constant 0 : i32
          %dma_start3A_1339 = tpu.memref_slice %arg9[%dma_start3A_1334, %dma_start3A_1338] : memref<21x128xi32, #tpu.memory_space<vmem>> -> memref<1x128xi32, #tpu.memory_space<vmem>>
          %dma_start3A_1340 = tpu.memref_squeeze %dma_start3A_1339 : memref<1x128xi32, #tpu.memory_space<vmem>> -> memref<128xi32, #tpu.memory_space<vmem>>
          %dma_start3A_1341 = arith.constant 0 : i32
          %dma_start3A_1342 = tpu.memref_slice %arg14[%dma_start3A_1341] : memref<1605632xf32, #tpu.memory_space<vmem_shared>> -> memref<1605632xf32, #tpu.memory_space<vmem_shared>>
          tpu.enqueue_indirect_dma source(%dma_start3A_1337 : memref<128xf32, #tpu.memory_space<vmem>>) target(%dma_start3A_1342 : memref<1605632xf32, #tpu.memory_space<vmem_shared>>) offsets(%dma_start3A_1340 : memref<128xi32, #tpu.memory_space<vmem>>) semaphore(%arg17 : memref<!tpu.dma_semaphore, #tpu.memory_space<semaphore_mem>>) {add = true}
          %dma_start3A_1343 = arith.constant 6 : i32
          %dma_start3A_1344 = arith.constant 6 : i32
          %dma_start3A_1345 = arith.constant 0 : i32
          %dma_start3A_1346 = tpu.memref_slice %arg10[%dma_start3A_1343, %dma_start3A_1345] : memref<21x128xf32, #tpu.memory_space<vmem>> -> memref<1x128xf32, #tpu.memory_space<vmem>>
          %dma_start3A_1347 = tpu.memref_squeeze %dma_start3A_1346 : memref<1x128xf32, #tpu.memory_space<vmem>> -> memref<128xf32, #tpu.memory_space<vmem>>
          %dma_start3A_1348 = arith.constant 0 : i32
          %dma_start3A_1349 = tpu.memref_slice %arg9[%dma_start3A_1344, %dma_start3A_1348] : memref<21x128xi32, #tpu.memory_space<vmem>> -> memref<1x128xi32, #tpu.memory_space<vmem>>
          %dma_start3A_1350 = tpu.memref_squeeze %dma_start3A_1349 : memref<1x128xi32, #tpu.memory_space<vmem>> -> memref<128xi32, #tpu.memory_space<vmem>>
          %dma_start3A_1351 = arith.constant 0 : i32
          %dma_start3A_1352 = tpu.memref_slice %arg14[%dma_start3A_1351] : memref<1605632xf32, #tpu.memory_space<vmem_shared>> -> memref<1605632xf32, #tpu.memory_space<vmem_shared>>
          tpu.enqueue_indirect_dma source(%dma_start3A_1347 : memref<128xf32, #tpu.memory_space<vmem>>) target(%dma_start3A_1352 : memref<1605632xf32, #tpu.memory_space<vmem_shared>>) offsets(%dma_start3A_1350 : memref<128xi32, #tpu.memory_space<vmem>>) semaphore(%arg17 : memref<!tpu.dma_semaphore, #tpu.memory_space<semaphore_mem>>) {add = true}
          %dma_start3A_1353 = arith.constant 7 : i32
          %dma_start3A_1354 = arith.constant 7 : i32
          %dma_start3A_1355 = arith.constant 0 : i32
          %dma_start3A_1356 = tpu.memref_slice %arg10[%dma_start3A_1353, %dma_start3A_1355] : memref<21x128xf32, #tpu.memory_space<vmem>> -> memref<1x128xf32, #tpu.memory_space<vmem>>
          %dma_start3A_1357 = tpu.memref_squeeze %dma_start3A_1356 : memref<1x128xf32, #tpu.memory_space<vmem>> -> memref<128xf32, #tpu.memory_space<vmem>>
          %dma_start3A_1358 = arith.constant 0 : i32
          %dma_start3A_1359 = tpu.memref_slice %arg9[%dma_start3A_1354, %dma_start3A_1358] : memref<21x128xi32, #tpu.memory_space<vmem>> -> memref<1x128xi32, #tpu.memory_space<vmem>>
          %dma_start3A_1360 = tpu.memref_squeeze %dma_start3A_1359 : memref<1x128xi32, #tpu.memory_space<vmem>> -> memref<128xi32, #tpu.memory_space<vmem>>
          %dma_start3A_1361 = arith.constant 0 : i32
          %dma_start3A_1362 = tpu.memref_slice %arg14[%dma_start3A_1361] : memref<1605632xf32, #tpu.memory_space<vmem_shared>> -> memref<1605632xf32, #tpu.memory_space<vmem_shared>>
          tpu.enqueue_indirect_dma source(%dma_start3A_1357 : memref<128xf32, #tpu.memory_space<vmem>>) target(%dma_start3A_1362 : memref<1605632xf32, #tpu.memory_space<vmem_shared>>) offsets(%dma_start3A_1360 : memref<128xi32, #tpu.memory_space<vmem>>) semaphore(%arg17 : memref<!tpu.dma_semaphore, #tpu.memory_space<semaphore_mem>>) {add = true}
          %dma_start3A_1363 = arith.constant 8 : i32
          %dma_start3A_1364 = arith.constant 8 : i32
          %dma_start3A_1365 = arith.constant 0 : i32
          %dma_start3A_1366 = tpu.memref_slice %arg10[%dma_start3A_1363, %dma_start3A_1365] : memref<21x128xf32, #tpu.memory_space<vmem>> -> memref<1x128xf32, #tpu.memory_space<vmem>>
          %dma_start3A_1367 = tpu.memref_squeeze %dma_start3A_1366 : memref<1x128xf32, #tpu.memory_space<vmem>> -> memref<128xf32, #tpu.memory_space<vmem>>
          %dma_start3A_1368 = arith.constant 0 : i32
          %dma_start3A_1369 = tpu.memref_slice %arg9[%dma_start3A_1364, %dma_start3A_1368] : memref<21x128xi32, #tpu.memory_space<vmem>> -> memref<1x128xi32, #tpu.memory_space<vmem>>
          %dma_start3A_1370 = tpu.memref_squeeze %dma_start3A_1369 : memref<1x128xi32, #tpu.memory_space<vmem>> -> memref<128xi32, #tpu.memory_space<vmem>>
          %dma_start3A_1371 = arith.constant 0 : i32
          %dma_start3A_1372 = tpu.memref_slice %arg14[%dma_start3A_1371] : memref<1605632xf32, #tpu.memory_space<vmem_shared>> -> memref<1605632xf32, #tpu.memory_space<vmem_shared>>
          tpu.enqueue_indirect_dma source(%dma_start3A_1367 : memref<128xf32, #tpu.memory_space<vmem>>) target(%dma_start3A_1372 : memref<1605632xf32, #tpu.memory_space<vmem_shared>>) offsets(%dma_start3A_1370 : memref<128xi32, #tpu.memory_space<vmem>>) semaphore(%arg17 : memref<!tpu.dma_semaphore, #tpu.memory_space<semaphore_mem>>) {add = true}
          %dma_start3A_1373 = arith.constant 9 : i32
          %dma_start3A_1374 = arith.constant 9 : i32
          %dma_start3A_1375 = arith.constant 0 : i32
          %dma_start3A_1376 = tpu.memref_slice %arg10[%dma_start3A_1373, %dma_start3A_1375] : memref<21x128xf32, #tpu.memory_space<vmem>> -> memref<1x128xf32, #tpu.memory_space<vmem>>
          %dma_start3A_1377 = tpu.memref_squeeze %dma_start3A_1376 : memref<1x128xf32, #tpu.memory_space<vmem>> -> memref<128xf32, #tpu.memory_space<vmem>>
          %dma_start3A_1378 = arith.constant 0 : i32
          %dma_start3A_1379 = tpu.memref_slice %arg9[%dma_start3A_1374, %dma_start3A_1378] : memref<21x128xi32, #tpu.memory_space<vmem>> -> memref<1x128xi32, #tpu.memory_space<vmem>>
          %dma_start3A_1380 = tpu.memref_squeeze %dma_start3A_1379 : memref<1x128xi32, #tpu.memory_space<vmem>> -> memref<128xi32, #tpu.memory_space<vmem>>
          %dma_start3A_1381 = arith.constant 0 : i32
          %dma_start3A_1382 = tpu.memref_slice %arg14[%dma_start3A_1381] : memref<1605632xf32, #tpu.memory_space<vmem_shared>> -> memref<1605632xf32, #tpu.memory_space<vmem_shared>>
          tpu.enqueue_indirect_dma source(%dma_start3A_1377 : memref<128xf32, #tpu.memory_space<vmem>>) target(%dma_start3A_1382 : memref<1605632xf32, #tpu.memory_space<vmem_shared>>) offsets(%dma_start3A_1380 : memref<128xi32, #tpu.memory_space<vmem>>) semaphore(%arg17 : memref<!tpu.dma_semaphore, #tpu.memory_space<semaphore_mem>>) {add = true}
          %dma_start3A_1383 = arith.constant 10 : i32
          %dma_start3A_1384 = arith.constant 10 : i32
          %dma_start3A_1385 = arith.constant 0 : i32
          %dma_start3A_1386 = tpu.memref_slice %arg10[%dma_start3A_1383, %dma_start3A_1385] : memref<21x128xf32, #tpu.memory_space<vmem>> -> memref<1x128xf32, #tpu.memory_space<vmem>>
          %dma_start3A_1387 = tpu.memref_squeeze %dma_start3A_1386 : memref<1x128xf32, #tpu.memory_space<vmem>> -> memref<128xf32, #tpu.memory_space<vmem>>
          %dma_start3A_1388 = arith.constant 0 : i32
          %dma_start3A_1389 = tpu.memref_slice %arg9[%dma_start3A_1384, %dma_start3A_1388] : memref<21x128xi32, #tpu.memory_space<vmem>> -> memref<1x128xi32, #tpu.memory_space<vmem>>
          %dma_start3A_1390 = tpu.memref_squeeze %dma_start3A_1389 : memref<1x128xi32, #tpu.memory_space<vmem>> -> memref<128xi32, #tpu.memory_space<vmem>>
          %dma_start3A_1391 = arith.constant 0 : i32
          %dma_start3A_1392 = tpu.memref_slice %arg14[%dma_start3A_1391] : memref<1605632xf32, #tpu.memory_space<vmem_shared>> -> memref<1605632xf32, #tpu.memory_space<vmem_shared>>
          tpu.enqueue_indirect_dma source(%dma_start3A_1387 : memref<128xf32, #tpu.memory_space<vmem>>) target(%dma_start3A_1392 : memref<1605632xf32, #tpu.memory_space<vmem_shared>>) offsets(%dma_start3A_1390 : memref<128xi32, #tpu.memory_space<vmem>>) semaphore(%arg17 : memref<!tpu.dma_semaphore, #tpu.memory_space<semaphore_mem>>) {add = true}
          %dma_start3A_1393 = arith.constant 11 : i32
          %dma_start3A_1394 = arith.constant 11 : i32
          %dma_start3A_1395 = arith.constant 0 : i32
          %dma_start3A_1396 = tpu.memref_slice %arg10[%dma_start3A_1393, %dma_start3A_1395] : memref<21x128xf32, #tpu.memory_space<vmem>> -> memref<1x128xf32, #tpu.memory_space<vmem>>
          %dma_start3A_1397 = tpu.memref_squeeze %dma_start3A_1396 : memref<1x128xf32, #tpu.memory_space<vmem>> -> memref<128xf32, #tpu.memory_space<vmem>>
          %dma_start3A_1398 = arith.constant 0 : i32
          %dma_start3A_1399 = tpu.memref_slice %arg9[%dma_start3A_1394, %dma_start3A_1398] : memref<21x128xi32, #tpu.memory_space<vmem>> -> memref<1x128xi32, #tpu.memory_space<vmem>>
          %dma_start3A_1400 = tpu.memref_squeeze %dma_start3A_1399 : memref<1x128xi32, #tpu.memory_space<vmem>> -> memref<128xi32, #tpu.memory_space<vmem>>
          %dma_start3A_1401 = arith.constant 0 : i32
          %dma_start3A_1402 = tpu.memref_slice %arg14[%dma_start3A_1401] : memref<1605632xf32, #tpu.memory_space<vmem_shared>> -> memref<1605632xf32, #tpu.memory_space<vmem_shared>>
          tpu.enqueue_indirect_dma source(%dma_start3A_1397 : memref<128xf32, #tpu.memory_space<vmem>>) target(%dma_start3A_1402 : memref<1605632xf32, #tpu.memory_space<vmem_shared>>) offsets(%dma_start3A_1400 : memref<128xi32, #tpu.memory_space<vmem>>) semaphore(%arg17 : memref<!tpu.dma_semaphore, #tpu.memory_space<semaphore_mem>>) {add = true}
          %dma_start3A_1403 = arith.constant 12 : i32
          %dma_start3A_1404 = arith.constant 12 : i32
          %dma_start3A_1405 = arith.constant 0 : i32
          %dma_start3A_1406 = tpu.memref_slice %arg10[%dma_start3A_1403, %dma_start3A_1405] : memref<21x128xf32, #tpu.memory_space<vmem>> -> memref<1x128xf32, #tpu.memory_space<vmem>>
          %dma_start3A_1407 = tpu.memref_squeeze %dma_start3A_1406 : memref<1x128xf32, #tpu.memory_space<vmem>> -> memref<128xf32, #tpu.memory_space<vmem>>
          %dma_start3A_1408 = arith.constant 0 : i32
          %dma_start3A_1409 = tpu.memref_slice %arg9[%dma_start3A_1404, %dma_start3A_1408] : memref<21x128xi32, #tpu.memory_space<vmem>> -> memref<1x128xi32, #tpu.memory_space<vmem>>
          %dma_start3A_1410 = tpu.memref_squeeze %dma_start3A_1409 : memref<1x128xi32, #tpu.memory_space<vmem>> -> memref<128xi32, #tpu.memory_space<vmem>>
          %dma_start3A_1411 = arith.constant 0 : i32
          %dma_start3A_1412 = tpu.memref_slice %arg14[%dma_start3A_1411] : memref<1605632xf32, #tpu.memory_space<vmem_shared>> -> memref<1605632xf32, #tpu.memory_space<vmem_shared>>
          tpu.enqueue_indirect_dma source(%dma_start3A_1407 : memref<128xf32, #tpu.memory_space<vmem>>) target(%dma_start3A_1412 : memref<1605632xf32, #tpu.memory_space<vmem_shared>>) offsets(%dma_start3A_1410 : memref<128xi32, #tpu.memory_space<vmem>>) semaphore(%arg17 : memref<!tpu.dma_semaphore, #tpu.memory_space<semaphore_mem>>) {add = true}
          %dma_start3A_1413 = arith.constant 13 : i32
          %dma_start3A_1414 = arith.constant 13 : i32
          %dma_start3A_1415 = arith.constant 0 : i32
          %dma_start3A_1416 = tpu.memref_slice %arg10[%dma_start3A_1413, %dma_start3A_1415] : memref<21x128xf32, #tpu.memory_space<vmem>> -> memref<1x128xf32, #tpu.memory_space<vmem>>
          %dma_start3A_1417 = tpu.memref_squeeze %dma_start3A_1416 : memref<1x128xf32, #tpu.memory_space<vmem>> -> memref<128xf32, #tpu.memory_space<vmem>>
          %dma_start3A_1418 = arith.constant 0 : i32
          %dma_start3A_1419 = tpu.memref_slice %arg9[%dma_start3A_1414, %dma_start3A_1418] : memref<21x128xi32, #tpu.memory_space<vmem>> -> memref<1x128xi32, #tpu.memory_space<vmem>>
          %dma_start3A_1420 = tpu.memref_squeeze %dma_start3A_1419 : memref<1x128xi32, #tpu.memory_space<vmem>> -> memref<128xi32, #tpu.memory_space<vmem>>
          %dma_start3A_1421 = arith.constant 0 : i32
          %dma_start3A_1422 = tpu.memref_slice %arg14[%dma_start3A_1421] : memref<1605632xf32, #tpu.memory_space<vmem_shared>> -> memref<1605632xf32, #tpu.memory_space<vmem_shared>>
          tpu.enqueue_indirect_dma source(%dma_start3A_1417 : memref<128xf32, #tpu.memory_space<vmem>>) target(%dma_start3A_1422 : memref<1605632xf32, #tpu.memory_space<vmem_shared>>) offsets(%dma_start3A_1420 : memref<128xi32, #tpu.memory_space<vmem>>) semaphore(%arg17 : memref<!tpu.dma_semaphore, #tpu.memory_space<semaphore_mem>>) {add = true}
          %dma_start3A_1423 = arith.constant 14 : i32
          %dma_start3A_1424 = arith.constant 14 : i32
          %dma_start3A_1425 = arith.constant 0 : i32
          %dma_start3A_1426 = tpu.memref_slice %arg10[%dma_start3A_1423, %dma_start3A_1425] : memref<21x128xf32, #tpu.memory_space<vmem>> -> memref<1x128xf32, #tpu.memory_space<vmem>>
          %dma_start3A_1427 = tpu.memref_squeeze %dma_start3A_1426 : memref<1x128xf32, #tpu.memory_space<vmem>> -> memref<128xf32, #tpu.memory_space<vmem>>
          %dma_start3A_1428 = arith.constant 0 : i32
          %dma_start3A_1429 = tpu.memref_slice %arg9[%dma_start3A_1424, %dma_start3A_1428] : memref<21x128xi32, #tpu.memory_space<vmem>> -> memref<1x128xi32, #tpu.memory_space<vmem>>
          %dma_start3A_1430 = tpu.memref_squeeze %dma_start3A_1429 : memref<1x128xi32, #tpu.memory_space<vmem>> -> memref<128xi32, #tpu.memory_space<vmem>>
          %dma_start3A_1431 = arith.constant 0 : i32
          %dma_start3A_1432 = tpu.memref_slice %arg14[%dma_start3A_1431] : memref<1605632xf32, #tpu.memory_space<vmem_shared>> -> memref<1605632xf32, #tpu.memory_space<vmem_shared>>
          tpu.enqueue_indirect_dma source(%dma_start3A_1427 : memref<128xf32, #tpu.memory_space<vmem>>) target(%dma_start3A_1432 : memref<1605632xf32, #tpu.memory_space<vmem_shared>>) offsets(%dma_start3A_1430 : memref<128xi32, #tpu.memory_space<vmem>>) semaphore(%arg17 : memref<!tpu.dma_semaphore, #tpu.memory_space<semaphore_mem>>) {add = true}
          %dma_start3A_1433 = arith.constant 15 : i32
          %dma_start3A_1434 = arith.constant 15 : i32
          %dma_start3A_1435 = arith.constant 0 : i32
          %dma_start3A_1436 = tpu.memref_slice %arg10[%dma_start3A_1433, %dma_start3A_1435] : memref<21x128xf32, #tpu.memory_space<vmem>> -> memref<1x128xf32, #tpu.memory_space<vmem>>
          %dma_start3A_1437 = tpu.memref_squeeze %dma_start3A_1436 : memref<1x128xf32, #tpu.memory_space<vmem>> -> memref<128xf32, #tpu.memory_space<vmem>>
          %dma_start3A_1438 = arith.constant 0 : i32
          %dma_start3A_1439 = tpu.memref_slice %arg9[%dma_start3A_1434, %dma_start3A_1438] : memref<21x128xi32, #tpu.memory_space<vmem>> -> memref<1x128xi32, #tpu.memory_space<vmem>>
          %dma_start3A_1440 = tpu.memref_squeeze %dma_start3A_1439 : memref<1x128xi32, #tpu.memory_space<vmem>> -> memref<128xi32, #tpu.memory_space<vmem>>
          %dma_start3A_1441 = arith.constant 0 : i32
          %dma_start3A_1442 = tpu.memref_slice %arg14[%dma_start3A_1441] : memref<1605632xf32, #tpu.memory_space<vmem_shared>> -> memref<1605632xf32, #tpu.memory_space<vmem_shared>>
          tpu.enqueue_indirect_dma source(%dma_start3A_1437 : memref<128xf32, #tpu.memory_space<vmem>>) target(%dma_start3A_1442 : memref<1605632xf32, #tpu.memory_space<vmem_shared>>) offsets(%dma_start3A_1440 : memref<128xi32, #tpu.memory_space<vmem>>) semaphore(%arg17 : memref<!tpu.dma_semaphore, #tpu.memory_space<semaphore_mem>>) {add = true}
          %dma_start3A_1443 = arith.constant 16 : i32
          %dma_start3A_1444 = arith.constant 16 : i32
          %dma_start3A_1445 = arith.constant 0 : i32
          %dma_start3A_1446 = tpu.memref_slice %arg10[%dma_start3A_1443, %dma_start3A_1445] : memref<21x128xf32, #tpu.memory_space<vmem>> -> memref<1x128xf32, #tpu.memory_space<vmem>>
          %dma_start3A_1447 = tpu.memref_squeeze %dma_start3A_1446 : memref<1x128xf32, #tpu.memory_space<vmem>> -> memref<128xf32, #tpu.memory_space<vmem>>
          %dma_start3A_1448 = arith.constant 0 : i32
          %dma_start3A_1449 = tpu.memref_slice %arg9[%dma_start3A_1444, %dma_start3A_1448] : memref<21x128xi32, #tpu.memory_space<vmem>> -> memref<1x128xi32, #tpu.memory_space<vmem>>
          %dma_start3A_1450 = tpu.memref_squeeze %dma_start3A_1449 : memref<1x128xi32, #tpu.memory_space<vmem>> -> memref<128xi32, #tpu.memory_space<vmem>>
          %dma_start3A_1451 = arith.constant 0 : i32
          %dma_start3A_1452 = tpu.memref_slice %arg14[%dma_start3A_1451] : memref<1605632xf32, #tpu.memory_space<vmem_shared>> -> memref<1605632xf32, #tpu.memory_space<vmem_shared>>
          tpu.enqueue_indirect_dma source(%dma_start3A_1447 : memref<128xf32, #tpu.memory_space<vmem>>) target(%dma_start3A_1452 : memref<1605632xf32, #tpu.memory_space<vmem_shared>>) offsets(%dma_start3A_1450 : memref<128xi32, #tpu.memory_space<vmem>>) semaphore(%arg17 : memref<!tpu.dma_semaphore, #tpu.memory_space<semaphore_mem>>) {add = true}
          %dma_start3A_1453 = arith.constant 17 : i32
          %dma_start3A_1454 = arith.constant 17 : i32
          %dma_start3A_1455 = arith.constant 0 : i32
          %dma_start3A_1456 = tpu.memref_slice %arg10[%dma_start3A_1453, %dma_start3A_1455] : memref<21x128xf32, #tpu.memory_space<vmem>> -> memref<1x128xf32, #tpu.memory_space<vmem>>
          %dma_start3A_1457 = tpu.memref_squeeze %dma_start3A_1456 : memref<1x128xf32, #tpu.memory_space<vmem>> -> memref<128xf32, #tpu.memory_space<vmem>>
          %dma_start3A_1458 = arith.constant 0 : i32
          %dma_start3A_1459 = tpu.memref_slice %arg9[%dma_start3A_1454, %dma_start3A_1458] : memref<21x128xi32, #tpu.memory_space<vmem>> -> memref<1x128xi32, #tpu.memory_space<vmem>>
          %dma_start3A_1460 = tpu.memref_squeeze %dma_start3A_1459 : memref<1x128xi32, #tpu.memory_space<vmem>> -> memref<128xi32, #tpu.memory_space<vmem>>
          %dma_start3A_1461 = arith.constant 0 : i32
          %dma_start3A_1462 = tpu.memref_slice %arg14[%dma_start3A_1461] : memref<1605632xf32, #tpu.memory_space<vmem_shared>> -> memref<1605632xf32, #tpu.memory_space<vmem_shared>>
          tpu.enqueue_indirect_dma source(%dma_start3A_1457 : memref<128xf32, #tpu.memory_space<vmem>>) target(%dma_start3A_1462 : memref<1605632xf32, #tpu.memory_space<vmem_shared>>) offsets(%dma_start3A_1460 : memref<128xi32, #tpu.memory_space<vmem>>) semaphore(%arg17 : memref<!tpu.dma_semaphore, #tpu.memory_space<semaphore_mem>>) {add = true}
          %dma_start3A_1463 = arith.constant 18 : i32
          %dma_start3A_1464 = arith.constant 18 : i32
          %dma_start3A_1465 = arith.constant 0 : i32
          %dma_start3A_1466 = tpu.memref_slice %arg10[%dma_start3A_1463, %dma_start3A_1465] : memref<21x128xf32, #tpu.memory_space<vmem>> -> memref<1x128xf32, #tpu.memory_space<vmem>>
          %dma_start3A_1467 = tpu.memref_squeeze %dma_start3A_1466 : memref<1x128xf32, #tpu.memory_space<vmem>> -> memref<128xf32, #tpu.memory_space<vmem>>
          %dma_start3A_1468 = arith.constant 0 : i32
          %dma_start3A_1469 = tpu.memref_slice %arg9[%dma_start3A_1464, %dma_start3A_1468] : memref<21x128xi32, #tpu.memory_space<vmem>> -> memref<1x128xi32, #tpu.memory_space<vmem>>
          %dma_start3A_1470 = tpu.memref_squeeze %dma_start3A_1469 : memref<1x128xi32, #tpu.memory_space<vmem>> -> memref<128xi32, #tpu.memory_space<vmem>>
          %dma_start3A_1471 = arith.constant 0 : i32
          %dma_start3A_1472 = tpu.memref_slice %arg14[%dma_start3A_1471] : memref<1605632xf32, #tpu.memory_space<vmem_shared>> -> memref<1605632xf32, #tpu.memory_space<vmem_shared>>
          tpu.enqueue_indirect_dma source(%dma_start3A_1467 : memref<128xf32, #tpu.memory_space<vmem>>) target(%dma_start3A_1472 : memref<1605632xf32, #tpu.memory_space<vmem_shared>>) offsets(%dma_start3A_1470 : memref<128xi32, #tpu.memory_space<vmem>>) semaphore(%arg17 : memref<!tpu.dma_semaphore, #tpu.memory_space<semaphore_mem>>) {add = true}
          %dma_start3A_1473 = arith.constant 19 : i32
          %dma_start3A_1474 = arith.constant 19 : i32
          %dma_start3A_1475 = arith.constant 0 : i32
          %dma_start3A_1476 = tpu.memref_slice %arg10[%dma_start3A_1473, %dma_start3A_1475] : memref<21x128xf32, #tpu.memory_space<vmem>> -> memref<1x128xf32, #tpu.memory_space<vmem>>
          %dma_start3A_1477 = tpu.memref_squeeze %dma_start3A_1476 : memref<1x128xf32, #tpu.memory_space<vmem>> -> memref<128xf32, #tpu.memory_space<vmem>>
          %dma_start3A_1478 = arith.constant 0 : i32
          %dma_start3A_1479 = tpu.memref_slice %arg9[%dma_start3A_1474, %dma_start3A_1478] : memref<21x128xi32, #tpu.memory_space<vmem>> -> memref<1x128xi32, #tpu.memory_space<vmem>>
          %dma_start3A_1480 = tpu.memref_squeeze %dma_start3A_1479 : memref<1x128xi32, #tpu.memory_space<vmem>> -> memref<128xi32, #tpu.memory_space<vmem>>
          %dma_start3A_1481 = arith.constant 0 : i32
          %dma_start3A_1482 = tpu.memref_slice %arg14[%dma_start3A_1481] : memref<1605632xf32, #tpu.memory_space<vmem_shared>> -> memref<1605632xf32, #tpu.memory_space<vmem_shared>>
          tpu.enqueue_indirect_dma source(%dma_start3A_1477 : memref<128xf32, #tpu.memory_space<vmem>>) target(%dma_start3A_1482 : memref<1605632xf32, #tpu.memory_space<vmem_shared>>) offsets(%dma_start3A_1480 : memref<128xi32, #tpu.memory_space<vmem>>) semaphore(%arg17 : memref<!tpu.dma_semaphore, #tpu.memory_space<semaphore_mem>>) {add = true}
          %dma_start3A_1483 = arith.constant 20 : i32
          %dma_start3A_1484 = arith.constant 20 : i32
          %dma_start3A_1485 = arith.constant 0 : i32
          %dma_start3A_1486 = tpu.memref_slice %arg10[%dma_start3A_1483, %dma_start3A_1485] : memref<21x128xf32, #tpu.memory_space<vmem>> -> memref<1x128xf32, #tpu.memory_space<vmem>>
          %dma_start3A_1487 = tpu.memref_squeeze %dma_start3A_1486 : memref<1x128xf32, #tpu.memory_space<vmem>> -> memref<128xf32, #tpu.memory_space<vmem>>
          %dma_start3A_1488 = arith.constant 0 : i32
          %dma_start3A_1489 = tpu.memref_slice %arg9[%dma_start3A_1484, %dma_start3A_1488] : memref<21x128xi32, #tpu.memory_space<vmem>> -> memref<1x128xi32, #tpu.memory_space<vmem>>
          %dma_start3A_1490 = tpu.memref_squeeze %dma_start3A_1489 : memref<1x128xi32, #tpu.memory_space<vmem>> -> memref<128xi32, #tpu.memory_space<vmem>>
          %dma_start3A_1491 = arith.constant 0 : i32
          %dma_start3A_1492 = tpu.memref_slice %arg14[%dma_start3A_1491] : memref<1605632xf32, #tpu.memory_space<vmem_shared>> -> memref<1605632xf32, #tpu.memory_space<vmem_shared>>
          tpu.enqueue_indirect_dma source(%dma_start3A_1487 : memref<128xf32, #tpu.memory_space<vmem>>) target(%dma_start3A_1492 : memref<1605632xf32, #tpu.memory_space<vmem_shared>>) offsets(%dma_start3A_1490 : memref<128xi32, #tpu.memory_space<vmem>>) semaphore(%arg17 : memref<!tpu.dma_semaphore, #tpu.memory_space<semaphore_mem>>) {add = true}
          %add3A_1493 = arith.constant 2 : i32
          %add3A_1494 = arith.addi %add3A_1034, %add3A_1493 : i32
          %jit3A = arith.constant 28 : i32
          %eq3A = arith.constant 0 : i32
          %eq3A_1495 = arith.cmpi eq, %jit3A, %eq3A : i32
          %jit3A_1496 = arith.constant 1 : i32
          %select_n3A = arith.select %eq3A_1495, %jit3A_1496, %jit3A : i32
          %rem3A = arith.remsi %add3A_1494, %select_n3A : i32
          %ne3A = arith.constant 0 : i32
          %ne3A_1497 = arith.cmpi ne, %rem3A, %ne3A : i32
          %lt3A = arith.constant 0 : i32
          %lt3A_1498 = arith.cmpi slt, %rem3A, %lt3A : i32
          %lt3A_1499 = arith.constant 0 : i32
          %lt3A_1500 = arith.cmpi slt, %select_n3A, %lt3A_1499 : i32
          %ne3A_1501 = arith.xori %lt3A_1498, %lt3A_1500 : i1
          %and3A = arith.andi %ne3A_1501, %ne3A_1497 : i1
          %add3A_1502 = arith.addi %rem3A, %select_n3A : i32
          %select_n3A_1503 = arith.select %and3A, %add3A_1502, %rem3A : i32
          %mul3A_1504 = arith.constant 24 : i32
          %mul3A_1505 = arith.muli %select_n3A_1503, %mul3A_1504 : i32
          %add3A_1506 = arith.addi %add3A_32, %mul3A_1505 : i32
          %dma_start3A_1507 = arith.constant 0 : i32
          %dma_start3A_1508 = tpu.memref_slice %arg3[%add3A_1506, %dma_start3A_1507] : memref<86016x112xi32, #tpu.memory_space<hbm>> -> memref<24x112xi32, #tpu.memory_space<hbm>>
          %dma_start3A_1509 = arith.constant 0 : i32
          %dma_start3A_1510 = tpu.memref_slice %arg3[%add3A_1506, %dma_start3A_1509] : memref<86016x112xi32, #tpu.memory_space<hbm>> -> memref<24x112xi32, #tpu.memory_space<hbm>>
          tpu.enqueue_dma source(%dma_start3A_1510 : memref<24x112xi32, #tpu.memory_space<hbm>>) target(%arg5 : memref<24x112xi32, #tpu.memory_space<vmem>>) target_semaphore(%arg15 : memref<!tpu.dma_semaphore, #tpu.memory_space<semaphore_mem>>)
          %dma_start3A_1511 = arith.constant 0 : i32
          %dma_start3A_1512 = tpu.memref_slice %arg2[%add3A_1506, %dma_start3A_1511] : memref<86016x112xf32, #tpu.memory_space<hbm>> -> memref<24x112xf32, #tpu.memory_space<hbm>>
          %dma_start3A_1513 = arith.constant 0 : i32
          %dma_start3A_1514 = tpu.memref_slice %arg2[%add3A_1506, %dma_start3A_1513] : memref<86016x112xf32, #tpu.memory_space<hbm>> -> memref<24x112xf32, #tpu.memory_space<hbm>>
          tpu.enqueue_dma source(%dma_start3A_1514 : memref<24x112xf32, #tpu.memory_space<hbm>>) target(%arg6 : memref<24x112xf32, #tpu.memory_space<vmem>>) target_semaphore(%arg15 : memref<!tpu.dma_semaphore, #tpu.memory_space<semaphore_mem>>)
          %dma_wait3A_1515 = arith.constant 0 : i32
          %dma_wait3A_1516 = arith.constant 0 : i32
          %dma_wait3A_1517 = tpu.memref_slice %arg3[%dma_wait3A_1515, %dma_wait3A_1516] : memref<86016x112xi32, #tpu.memory_space<hbm>> -> memref<24x112xi32, #tpu.memory_space<hbm>>
          %dma_wait3A_1518 = arith.constant 0 : i32
          %dma_wait3A_1519 = arith.constant 0 : i32
          %dma_wait3A_1520 = tpu.memref_slice %arg3[%dma_wait3A_1518, %dma_wait3A_1519] : memref<86016x112xi32, #tpu.memory_space<hbm>> -> memref<24x112xi32, #tpu.memory_space<hbm>>
          tpu.wait_dma2 semaphore(%arg16 : memref<!tpu.dma_semaphore, #tpu.memory_space<semaphore_mem>>) src(%dma_wait3A_1520 : memref<24x112xi32, #tpu.memory_space<hbm>>) dst(%arg7 : memref<24x112xi32, #tpu.memory_space<vmem>>)
          %dma_wait3A_1521 = arith.constant 0 : i32
          %dma_wait3A_1522 = arith.constant 0 : i32
          %dma_wait3A_1523 = tpu.memref_slice %arg2[%dma_wait3A_1521, %dma_wait3A_1522] : memref<86016x112xf32, #tpu.memory_space<hbm>> -> memref<24x112xf32, #tpu.memory_space<hbm>>
          %dma_wait3A_1524 = arith.constant 0 : i32
          %dma_wait3A_1525 = arith.constant 0 : i32
          %dma_wait3A_1526 = tpu.memref_slice %arg2[%dma_wait3A_1524, %dma_wait3A_1525] : memref<86016x112xf32, #tpu.memory_space<hbm>> -> memref<24x112xf32, #tpu.memory_space<hbm>>
          tpu.wait_dma2 semaphore(%arg16 : memref<!tpu.dma_semaphore, #tpu.memory_space<semaphore_mem>>) src(%dma_wait3A_1526 : memref<24x112xf32, #tpu.memory_space<hbm>>) dst(%arg8 : memref<24x112xf32, #tpu.memory_space<vmem>>)
          %dma_wait3A_1527 = arith.constant 0 : i32
          %dma_wait3A_1528 = arith.constant 0 : i32
          %dma_wait3A_1529 = tpu.memref_slice %arg12[%dma_wait3A_1527, %dma_wait3A_1528] : memref<21x128xf32, #tpu.memory_space<vmem>> -> memref<1x128xf32, #tpu.memory_space<vmem>>
          %dma_wait3A_1530 = tpu.memref_squeeze %dma_wait3A_1529 : memref<1x128xf32, #tpu.memory_space<vmem>> -> memref<128xf32, #tpu.memory_space<vmem>>
          %dma_wait3A_1531 = arith.constant 0 : i32
          %dma_wait3A_1532 = tpu.memref_slice %arg14[%dma_wait3A_1531] : memref<1605632xf32, #tpu.memory_space<vmem_shared>> -> memref<128xf32, #tpu.memory_space<vmem_shared>>
          %dma_wait3A_1533 = arith.constant 0 : i32
          %dma_wait3A_1534 = tpu.memref_slice %arg14[%dma_wait3A_1533] : memref<1605632xf32, #tpu.memory_space<vmem_shared>> -> memref<128xf32, #tpu.memory_space<vmem_shared>>
          %dma_wait3A_1535 = arith.constant 0 : i32
          %dma_wait3A_1536 = tpu.memref_slice %arg12[%dma_wait3A_1527, %dma_wait3A_1535] : memref<21x128xf32, #tpu.memory_space<vmem>> -> memref<1x128xf32, #tpu.memory_space<vmem>>
          %dma_wait3A_1537 = tpu.memref_squeeze %dma_wait3A_1536 : memref<1x128xf32, #tpu.memory_space<vmem>> -> memref<128xf32, #tpu.memory_space<vmem>>
          tpu.wait_dma2 semaphore(%arg18 : memref<!tpu.dma_semaphore, #tpu.memory_space<semaphore_mem>>) src(%dma_wait3A_1537 : memref<128xf32, #tpu.memory_space<vmem>>) dst(%dma_wait3A_1534 : memref<128xf32, #tpu.memory_space<vmem_shared>>)
          %dma_wait3A_1538 = arith.constant 1 : i32
          %dma_wait3A_1539 = arith.constant 0 : i32
          %dma_wait3A_1540 = tpu.memref_slice %arg12[%dma_wait3A_1538, %dma_wait3A_1539] : memref<21x128xf32, #tpu.memory_space<vmem>> -> memref<1x128xf32, #tpu.memory_space<vmem>>
          %dma_wait3A_1541 = tpu.memref_squeeze %dma_wait3A_1540 : memref<1x128xf32, #tpu.memory_space<vmem>> -> memref<128xf32, #tpu.memory_space<vmem>>
          %dma_wait3A_1542 = arith.constant 0 : i32
          %dma_wait3A_1543 = tpu.memref_slice %arg14[%dma_wait3A_1542] : memref<1605632xf32, #tpu.memory_space<vmem_shared>> -> memref<128xf32, #tpu.memory_space<vmem_shared>>
          %dma_wait3A_1544 = arith.constant 0 : i32
          %dma_wait3A_1545 = tpu.memref_slice %arg14[%dma_wait3A_1544] : memref<1605632xf32, #tpu.memory_space<vmem_shared>> -> memref<128xf32, #tpu.memory_space<vmem_shared>>
          %dma_wait3A_1546 = arith.constant 0 : i32
          %dma_wait3A_1547 = tpu.memref_slice %arg12[%dma_wait3A_1538, %dma_wait3A_1546] : memref<21x128xf32, #tpu.memory_space<vmem>> -> memref<1x128xf32, #tpu.memory_space<vmem>>
          %dma_wait3A_1548 = tpu.memref_squeeze %dma_wait3A_1547 : memref<1x128xf32, #tpu.memory_space<vmem>> -> memref<128xf32, #tpu.memory_space<vmem>>
          tpu.wait_dma2 semaphore(%arg18 : memref<!tpu.dma_semaphore, #tpu.memory_space<semaphore_mem>>) src(%dma_wait3A_1548 : memref<128xf32, #tpu.memory_space<vmem>>) dst(%dma_wait3A_1545 : memref<128xf32, #tpu.memory_space<vmem_shared>>)
          %dma_wait3A_1549 = arith.constant 2 : i32
          %dma_wait3A_1550 = arith.constant 0 : i32
          %dma_wait3A_1551 = tpu.memref_slice %arg12[%dma_wait3A_1549, %dma_wait3A_1550] : memref<21x128xf32, #tpu.memory_space<vmem>> -> memref<1x128xf32, #tpu.memory_space<vmem>>
          %dma_wait3A_1552 = tpu.memref_squeeze %dma_wait3A_1551 : memref<1x128xf32, #tpu.memory_space<vmem>> -> memref<128xf32, #tpu.memory_space<vmem>>
          %dma_wait3A_1553 = arith.constant 0 : i32
          %dma_wait3A_1554 = tpu.memref_slice %arg14[%dma_wait3A_1553] : memref<1605632xf32, #tpu.memory_space<vmem_shared>> -> memref<128xf32, #tpu.memory_space<vmem_shared>>
          %dma_wait3A_1555 = arith.constant 0 : i32
          %dma_wait3A_1556 = tpu.memref_slice %arg14[%dma_wait3A_1555] : memref<1605632xf32, #tpu.memory_space<vmem_shared>> -> memref<128xf32, #tpu.memory_space<vmem_shared>>
          %dma_wait3A_1557 = arith.constant 0 : i32
          %dma_wait3A_1558 = tpu.memref_slice %arg12[%dma_wait3A_1549, %dma_wait3A_1557] : memref<21x128xf32, #tpu.memory_space<vmem>> -> memref<1x128xf32, #tpu.memory_space<vmem>>
          %dma_wait3A_1559 = tpu.memref_squeeze %dma_wait3A_1558 : memref<1x128xf32, #tpu.memory_space<vmem>> -> memref<128xf32, #tpu.memory_space<vmem>>
          tpu.wait_dma2 semaphore(%arg18 : memref<!tpu.dma_semaphore, #tpu.memory_space<semaphore_mem>>) src(%dma_wait3A_1559 : memref<128xf32, #tpu.memory_space<vmem>>) dst(%dma_wait3A_1556 : memref<128xf32, #tpu.memory_space<vmem_shared>>)
          %dma_wait3A_1560 = arith.constant 3 : i32
          %dma_wait3A_1561 = arith.constant 0 : i32
          %dma_wait3A_1562 = tpu.memref_slice %arg12[%dma_wait3A_1560, %dma_wait3A_1561] : memref<21x128xf32, #tpu.memory_space<vmem>> -> memref<1x128xf32, #tpu.memory_space<vmem>>
          %dma_wait3A_1563 = tpu.memref_squeeze %dma_wait3A_1562 : memref<1x128xf32, #tpu.memory_space<vmem>> -> memref<128xf32, #tpu.memory_space<vmem>>
          %dma_wait3A_1564 = arith.constant 0 : i32
          %dma_wait3A_1565 = tpu.memref_slice %arg14[%dma_wait3A_1564] : memref<1605632xf32, #tpu.memory_space<vmem_shared>> -> memref<128xf32, #tpu.memory_space<vmem_shared>>
          %dma_wait3A_1566 = arith.constant 0 : i32
          %dma_wait3A_1567 = tpu.memref_slice %arg14[%dma_wait3A_1566] : memref<1605632xf32, #tpu.memory_space<vmem_shared>> -> memref<128xf32, #tpu.memory_space<vmem_shared>>
          %dma_wait3A_1568 = arith.constant 0 : i32
          %dma_wait3A_1569 = tpu.memref_slice %arg12[%dma_wait3A_1560, %dma_wait3A_1568] : memref<21x128xf32, #tpu.memory_space<vmem>> -> memref<1x128xf32, #tpu.memory_space<vmem>>
          %dma_wait3A_1570 = tpu.memref_squeeze %dma_wait3A_1569 : memref<1x128xf32, #tpu.memory_space<vmem>> -> memref<128xf32, #tpu.memory_space<vmem>>
          tpu.wait_dma2 semaphore(%arg18 : memref<!tpu.dma_semaphore, #tpu.memory_space<semaphore_mem>>) src(%dma_wait3A_1570 : memref<128xf32, #tpu.memory_space<vmem>>) dst(%dma_wait3A_1567 : memref<128xf32, #tpu.memory_space<vmem_shared>>)
          %dma_wait3A_1571 = arith.constant 4 : i32
          %dma_wait3A_1572 = arith.constant 0 : i32
          %dma_wait3A_1573 = tpu.memref_slice %arg12[%dma_wait3A_1571, %dma_wait3A_1572] : memref<21x128xf32, #tpu.memory_space<vmem>> -> memref<1x128xf32, #tpu.memory_space<vmem>>
          %dma_wait3A_1574 = tpu.memref_squeeze %dma_wait3A_1573 : memref<1x128xf32, #tpu.memory_space<vmem>> -> memref<128xf32, #tpu.memory_space<vmem>>
          %dma_wait3A_1575 = arith.constant 0 : i32
          %dma_wait3A_1576 = tpu.memref_slice %arg14[%dma_wait3A_1575] : memref<1605632xf32, #tpu.memory_space<vmem_shared>> -> memref<128xf32, #tpu.memory_space<vmem_shared>>
          %dma_wait3A_1577 = arith.constant 0 : i32
          %dma_wait3A_1578 = tpu.memref_slice %arg14[%dma_wait3A_1577] : memref<1605632xf32, #tpu.memory_space<vmem_shared>> -> memref<128xf32, #tpu.memory_space<vmem_shared>>
          %dma_wait3A_1579 = arith.constant 0 : i32
          %dma_wait3A_1580 = tpu.memref_slice %arg12[%dma_wait3A_1571, %dma_wait3A_1579] : memref<21x128xf32, #tpu.memory_space<vmem>> -> memref<1x128xf32, #tpu.memory_space<vmem>>
          %dma_wait3A_1581 = tpu.memref_squeeze %dma_wait3A_1580 : memref<1x128xf32, #tpu.memory_space<vmem>> -> memref<128xf32, #tpu.memory_space<vmem>>
          tpu.wait_dma2 semaphore(%arg18 : memref<!tpu.dma_semaphore, #tpu.memory_space<semaphore_mem>>) src(%dma_wait3A_1581 : memref<128xf32, #tpu.memory_space<vmem>>) dst(%dma_wait3A_1578 : memref<128xf32, #tpu.memory_space<vmem_shared>>)
          %dma_wait3A_1582 = arith.constant 5 : i32
          %dma_wait3A_1583 = arith.constant 0 : i32
          %dma_wait3A_1584 = tpu.memref_slice %arg12[%dma_wait3A_1582, %dma_wait3A_1583] : memref<21x128xf32, #tpu.memory_space<vmem>> -> memref<1x128xf32, #tpu.memory_space<vmem>>
          %dma_wait3A_1585 = tpu.memref_squeeze %dma_wait3A_1584 : memref<1x128xf32, #tpu.memory_space<vmem>> -> memref<128xf32, #tpu.memory_space<vmem>>
          %dma_wait3A_1586 = arith.constant 0 : i32
          %dma_wait3A_1587 = tpu.memref_slice %arg14[%dma_wait3A_1586] : memref<1605632xf32, #tpu.memory_space<vmem_shared>> -> memref<128xf32, #tpu.memory_space<vmem_shared>>
          %dma_wait3A_1588 = arith.constant 0 : i32
          %dma_wait3A_1589 = tpu.memref_slice %arg14[%dma_wait3A_1588] : memref<1605632xf32, #tpu.memory_space<vmem_shared>> -> memref<128xf32, #tpu.memory_space<vmem_shared>>
          %dma_wait3A_1590 = arith.constant 0 : i32
          %dma_wait3A_1591 = tpu.memref_slice %arg12[%dma_wait3A_1582, %dma_wait3A_1590] : memref<21x128xf32, #tpu.memory_space<vmem>> -> memref<1x128xf32, #tpu.memory_space<vmem>>
          %dma_wait3A_1592 = tpu.memref_squeeze %dma_wait3A_1591 : memref<1x128xf32, #tpu.memory_space<vmem>> -> memref<128xf32, #tpu.memory_space<vmem>>
          tpu.wait_dma2 semaphore(%arg18 : memref<!tpu.dma_semaphore, #tpu.memory_space<semaphore_mem>>) src(%dma_wait3A_1592 : memref<128xf32, #tpu.memory_space<vmem>>) dst(%dma_wait3A_1589 : memref<128xf32, #tpu.memory_space<vmem_shared>>)
          %dma_wait3A_1593 = arith.constant 6 : i32
          %dma_wait3A_1594 = arith.constant 0 : i32
          %dma_wait3A_1595 = tpu.memref_slice %arg12[%dma_wait3A_1593, %dma_wait3A_1594] : memref<21x128xf32, #tpu.memory_space<vmem>> -> memref<1x128xf32, #tpu.memory_space<vmem>>
          %dma_wait3A_1596 = tpu.memref_squeeze %dma_wait3A_1595 : memref<1x128xf32, #tpu.memory_space<vmem>> -> memref<128xf32, #tpu.memory_space<vmem>>
          %dma_wait3A_1597 = arith.constant 0 : i32
          %dma_wait3A_1598 = tpu.memref_slice %arg14[%dma_wait3A_1597] : memref<1605632xf32, #tpu.memory_space<vmem_shared>> -> memref<128xf32, #tpu.memory_space<vmem_shared>>
          %dma_wait3A_1599 = arith.constant 0 : i32
          %dma_wait3A_1600 = tpu.memref_slice %arg14[%dma_wait3A_1599] : memref<1605632xf32, #tpu.memory_space<vmem_shared>> -> memref<128xf32, #tpu.memory_space<vmem_shared>>
          %dma_wait3A_1601 = arith.constant 0 : i32
          %dma_wait3A_1602 = tpu.memref_slice %arg12[%dma_wait3A_1593, %dma_wait3A_1601] : memref<21x128xf32, #tpu.memory_space<vmem>> -> memref<1x128xf32, #tpu.memory_space<vmem>>
          %dma_wait3A_1603 = tpu.memref_squeeze %dma_wait3A_1602 : memref<1x128xf32, #tpu.memory_space<vmem>> -> memref<128xf32, #tpu.memory_space<vmem>>
          tpu.wait_dma2 semaphore(%arg18 : memref<!tpu.dma_semaphore, #tpu.memory_space<semaphore_mem>>) src(%dma_wait3A_1603 : memref<128xf32, #tpu.memory_space<vmem>>) dst(%dma_wait3A_1600 : memref<128xf32, #tpu.memory_space<vmem_shared>>)
          %dma_wait3A_1604 = arith.constant 7 : i32
          %dma_wait3A_1605 = arith.constant 0 : i32
          %dma_wait3A_1606 = tpu.memref_slice %arg12[%dma_wait3A_1604, %dma_wait3A_1605] : memref<21x128xf32, #tpu.memory_space<vmem>> -> memref<1x128xf32, #tpu.memory_space<vmem>>
          %dma_wait3A_1607 = tpu.memref_squeeze %dma_wait3A_1606 : memref<1x128xf32, #tpu.memory_space<vmem>> -> memref<128xf32, #tpu.memory_space<vmem>>
          %dma_wait3A_1608 = arith.constant 0 : i32
          %dma_wait3A_1609 = tpu.memref_slice %arg14[%dma_wait3A_1608] : memref<1605632xf32, #tpu.memory_space<vmem_shared>> -> memref<128xf32, #tpu.memory_space<vmem_shared>>
          %dma_wait3A_1610 = arith.constant 0 : i32
          %dma_wait3A_1611 = tpu.memref_slice %arg14[%dma_wait3A_1610] : memref<1605632xf32, #tpu.memory_space<vmem_shared>> -> memref<128xf32, #tpu.memory_space<vmem_shared>>
          %dma_wait3A_1612 = arith.constant 0 : i32
          %dma_wait3A_1613 = tpu.memref_slice %arg12[%dma_wait3A_1604, %dma_wait3A_1612] : memref<21x128xf32, #tpu.memory_space<vmem>> -> memref<1x128xf32, #tpu.memory_space<vmem>>
          %dma_wait3A_1614 = tpu.memref_squeeze %dma_wait3A_1613 : memref<1x128xf32, #tpu.memory_space<vmem>> -> memref<128xf32, #tpu.memory_space<vmem>>
          tpu.wait_dma2 semaphore(%arg18 : memref<!tpu.dma_semaphore, #tpu.memory_space<semaphore_mem>>) src(%dma_wait3A_1614 : memref<128xf32, #tpu.memory_space<vmem>>) dst(%dma_wait3A_1611 : memref<128xf32, #tpu.memory_space<vmem_shared>>)
          %dma_wait3A_1615 = arith.constant 8 : i32
          %dma_wait3A_1616 = arith.constant 0 : i32
          %dma_wait3A_1617 = tpu.memref_slice %arg12[%dma_wait3A_1615, %dma_wait3A_1616] : memref<21x128xf32, #tpu.memory_space<vmem>> -> memref<1x128xf32, #tpu.memory_space<vmem>>
          %dma_wait3A_1618 = tpu.memref_squeeze %dma_wait3A_1617 : memref<1x128xf32, #tpu.memory_space<vmem>> -> memref<128xf32, #tpu.memory_space<vmem>>
          %dma_wait3A_1619 = arith.constant 0 : i32
          %dma_wait3A_1620 = tpu.memref_slice %arg14[%dma_wait3A_1619] : memref<1605632xf32, #tpu.memory_space<vmem_shared>> -> memref<128xf32, #tpu.memory_space<vmem_shared>>
          %dma_wait3A_1621 = arith.constant 0 : i32
          %dma_wait3A_1622 = tpu.memref_slice %arg14[%dma_wait3A_1621] : memref<1605632xf32, #tpu.memory_space<vmem_shared>> -> memref<128xf32, #tpu.memory_space<vmem_shared>>
          %dma_wait3A_1623 = arith.constant 0 : i32
          %dma_wait3A_1624 = tpu.memref_slice %arg12[%dma_wait3A_1615, %dma_wait3A_1623] : memref<21x128xf32, #tpu.memory_space<vmem>> -> memref<1x128xf32, #tpu.memory_space<vmem>>
          %dma_wait3A_1625 = tpu.memref_squeeze %dma_wait3A_1624 : memref<1x128xf32, #tpu.memory_space<vmem>> -> memref<128xf32, #tpu.memory_space<vmem>>
          tpu.wait_dma2 semaphore(%arg18 : memref<!tpu.dma_semaphore, #tpu.memory_space<semaphore_mem>>) src(%dma_wait3A_1625 : memref<128xf32, #tpu.memory_space<vmem>>) dst(%dma_wait3A_1622 : memref<128xf32, #tpu.memory_space<vmem_shared>>)
          %dma_wait3A_1626 = arith.constant 9 : i32
          %dma_wait3A_1627 = arith.constant 0 : i32
          %dma_wait3A_1628 = tpu.memref_slice %arg12[%dma_wait3A_1626, %dma_wait3A_1627] : memref<21x128xf32, #tpu.memory_space<vmem>> -> memref<1x128xf32, #tpu.memory_space<vmem>>
          %dma_wait3A_1629 = tpu.memref_squeeze %dma_wait3A_1628 : memref<1x128xf32, #tpu.memory_space<vmem>> -> memref<128xf32, #tpu.memory_space<vmem>>
          %dma_wait3A_1630 = arith.constant 0 : i32
          %dma_wait3A_1631 = tpu.memref_slice %arg14[%dma_wait3A_1630] : memref<1605632xf32, #tpu.memory_space<vmem_shared>> -> memref<128xf32, #tpu.memory_space<vmem_shared>>
          %dma_wait3A_1632 = arith.constant 0 : i32
          %dma_wait3A_1633 = tpu.memref_slice %arg14[%dma_wait3A_1632] : memref<1605632xf32, #tpu.memory_space<vmem_shared>> -> memref<128xf32, #tpu.memory_space<vmem_shared>>
          %dma_wait3A_1634 = arith.constant 0 : i32
          %dma_wait3A_1635 = tpu.memref_slice %arg12[%dma_wait3A_1626, %dma_wait3A_1634] : memref<21x128xf32, #tpu.memory_space<vmem>> -> memref<1x128xf32, #tpu.memory_space<vmem>>
          %dma_wait3A_1636 = tpu.memref_squeeze %dma_wait3A_1635 : memref<1x128xf32, #tpu.memory_space<vmem>> -> memref<128xf32, #tpu.memory_space<vmem>>
          tpu.wait_dma2 semaphore(%arg18 : memref<!tpu.dma_semaphore, #tpu.memory_space<semaphore_mem>>) src(%dma_wait3A_1636 : memref<128xf32, #tpu.memory_space<vmem>>) dst(%dma_wait3A_1633 : memref<128xf32, #tpu.memory_space<vmem_shared>>)
          %dma_wait3A_1637 = arith.constant 10 : i32
          %dma_wait3A_1638 = arith.constant 0 : i32
          %dma_wait3A_1639 = tpu.memref_slice %arg12[%dma_wait3A_1637, %dma_wait3A_1638] : memref<21x128xf32, #tpu.memory_space<vmem>> -> memref<1x128xf32, #tpu.memory_space<vmem>>
          %dma_wait3A_1640 = tpu.memref_squeeze %dma_wait3A_1639 : memref<1x128xf32, #tpu.memory_space<vmem>> -> memref<128xf32, #tpu.memory_space<vmem>>
          %dma_wait3A_1641 = arith.constant 0 : i32
          %dma_wait3A_1642 = tpu.memref_slice %arg14[%dma_wait3A_1641] : memref<1605632xf32, #tpu.memory_space<vmem_shared>> -> memref<128xf32, #tpu.memory_space<vmem_shared>>
          %dma_wait3A_1643 = arith.constant 0 : i32
          %dma_wait3A_1644 = tpu.memref_slice %arg14[%dma_wait3A_1643] : memref<1605632xf32, #tpu.memory_space<vmem_shared>> -> memref<128xf32, #tpu.memory_space<vmem_shared>>
          %dma_wait3A_1645 = arith.constant 0 : i32
          %dma_wait3A_1646 = tpu.memref_slice %arg12[%dma_wait3A_1637, %dma_wait3A_1645] : memref<21x128xf32, #tpu.memory_space<vmem>> -> memref<1x128xf32, #tpu.memory_space<vmem>>
          %dma_wait3A_1647 = tpu.memref_squeeze %dma_wait3A_1646 : memref<1x128xf32, #tpu.memory_space<vmem>> -> memref<128xf32, #tpu.memory_space<vmem>>
          tpu.wait_dma2 semaphore(%arg18 : memref<!tpu.dma_semaphore, #tpu.memory_space<semaphore_mem>>) src(%dma_wait3A_1647 : memref<128xf32, #tpu.memory_space<vmem>>) dst(%dma_wait3A_1644 : memref<128xf32, #tpu.memory_space<vmem_shared>>)
          %dma_wait3A_1648 = arith.constant 11 : i32
          %dma_wait3A_1649 = arith.constant 0 : i32
          %dma_wait3A_1650 = tpu.memref_slice %arg12[%dma_wait3A_1648, %dma_wait3A_1649] : memref<21x128xf32, #tpu.memory_space<vmem>> -> memref<1x128xf32, #tpu.memory_space<vmem>>
          %dma_wait3A_1651 = tpu.memref_squeeze %dma_wait3A_1650 : memref<1x128xf32, #tpu.memory_space<vmem>> -> memref<128xf32, #tpu.memory_space<vmem>>
          %dma_wait3A_1652 = arith.constant 0 : i32
          %dma_wait3A_1653 = tpu.memref_slice %arg14[%dma_wait3A_1652] : memref<1605632xf32, #tpu.memory_space<vmem_shared>> -> memref<128xf32, #tpu.memory_space<vmem_shared>>
          %dma_wait3A_1654 = arith.constant 0 : i32
          %dma_wait3A_1655 = tpu.memref_slice %arg14[%dma_wait3A_1654] : memref<1605632xf32, #tpu.memory_space<vmem_shared>> -> memref<128xf32, #tpu.memory_space<vmem_shared>>
          %dma_wait3A_1656 = arith.constant 0 : i32
          %dma_wait3A_1657 = tpu.memref_slice %arg12[%dma_wait3A_1648, %dma_wait3A_1656] : memref<21x128xf32, #tpu.memory_space<vmem>> -> memref<1x128xf32, #tpu.memory_space<vmem>>
          %dma_wait3A_1658 = tpu.memref_squeeze %dma_wait3A_1657 : memref<1x128xf32, #tpu.memory_space<vmem>> -> memref<128xf32, #tpu.memory_space<vmem>>
          tpu.wait_dma2 semaphore(%arg18 : memref<!tpu.dma_semaphore, #tpu.memory_space<semaphore_mem>>) src(%dma_wait3A_1658 : memref<128xf32, #tpu.memory_space<vmem>>) dst(%dma_wait3A_1655 : memref<128xf32, #tpu.memory_space<vmem_shared>>)
          %dma_wait3A_1659 = arith.constant 12 : i32
          %dma_wait3A_1660 = arith.constant 0 : i32
          %dma_wait3A_1661 = tpu.memref_slice %arg12[%dma_wait3A_1659, %dma_wait3A_1660] : memref<21x128xf32, #tpu.memory_space<vmem>> -> memref<1x128xf32, #tpu.memory_space<vmem>>
          %dma_wait3A_1662 = tpu.memref_squeeze %dma_wait3A_1661 : memref<1x128xf32, #tpu.memory_space<vmem>> -> memref<128xf32, #tpu.memory_space<vmem>>
          %dma_wait3A_1663 = arith.constant 0 : i32
          %dma_wait3A_1664 = tpu.memref_slice %arg14[%dma_wait3A_1663] : memref<1605632xf32, #tpu.memory_space<vmem_shared>> -> memref<128xf32, #tpu.memory_space<vmem_shared>>
          %dma_wait3A_1665 = arith.constant 0 : i32
          %dma_wait3A_1666 = tpu.memref_slice %arg14[%dma_wait3A_1665] : memref<1605632xf32, #tpu.memory_space<vmem_shared>> -> memref<128xf32, #tpu.memory_space<vmem_shared>>
          %dma_wait3A_1667 = arith.constant 0 : i32
          %dma_wait3A_1668 = tpu.memref_slice %arg12[%dma_wait3A_1659, %dma_wait3A_1667] : memref<21x128xf32, #tpu.memory_space<vmem>> -> memref<1x128xf32, #tpu.memory_space<vmem>>
          %dma_wait3A_1669 = tpu.memref_squeeze %dma_wait3A_1668 : memref<1x128xf32, #tpu.memory_space<vmem>> -> memref<128xf32, #tpu.memory_space<vmem>>
          tpu.wait_dma2 semaphore(%arg18 : memref<!tpu.dma_semaphore, #tpu.memory_space<semaphore_mem>>) src(%dma_wait3A_1669 : memref<128xf32, #tpu.memory_space<vmem>>) dst(%dma_wait3A_1666 : memref<128xf32, #tpu.memory_space<vmem_shared>>)
          %dma_wait3A_1670 = arith.constant 13 : i32
          %dma_wait3A_1671 = arith.constant 0 : i32
          %dma_wait3A_1672 = tpu.memref_slice %arg12[%dma_wait3A_1670, %dma_wait3A_1671] : memref<21x128xf32, #tpu.memory_space<vmem>> -> memref<1x128xf32, #tpu.memory_space<vmem>>
          %dma_wait3A_1673 = tpu.memref_squeeze %dma_wait3A_1672 : memref<1x128xf32, #tpu.memory_space<vmem>> -> memref<128xf32, #tpu.memory_space<vmem>>
          %dma_wait3A_1674 = arith.constant 0 : i32
          %dma_wait3A_1675 = tpu.memref_slice %arg14[%dma_wait3A_1674] : memref<1605632xf32, #tpu.memory_space<vmem_shared>> -> memref<128xf32, #tpu.memory_space<vmem_shared>>
          %dma_wait3A_1676 = arith.constant 0 : i32
          %dma_wait3A_1677 = tpu.memref_slice %arg14[%dma_wait3A_1676] : memref<1605632xf32, #tpu.memory_space<vmem_shared>> -> memref<128xf32, #tpu.memory_space<vmem_shared>>
          %dma_wait3A_1678 = arith.constant 0 : i32
          %dma_wait3A_1679 = tpu.memref_slice %arg12[%dma_wait3A_1670, %dma_wait3A_1678] : memref<21x128xf32, #tpu.memory_space<vmem>> -> memref<1x128xf32, #tpu.memory_space<vmem>>
          %dma_wait3A_1680 = tpu.memref_squeeze %dma_wait3A_1679 : memref<1x128xf32, #tpu.memory_space<vmem>> -> memref<128xf32, #tpu.memory_space<vmem>>
          tpu.wait_dma2 semaphore(%arg18 : memref<!tpu.dma_semaphore, #tpu.memory_space<semaphore_mem>>) src(%dma_wait3A_1680 : memref<128xf32, #tpu.memory_space<vmem>>) dst(%dma_wait3A_1677 : memref<128xf32, #tpu.memory_space<vmem_shared>>)
          %dma_wait3A_1681 = arith.constant 14 : i32
          %dma_wait3A_1682 = arith.constant 0 : i32
          %dma_wait3A_1683 = tpu.memref_slice %arg12[%dma_wait3A_1681, %dma_wait3A_1682] : memref<21x128xf32, #tpu.memory_space<vmem>> -> memref<1x128xf32, #tpu.memory_space<vmem>>
          %dma_wait3A_1684 = tpu.memref_squeeze %dma_wait3A_1683 : memref<1x128xf32, #tpu.memory_space<vmem>> -> memref<128xf32, #tpu.memory_space<vmem>>
          %dma_wait3A_1685 = arith.constant 0 : i32
          %dma_wait3A_1686 = tpu.memref_slice %arg14[%dma_wait3A_1685] : memref<1605632xf32, #tpu.memory_space<vmem_shared>> -> memref<128xf32, #tpu.memory_space<vmem_shared>>
          %dma_wait3A_1687 = arith.constant 0 : i32
          %dma_wait3A_1688 = tpu.memref_slice %arg14[%dma_wait3A_1687] : memref<1605632xf32, #tpu.memory_space<vmem_shared>> -> memref<128xf32, #tpu.memory_space<vmem_shared>>
          %dma_wait3A_1689 = arith.constant 0 : i32
          %dma_wait3A_1690 = tpu.memref_slice %arg12[%dma_wait3A_1681, %dma_wait3A_1689] : memref<21x128xf32, #tpu.memory_space<vmem>> -> memref<1x128xf32, #tpu.memory_space<vmem>>
          %dma_wait3A_1691 = tpu.memref_squeeze %dma_wait3A_1690 : memref<1x128xf32, #tpu.memory_space<vmem>> -> memref<128xf32, #tpu.memory_space<vmem>>
          tpu.wait_dma2 semaphore(%arg18 : memref<!tpu.dma_semaphore, #tpu.memory_space<semaphore_mem>>) src(%dma_wait3A_1691 : memref<128xf32, #tpu.memory_space<vmem>>) dst(%dma_wait3A_1688 : memref<128xf32, #tpu.memory_space<vmem_shared>>)
          %dma_wait3A_1692 = arith.constant 15 : i32
          %dma_wait3A_1693 = arith.constant 0 : i32
          %dma_wait3A_1694 = tpu.memref_slice %arg12[%dma_wait3A_1692, %dma_wait3A_1693] : memref<21x128xf32, #tpu.memory_space<vmem>> -> memref<1x128xf32, #tpu.memory_space<vmem>>
          %dma_wait3A_1695 = tpu.memref_squeeze %dma_wait3A_1694 : memref<1x128xf32, #tpu.memory_space<vmem>> -> memref<128xf32, #tpu.memory_space<vmem>>
          %dma_wait3A_1696 = arith.constant 0 : i32
          %dma_wait3A_1697 = tpu.memref_slice %arg14[%dma_wait3A_1696] : memref<1605632xf32, #tpu.memory_space<vmem_shared>> -> memref<128xf32, #tpu.memory_space<vmem_shared>>
          %dma_wait3A_1698 = arith.constant 0 : i32
          %dma_wait3A_1699 = tpu.memref_slice %arg14[%dma_wait3A_1698] : memref<1605632xf32, #tpu.memory_space<vmem_shared>> -> memref<128xf32, #tpu.memory_space<vmem_shared>>
          %dma_wait3A_1700 = arith.constant 0 : i32
          %dma_wait3A_1701 = tpu.memref_slice %arg12[%dma_wait3A_1692, %dma_wait3A_1700] : memref<21x128xf32, #tpu.memory_space<vmem>> -> memref<1x128xf32, #tpu.memory_space<vmem>>
          %dma_wait3A_1702 = tpu.memref_squeeze %dma_wait3A_1701 : memref<1x128xf32, #tpu.memory_space<vmem>> -> memref<128xf32, #tpu.memory_space<vmem>>
          tpu.wait_dma2 semaphore(%arg18 : memref<!tpu.dma_semaphore, #tpu.memory_space<semaphore_mem>>) src(%dma_wait3A_1702 : memref<128xf32, #tpu.memory_space<vmem>>) dst(%dma_wait3A_1699 : memref<128xf32, #tpu.memory_space<vmem_shared>>)
          %dma_wait3A_1703 = arith.constant 16 : i32
          %dma_wait3A_1704 = arith.constant 0 : i32
          %dma_wait3A_1705 = tpu.memref_slice %arg12[%dma_wait3A_1703, %dma_wait3A_1704] : memref<21x128xf32, #tpu.memory_space<vmem>> -> memref<1x128xf32, #tpu.memory_space<vmem>>
          %dma_wait3A_1706 = tpu.memref_squeeze %dma_wait3A_1705 : memref<1x128xf32, #tpu.memory_space<vmem>> -> memref<128xf32, #tpu.memory_space<vmem>>
          %dma_wait3A_1707 = arith.constant 0 : i32
          %dma_wait3A_1708 = tpu.memref_slice %arg14[%dma_wait3A_1707] : memref<1605632xf32, #tpu.memory_space<vmem_shared>> -> memref<128xf32, #tpu.memory_space<vmem_shared>>
          %dma_wait3A_1709 = arith.constant 0 : i32
          %dma_wait3A_1710 = tpu.memref_slice %arg14[%dma_wait3A_1709] : memref<1605632xf32, #tpu.memory_space<vmem_shared>> -> memref<128xf32, #tpu.memory_space<vmem_shared>>
          %dma_wait3A_1711 = arith.constant 0 : i32
          %dma_wait3A_1712 = tpu.memref_slice %arg12[%dma_wait3A_1703, %dma_wait3A_1711] : memref<21x128xf32, #tpu.memory_space<vmem>> -> memref<1x128xf32, #tpu.memory_space<vmem>>
          %dma_wait3A_1713 = tpu.memref_squeeze %dma_wait3A_1712 : memref<1x128xf32, #tpu.memory_space<vmem>> -> memref<128xf32, #tpu.memory_space<vmem>>
          tpu.wait_dma2 semaphore(%arg18 : memref<!tpu.dma_semaphore, #tpu.memory_space<semaphore_mem>>) src(%dma_wait3A_1713 : memref<128xf32, #tpu.memory_space<vmem>>) dst(%dma_wait3A_1710 : memref<128xf32, #tpu.memory_space<vmem_shared>>)
          %dma_wait3A_1714 = arith.constant 17 : i32
          %dma_wait3A_1715 = arith.constant 0 : i32
          %dma_wait3A_1716 = tpu.memref_slice %arg12[%dma_wait3A_1714, %dma_wait3A_1715] : memref<21x128xf32, #tpu.memory_space<vmem>> -> memref<1x128xf32, #tpu.memory_space<vmem>>
          %dma_wait3A_1717 = tpu.memref_squeeze %dma_wait3A_1716 : memref<1x128xf32, #tpu.memory_space<vmem>> -> memref<128xf32, #tpu.memory_space<vmem>>
          %dma_wait3A_1718 = arith.constant 0 : i32
          %dma_wait3A_1719 = tpu.memref_slice %arg14[%dma_wait3A_1718] : memref<1605632xf32, #tpu.memory_space<vmem_shared>> -> memref<128xf32, #tpu.memory_space<vmem_shared>>
          %dma_wait3A_1720 = arith.constant 0 : i32
          %dma_wait3A_1721 = tpu.memref_slice %arg14[%dma_wait3A_1720] : memref<1605632xf32, #tpu.memory_space<vmem_shared>> -> memref<128xf32, #tpu.memory_space<vmem_shared>>
          %dma_wait3A_1722 = arith.constant 0 : i32
          %dma_wait3A_1723 = tpu.memref_slice %arg12[%dma_wait3A_1714, %dma_wait3A_1722] : memref<21x128xf32, #tpu.memory_space<vmem>> -> memref<1x128xf32, #tpu.memory_space<vmem>>
          %dma_wait3A_1724 = tpu.memref_squeeze %dma_wait3A_1723 : memref<1x128xf32, #tpu.memory_space<vmem>> -> memref<128xf32, #tpu.memory_space<vmem>>
          tpu.wait_dma2 semaphore(%arg18 : memref<!tpu.dma_semaphore, #tpu.memory_space<semaphore_mem>>) src(%dma_wait3A_1724 : memref<128xf32, #tpu.memory_space<vmem>>) dst(%dma_wait3A_1721 : memref<128xf32, #tpu.memory_space<vmem_shared>>)
          %dma_wait3A_1725 = arith.constant 18 : i32
          %dma_wait3A_1726 = arith.constant 0 : i32
          %dma_wait3A_1727 = tpu.memref_slice %arg12[%dma_wait3A_1725, %dma_wait3A_1726] : memref<21x128xf32, #tpu.memory_space<vmem>> -> memref<1x128xf32, #tpu.memory_space<vmem>>
          %dma_wait3A_1728 = tpu.memref_squeeze %dma_wait3A_1727 : memref<1x128xf32, #tpu.memory_space<vmem>> -> memref<128xf32, #tpu.memory_space<vmem>>
          %dma_wait3A_1729 = arith.constant 0 : i32
          %dma_wait3A_1730 = tpu.memref_slice %arg14[%dma_wait3A_1729] : memref<1605632xf32, #tpu.memory_space<vmem_shared>> -> memref<128xf32, #tpu.memory_space<vmem_shared>>
          %dma_wait3A_1731 = arith.constant 0 : i32
          %dma_wait3A_1732 = tpu.memref_slice %arg14[%dma_wait3A_1731] : memref<1605632xf32, #tpu.memory_space<vmem_shared>> -> memref<128xf32, #tpu.memory_space<vmem_shared>>
          %dma_wait3A_1733 = arith.constant 0 : i32
          %dma_wait3A_1734 = tpu.memref_slice %arg12[%dma_wait3A_1725, %dma_wait3A_1733] : memref<21x128xf32, #tpu.memory_space<vmem>> -> memref<1x128xf32, #tpu.memory_space<vmem>>
          %dma_wait3A_1735 = tpu.memref_squeeze %dma_wait3A_1734 : memref<1x128xf32, #tpu.memory_space<vmem>> -> memref<128xf32, #tpu.memory_space<vmem>>
          tpu.wait_dma2 semaphore(%arg18 : memref<!tpu.dma_semaphore, #tpu.memory_space<semaphore_mem>>) src(%dma_wait3A_1735 : memref<128xf32, #tpu.memory_space<vmem>>) dst(%dma_wait3A_1732 : memref<128xf32, #tpu.memory_space<vmem_shared>>)
          %dma_wait3A_1736 = arith.constant 19 : i32
          %dma_wait3A_1737 = arith.constant 0 : i32
          %dma_wait3A_1738 = tpu.memref_slice %arg12[%dma_wait3A_1736, %dma_wait3A_1737] : memref<21x128xf32, #tpu.memory_space<vmem>> -> memref<1x128xf32, #tpu.memory_space<vmem>>
          %dma_wait3A_1739 = tpu.memref_squeeze %dma_wait3A_1738 : memref<1x128xf32, #tpu.memory_space<vmem>> -> memref<128xf32, #tpu.memory_space<vmem>>
          %dma_wait3A_1740 = arith.constant 0 : i32
          %dma_wait3A_1741 = tpu.memref_slice %arg14[%dma_wait3A_1740] : memref<1605632xf32, #tpu.memory_space<vmem_shared>> -> memref<128xf32, #tpu.memory_space<vmem_shared>>
          %dma_wait3A_1742 = arith.constant 0 : i32
          %dma_wait3A_1743 = tpu.memref_slice %arg14[%dma_wait3A_1742] : memref<1605632xf32, #tpu.memory_space<vmem_shared>> -> memref<128xf32, #tpu.memory_space<vmem_shared>>
          %dma_wait3A_1744 = arith.constant 0 : i32
          %dma_wait3A_1745 = tpu.memref_slice %arg12[%dma_wait3A_1736, %dma_wait3A_1744] : memref<21x128xf32, #tpu.memory_space<vmem>> -> memref<1x128xf32, #tpu.memory_space<vmem>>
          %dma_wait3A_1746 = tpu.memref_squeeze %dma_wait3A_1745 : memref<1x128xf32, #tpu.memory_space<vmem>> -> memref<128xf32, #tpu.memory_space<vmem>>
          tpu.wait_dma2 semaphore(%arg18 : memref<!tpu.dma_semaphore, #tpu.memory_space<semaphore_mem>>) src(%dma_wait3A_1746 : memref<128xf32, #tpu.memory_space<vmem>>) dst(%dma_wait3A_1743 : memref<128xf32, #tpu.memory_space<vmem_shared>>)
          %dma_wait3A_1747 = arith.constant 20 : i32
          %dma_wait3A_1748 = arith.constant 0 : i32
          %dma_wait3A_1749 = tpu.memref_slice %arg12[%dma_wait3A_1747, %dma_wait3A_1748] : memref<21x128xf32, #tpu.memory_space<vmem>> -> memref<1x128xf32, #tpu.memory_space<vmem>>
          %dma_wait3A_1750 = tpu.memref_squeeze %dma_wait3A_1749 : memref<1x128xf32, #tpu.memory_space<vmem>> -> memref<128xf32, #tpu.memory_space<vmem>>
          %dma_wait3A_1751 = arith.constant 0 : i32
          %dma_wait3A_1752 = tpu.memref_slice %arg14[%dma_wait3A_1751] : memref<1605632xf32, #tpu.memory_space<vmem_shared>> -> memref<128xf32, #tpu.memory_space<vmem_shared>>
          %dma_wait3A_1753 = arith.constant 0 : i32
          %dma_wait3A_1754 = tpu.memref_slice %arg14[%dma_wait3A_1753] : memref<1605632xf32, #tpu.memory_space<vmem_shared>> -> memref<128xf32, #tpu.memory_space<vmem_shared>>
          %dma_wait3A_1755 = arith.constant 0 : i32
          %dma_wait3A_1756 = tpu.memref_slice %arg12[%dma_wait3A_1747, %dma_wait3A_1755] : memref<21x128xf32, #tpu.memory_space<vmem>> -> memref<1x128xf32, #tpu.memory_space<vmem>>
          %dma_wait3A_1757 = tpu.memref_squeeze %dma_wait3A_1756 : memref<1x128xf32, #tpu.memory_space<vmem>> -> memref<128xf32, #tpu.memory_space<vmem>>
          tpu.wait_dma2 semaphore(%arg18 : memref<!tpu.dma_semaphore, #tpu.memory_space<semaphore_mem>>) src(%dma_wait3A_1757 : memref<128xf32, #tpu.memory_space<vmem>>) dst(%dma_wait3A_1754 : memref<128xf32, #tpu.memory_space<vmem_shared>>)
          %scan3A_1758 = arith.constant 0 : i32
          %scan3A_1759 = arith.constant 24 : i32
          %scan3A_1760 = arith.addi %scan3A_1758, %scan3A_1759 : i32
          %scan3A_1761 = arith.constant 1 : i32
          scf.for %scan3A_2002 = %scan3A_1758 to %scan3A_1760 step %scan3A_1761  : i32 {
            %mul3A_2003 = arith.constant 1 : i32
            %mul3A_2004 = arith.muli %scan3A_2002, %mul3A_2003 : i32
            %add3A_2005 = arith.constant 0 : i32
            %add3A_2006 = arith.addi %add3A_2005, %mul3A_2004 : i32
            %get3A = arith.index_cast %add3A_2006 : i32 to index
            %get3A_2007 = arith.constant 0 : index
            %get3A_2008 = tpu.vector_load %arg7[%get3A, %get3A_2007] {strides = array<i32>} : memref<24x112xi32, #tpu.memory_space<vmem>>, vector<1x16xi32>,
            %get3A_2009 = vector.shape_cast %get3A_2008 : vector<1x16xi32> to vector<16xi32>
            %get3A_2010 = arith.index_cast %add3A_2006 : i32 to index
            %get3A_2011 = arith.constant 0 : index
            %get3A_2012 = tpu.vector_load %arg8[%get3A_2010, %get3A_2011] {strides = array<i32>} : memref<24x112xf32, #tpu.memory_space<vmem>>, vector<1x16xf32>,
            %get3A_2013 = vector.shape_cast %get3A_2012 : vector<1x16xf32> to vector<16xf32>
            %sub3A = vector.broadcast %mul3A_27 : i32 to vector<16xi32>
            %sub3A_2014 = arith.subi %get3A_2009, %sub3A : vector<16xi32>
            %ge3A = vector.broadcast %mul3A_27 : i32 to vector<16xi32>
            %ge3A_2015 = arith.cmpi sge, %get3A_2009, %ge3A : vector<16xi32>
            %lt3A_2016 = arith.constant 1605632 : i32
            %lt3A_2017 = vector.broadcast %lt3A_2016 : i32 to vector<16xi32>
            %lt3A_2018 = arith.cmpi slt, %sub3A_2014, %lt3A_2017 : vector<16xi32>
            %and3A_2019 = arith.andi %ge3A_2015, %lt3A_2018 : vector<16xi1>
            %mul3A_2020 = arith.constant 112 : i32
            %mul3A_2021 = arith.muli %add3A_2006, %mul3A_2020 : i32
            %add3A_2022 = arith.constant 0 : i32
            %add3A_2023 = arith.addi %mul3A_2021, %add3A_2022 : i32
            %shift_right_logical3A = arith.constant 7 : i32
            %shift_right_logical3A_2024 = arith.shrui %add3A_2023, %shift_right_logical3A : i32
            %and3A_2025 = arith.constant 127 : i32
            %and3A_2026 = arith.andi %add3A_2023, %and3A_2025 : i32
            %shift_right_logical3A_2027 = arith.constant 2 : i32
            %shift_right_logical3A_2028 = vector.broadcast %shift_right_logical3A_2027 : i32 to vector<16xi32>
            %shift_right_logical3A_2029 = arith.shrui %get3A_2009, %shift_right_logical3A_2028 : vector<16xi32>
            %select_n3A_2030 = arith.select %and3A_2019, %sub3A_2014, %shift_right_logical3A_2029 : vector<16xi1>, vector<16xi32>
            %swap3A = arith.index_cast %shift_right_logical3A_2024 : i32 to index
            %swap3A_2031 = arith.index_cast %and3A_2026 : i32 to index
            %swap3A_2032 = tpu.vector_load %arg11[%swap3A, %swap3A_2031] {strides = array<i32>} : memref<21x128xi32, #tpu.memory_space<vmem>>, vector<1x16xi32>,
            %swap3A_2033 = vector.shape_cast %swap3A_2032 : vector<1x16xi32> to vector<16xi32>
            %swap3A_2034 = vector.shape_cast %select_n3A_2030 : vector<16xi32> to vector<1x16xi32>
            tpu.vector_store %arg11[%swap3A, %swap3A_2031], %swap3A_2034 {strides = array<i32>} : memref<21x128xi32, #tpu.memory_space<vmem>>, vector<1x16xi32>,
            %jit3A_2035 = arith.constant 0.000000e+00 : f32
            %broadcast_in_dim3A_2036 = vector.broadcast %jit3A_2035 : f32 to vector<16xf32>
            %select_n3A_2037 = arith.select %and3A_2019, %get3A_2013, %broadcast_in_dim3A_2036 : vector<16xi1>, vector<16xf32>
            %swap3A_2038 = arith.index_cast %shift_right_logical3A_2024 : i32 to index
            %swap3A_2039 = arith.index_cast %and3A_2026 : i32 to index
            %swap3A_2040 = tpu.vector_load %arg12[%swap3A_2038, %swap3A_2039] {strides = array<i32>} : memref<21x128xf32, #tpu.memory_space<vmem>>, vector<1x16xf32>,
            %swap3A_2041 = vector.shape_cast %swap3A_2040 : vector<1x16xf32> to vector<16xf32>
            %swap3A_2042 = vector.shape_cast %select_n3A_2037 : vector<16xf32> to vector<1x16xf32>
            tpu.vector_store %arg12[%swap3A_2038, %swap3A_2039], %swap3A_2042 {strides = array<i32>} : memref<21x128xf32, #tpu.memory_space<vmem>>, vector<1x16xf32>,
            %get3A_2043 = arith.index_cast %add3A_2006 : i32 to index
            %get3A_2044 = arith.constant 16 : index
            %get3A_2045 = tpu.vector_load %arg7[%get3A_2043, %get3A_2044] {strides = array<i32>} : memref<24x112xi32, #tpu.memory_space<vmem>>, vector<1x16xi32>,
            %get3A_2046 = vector.shape_cast %get3A_2045 : vector<1x16xi32> to vector<16xi32>
            %get3A_2047 = arith.index_cast %add3A_2006 : i32 to index
            %get3A_2048 = arith.constant 16 : index
            %get3A_2049 = tpu.vector_load %arg8[%get3A_2047, %get3A_2048] {strides = array<i32>} : memref<24x112xf32, #tpu.memory_space<vmem>>, vector<1x16xf32>,
            %get3A_2050 = vector.shape_cast %get3A_2049 : vector<1x16xf32> to vector<16xf32>
            %sub3A_2051 = vector.broadcast %mul3A_27 : i32 to vector<16xi32>
            %sub3A_2052 = arith.subi %get3A_2046, %sub3A_2051 : vector<16xi32>
            %ge3A_2053 = vector.broadcast %mul3A_27 : i32 to vector<16xi32>
            %ge3A_2054 = arith.cmpi sge, %get3A_2046, %ge3A_2053 : vector<16xi32>
            %lt3A_2055 = arith.constant 1605632 : i32
            %lt3A_2056 = vector.broadcast %lt3A_2055 : i32 to vector<16xi32>
            %lt3A_2057 = arith.cmpi slt, %sub3A_2052, %lt3A_2056 : vector<16xi32>
            %and3A_2058 = arith.andi %ge3A_2054, %lt3A_2057 : vector<16xi1>
            %mul3A_2059 = arith.constant 112 : i32
            %mul3A_2060 = arith.muli %add3A_2006, %mul3A_2059 : i32
            %add3A_2061 = arith.constant 16 : i32
            %add3A_2062 = arith.addi %mul3A_2060, %add3A_2061 : i32
            %shift_right_logical3A_2063 = arith.constant 7 : i32
            %shift_right_logical3A_2064 = arith.shrui %add3A_2062, %shift_right_logical3A_2063 : i32
            %and3A_2065 = arith.constant 127 : i32
            %and3A_2066 = arith.andi %add3A_2062, %and3A_2065 : i32
            %shift_right_logical3A_2067 = arith.constant 2 : i32
            %shift_right_logical3A_2068 = vector.broadcast %shift_right_logical3A_2067 : i32 to vector<16xi32>
            %shift_right_logical3A_2069 = arith.shrui %get3A_2046, %shift_right_logical3A_2068 : vector<16xi32>
            %select_n3A_2070 = arith.select %and3A_2058, %sub3A_2052, %shift_right_logical3A_2069 : vector<16xi1>, vector<16xi32>
            %swap3A_2071 = arith.index_cast %shift_right_logical3A_2064 : i32 to index
            %swap3A_2072 = arith.index_cast %and3A_2066 : i32 to index
            %swap3A_2073 = tpu.vector_load %arg11[%swap3A_2071, %swap3A_2072] {strides = array<i32>} : memref<21x128xi32, #tpu.memory_space<vmem>>, vector<1x16xi32>,
            %swap3A_2074 = vector.shape_cast %swap3A_2073 : vector<1x16xi32> to vector<16xi32>
            %swap3A_2075 = vector.shape_cast %select_n3A_2070 : vector<16xi32> to vector<1x16xi32>
            tpu.vector_store %arg11[%swap3A_2071, %swap3A_2072], %swap3A_2075 {strides = array<i32>} : memref<21x128xi32, #tpu.memory_space<vmem>>, vector<1x16xi32>,
            %jit3A_2076 = arith.constant 0.000000e+00 : f32
            %broadcast_in_dim3A_2077 = vector.broadcast %jit3A_2076 : f32 to vector<16xf32>
            %select_n3A_2078 = arith.select %and3A_2058, %get3A_2050, %broadcast_in_dim3A_2077 : vector<16xi1>, vector<16xf32>
            %swap3A_2079 = arith.index_cast %shift_right_logical3A_2064 : i32 to index
            %swap3A_2080 = arith.index_cast %and3A_2066 : i32 to index
            %swap3A_2081 = tpu.vector_load %arg12[%swap3A_2079, %swap3A_2080] {strides = array<i32>} : memref<21x128xf32, #tpu.memory_space<vmem>>, vector<1x16xf32>,
            %swap3A_2082 = vector.shape_cast %swap3A_2081 : vector<1x16xf32> to vector<16xf32>
            %swap3A_2083 = vector.shape_cast %select_n3A_2078 : vector<16xf32> to vector<1x16xf32>
            tpu.vector_store %arg12[%swap3A_2079, %swap3A_2080], %swap3A_2083 {strides = array<i32>} : memref<21x128xf32, #tpu.memory_space<vmem>>, vector<1x16xf32>,
            %get3A_2084 = arith.index_cast %add3A_2006 : i32 to index
            %get3A_2085 = arith.constant 32 : index
            %get3A_2086 = tpu.vector_load %arg7[%get3A_2084, %get3A_2085] {strides = array<i32>} : memref<24x112xi32, #tpu.memory_space<vmem>>, vector<1x16xi32>,
            %get3A_2087 = vector.shape_cast %get3A_2086 : vector<1x16xi32> to vector<16xi32>
            %get3A_2088 = arith.index_cast %add3A_2006 : i32 to index
            %get3A_2089 = arith.constant 32 : index
            %get3A_2090 = tpu.vector_load %arg8[%get3A_2088, %get3A_2089] {strides = array<i32>} : memref<24x112xf32, #tpu.memory_space<vmem>>, vector<1x16xf32>,
            %get3A_2091 = vector.shape_cast %get3A_2090 : vector<1x16xf32> to vector<16xf32>
            %sub3A_2092 = vector.broadcast %mul3A_27 : i32 to vector<16xi32>
            %sub3A_2093 = arith.subi %get3A_2087, %sub3A_2092 : vector<16xi32>
            %ge3A_2094 = vector.broadcast %mul3A_27 : i32 to vector<16xi32>
            %ge3A_2095 = arith.cmpi sge, %get3A_2087, %ge3A_2094 : vector<16xi32>
            %lt3A_2096 = arith.constant 1605632 : i32
            %lt3A_2097 = vector.broadcast %lt3A_2096 : i32 to vector<16xi32>
            %lt3A_2098 = arith.cmpi slt, %sub3A_2093, %lt3A_2097 : vector<16xi32>
            %and3A_2099 = arith.andi %ge3A_2095, %lt3A_2098 : vector<16xi1>
            %mul3A_2100 = arith.constant 112 : i32
            %mul3A_2101 = arith.muli %add3A_2006, %mul3A_2100 : i32
            %add3A_2102 = arith.constant 32 : i32
            %add3A_2103 = arith.addi %mul3A_2101, %add3A_2102 : i32
            %shift_right_logical3A_2104 = arith.constant 7 : i32
            %shift_right_logical3A_2105 = arith.shrui %add3A_2103, %shift_right_logical3A_2104 : i32
            %and3A_2106 = arith.constant 127 : i32
            %and3A_2107 = arith.andi %add3A_2103, %and3A_2106 : i32
            %shift_right_logical3A_2108 = arith.constant 2 : i32
            %shift_right_logical3A_2109 = vector.broadcast %shift_right_logical3A_2108 : i32 to vector<16xi32>
            %shift_right_logical3A_2110 = arith.shrui %get3A_2087, %shift_right_logical3A_2109 : vector<16xi32>
            %select_n3A_2111 = arith.select %and3A_2099, %sub3A_2093, %shift_right_logical3A_2110 : vector<16xi1>, vector<16xi32>
            %swap3A_2112 = arith.index_cast %shift_right_logical3A_2105 : i32 to index
            %swap3A_2113 = arith.index_cast %and3A_2107 : i32 to index
            %swap3A_2114 = tpu.vector_load %arg11[%swap3A_2112, %swap3A_2113] {strides = array<i32>} : memref<21x128xi32, #tpu.memory_space<vmem>>, vector<1x16xi32>,
            %swap3A_2115 = vector.shape_cast %swap3A_2114 : vector<1x16xi32> to vector<16xi32>
            %swap3A_2116 = vector.shape_cast %select_n3A_2111 : vector<16xi32> to vector<1x16xi32>
            tpu.vector_store %arg11[%swap3A_2112, %swap3A_2113], %swap3A_2116 {strides = array<i32>} : memref<21x128xi32, #tpu.memory_space<vmem>>, vector<1x16xi32>,
            %jit3A_2117 = arith.constant 0.000000e+00 : f32
            %broadcast_in_dim3A_2118 = vector.broadcast %jit3A_2117 : f32 to vector<16xf32>
            %select_n3A_2119 = arith.select %and3A_2099, %get3A_2091, %broadcast_in_dim3A_2118 : vector<16xi1>, vector<16xf32>
            %swap3A_2120 = arith.index_cast %shift_right_logical3A_2105 : i32 to index
            %swap3A_2121 = arith.index_cast %and3A_2107 : i32 to index
            %swap3A_2122 = tpu.vector_load %arg12[%swap3A_2120, %swap3A_2121] {strides = array<i32>} : memref<21x128xf32, #tpu.memory_space<vmem>>, vector<1x16xf32>,
            %swap3A_2123 = vector.shape_cast %swap3A_2122 : vector<1x16xf32> to vector<16xf32>
            %swap3A_2124 = vector.shape_cast %select_n3A_2119 : vector<16xf32> to vector<1x16xf32>
            tpu.vector_store %arg12[%swap3A_2120, %swap3A_2121], %swap3A_2124 {strides = array<i32>} : memref<21x128xf32, #tpu.memory_space<vmem>>, vector<1x16xf32>,
            %get3A_2125 = arith.index_cast %add3A_2006 : i32 to index
            %get3A_2126 = arith.constant 48 : index
            %get3A_2127 = tpu.vector_load %arg7[%get3A_2125, %get3A_2126] {strides = array<i32>} : memref<24x112xi32, #tpu.memory_space<vmem>>, vector<1x16xi32>,
            %get3A_2128 = vector.shape_cast %get3A_2127 : vector<1x16xi32> to vector<16xi32>
            %get3A_2129 = arith.index_cast %add3A_2006 : i32 to index
            %get3A_2130 = arith.constant 48 : index
            %get3A_2131 = tpu.vector_load %arg8[%get3A_2129, %get3A_2130] {strides = array<i32>} : memref<24x112xf32, #tpu.memory_space<vmem>>, vector<1x16xf32>,
            %get3A_2132 = vector.shape_cast %get3A_2131 : vector<1x16xf32> to vector<16xf32>
            %sub3A_2133 = vector.broadcast %mul3A_27 : i32 to vector<16xi32>
            %sub3A_2134 = arith.subi %get3A_2128, %sub3A_2133 : vector<16xi32>
            %ge3A_2135 = vector.broadcast %mul3A_27 : i32 to vector<16xi32>
            %ge3A_2136 = arith.cmpi sge, %get3A_2128, %ge3A_2135 : vector<16xi32>
            %lt3A_2137 = arith.constant 1605632 : i32
            %lt3A_2138 = vector.broadcast %lt3A_2137 : i32 to vector<16xi32>
            %lt3A_2139 = arith.cmpi slt, %sub3A_2134, %lt3A_2138 : vector<16xi32>
            %and3A_2140 = arith.andi %ge3A_2136, %lt3A_2139 : vector<16xi1>
            %mul3A_2141 = arith.constant 112 : i32
            %mul3A_2142 = arith.muli %add3A_2006, %mul3A_2141 : i32
            %add3A_2143 = arith.constant 48 : i32
            %add3A_2144 = arith.addi %mul3A_2142, %add3A_2143 : i32
            %shift_right_logical3A_2145 = arith.constant 7 : i32
            %shift_right_logical3A_2146 = arith.shrui %add3A_2144, %shift_right_logical3A_2145 : i32
            %and3A_2147 = arith.constant 127 : i32
            %and3A_2148 = arith.andi %add3A_2144, %and3A_2147 : i32
            %shift_right_logical3A_2149 = arith.constant 2 : i32
            %shift_right_logical3A_2150 = vector.broadcast %shift_right_logical3A_2149 : i32 to vector<16xi32>
            %shift_right_logical3A_2151 = arith.shrui %get3A_2128, %shift_right_logical3A_2150 : vector<16xi32>
            %select_n3A_2152 = arith.select %and3A_2140, %sub3A_2134, %shift_right_logical3A_2151 : vector<16xi1>, vector<16xi32>
            %swap3A_2153 = arith.index_cast %shift_right_logical3A_2146 : i32 to index
            %swap3A_2154 = arith.index_cast %and3A_2148 : i32 to index
            %swap3A_2155 = tpu.vector_load %arg11[%swap3A_2153, %swap3A_2154] {strides = array<i32>} : memref<21x128xi32, #tpu.memory_space<vmem>>, vector<1x16xi32>,
            %swap3A_2156 = vector.shape_cast %swap3A_2155 : vector<1x16xi32> to vector<16xi32>
            %swap3A_2157 = vector.shape_cast %select_n3A_2152 : vector<16xi32> to vector<1x16xi32>
            tpu.vector_store %arg11[%swap3A_2153, %swap3A_2154], %swap3A_2157 {strides = array<i32>} : memref<21x128xi32, #tpu.memory_space<vmem>>, vector<1x16xi32>,
            %jit3A_2158 = arith.constant 0.000000e+00 : f32
            %broadcast_in_dim3A_2159 = vector.broadcast %jit3A_2158 : f32 to vector<16xf32>
            %select_n3A_2160 = arith.select %and3A_2140, %get3A_2132, %broadcast_in_dim3A_2159 : vector<16xi1>, vector<16xf32>
            %swap3A_2161 = arith.index_cast %shift_right_logical3A_2146 : i32 to index
            %swap3A_2162 = arith.index_cast %and3A_2148 : i32 to index
            %swap3A_2163 = tpu.vector_load %arg12[%swap3A_2161, %swap3A_2162] {strides = array<i32>} : memref<21x128xf32, #tpu.memory_space<vmem>>, vector<1x16xf32>,
            %swap3A_2164 = vector.shape_cast %swap3A_2163 : vector<1x16xf32> to vector<16xf32>
            %swap3A_2165 = vector.shape_cast %select_n3A_2160 : vector<16xf32> to vector<1x16xf32>
            tpu.vector_store %arg12[%swap3A_2161, %swap3A_2162], %swap3A_2165 {strides = array<i32>} : memref<21x128xf32, #tpu.memory_space<vmem>>, vector<1x16xf32>,
            %get3A_2166 = arith.index_cast %add3A_2006 : i32 to index
            %get3A_2167 = arith.constant 64 : index
            %get3A_2168 = tpu.vector_load %arg7[%get3A_2166, %get3A_2167] {strides = array<i32>} : memref<24x112xi32, #tpu.memory_space<vmem>>, vector<1x16xi32>,
            %get3A_2169 = vector.shape_cast %get3A_2168 : vector<1x16xi32> to vector<16xi32>
            %get3A_2170 = arith.index_cast %add3A_2006 : i32 to index
            %get3A_2171 = arith.constant 64 : index
            %get3A_2172 = tpu.vector_load %arg8[%get3A_2170, %get3A_2171] {strides = array<i32>} : memref<24x112xf32, #tpu.memory_space<vmem>>, vector<1x16xf32>,
            %get3A_2173 = vector.shape_cast %get3A_2172 : vector<1x16xf32> to vector<16xf32>
            %sub3A_2174 = vector.broadcast %mul3A_27 : i32 to vector<16xi32>
            %sub3A_2175 = arith.subi %get3A_2169, %sub3A_2174 : vector<16xi32>
            %ge3A_2176 = vector.broadcast %mul3A_27 : i32 to vector<16xi32>
            %ge3A_2177 = arith.cmpi sge, %get3A_2169, %ge3A_2176 : vector<16xi32>
            %lt3A_2178 = arith.constant 1605632 : i32
            %lt3A_2179 = vector.broadcast %lt3A_2178 : i32 to vector<16xi32>
            %lt3A_2180 = arith.cmpi slt, %sub3A_2175, %lt3A_2179 : vector<16xi32>
            %and3A_2181 = arith.andi %ge3A_2177, %lt3A_2180 : vector<16xi1>
            %mul3A_2182 = arith.constant 112 : i32
            %mul3A_2183 = arith.muli %add3A_2006, %mul3A_2182 : i32
            %add3A_2184 = arith.constant 64 : i32
            %add3A_2185 = arith.addi %mul3A_2183, %add3A_2184 : i32
            %shift_right_logical3A_2186 = arith.constant 7 : i32
            %shift_right_logical3A_2187 = arith.shrui %add3A_2185, %shift_right_logical3A_2186 : i32
            %and3A_2188 = arith.constant 127 : i32
            %and3A_2189 = arith.andi %add3A_2185, %and3A_2188 : i32
            %shift_right_logical3A_2190 = arith.constant 2 : i32
            %shift_right_logical3A_2191 = vector.broadcast %shift_right_logical3A_2190 : i32 to vector<16xi32>
            %shift_right_logical3A_2192 = arith.shrui %get3A_2169, %shift_right_logical3A_2191 : vector<16xi32>
            %select_n3A_2193 = arith.select %and3A_2181, %sub3A_2175, %shift_right_logical3A_2192 : vector<16xi1>, vector<16xi32>
            %swap3A_2194 = arith.index_cast %shift_right_logical3A_2187 : i32 to index
            %swap3A_2195 = arith.index_cast %and3A_2189 : i32 to index
            %swap3A_2196 = tpu.vector_load %arg11[%swap3A_2194, %swap3A_2195] {strides = array<i32>} : memref<21x128xi32, #tpu.memory_space<vmem>>, vector<1x16xi32>,
            %swap3A_2197 = vector.shape_cast %swap3A_2196 : vector<1x16xi32> to vector<16xi32>
            %swap3A_2198 = vector.shape_cast %select_n3A_2193 : vector<16xi32> to vector<1x16xi32>
            tpu.vector_store %arg11[%swap3A_2194, %swap3A_2195], %swap3A_2198 {strides = array<i32>} : memref<21x128xi32, #tpu.memory_space<vmem>>, vector<1x16xi32>,
            %jit3A_2199 = arith.constant 0.000000e+00 : f32
            %broadcast_in_dim3A_2200 = vector.broadcast %jit3A_2199 : f32 to vector<16xf32>
            %select_n3A_2201 = arith.select %and3A_2181, %get3A_2173, %broadcast_in_dim3A_2200 : vector<16xi1>, vector<16xf32>
            %swap3A_2202 = arith.index_cast %shift_right_logical3A_2187 : i32 to index
            %swap3A_2203 = arith.index_cast %and3A_2189 : i32 to index
            %swap3A_2204 = tpu.vector_load %arg12[%swap3A_2202, %swap3A_2203] {strides = array<i32>} : memref<21x128xf32, #tpu.memory_space<vmem>>, vector<1x16xf32>,
            %swap3A_2205 = vector.shape_cast %swap3A_2204 : vector<1x16xf32> to vector<16xf32>
            %swap3A_2206 = vector.shape_cast %select_n3A_2201 : vector<16xf32> to vector<1x16xf32>
            tpu.vector_store %arg12[%swap3A_2202, %swap3A_2203], %swap3A_2206 {strides = array<i32>} : memref<21x128xf32, #tpu.memory_space<vmem>>, vector<1x16xf32>,
            %get3A_2207 = arith.index_cast %add3A_2006 : i32 to index
            %get3A_2208 = arith.constant 80 : index
            %get3A_2209 = tpu.vector_load %arg7[%get3A_2207, %get3A_2208] {strides = array<i32>} : memref<24x112xi32, #tpu.memory_space<vmem>>, vector<1x16xi32>,
            %get3A_2210 = vector.shape_cast %get3A_2209 : vector<1x16xi32> to vector<16xi32>
            %get3A_2211 = arith.index_cast %add3A_2006 : i32 to index
            %get3A_2212 = arith.constant 80 : index
            %get3A_2213 = tpu.vector_load %arg8[%get3A_2211, %get3A_2212] {strides = array<i32>} : memref<24x112xf32, #tpu.memory_space<vmem>>, vector<1x16xf32>,
            %get3A_2214 = vector.shape_cast %get3A_2213 : vector<1x16xf32> to vector<16xf32>
            %sub3A_2215 = vector.broadcast %mul3A_27 : i32 to vector<16xi32>
            %sub3A_2216 = arith.subi %get3A_2210, %sub3A_2215 : vector<16xi32>
            %ge3A_2217 = vector.broadcast %mul3A_27 : i32 to vector<16xi32>
            %ge3A_2218 = arith.cmpi sge, %get3A_2210, %ge3A_2217 : vector<16xi32>
            %lt3A_2219 = arith.constant 1605632 : i32
            %lt3A_2220 = vector.broadcast %lt3A_2219 : i32 to vector<16xi32>
            %lt3A_2221 = arith.cmpi slt, %sub3A_2216, %lt3A_2220 : vector<16xi32>
            %and3A_2222 = arith.andi %ge3A_2218, %lt3A_2221 : vector<16xi1>
            %mul3A_2223 = arith.constant 112 : i32
            %mul3A_2224 = arith.muli %add3A_2006, %mul3A_2223 : i32
            %add3A_2225 = arith.constant 80 : i32
            %add3A_2226 = arith.addi %mul3A_2224, %add3A_2225 : i32
            %shift_right_logical3A_2227 = arith.constant 7 : i32
            %shift_right_logical3A_2228 = arith.shrui %add3A_2226, %shift_right_logical3A_2227 : i32
            %and3A_2229 = arith.constant 127 : i32
            %and3A_2230 = arith.andi %add3A_2226, %and3A_2229 : i32
            %shift_right_logical3A_2231 = arith.constant 2 : i32
            %shift_right_logical3A_2232 = vector.broadcast %shift_right_logical3A_2231 : i32 to vector<16xi32>
            %shift_right_logical3A_2233 = arith.shrui %get3A_2210, %shift_right_logical3A_2232 : vector<16xi32>
            %select_n3A_2234 = arith.select %and3A_2222, %sub3A_2216, %shift_right_logical3A_2233 : vector<16xi1>, vector<16xi32>
            %swap3A_2235 = arith.index_cast %shift_right_logical3A_2228 : i32 to index
            %swap3A_2236 = arith.index_cast %and3A_2230 : i32 to index
            %swap3A_2237 = tpu.vector_load %arg11[%swap3A_2235, %swap3A_2236] {strides = array<i32>} : memref<21x128xi32, #tpu.memory_space<vmem>>, vector<1x16xi32>,
            %swap3A_2238 = vector.shape_cast %swap3A_2237 : vector<1x16xi32> to vector<16xi32>
            %swap3A_2239 = vector.shape_cast %select_n3A_2234 : vector<16xi32> to vector<1x16xi32>
            tpu.vector_store %arg11[%swap3A_2235, %swap3A_2236], %swap3A_2239 {strides = array<i32>} : memref<21x128xi32, #tpu.memory_space<vmem>>, vector<1x16xi32>,
            %jit3A_2240 = arith.constant 0.000000e+00 : f32
            %broadcast_in_dim3A_2241 = vector.broadcast %jit3A_2240 : f32 to vector<16xf32>
            %select_n3A_2242 = arith.select %and3A_2222, %get3A_2214, %broadcast_in_dim3A_2241 : vector<16xi1>, vector<16xf32>
            %swap3A_2243 = arith.index_cast %shift_right_logical3A_2228 : i32 to index
            %swap3A_2244 = arith.index_cast %and3A_2230 : i32 to index
            %swap3A_2245 = tpu.vector_load %arg12[%swap3A_2243, %swap3A_2244] {strides = array<i32>} : memref<21x128xf32, #tpu.memory_space<vmem>>, vector<1x16xf32>,
            %swap3A_2246 = vector.shape_cast %swap3A_2245 : vector<1x16xf32> to vector<16xf32>
            %swap3A_2247 = vector.shape_cast %select_n3A_2242 : vector<16xf32> to vector<1x16xf32>
            tpu.vector_store %arg12[%swap3A_2243, %swap3A_2244], %swap3A_2247 {strides = array<i32>} : memref<21x128xf32, #tpu.memory_space<vmem>>, vector<1x16xf32>,
            %get3A_2248 = arith.index_cast %add3A_2006 : i32 to index
            %get3A_2249 = arith.constant 96 : index
            %get3A_2250 = tpu.vector_load %arg7[%get3A_2248, %get3A_2249] {strides = array<i32>} : memref<24x112xi32, #tpu.memory_space<vmem>>, vector<1x16xi32>,
            %get3A_2251 = vector.shape_cast %get3A_2250 : vector<1x16xi32> to vector<16xi32>
            %get3A_2252 = arith.index_cast %add3A_2006 : i32 to index
            %get3A_2253 = arith.constant 96 : index
            %get3A_2254 = tpu.vector_load %arg8[%get3A_2252, %get3A_2253] {strides = array<i32>} : memref<24x112xf32, #tpu.memory_space<vmem>>, vector<1x16xf32>,
            %get3A_2255 = vector.shape_cast %get3A_2254 : vector<1x16xf32> to vector<16xf32>
            %sub3A_2256 = vector.broadcast %mul3A_27 : i32 to vector<16xi32>
            %sub3A_2257 = arith.subi %get3A_2251, %sub3A_2256 : vector<16xi32>
            %ge3A_2258 = vector.broadcast %mul3A_27 : i32 to vector<16xi32>
            %ge3A_2259 = arith.cmpi sge, %get3A_2251, %ge3A_2258 : vector<16xi32>
            %lt3A_2260 = arith.constant 1605632 : i32
            %lt3A_2261 = vector.broadcast %lt3A_2260 : i32 to vector<16xi32>
            %lt3A_2262 = arith.cmpi slt, %sub3A_2257, %lt3A_2261 : vector<16xi32>
            %and3A_2263 = arith.andi %ge3A_2259, %lt3A_2262 : vector<16xi1>
            %mul3A_2264 = arith.constant 112 : i32
            %mul3A_2265 = arith.muli %add3A_2006, %mul3A_2264 : i32
            %add3A_2266 = arith.constant 96 : i32
            %add3A_2267 = arith.addi %mul3A_2265, %add3A_2266 : i32
            %shift_right_logical3A_2268 = arith.constant 7 : i32
            %shift_right_logical3A_2269 = arith.shrui %add3A_2267, %shift_right_logical3A_2268 : i32
            %and3A_2270 = arith.constant 127 : i32
            %and3A_2271 = arith.andi %add3A_2267, %and3A_2270 : i32
            %shift_right_logical3A_2272 = arith.constant 2 : i32
            %shift_right_logical3A_2273 = vector.broadcast %shift_right_logical3A_2272 : i32 to vector<16xi32>
            %shift_right_logical3A_2274 = arith.shrui %get3A_2251, %shift_right_logical3A_2273 : vector<16xi32>
            %select_n3A_2275 = arith.select %and3A_2263, %sub3A_2257, %shift_right_logical3A_2274 : vector<16xi1>, vector<16xi32>
            %swap3A_2276 = arith.index_cast %shift_right_logical3A_2269 : i32 to index
            %swap3A_2277 = arith.index_cast %and3A_2271 : i32 to index
            %swap3A_2278 = tpu.vector_load %arg11[%swap3A_2276, %swap3A_2277] {strides = array<i32>} : memref<21x128xi32, #tpu.memory_space<vmem>>, vector<1x16xi32>,
            %swap3A_2279 = vector.shape_cast %swap3A_2278 : vector<1x16xi32> to vector<16xi32>
            %swap3A_2280 = vector.shape_cast %select_n3A_2275 : vector<16xi32> to vector<1x16xi32>
            tpu.vector_store %arg11[%swap3A_2276, %swap3A_2277], %swap3A_2280 {strides = array<i32>} : memref<21x128xi32, #tpu.memory_space<vmem>>, vector<1x16xi32>,
            %jit3A_2281 = arith.constant 0.000000e+00 : f32
            %broadcast_in_dim3A_2282 = vector.broadcast %jit3A_2281 : f32 to vector<16xf32>
            %select_n3A_2283 = arith.select %and3A_2263, %get3A_2255, %broadcast_in_dim3A_2282 : vector<16xi1>, vector<16xf32>
            %swap3A_2284 = arith.index_cast %shift_right_logical3A_2269 : i32 to index
            %swap3A_2285 = arith.index_cast %and3A_2271 : i32 to index
            %swap3A_2286 = tpu.vector_load %arg12[%swap3A_2284, %swap3A_2285] {strides = array<i32>} : memref<21x128xf32, #tpu.memory_space<vmem>>, vector<1x16xf32>,
            %swap3A_2287 = vector.shape_cast %swap3A_2286 : vector<1x16xf32> to vector<16xf32>
            %swap3A_2288 = vector.shape_cast %select_n3A_2283 : vector<16xf32> to vector<1x16xf32>
            tpu.vector_store %arg12[%swap3A_2284, %swap3A_2285], %swap3A_2288 {strides = array<i32>} : memref<21x128xf32, #tpu.memory_space<vmem>>, vector<1x16xf32>,
          }
          %scan3A_1762 = arith.constant 24 : i32
          %dma_start3A_1763 = arith.constant 0 : i32
          %dma_start3A_1764 = arith.constant 0 : i32
          %dma_start3A_1765 = arith.constant 0 : i32
          %dma_start3A_1766 = tpu.memref_slice %arg12[%dma_start3A_1763, %dma_start3A_1765] : memref<21x128xf32, #tpu.memory_space<vmem>> -> memref<1x128xf32, #tpu.memory_space<vmem>>
          %dma_start3A_1767 = tpu.memref_squeeze %dma_start3A_1766 : memref<1x128xf32, #tpu.memory_space<vmem>> -> memref<128xf32, #tpu.memory_space<vmem>>
          %dma_start3A_1768 = arith.constant 0 : i32
          %dma_start3A_1769 = tpu.memref_slice %arg11[%dma_start3A_1764, %dma_start3A_1768] : memref<21x128xi32, #tpu.memory_space<vmem>> -> memref<1x128xi32, #tpu.memory_space<vmem>>
          %dma_start3A_1770 = tpu.memref_squeeze %dma_start3A_1769 : memref<1x128xi32, #tpu.memory_space<vmem>> -> memref<128xi32, #tpu.memory_space<vmem>>
          %dma_start3A_1771 = arith.constant 0 : i32
          %dma_start3A_1772 = tpu.memref_slice %arg14[%dma_start3A_1771] : memref<1605632xf32, #tpu.memory_space<vmem_shared>> -> memref<1605632xf32, #tpu.memory_space<vmem_shared>>
          tpu.enqueue_indirect_dma source(%dma_start3A_1767 : memref<128xf32, #tpu.memory_space<vmem>>) target(%dma_start3A_1772 : memref<1605632xf32, #tpu.memory_space<vmem_shared>>) offsets(%dma_start3A_1770 : memref<128xi32, #tpu.memory_space<vmem>>) semaphore(%arg18 : memref<!tpu.dma_semaphore, #tpu.memory_space<semaphore_mem>>) {add = true}
          %dma_start3A_1773 = arith.constant 1 : i32
          %dma_start3A_1774 = arith.constant 1 : i32
          %dma_start3A_1775 = arith.constant 0 : i32
          %dma_start3A_1776 = tpu.memref_slice %arg12[%dma_start3A_1773, %dma_start3A_1775] : memref<21x128xf32, #tpu.memory_space<vmem>> -> memref<1x128xf32, #tpu.memory_space<vmem>>
          %dma_start3A_1777 = tpu.memref_squeeze %dma_start3A_1776 : memref<1x128xf32, #tpu.memory_space<vmem>> -> memref<128xf32, #tpu.memory_space<vmem>>
          %dma_start3A_1778 = arith.constant 0 : i32
          %dma_start3A_1779 = tpu.memref_slice %arg11[%dma_start3A_1774, %dma_start3A_1778] : memref<21x128xi32, #tpu.memory_space<vmem>> -> memref<1x128xi32, #tpu.memory_space<vmem>>
          %dma_start3A_1780 = tpu.memref_squeeze %dma_start3A_1779 : memref<1x128xi32, #tpu.memory_space<vmem>> -> memref<128xi32, #tpu.memory_space<vmem>>
          %dma_start3A_1781 = arith.constant 0 : i32
          %dma_start3A_1782 = tpu.memref_slice %arg14[%dma_start3A_1781] : memref<1605632xf32, #tpu.memory_space<vmem_shared>> -> memref<1605632xf32, #tpu.memory_space<vmem_shared>>
          tpu.enqueue_indirect_dma source(%dma_start3A_1777 : memref<128xf32, #tpu.memory_space<vmem>>) target(%dma_start3A_1782 : memref<1605632xf32, #tpu.memory_space<vmem_shared>>) offsets(%dma_start3A_1780 : memref<128xi32, #tpu.memory_space<vmem>>) semaphore(%arg18 : memref<!tpu.dma_semaphore, #tpu.memory_space<semaphore_mem>>) {add = true}
          %dma_start3A_1783 = arith.constant 2 : i32
          %dma_start3A_1784 = arith.constant 2 : i32
          %dma_start3A_1785 = arith.constant 0 : i32
          %dma_start3A_1786 = tpu.memref_slice %arg12[%dma_start3A_1783, %dma_start3A_1785] : memref<21x128xf32, #tpu.memory_space<vmem>> -> memref<1x128xf32, #tpu.memory_space<vmem>>
          %dma_start3A_1787 = tpu.memref_squeeze %dma_start3A_1786 : memref<1x128xf32, #tpu.memory_space<vmem>> -> memref<128xf32, #tpu.memory_space<vmem>>
          %dma_start3A_1788 = arith.constant 0 : i32
          %dma_start3A_1789 = tpu.memref_slice %arg11[%dma_start3A_1784, %dma_start3A_1788] : memref<21x128xi32, #tpu.memory_space<vmem>> -> memref<1x128xi32, #tpu.memory_space<vmem>>
          %dma_start3A_1790 = tpu.memref_squeeze %dma_start3A_1789 : memref<1x128xi32, #tpu.memory_space<vmem>> -> memref<128xi32, #tpu.memory_space<vmem>>
          %dma_start3A_1791 = arith.constant 0 : i32
          %dma_start3A_1792 = tpu.memref_slice %arg14[%dma_start3A_1791] : memref<1605632xf32, #tpu.memory_space<vmem_shared>> -> memref<1605632xf32, #tpu.memory_space<vmem_shared>>
          tpu.enqueue_indirect_dma source(%dma_start3A_1787 : memref<128xf32, #tpu.memory_space<vmem>>) target(%dma_start3A_1792 : memref<1605632xf32, #tpu.memory_space<vmem_shared>>) offsets(%dma_start3A_1790 : memref<128xi32, #tpu.memory_space<vmem>>) semaphore(%arg18 : memref<!tpu.dma_semaphore, #tpu.memory_space<semaphore_mem>>) {add = true}
          %dma_start3A_1793 = arith.constant 3 : i32
          %dma_start3A_1794 = arith.constant 3 : i32
          %dma_start3A_1795 = arith.constant 0 : i32
          %dma_start3A_1796 = tpu.memref_slice %arg12[%dma_start3A_1793, %dma_start3A_1795] : memref<21x128xf32, #tpu.memory_space<vmem>> -> memref<1x128xf32, #tpu.memory_space<vmem>>
          %dma_start3A_1797 = tpu.memref_squeeze %dma_start3A_1796 : memref<1x128xf32, #tpu.memory_space<vmem>> -> memref<128xf32, #tpu.memory_space<vmem>>
          %dma_start3A_1798 = arith.constant 0 : i32
          %dma_start3A_1799 = tpu.memref_slice %arg11[%dma_start3A_1794, %dma_start3A_1798] : memref<21x128xi32, #tpu.memory_space<vmem>> -> memref<1x128xi32, #tpu.memory_space<vmem>>
          %dma_start3A_1800 = tpu.memref_squeeze %dma_start3A_1799 : memref<1x128xi32, #tpu.memory_space<vmem>> -> memref<128xi32, #tpu.memory_space<vmem>>
          %dma_start3A_1801 = arith.constant 0 : i32
          %dma_start3A_1802 = tpu.memref_slice %arg14[%dma_start3A_1801] : memref<1605632xf32, #tpu.memory_space<vmem_shared>> -> memref<1605632xf32, #tpu.memory_space<vmem_shared>>
          tpu.enqueue_indirect_dma source(%dma_start3A_1797 : memref<128xf32, #tpu.memory_space<vmem>>) target(%dma_start3A_1802 : memref<1605632xf32, #tpu.memory_space<vmem_shared>>) offsets(%dma_start3A_1800 : memref<128xi32, #tpu.memory_space<vmem>>) semaphore(%arg18 : memref<!tpu.dma_semaphore, #tpu.memory_space<semaphore_mem>>) {add = true}
          %dma_start3A_1803 = arith.constant 4 : i32
          %dma_start3A_1804 = arith.constant 4 : i32
          %dma_start3A_1805 = arith.constant 0 : i32
          %dma_start3A_1806 = tpu.memref_slice %arg12[%dma_start3A_1803, %dma_start3A_1805] : memref<21x128xf32, #tpu.memory_space<vmem>> -> memref<1x128xf32, #tpu.memory_space<vmem>>
          %dma_start3A_1807 = tpu.memref_squeeze %dma_start3A_1806 : memref<1x128xf32, #tpu.memory_space<vmem>> -> memref<128xf32, #tpu.memory_space<vmem>>
          %dma_start3A_1808 = arith.constant 0 : i32
          %dma_start3A_1809 = tpu.memref_slice %arg11[%dma_start3A_1804, %dma_start3A_1808] : memref<21x128xi32, #tpu.memory_space<vmem>> -> memref<1x128xi32, #tpu.memory_space<vmem>>
          %dma_start3A_1810 = tpu.memref_squeeze %dma_start3A_1809 : memref<1x128xi32, #tpu.memory_space<vmem>> -> memref<128xi32, #tpu.memory_space<vmem>>
          %dma_start3A_1811 = arith.constant 0 : i32
          %dma_start3A_1812 = tpu.memref_slice %arg14[%dma_start3A_1811] : memref<1605632xf32, #tpu.memory_space<vmem_shared>> -> memref<1605632xf32, #tpu.memory_space<vmem_shared>>
          tpu.enqueue_indirect_dma source(%dma_start3A_1807 : memref<128xf32, #tpu.memory_space<vmem>>) target(%dma_start3A_1812 : memref<1605632xf32, #tpu.memory_space<vmem_shared>>) offsets(%dma_start3A_1810 : memref<128xi32, #tpu.memory_space<vmem>>) semaphore(%arg18 : memref<!tpu.dma_semaphore, #tpu.memory_space<semaphore_mem>>) {add = true}
          %dma_start3A_1813 = arith.constant 5 : i32
          %dma_start3A_1814 = arith.constant 5 : i32
          %dma_start3A_1815 = arith.constant 0 : i32
          %dma_start3A_1816 = tpu.memref_slice %arg12[%dma_start3A_1813, %dma_start3A_1815] : memref<21x128xf32, #tpu.memory_space<vmem>> -> memref<1x128xf32, #tpu.memory_space<vmem>>
          %dma_start3A_1817 = tpu.memref_squeeze %dma_start3A_1816 : memref<1x128xf32, #tpu.memory_space<vmem>> -> memref<128xf32, #tpu.memory_space<vmem>>
          %dma_start3A_1818 = arith.constant 0 : i32
          %dma_start3A_1819 = tpu.memref_slice %arg11[%dma_start3A_1814, %dma_start3A_1818] : memref<21x128xi32, #tpu.memory_space<vmem>> -> memref<1x128xi32, #tpu.memory_space<vmem>>
          %dma_start3A_1820 = tpu.memref_squeeze %dma_start3A_1819 : memref<1x128xi32, #tpu.memory_space<vmem>> -> memref<128xi32, #tpu.memory_space<vmem>>
          %dma_start3A_1821 = arith.constant 0 : i32
          %dma_start3A_1822 = tpu.memref_slice %arg14[%dma_start3A_1821] : memref<1605632xf32, #tpu.memory_space<vmem_shared>> -> memref<1605632xf32, #tpu.memory_space<vmem_shared>>
          tpu.enqueue_indirect_dma source(%dma_start3A_1817 : memref<128xf32, #tpu.memory_space<vmem>>) target(%dma_start3A_1822 : memref<1605632xf32, #tpu.memory_space<vmem_shared>>) offsets(%dma_start3A_1820 : memref<128xi32, #tpu.memory_space<vmem>>) semaphore(%arg18 : memref<!tpu.dma_semaphore, #tpu.memory_space<semaphore_mem>>) {add = true}
          %dma_start3A_1823 = arith.constant 6 : i32
          %dma_start3A_1824 = arith.constant 6 : i32
          %dma_start3A_1825 = arith.constant 0 : i32
          %dma_start3A_1826 = tpu.memref_slice %arg12[%dma_start3A_1823, %dma_start3A_1825] : memref<21x128xf32, #tpu.memory_space<vmem>> -> memref<1x128xf32, #tpu.memory_space<vmem>>
          %dma_start3A_1827 = tpu.memref_squeeze %dma_start3A_1826 : memref<1x128xf32, #tpu.memory_space<vmem>> -> memref<128xf32, #tpu.memory_space<vmem>>
          %dma_start3A_1828 = arith.constant 0 : i32
          %dma_start3A_1829 = tpu.memref_slice %arg11[%dma_start3A_1824, %dma_start3A_1828] : memref<21x128xi32, #tpu.memory_space<vmem>> -> memref<1x128xi32, #tpu.memory_space<vmem>>
          %dma_start3A_1830 = tpu.memref_squeeze %dma_start3A_1829 : memref<1x128xi32, #tpu.memory_space<vmem>> -> memref<128xi32, #tpu.memory_space<vmem>>
          %dma_start3A_1831 = arith.constant 0 : i32
          %dma_start3A_1832 = tpu.memref_slice %arg14[%dma_start3A_1831] : memref<1605632xf32, #tpu.memory_space<vmem_shared>> -> memref<1605632xf32, #tpu.memory_space<vmem_shared>>
          tpu.enqueue_indirect_dma source(%dma_start3A_1827 : memref<128xf32, #tpu.memory_space<vmem>>) target(%dma_start3A_1832 : memref<1605632xf32, #tpu.memory_space<vmem_shared>>) offsets(%dma_start3A_1830 : memref<128xi32, #tpu.memory_space<vmem>>) semaphore(%arg18 : memref<!tpu.dma_semaphore, #tpu.memory_space<semaphore_mem>>) {add = true}
          %dma_start3A_1833 = arith.constant 7 : i32
          %dma_start3A_1834 = arith.constant 7 : i32
          %dma_start3A_1835 = arith.constant 0 : i32
          %dma_start3A_1836 = tpu.memref_slice %arg12[%dma_start3A_1833, %dma_start3A_1835] : memref<21x128xf32, #tpu.memory_space<vmem>> -> memref<1x128xf32, #tpu.memory_space<vmem>>
          %dma_start3A_1837 = tpu.memref_squeeze %dma_start3A_1836 : memref<1x128xf32, #tpu.memory_space<vmem>> -> memref<128xf32, #tpu.memory_space<vmem>>
          %dma_start3A_1838 = arith.constant 0 : i32
          %dma_start3A_1839 = tpu.memref_slice %arg11[%dma_start3A_1834, %dma_start3A_1838] : memref<21x128xi32, #tpu.memory_space<vmem>> -> memref<1x128xi32, #tpu.memory_space<vmem>>
          %dma_start3A_1840 = tpu.memref_squeeze %dma_start3A_1839 : memref<1x128xi32, #tpu.memory_space<vmem>> -> memref<128xi32, #tpu.memory_space<vmem>>
          %dma_start3A_1841 = arith.constant 0 : i32
          %dma_start3A_1842 = tpu.memref_slice %arg14[%dma_start3A_1841] : memref<1605632xf32, #tpu.memory_space<vmem_shared>> -> memref<1605632xf32, #tpu.memory_space<vmem_shared>>
          tpu.enqueue_indirect_dma source(%dma_start3A_1837 : memref<128xf32, #tpu.memory_space<vmem>>) target(%dma_start3A_1842 : memref<1605632xf32, #tpu.memory_space<vmem_shared>>) offsets(%dma_start3A_1840 : memref<128xi32, #tpu.memory_space<vmem>>) semaphore(%arg18 : memref<!tpu.dma_semaphore, #tpu.memory_space<semaphore_mem>>) {add = true}
          %dma_start3A_1843 = arith.constant 8 : i32
          %dma_start3A_1844 = arith.constant 8 : i32
          %dma_start3A_1845 = arith.constant 0 : i32
          %dma_start3A_1846 = tpu.memref_slice %arg12[%dma_start3A_1843, %dma_start3A_1845] : memref<21x128xf32, #tpu.memory_space<vmem>> -> memref<1x128xf32, #tpu.memory_space<vmem>>
          %dma_start3A_1847 = tpu.memref_squeeze %dma_start3A_1846 : memref<1x128xf32, #tpu.memory_space<vmem>> -> memref<128xf32, #tpu.memory_space<vmem>>
          %dma_start3A_1848 = arith.constant 0 : i32
          %dma_start3A_1849 = tpu.memref_slice %arg11[%dma_start3A_1844, %dma_start3A_1848] : memref<21x128xi32, #tpu.memory_space<vmem>> -> memref<1x128xi32, #tpu.memory_space<vmem>>
          %dma_start3A_1850 = tpu.memref_squeeze %dma_start3A_1849 : memref<1x128xi32, #tpu.memory_space<vmem>> -> memref<128xi32, #tpu.memory_space<vmem>>
          %dma_start3A_1851 = arith.constant 0 : i32
          %dma_start3A_1852 = tpu.memref_slice %arg14[%dma_start3A_1851] : memref<1605632xf32, #tpu.memory_space<vmem_shared>> -> memref<1605632xf32, #tpu.memory_space<vmem_shared>>
          tpu.enqueue_indirect_dma source(%dma_start3A_1847 : memref<128xf32, #tpu.memory_space<vmem>>) target(%dma_start3A_1852 : memref<1605632xf32, #tpu.memory_space<vmem_shared>>) offsets(%dma_start3A_1850 : memref<128xi32, #tpu.memory_space<vmem>>) semaphore(%arg18 : memref<!tpu.dma_semaphore, #tpu.memory_space<semaphore_mem>>) {add = true}
          %dma_start3A_1853 = arith.constant 9 : i32
          %dma_start3A_1854 = arith.constant 9 : i32
          %dma_start3A_1855 = arith.constant 0 : i32
          %dma_start3A_1856 = tpu.memref_slice %arg12[%dma_start3A_1853, %dma_start3A_1855] : memref<21x128xf32, #tpu.memory_space<vmem>> -> memref<1x128xf32, #tpu.memory_space<vmem>>
          %dma_start3A_1857 = tpu.memref_squeeze %dma_start3A_1856 : memref<1x128xf32, #tpu.memory_space<vmem>> -> memref<128xf32, #tpu.memory_space<vmem>>
          %dma_start3A_1858 = arith.constant 0 : i32
          %dma_start3A_1859 = tpu.memref_slice %arg11[%dma_start3A_1854, %dma_start3A_1858] : memref<21x128xi32, #tpu.memory_space<vmem>> -> memref<1x128xi32, #tpu.memory_space<vmem>>
          %dma_start3A_1860 = tpu.memref_squeeze %dma_start3A_1859 : memref<1x128xi32, #tpu.memory_space<vmem>> -> memref<128xi32, #tpu.memory_space<vmem>>
          %dma_start3A_1861 = arith.constant 0 : i32
          %dma_start3A_1862 = tpu.memref_slice %arg14[%dma_start3A_1861] : memref<1605632xf32, #tpu.memory_space<vmem_shared>> -> memref<1605632xf32, #tpu.memory_space<vmem_shared>>
          tpu.enqueue_indirect_dma source(%dma_start3A_1857 : memref<128xf32, #tpu.memory_space<vmem>>) target(%dma_start3A_1862 : memref<1605632xf32, #tpu.memory_space<vmem_shared>>) offsets(%dma_start3A_1860 : memref<128xi32, #tpu.memory_space<vmem>>) semaphore(%arg18 : memref<!tpu.dma_semaphore, #tpu.memory_space<semaphore_mem>>) {add = true}
          %dma_start3A_1863 = arith.constant 10 : i32
          %dma_start3A_1864 = arith.constant 10 : i32
          %dma_start3A_1865 = arith.constant 0 : i32
          %dma_start3A_1866 = tpu.memref_slice %arg12[%dma_start3A_1863, %dma_start3A_1865] : memref<21x128xf32, #tpu.memory_space<vmem>> -> memref<1x128xf32, #tpu.memory_space<vmem>>
          %dma_start3A_1867 = tpu.memref_squeeze %dma_start3A_1866 : memref<1x128xf32, #tpu.memory_space<vmem>> -> memref<128xf32, #tpu.memory_space<vmem>>
          %dma_start3A_1868 = arith.constant 0 : i32
          %dma_start3A_1869 = tpu.memref_slice %arg11[%dma_start3A_1864, %dma_start3A_1868] : memref<21x128xi32, #tpu.memory_space<vmem>> -> memref<1x128xi32, #tpu.memory_space<vmem>>
          %dma_start3A_1870 = tpu.memref_squeeze %dma_start3A_1869 : memref<1x128xi32, #tpu.memory_space<vmem>> -> memref<128xi32, #tpu.memory_space<vmem>>
          %dma_start3A_1871 = arith.constant 0 : i32
          %dma_start3A_1872 = tpu.memref_slice %arg14[%dma_start3A_1871] : memref<1605632xf32, #tpu.memory_space<vmem_shared>> -> memref<1605632xf32, #tpu.memory_space<vmem_shared>>
          tpu.enqueue_indirect_dma source(%dma_start3A_1867 : memref<128xf32, #tpu.memory_space<vmem>>) target(%dma_start3A_1872 : memref<1605632xf32, #tpu.memory_space<vmem_shared>>) offsets(%dma_start3A_1870 : memref<128xi32, #tpu.memory_space<vmem>>) semaphore(%arg18 : memref<!tpu.dma_semaphore, #tpu.memory_space<semaphore_mem>>) {add = true}
          %dma_start3A_1873 = arith.constant 11 : i32
          %dma_start3A_1874 = arith.constant 11 : i32
          %dma_start3A_1875 = arith.constant 0 : i32
          %dma_start3A_1876 = tpu.memref_slice %arg12[%dma_start3A_1873, %dma_start3A_1875] : memref<21x128xf32, #tpu.memory_space<vmem>> -> memref<1x128xf32, #tpu.memory_space<vmem>>
          %dma_start3A_1877 = tpu.memref_squeeze %dma_start3A_1876 : memref<1x128xf32, #tpu.memory_space<vmem>> -> memref<128xf32, #tpu.memory_space<vmem>>
          %dma_start3A_1878 = arith.constant 0 : i32
          %dma_start3A_1879 = tpu.memref_slice %arg11[%dma_start3A_1874, %dma_start3A_1878] : memref<21x128xi32, #tpu.memory_space<vmem>> -> memref<1x128xi32, #tpu.memory_space<vmem>>
          %dma_start3A_1880 = tpu.memref_squeeze %dma_start3A_1879 : memref<1x128xi32, #tpu.memory_space<vmem>> -> memref<128xi32, #tpu.memory_space<vmem>>
          %dma_start3A_1881 = arith.constant 0 : i32
          %dma_start3A_1882 = tpu.memref_slice %arg14[%dma_start3A_1881] : memref<1605632xf32, #tpu.memory_space<vmem_shared>> -> memref<1605632xf32, #tpu.memory_space<vmem_shared>>
          tpu.enqueue_indirect_dma source(%dma_start3A_1877 : memref<128xf32, #tpu.memory_space<vmem>>) target(%dma_start3A_1882 : memref<1605632xf32, #tpu.memory_space<vmem_shared>>) offsets(%dma_start3A_1880 : memref<128xi32, #tpu.memory_space<vmem>>) semaphore(%arg18 : memref<!tpu.dma_semaphore, #tpu.memory_space<semaphore_mem>>) {add = true}
          %dma_start3A_1883 = arith.constant 12 : i32
          %dma_start3A_1884 = arith.constant 12 : i32
          %dma_start3A_1885 = arith.constant 0 : i32
          %dma_start3A_1886 = tpu.memref_slice %arg12[%dma_start3A_1883, %dma_start3A_1885] : memref<21x128xf32, #tpu.memory_space<vmem>> -> memref<1x128xf32, #tpu.memory_space<vmem>>
          %dma_start3A_1887 = tpu.memref_squeeze %dma_start3A_1886 : memref<1x128xf32, #tpu.memory_space<vmem>> -> memref<128xf32, #tpu.memory_space<vmem>>
          %dma_start3A_1888 = arith.constant 0 : i32
          %dma_start3A_1889 = tpu.memref_slice %arg11[%dma_start3A_1884, %dma_start3A_1888] : memref<21x128xi32, #tpu.memory_space<vmem>> -> memref<1x128xi32, #tpu.memory_space<vmem>>
          %dma_start3A_1890 = tpu.memref_squeeze %dma_start3A_1889 : memref<1x128xi32, #tpu.memory_space<vmem>> -> memref<128xi32, #tpu.memory_space<vmem>>
          %dma_start3A_1891 = arith.constant 0 : i32
          %dma_start3A_1892 = tpu.memref_slice %arg14[%dma_start3A_1891] : memref<1605632xf32, #tpu.memory_space<vmem_shared>> -> memref<1605632xf32, #tpu.memory_space<vmem_shared>>
          tpu.enqueue_indirect_dma source(%dma_start3A_1887 : memref<128xf32, #tpu.memory_space<vmem>>) target(%dma_start3A_1892 : memref<1605632xf32, #tpu.memory_space<vmem_shared>>) offsets(%dma_start3A_1890 : memref<128xi32, #tpu.memory_space<vmem>>) semaphore(%arg18 : memref<!tpu.dma_semaphore, #tpu.memory_space<semaphore_mem>>) {add = true}
          %dma_start3A_1893 = arith.constant 13 : i32
          %dma_start3A_1894 = arith.constant 13 : i32
          %dma_start3A_1895 = arith.constant 0 : i32
          %dma_start3A_1896 = tpu.memref_slice %arg12[%dma_start3A_1893, %dma_start3A_1895] : memref<21x128xf32, #tpu.memory_space<vmem>> -> memref<1x128xf32, #tpu.memory_space<vmem>>
          %dma_start3A_1897 = tpu.memref_squeeze %dma_start3A_1896 : memref<1x128xf32, #tpu.memory_space<vmem>> -> memref<128xf32, #tpu.memory_space<vmem>>
          %dma_start3A_1898 = arith.constant 0 : i32
          %dma_start3A_1899 = tpu.memref_slice %arg11[%dma_start3A_1894, %dma_start3A_1898] : memref<21x128xi32, #tpu.memory_space<vmem>> -> memref<1x128xi32, #tpu.memory_space<vmem>>
          %dma_start3A_1900 = tpu.memref_squeeze %dma_start3A_1899 : memref<1x128xi32, #tpu.memory_space<vmem>> -> memref<128xi32, #tpu.memory_space<vmem>>
          %dma_start3A_1901 = arith.constant 0 : i32
          %dma_start3A_1902 = tpu.memref_slice %arg14[%dma_start3A_1901] : memref<1605632xf32, #tpu.memory_space<vmem_shared>> -> memref<1605632xf32, #tpu.memory_space<vmem_shared>>
          tpu.enqueue_indirect_dma source(%dma_start3A_1897 : memref<128xf32, #tpu.memory_space<vmem>>) target(%dma_start3A_1902 : memref<1605632xf32, #tpu.memory_space<vmem_shared>>) offsets(%dma_start3A_1900 : memref<128xi32, #tpu.memory_space<vmem>>) semaphore(%arg18 : memref<!tpu.dma_semaphore, #tpu.memory_space<semaphore_mem>>) {add = true}
          %dma_start3A_1903 = arith.constant 14 : i32
          %dma_start3A_1904 = arith.constant 14 : i32
          %dma_start3A_1905 = arith.constant 0 : i32
          %dma_start3A_1906 = tpu.memref_slice %arg12[%dma_start3A_1903, %dma_start3A_1905] : memref<21x128xf32, #tpu.memory_space<vmem>> -> memref<1x128xf32, #tpu.memory_space<vmem>>
          %dma_start3A_1907 = tpu.memref_squeeze %dma_start3A_1906 : memref<1x128xf32, #tpu.memory_space<vmem>> -> memref<128xf32, #tpu.memory_space<vmem>>
          %dma_start3A_1908 = arith.constant 0 : i32
          %dma_start3A_1909 = tpu.memref_slice %arg11[%dma_start3A_1904, %dma_start3A_1908] : memref<21x128xi32, #tpu.memory_space<vmem>> -> memref<1x128xi32, #tpu.memory_space<vmem>>
          %dma_start3A_1910 = tpu.memref_squeeze %dma_start3A_1909 : memref<1x128xi32, #tpu.memory_space<vmem>> -> memref<128xi32, #tpu.memory_space<vmem>>
          %dma_start3A_1911 = arith.constant 0 : i32
          %dma_start3A_1912 = tpu.memref_slice %arg14[%dma_start3A_1911] : memref<1605632xf32, #tpu.memory_space<vmem_shared>> -> memref<1605632xf32, #tpu.memory_space<vmem_shared>>
          tpu.enqueue_indirect_dma source(%dma_start3A_1907 : memref<128xf32, #tpu.memory_space<vmem>>) target(%dma_start3A_1912 : memref<1605632xf32, #tpu.memory_space<vmem_shared>>) offsets(%dma_start3A_1910 : memref<128xi32, #tpu.memory_space<vmem>>) semaphore(%arg18 : memref<!tpu.dma_semaphore, #tpu.memory_space<semaphore_mem>>) {add = true}
          %dma_start3A_1913 = arith.constant 15 : i32
          %dma_start3A_1914 = arith.constant 15 : i32
          %dma_start3A_1915 = arith.constant 0 : i32
          %dma_start3A_1916 = tpu.memref_slice %arg12[%dma_start3A_1913, %dma_start3A_1915] : memref<21x128xf32, #tpu.memory_space<vmem>> -> memref<1x128xf32, #tpu.memory_space<vmem>>
          %dma_start3A_1917 = tpu.memref_squeeze %dma_start3A_1916 : memref<1x128xf32, #tpu.memory_space<vmem>> -> memref<128xf32, #tpu.memory_space<vmem>>
          %dma_start3A_1918 = arith.constant 0 : i32
          %dma_start3A_1919 = tpu.memref_slice %arg11[%dma_start3A_1914, %dma_start3A_1918] : memref<21x128xi32, #tpu.memory_space<vmem>> -> memref<1x128xi32, #tpu.memory_space<vmem>>
          %dma_start3A_1920 = tpu.memref_squeeze %dma_start3A_1919 : memref<1x128xi32, #tpu.memory_space<vmem>> -> memref<128xi32, #tpu.memory_space<vmem>>
          %dma_start3A_1921 = arith.constant 0 : i32
          %dma_start3A_1922 = tpu.memref_slice %arg14[%dma_start3A_1921] : memref<1605632xf32, #tpu.memory_space<vmem_shared>> -> memref<1605632xf32, #tpu.memory_space<vmem_shared>>
          tpu.enqueue_indirect_dma source(%dma_start3A_1917 : memref<128xf32, #tpu.memory_space<vmem>>) target(%dma_start3A_1922 : memref<1605632xf32, #tpu.memory_space<vmem_shared>>) offsets(%dma_start3A_1920 : memref<128xi32, #tpu.memory_space<vmem>>) semaphore(%arg18 : memref<!tpu.dma_semaphore, #tpu.memory_space<semaphore_mem>>) {add = true}
          %dma_start3A_1923 = arith.constant 16 : i32
          %dma_start3A_1924 = arith.constant 16 : i32
          %dma_start3A_1925 = arith.constant 0 : i32
          %dma_start3A_1926 = tpu.memref_slice %arg12[%dma_start3A_1923, %dma_start3A_1925] : memref<21x128xf32, #tpu.memory_space<vmem>> -> memref<1x128xf32, #tpu.memory_space<vmem>>
          %dma_start3A_1927 = tpu.memref_squeeze %dma_start3A_1926 : memref<1x128xf32, #tpu.memory_space<vmem>> -> memref<128xf32, #tpu.memory_space<vmem>>
          %dma_start3A_1928 = arith.constant 0 : i32
          %dma_start3A_1929 = tpu.memref_slice %arg11[%dma_start3A_1924, %dma_start3A_1928] : memref<21x128xi32, #tpu.memory_space<vmem>> -> memref<1x128xi32, #tpu.memory_space<vmem>>
          %dma_start3A_1930 = tpu.memref_squeeze %dma_start3A_1929 : memref<1x128xi32, #tpu.memory_space<vmem>> -> memref<128xi32, #tpu.memory_space<vmem>>
          %dma_start3A_1931 = arith.constant 0 : i32
          %dma_start3A_1932 = tpu.memref_slice %arg14[%dma_start3A_1931] : memref<1605632xf32, #tpu.memory_space<vmem_shared>> -> memref<1605632xf32, #tpu.memory_space<vmem_shared>>
          tpu.enqueue_indirect_dma source(%dma_start3A_1927 : memref<128xf32, #tpu.memory_space<vmem>>) target(%dma_start3A_1932 : memref<1605632xf32, #tpu.memory_space<vmem_shared>>) offsets(%dma_start3A_1930 : memref<128xi32, #tpu.memory_space<vmem>>) semaphore(%arg18 : memref<!tpu.dma_semaphore, #tpu.memory_space<semaphore_mem>>) {add = true}
          %dma_start3A_1933 = arith.constant 17 : i32
          %dma_start3A_1934 = arith.constant 17 : i32
          %dma_start3A_1935 = arith.constant 0 : i32
          %dma_start3A_1936 = tpu.memref_slice %arg12[%dma_start3A_1933, %dma_start3A_1935] : memref<21x128xf32, #tpu.memory_space<vmem>> -> memref<1x128xf32, #tpu.memory_space<vmem>>
          %dma_start3A_1937 = tpu.memref_squeeze %dma_start3A_1936 : memref<1x128xf32, #tpu.memory_space<vmem>> -> memref<128xf32, #tpu.memory_space<vmem>>
          %dma_start3A_1938 = arith.constant 0 : i32
          %dma_start3A_1939 = tpu.memref_slice %arg11[%dma_start3A_1934, %dma_start3A_1938] : memref<21x128xi32, #tpu.memory_space<vmem>> -> memref<1x128xi32, #tpu.memory_space<vmem>>
          %dma_start3A_1940 = tpu.memref_squeeze %dma_start3A_1939 : memref<1x128xi32, #tpu.memory_space<vmem>> -> memref<128xi32, #tpu.memory_space<vmem>>
          %dma_start3A_1941 = arith.constant 0 : i32
          %dma_start3A_1942 = tpu.memref_slice %arg14[%dma_start3A_1941] : memref<1605632xf32, #tpu.memory_space<vmem_shared>> -> memref<1605632xf32, #tpu.memory_space<vmem_shared>>
          tpu.enqueue_indirect_dma source(%dma_start3A_1937 : memref<128xf32, #tpu.memory_space<vmem>>) target(%dma_start3A_1942 : memref<1605632xf32, #tpu.memory_space<vmem_shared>>) offsets(%dma_start3A_1940 : memref<128xi32, #tpu.memory_space<vmem>>) semaphore(%arg18 : memref<!tpu.dma_semaphore, #tpu.memory_space<semaphore_mem>>) {add = true}
          %dma_start3A_1943 = arith.constant 18 : i32
          %dma_start3A_1944 = arith.constant 18 : i32
          %dma_start3A_1945 = arith.constant 0 : i32
          %dma_start3A_1946 = tpu.memref_slice %arg12[%dma_start3A_1943, %dma_start3A_1945] : memref<21x128xf32, #tpu.memory_space<vmem>> -> memref<1x128xf32, #tpu.memory_space<vmem>>
          %dma_start3A_1947 = tpu.memref_squeeze %dma_start3A_1946 : memref<1x128xf32, #tpu.memory_space<vmem>> -> memref<128xf32, #tpu.memory_space<vmem>>
          %dma_start3A_1948 = arith.constant 0 : i32
          %dma_start3A_1949 = tpu.memref_slice %arg11[%dma_start3A_1944, %dma_start3A_1948] : memref<21x128xi32, #tpu.memory_space<vmem>> -> memref<1x128xi32, #tpu.memory_space<vmem>>
          %dma_start3A_1950 = tpu.memref_squeeze %dma_start3A_1949 : memref<1x128xi32, #tpu.memory_space<vmem>> -> memref<128xi32, #tpu.memory_space<vmem>>
          %dma_start3A_1951 = arith.constant 0 : i32
          %dma_start3A_1952 = tpu.memref_slice %arg14[%dma_start3A_1951] : memref<1605632xf32, #tpu.memory_space<vmem_shared>> -> memref<1605632xf32, #tpu.memory_space<vmem_shared>>
          tpu.enqueue_indirect_dma source(%dma_start3A_1947 : memref<128xf32, #tpu.memory_space<vmem>>) target(%dma_start3A_1952 : memref<1605632xf32, #tpu.memory_space<vmem_shared>>) offsets(%dma_start3A_1950 : memref<128xi32, #tpu.memory_space<vmem>>) semaphore(%arg18 : memref<!tpu.dma_semaphore, #tpu.memory_space<semaphore_mem>>) {add = true}
          %dma_start3A_1953 = arith.constant 19 : i32
          %dma_start3A_1954 = arith.constant 19 : i32
          %dma_start3A_1955 = arith.constant 0 : i32
          %dma_start3A_1956 = tpu.memref_slice %arg12[%dma_start3A_1953, %dma_start3A_1955] : memref<21x128xf32, #tpu.memory_space<vmem>> -> memref<1x128xf32, #tpu.memory_space<vmem>>
          %dma_start3A_1957 = tpu.memref_squeeze %dma_start3A_1956 : memref<1x128xf32, #tpu.memory_space<vmem>> -> memref<128xf32, #tpu.memory_space<vmem>>
          %dma_start3A_1958 = arith.constant 0 : i32
          %dma_start3A_1959 = tpu.memref_slice %arg11[%dma_start3A_1954, %dma_start3A_1958] : memref<21x128xi32, #tpu.memory_space<vmem>> -> memref<1x128xi32, #tpu.memory_space<vmem>>
          %dma_start3A_1960 = tpu.memref_squeeze %dma_start3A_1959 : memref<1x128xi32, #tpu.memory_space<vmem>> -> memref<128xi32, #tpu.memory_space<vmem>>
          %dma_start3A_1961 = arith.constant 0 : i32
          %dma_start3A_1962 = tpu.memref_slice %arg14[%dma_start3A_1961] : memref<1605632xf32, #tpu.memory_space<vmem_shared>> -> memref<1605632xf32, #tpu.memory_space<vmem_shared>>
          tpu.enqueue_indirect_dma source(%dma_start3A_1957 : memref<128xf32, #tpu.memory_space<vmem>>) target(%dma_start3A_1962 : memref<1605632xf32, #tpu.memory_space<vmem_shared>>) offsets(%dma_start3A_1960 : memref<128xi32, #tpu.memory_space<vmem>>) semaphore(%arg18 : memref<!tpu.dma_semaphore, #tpu.memory_space<semaphore_mem>>) {add = true}
          %dma_start3A_1963 = arith.constant 20 : i32
          %dma_start3A_1964 = arith.constant 20 : i32
          %dma_start3A_1965 = arith.constant 0 : i32
          %dma_start3A_1966 = tpu.memref_slice %arg12[%dma_start3A_1963, %dma_start3A_1965] : memref<21x128xf32, #tpu.memory_space<vmem>> -> memref<1x128xf32, #tpu.memory_space<vmem>>
          %dma_start3A_1967 = tpu.memref_squeeze %dma_start3A_1966 : memref<1x128xf32, #tpu.memory_space<vmem>> -> memref<128xf32, #tpu.memory_space<vmem>>
          %dma_start3A_1968 = arith.constant 0 : i32
          %dma_start3A_1969 = tpu.memref_slice %arg11[%dma_start3A_1964, %dma_start3A_1968] : memref<21x128xi32, #tpu.memory_space<vmem>> -> memref<1x128xi32, #tpu.memory_space<vmem>>
          %dma_start3A_1970 = tpu.memref_squeeze %dma_start3A_1969 : memref<1x128xi32, #tpu.memory_space<vmem>> -> memref<128xi32, #tpu.memory_space<vmem>>
          %dma_start3A_1971 = arith.constant 0 : i32
          %dma_start3A_1972 = tpu.memref_slice %arg14[%dma_start3A_1971] : memref<1605632xf32, #tpu.memory_space<vmem_shared>> -> memref<1605632xf32, #tpu.memory_space<vmem_shared>>
          tpu.enqueue_indirect_dma source(%dma_start3A_1967 : memref<128xf32, #tpu.memory_space<vmem>>) target(%dma_start3A_1972 : memref<1605632xf32, #tpu.memory_space<vmem_shared>>) offsets(%dma_start3A_1970 : memref<128xi32, #tpu.memory_space<vmem>>) semaphore(%arg18 : memref<!tpu.dma_semaphore, #tpu.memory_space<semaphore_mem>>) {add = true}
          %add3A_1973 = arith.constant 3 : i32
          %add3A_1974 = arith.addi %add3A_1034, %add3A_1973 : i32
          %jit3A_1975 = arith.constant 28 : i32
          %eq3A_1976 = arith.constant 0 : i32
          %eq3A_1977 = arith.cmpi eq, %jit3A_1975, %eq3A_1976 : i32
          %jit3A_1978 = arith.constant 1 : i32
          %select_n3A_1979 = arith.select %eq3A_1977, %jit3A_1978, %jit3A_1975 : i32
          %rem3A_1980 = arith.remsi %add3A_1974, %select_n3A_1979 : i32
          %ne3A_1981 = arith.constant 0 : i32
          %ne3A_1982 = arith.cmpi ne, %rem3A_1980, %ne3A_1981 : i32
          %lt3A_1983 = arith.constant 0 : i32
          %lt3A_1984 = arith.cmpi slt, %rem3A_1980, %lt3A_1983 : i32
          %lt3A_1985 = arith.constant 0 : i32
          %lt3A_1986 = arith.cmpi slt, %select_n3A_1979, %lt3A_1985 : i32
          %ne3A_1987 = arith.xori %lt3A_1984, %lt3A_1986 : i1
          %and3A_1988 = arith.andi %ne3A_1987, %ne3A_1982 : i1
          %add3A_1989 = arith.addi %rem3A_1980, %select_n3A_1979 : i32
          %select_n3A_1990 = arith.select %and3A_1988, %add3A_1989, %rem3A_1980 : i32
          %mul3A_1991 = arith.constant 24 : i32
          %mul3A_1992 = arith.muli %select_n3A_1990, %mul3A_1991 : i32
          %add3A_1993 = arith.addi %add3A_32, %mul3A_1992 : i32
          %dma_start3A_1994 = arith.constant 0 : i32
          %dma_start3A_1995 = tpu.memref_slice %arg3[%add3A_1993, %dma_start3A_1994] : memref<86016x112xi32, #tpu.memory_space<hbm>> -> memref<24x112xi32, #tpu.memory_space<hbm>>
          %dma_start3A_1996 = arith.constant 0 : i32
          %dma_start3A_1997 = tpu.memref_slice %arg3[%add3A_1993, %dma_start3A_1996] : memref<86016x112xi32, #tpu.memory_space<hbm>> -> memref<24x112xi32, #tpu.memory_space<hbm>>
          tpu.enqueue_dma source(%dma_start3A_1997 : memref<24x112xi32, #tpu.memory_space<hbm>>) target(%arg7 : memref<24x112xi32, #tpu.memory_space<vmem>>) target_semaphore(%arg16 : memref<!tpu.dma_semaphore, #tpu.memory_space<semaphore_mem>>)
          %dma_start3A_1998 = arith.constant 0 : i32
          %dma_start3A_1999 = tpu.memref_slice %arg2[%add3A_1993, %dma_start3A_1998] : memref<86016x112xf32, #tpu.memory_space<hbm>> -> memref<24x112xf32, #tpu.memory_space<hbm>>
          %dma_start3A_2000 = arith.constant 0 : i32
          %dma_start3A_2001 = tpu.memref_slice %arg2[%add3A_1993, %dma_start3A_2000] : memref<86016x112xf32, #tpu.memory_space<hbm>> -> memref<24x112xf32, #tpu.memory_space<hbm>>
          tpu.enqueue_dma source(%dma_start3A_2001 : memref<24x112xf32, #tpu.memory_space<hbm>>) target(%arg8 : memref<24x112xf32, #tpu.memory_space<vmem>>) target_semaphore(%arg16 : memref<!tpu.dma_semaphore, #tpu.memory_space<semaphore_mem>>)
        }
        %scan3A_537 = arith.constant 13 : i32
        %dma_wait3A_538 = arith.constant 0 : i32
        %dma_wait3A_539 = arith.constant 0 : i32
        %dma_wait3A_540 = tpu.memref_slice %arg3[%dma_wait3A_538, %dma_wait3A_539] : memref<86016x112xi32, #tpu.memory_space<hbm>> -> memref<24x112xi32, #tpu.memory_space<hbm>>
        %dma_wait3A_541 = arith.constant 0 : i32
        %dma_wait3A_542 = arith.constant 0 : i32
        %dma_wait3A_543 = tpu.memref_slice %arg3[%dma_wait3A_541, %dma_wait3A_542] : memref<86016x112xi32, #tpu.memory_space<hbm>> -> memref<24x112xi32, #tpu.memory_space<hbm>>
        tpu.wait_dma2 semaphore(%arg15 : memref<!tpu.dma_semaphore, #tpu.memory_space<semaphore_mem>>) src(%dma_wait3A_543 : memref<24x112xi32, #tpu.memory_space<hbm>>) dst(%arg5 : memref<24x112xi32, #tpu.memory_space<vmem>>)
        %dma_wait3A_544 = arith.constant 0 : i32
        %dma_wait3A_545 = arith.constant 0 : i32
        %dma_wait3A_546 = tpu.memref_slice %arg2[%dma_wait3A_544, %dma_wait3A_545] : memref<86016x112xf32, #tpu.memory_space<hbm>> -> memref<24x112xf32, #tpu.memory_space<hbm>>
        %dma_wait3A_547 = arith.constant 0 : i32
        %dma_wait3A_548 = arith.constant 0 : i32
        %dma_wait3A_549 = tpu.memref_slice %arg2[%dma_wait3A_547, %dma_wait3A_548] : memref<86016x112xf32, #tpu.memory_space<hbm>> -> memref<24x112xf32, #tpu.memory_space<hbm>>
        tpu.wait_dma2 semaphore(%arg15 : memref<!tpu.dma_semaphore, #tpu.memory_space<semaphore_mem>>) src(%dma_wait3A_549 : memref<24x112xf32, #tpu.memory_space<hbm>>) dst(%arg6 : memref<24x112xf32, #tpu.memory_space<vmem>>)
        %dma_wait3A_550 = arith.constant 0 : i32
        %dma_wait3A_551 = arith.constant 0 : i32
        %dma_wait3A_552 = tpu.memref_slice %arg3[%dma_wait3A_550, %dma_wait3A_551] : memref<86016x112xi32, #tpu.memory_space<hbm>> -> memref<24x112xi32, #tpu.memory_space<hbm>>
        %dma_wait3A_553 = arith.constant 0 : i32
        %dma_wait3A_554 = arith.constant 0 : i32
        %dma_wait3A_555 = tpu.memref_slice %arg3[%dma_wait3A_553, %dma_wait3A_554] : memref<86016x112xi32, #tpu.memory_space<hbm>> -> memref<24x112xi32, #tpu.memory_space<hbm>>
        tpu.wait_dma2 semaphore(%arg16 : memref<!tpu.dma_semaphore, #tpu.memory_space<semaphore_mem>>) src(%dma_wait3A_555 : memref<24x112xi32, #tpu.memory_space<hbm>>) dst(%arg7 : memref<24x112xi32, #tpu.memory_space<vmem>>)
        %dma_wait3A_556 = arith.constant 0 : i32
        %dma_wait3A_557 = arith.constant 0 : i32
        %dma_wait3A_558 = tpu.memref_slice %arg2[%dma_wait3A_556, %dma_wait3A_557] : memref<86016x112xf32, #tpu.memory_space<hbm>> -> memref<24x112xf32, #tpu.memory_space<hbm>>
        %dma_wait3A_559 = arith.constant 0 : i32
        %dma_wait3A_560 = arith.constant 0 : i32
        %dma_wait3A_561 = tpu.memref_slice %arg2[%dma_wait3A_559, %dma_wait3A_560] : memref<86016x112xf32, #tpu.memory_space<hbm>> -> memref<24x112xf32, #tpu.memory_space<hbm>>
        tpu.wait_dma2 semaphore(%arg16 : memref<!tpu.dma_semaphore, #tpu.memory_space<semaphore_mem>>) src(%dma_wait3A_561 : memref<24x112xf32, #tpu.memory_space<hbm>>) dst(%arg8 : memref<24x112xf32, #tpu.memory_space<vmem>>)
        %dma_wait3A_562 = arith.constant 0 : i32
        %dma_wait3A_563 = arith.constant 0 : i32
        %dma_wait3A_564 = tpu.memref_slice %arg10[%dma_wait3A_562, %dma_wait3A_563] : memref<21x128xf32, #tpu.memory_space<vmem>> -> memref<1x128xf32, #tpu.memory_space<vmem>>
        %dma_wait3A_565 = tpu.memref_squeeze %dma_wait3A_564 : memref<1x128xf32, #tpu.memory_space<vmem>> -> memref<128xf32, #tpu.memory_space<vmem>>
        %dma_wait3A_566 = arith.constant 0 : i32
        %dma_wait3A_567 = tpu.memref_slice %arg14[%dma_wait3A_566] : memref<1605632xf32, #tpu.memory_space<vmem_shared>> -> memref<128xf32, #tpu.memory_space<vmem_shared>>
        %dma_wait3A_568 = arith.constant 0 : i32
        %dma_wait3A_569 = tpu.memref_slice %arg14[%dma_wait3A_568] : memref<1605632xf32, #tpu.memory_space<vmem_shared>> -> memref<128xf32, #tpu.memory_space<vmem_shared>>
        %dma_wait3A_570 = arith.constant 0 : i32
        %dma_wait3A_571 = tpu.memref_slice %arg10[%dma_wait3A_562, %dma_wait3A_570] : memref<21x128xf32, #tpu.memory_space<vmem>> -> memref<1x128xf32, #tpu.memory_space<vmem>>
        %dma_wait3A_572 = tpu.memref_squeeze %dma_wait3A_571 : memref<1x128xf32, #tpu.memory_space<vmem>> -> memref<128xf32, #tpu.memory_space<vmem>>
        tpu.wait_dma2 semaphore(%arg17 : memref<!tpu.dma_semaphore, #tpu.memory_space<semaphore_mem>>) src(%dma_wait3A_572 : memref<128xf32, #tpu.memory_space<vmem>>) dst(%dma_wait3A_569 : memref<128xf32, #tpu.memory_space<vmem_shared>>)
        %dma_wait3A_573 = arith.constant 1 : i32
        %dma_wait3A_574 = arith.constant 0 : i32
        %dma_wait3A_575 = tpu.memref_slice %arg10[%dma_wait3A_573, %dma_wait3A_574] : memref<21x128xf32, #tpu.memory_space<vmem>> -> memref<1x128xf32, #tpu.memory_space<vmem>>
        %dma_wait3A_576 = tpu.memref_squeeze %dma_wait3A_575 : memref<1x128xf32, #tpu.memory_space<vmem>> -> memref<128xf32, #tpu.memory_space<vmem>>
        %dma_wait3A_577 = arith.constant 0 : i32
        %dma_wait3A_578 = tpu.memref_slice %arg14[%dma_wait3A_577] : memref<1605632xf32, #tpu.memory_space<vmem_shared>> -> memref<128xf32, #tpu.memory_space<vmem_shared>>
        %dma_wait3A_579 = arith.constant 0 : i32
        %dma_wait3A_580 = tpu.memref_slice %arg14[%dma_wait3A_579] : memref<1605632xf32, #tpu.memory_space<vmem_shared>> -> memref<128xf32, #tpu.memory_space<vmem_shared>>
        %dma_wait3A_581 = arith.constant 0 : i32
        %dma_wait3A_582 = tpu.memref_slice %arg10[%dma_wait3A_573, %dma_wait3A_581] : memref<21x128xf32, #tpu.memory_space<vmem>> -> memref<1x128xf32, #tpu.memory_space<vmem>>
        %dma_wait3A_583 = tpu.memref_squeeze %dma_wait3A_582 : memref<1x128xf32, #tpu.memory_space<vmem>> -> memref<128xf32, #tpu.memory_space<vmem>>
        tpu.wait_dma2 semaphore(%arg17 : memref<!tpu.dma_semaphore, #tpu.memory_space<semaphore_mem>>) src(%dma_wait3A_583 : memref<128xf32, #tpu.memory_space<vmem>>) dst(%dma_wait3A_580 : memref<128xf32, #tpu.memory_space<vmem_shared>>)
        %dma_wait3A_584 = arith.constant 2 : i32
        %dma_wait3A_585 = arith.constant 0 : i32
        %dma_wait3A_586 = tpu.memref_slice %arg10[%dma_wait3A_584, %dma_wait3A_585] : memref<21x128xf32, #tpu.memory_space<vmem>> -> memref<1x128xf32, #tpu.memory_space<vmem>>
        %dma_wait3A_587 = tpu.memref_squeeze %dma_wait3A_586 : memref<1x128xf32, #tpu.memory_space<vmem>> -> memref<128xf32, #tpu.memory_space<vmem>>
        %dma_wait3A_588 = arith.constant 0 : i32
        %dma_wait3A_589 = tpu.memref_slice %arg14[%dma_wait3A_588] : memref<1605632xf32, #tpu.memory_space<vmem_shared>> -> memref<128xf32, #tpu.memory_space<vmem_shared>>
        %dma_wait3A_590 = arith.constant 0 : i32
        %dma_wait3A_591 = tpu.memref_slice %arg14[%dma_wait3A_590] : memref<1605632xf32, #tpu.memory_space<vmem_shared>> -> memref<128xf32, #tpu.memory_space<vmem_shared>>
        %dma_wait3A_592 = arith.constant 0 : i32
        %dma_wait3A_593 = tpu.memref_slice %arg10[%dma_wait3A_584, %dma_wait3A_592] : memref<21x128xf32, #tpu.memory_space<vmem>> -> memref<1x128xf32, #tpu.memory_space<vmem>>
        %dma_wait3A_594 = tpu.memref_squeeze %dma_wait3A_593 : memref<1x128xf32, #tpu.memory_space<vmem>> -> memref<128xf32, #tpu.memory_space<vmem>>
        tpu.wait_dma2 semaphore(%arg17 : memref<!tpu.dma_semaphore, #tpu.memory_space<semaphore_mem>>) src(%dma_wait3A_594 : memref<128xf32, #tpu.memory_space<vmem>>) dst(%dma_wait3A_591 : memref<128xf32, #tpu.memory_space<vmem_shared>>)
        %dma_wait3A_595 = arith.constant 3 : i32
        %dma_wait3A_596 = arith.constant 0 : i32
        %dma_wait3A_597 = tpu.memref_slice %arg10[%dma_wait3A_595, %dma_wait3A_596] : memref<21x128xf32, #tpu.memory_space<vmem>> -> memref<1x128xf32, #tpu.memory_space<vmem>>
        %dma_wait3A_598 = tpu.memref_squeeze %dma_wait3A_597 : memref<1x128xf32, #tpu.memory_space<vmem>> -> memref<128xf32, #tpu.memory_space<vmem>>
        %dma_wait3A_599 = arith.constant 0 : i32
        %dma_wait3A_600 = tpu.memref_slice %arg14[%dma_wait3A_599] : memref<1605632xf32, #tpu.memory_space<vmem_shared>> -> memref<128xf32, #tpu.memory_space<vmem_shared>>
        %dma_wait3A_601 = arith.constant 0 : i32
        %dma_wait3A_602 = tpu.memref_slice %arg14[%dma_wait3A_601] : memref<1605632xf32, #tpu.memory_space<vmem_shared>> -> memref<128xf32, #tpu.memory_space<vmem_shared>>
        %dma_wait3A_603 = arith.constant 0 : i32
        %dma_wait3A_604 = tpu.memref_slice %arg10[%dma_wait3A_595, %dma_wait3A_603] : memref<21x128xf32, #tpu.memory_space<vmem>> -> memref<1x128xf32, #tpu.memory_space<vmem>>
        %dma_wait3A_605 = tpu.memref_squeeze %dma_wait3A_604 : memref<1x128xf32, #tpu.memory_space<vmem>> -> memref<128xf32, #tpu.memory_space<vmem>>
        tpu.wait_dma2 semaphore(%arg17 : memref<!tpu.dma_semaphore, #tpu.memory_space<semaphore_mem>>) src(%dma_wait3A_605 : memref<128xf32, #tpu.memory_space<vmem>>) dst(%dma_wait3A_602 : memref<128xf32, #tpu.memory_space<vmem_shared>>)
        %dma_wait3A_606 = arith.constant 4 : i32
        %dma_wait3A_607 = arith.constant 0 : i32
        %dma_wait3A_608 = tpu.memref_slice %arg10[%dma_wait3A_606, %dma_wait3A_607] : memref<21x128xf32, #tpu.memory_space<vmem>> -> memref<1x128xf32, #tpu.memory_space<vmem>>
        %dma_wait3A_609 = tpu.memref_squeeze %dma_wait3A_608 : memref<1x128xf32, #tpu.memory_space<vmem>> -> memref<128xf32, #tpu.memory_space<vmem>>
        %dma_wait3A_610 = arith.constant 0 : i32
        %dma_wait3A_611 = tpu.memref_slice %arg14[%dma_wait3A_610] : memref<1605632xf32, #tpu.memory_space<vmem_shared>> -> memref<128xf32, #tpu.memory_space<vmem_shared>>
        %dma_wait3A_612 = arith.constant 0 : i32
        %dma_wait3A_613 = tpu.memref_slice %arg14[%dma_wait3A_612] : memref<1605632xf32, #tpu.memory_space<vmem_shared>> -> memref<128xf32, #tpu.memory_space<vmem_shared>>
        %dma_wait3A_614 = arith.constant 0 : i32
        %dma_wait3A_615 = tpu.memref_slice %arg10[%dma_wait3A_606, %dma_wait3A_614] : memref<21x128xf32, #tpu.memory_space<vmem>> -> memref<1x128xf32, #tpu.memory_space<vmem>>
        %dma_wait3A_616 = tpu.memref_squeeze %dma_wait3A_615 : memref<1x128xf32, #tpu.memory_space<vmem>> -> memref<128xf32, #tpu.memory_space<vmem>>
        tpu.wait_dma2 semaphore(%arg17 : memref<!tpu.dma_semaphore, #tpu.memory_space<semaphore_mem>>) src(%dma_wait3A_616 : memref<128xf32, #tpu.memory_space<vmem>>) dst(%dma_wait3A_613 : memref<128xf32, #tpu.memory_space<vmem_shared>>)
        %dma_wait3A_617 = arith.constant 5 : i32
        %dma_wait3A_618 = arith.constant 0 : i32
        %dma_wait3A_619 = tpu.memref_slice %arg10[%dma_wait3A_617, %dma_wait3A_618] : memref<21x128xf32, #tpu.memory_space<vmem>> -> memref<1x128xf32, #tpu.memory_space<vmem>>
        %dma_wait3A_620 = tpu.memref_squeeze %dma_wait3A_619 : memref<1x128xf32, #tpu.memory_space<vmem>> -> memref<128xf32, #tpu.memory_space<vmem>>
        %dma_wait3A_621 = arith.constant 0 : i32
        %dma_wait3A_622 = tpu.memref_slice %arg14[%dma_wait3A_621] : memref<1605632xf32, #tpu.memory_space<vmem_shared>> -> memref<128xf32, #tpu.memory_space<vmem_shared>>
        %dma_wait3A_623 = arith.constant 0 : i32
        %dma_wait3A_624 = tpu.memref_slice %arg14[%dma_wait3A_623] : memref<1605632xf32, #tpu.memory_space<vmem_shared>> -> memref<128xf32, #tpu.memory_space<vmem_shared>>
        %dma_wait3A_625 = arith.constant 0 : i32
        %dma_wait3A_626 = tpu.memref_slice %arg10[%dma_wait3A_617, %dma_wait3A_625] : memref<21x128xf32, #tpu.memory_space<vmem>> -> memref<1x128xf32, #tpu.memory_space<vmem>>
        %dma_wait3A_627 = tpu.memref_squeeze %dma_wait3A_626 : memref<1x128xf32, #tpu.memory_space<vmem>> -> memref<128xf32, #tpu.memory_space<vmem>>
        tpu.wait_dma2 semaphore(%arg17 : memref<!tpu.dma_semaphore, #tpu.memory_space<semaphore_mem>>) src(%dma_wait3A_627 : memref<128xf32, #tpu.memory_space<vmem>>) dst(%dma_wait3A_624 : memref<128xf32, #tpu.memory_space<vmem_shared>>)
        %dma_wait3A_628 = arith.constant 6 : i32
        %dma_wait3A_629 = arith.constant 0 : i32
        %dma_wait3A_630 = tpu.memref_slice %arg10[%dma_wait3A_628, %dma_wait3A_629] : memref<21x128xf32, #tpu.memory_space<vmem>> -> memref<1x128xf32, #tpu.memory_space<vmem>>
        %dma_wait3A_631 = tpu.memref_squeeze %dma_wait3A_630 : memref<1x128xf32, #tpu.memory_space<vmem>> -> memref<128xf32, #tpu.memory_space<vmem>>
        %dma_wait3A_632 = arith.constant 0 : i32
        %dma_wait3A_633 = tpu.memref_slice %arg14[%dma_wait3A_632] : memref<1605632xf32, #tpu.memory_space<vmem_shared>> -> memref<128xf32, #tpu.memory_space<vmem_shared>>
        %dma_wait3A_634 = arith.constant 0 : i32
        %dma_wait3A_635 = tpu.memref_slice %arg14[%dma_wait3A_634] : memref<1605632xf32, #tpu.memory_space<vmem_shared>> -> memref<128xf32, #tpu.memory_space<vmem_shared>>
        %dma_wait3A_636 = arith.constant 0 : i32
        %dma_wait3A_637 = tpu.memref_slice %arg10[%dma_wait3A_628, %dma_wait3A_636] : memref<21x128xf32, #tpu.memory_space<vmem>> -> memref<1x128xf32, #tpu.memory_space<vmem>>
        %dma_wait3A_638 = tpu.memref_squeeze %dma_wait3A_637 : memref<1x128xf32, #tpu.memory_space<vmem>> -> memref<128xf32, #tpu.memory_space<vmem>>
        tpu.wait_dma2 semaphore(%arg17 : memref<!tpu.dma_semaphore, #tpu.memory_space<semaphore_mem>>) src(%dma_wait3A_638 : memref<128xf32, #tpu.memory_space<vmem>>) dst(%dma_wait3A_635 : memref<128xf32, #tpu.memory_space<vmem_shared>>)
        %dma_wait3A_639 = arith.constant 7 : i32
        %dma_wait3A_640 = arith.constant 0 : i32
        %dma_wait3A_641 = tpu.memref_slice %arg10[%dma_wait3A_639, %dma_wait3A_640] : memref<21x128xf32, #tpu.memory_space<vmem>> -> memref<1x128xf32, #tpu.memory_space<vmem>>
        %dma_wait3A_642 = tpu.memref_squeeze %dma_wait3A_641 : memref<1x128xf32, #tpu.memory_space<vmem>> -> memref<128xf32, #tpu.memory_space<vmem>>
        %dma_wait3A_643 = arith.constant 0 : i32
        %dma_wait3A_644 = tpu.memref_slice %arg14[%dma_wait3A_643] : memref<1605632xf32, #tpu.memory_space<vmem_shared>> -> memref<128xf32, #tpu.memory_space<vmem_shared>>
        %dma_wait3A_645 = arith.constant 0 : i32
        %dma_wait3A_646 = tpu.memref_slice %arg14[%dma_wait3A_645] : memref<1605632xf32, #tpu.memory_space<vmem_shared>> -> memref<128xf32, #tpu.memory_space<vmem_shared>>
        %dma_wait3A_647 = arith.constant 0 : i32
        %dma_wait3A_648 = tpu.memref_slice %arg10[%dma_wait3A_639, %dma_wait3A_647] : memref<21x128xf32, #tpu.memory_space<vmem>> -> memref<1x128xf32, #tpu.memory_space<vmem>>
        %dma_wait3A_649 = tpu.memref_squeeze %dma_wait3A_648 : memref<1x128xf32, #tpu.memory_space<vmem>> -> memref<128xf32, #tpu.memory_space<vmem>>
        tpu.wait_dma2 semaphore(%arg17 : memref<!tpu.dma_semaphore, #tpu.memory_space<semaphore_mem>>) src(%dma_wait3A_649 : memref<128xf32, #tpu.memory_space<vmem>>) dst(%dma_wait3A_646 : memref<128xf32, #tpu.memory_space<vmem_shared>>)
        %dma_wait3A_650 = arith.constant 8 : i32
        %dma_wait3A_651 = arith.constant 0 : i32
        %dma_wait3A_652 = tpu.memref_slice %arg10[%dma_wait3A_650, %dma_wait3A_651] : memref<21x128xf32, #tpu.memory_space<vmem>> -> memref<1x128xf32, #tpu.memory_space<vmem>>
        %dma_wait3A_653 = tpu.memref_squeeze %dma_wait3A_652 : memref<1x128xf32, #tpu.memory_space<vmem>> -> memref<128xf32, #tpu.memory_space<vmem>>
        %dma_wait3A_654 = arith.constant 0 : i32
        %dma_wait3A_655 = tpu.memref_slice %arg14[%dma_wait3A_654] : memref<1605632xf32, #tpu.memory_space<vmem_shared>> -> memref<128xf32, #tpu.memory_space<vmem_shared>>
        %dma_wait3A_656 = arith.constant 0 : i32
        %dma_wait3A_657 = tpu.memref_slice %arg14[%dma_wait3A_656] : memref<1605632xf32, #tpu.memory_space<vmem_shared>> -> memref<128xf32, #tpu.memory_space<vmem_shared>>
        %dma_wait3A_658 = arith.constant 0 : i32
        %dma_wait3A_659 = tpu.memref_slice %arg10[%dma_wait3A_650, %dma_wait3A_658] : memref<21x128xf32, #tpu.memory_space<vmem>> -> memref<1x128xf32, #tpu.memory_space<vmem>>
        %dma_wait3A_660 = tpu.memref_squeeze %dma_wait3A_659 : memref<1x128xf32, #tpu.memory_space<vmem>> -> memref<128xf32, #tpu.memory_space<vmem>>
        tpu.wait_dma2 semaphore(%arg17 : memref<!tpu.dma_semaphore, #tpu.memory_space<semaphore_mem>>) src(%dma_wait3A_660 : memref<128xf32, #tpu.memory_space<vmem>>) dst(%dma_wait3A_657 : memref<128xf32, #tpu.memory_space<vmem_shared>>)
        %dma_wait3A_661 = arith.constant 9 : i32
        %dma_wait3A_662 = arith.constant 0 : i32
        %dma_wait3A_663 = tpu.memref_slice %arg10[%dma_wait3A_661, %dma_wait3A_662] : memref<21x128xf32, #tpu.memory_space<vmem>> -> memref<1x128xf32, #tpu.memory_space<vmem>>
        %dma_wait3A_664 = tpu.memref_squeeze %dma_wait3A_663 : memref<1x128xf32, #tpu.memory_space<vmem>> -> memref<128xf32, #tpu.memory_space<vmem>>
        %dma_wait3A_665 = arith.constant 0 : i32
        %dma_wait3A_666 = tpu.memref_slice %arg14[%dma_wait3A_665] : memref<1605632xf32, #tpu.memory_space<vmem_shared>> -> memref<128xf32, #tpu.memory_space<vmem_shared>>
        %dma_wait3A_667 = arith.constant 0 : i32
        %dma_wait3A_668 = tpu.memref_slice %arg14[%dma_wait3A_667] : memref<1605632xf32, #tpu.memory_space<vmem_shared>> -> memref<128xf32, #tpu.memory_space<vmem_shared>>
        %dma_wait3A_669 = arith.constant 0 : i32
        %dma_wait3A_670 = tpu.memref_slice %arg10[%dma_wait3A_661, %dma_wait3A_669] : memref<21x128xf32, #tpu.memory_space<vmem>> -> memref<1x128xf32, #tpu.memory_space<vmem>>
        %dma_wait3A_671 = tpu.memref_squeeze %dma_wait3A_670 : memref<1x128xf32, #tpu.memory_space<vmem>> -> memref<128xf32, #tpu.memory_space<vmem>>
        tpu.wait_dma2 semaphore(%arg17 : memref<!tpu.dma_semaphore, #tpu.memory_space<semaphore_mem>>) src(%dma_wait3A_671 : memref<128xf32, #tpu.memory_space<vmem>>) dst(%dma_wait3A_668 : memref<128xf32, #tpu.memory_space<vmem_shared>>)
        %dma_wait3A_672 = arith.constant 10 : i32
        %dma_wait3A_673 = arith.constant 0 : i32
        %dma_wait3A_674 = tpu.memref_slice %arg10[%dma_wait3A_672, %dma_wait3A_673] : memref<21x128xf32, #tpu.memory_space<vmem>> -> memref<1x128xf32, #tpu.memory_space<vmem>>
        %dma_wait3A_675 = tpu.memref_squeeze %dma_wait3A_674 : memref<1x128xf32, #tpu.memory_space<vmem>> -> memref<128xf32, #tpu.memory_space<vmem>>
        %dma_wait3A_676 = arith.constant 0 : i32
        %dma_wait3A_677 = tpu.memref_slice %arg14[%dma_wait3A_676] : memref<1605632xf32, #tpu.memory_space<vmem_shared>> -> memref<128xf32, #tpu.memory_space<vmem_shared>>
        %dma_wait3A_678 = arith.constant 0 : i32
        %dma_wait3A_679 = tpu.memref_slice %arg14[%dma_wait3A_678] : memref<1605632xf32, #tpu.memory_space<vmem_shared>> -> memref<128xf32, #tpu.memory_space<vmem_shared>>
        %dma_wait3A_680 = arith.constant 0 : i32
        %dma_wait3A_681 = tpu.memref_slice %arg10[%dma_wait3A_672, %dma_wait3A_680] : memref<21x128xf32, #tpu.memory_space<vmem>> -> memref<1x128xf32, #tpu.memory_space<vmem>>
        %dma_wait3A_682 = tpu.memref_squeeze %dma_wait3A_681 : memref<1x128xf32, #tpu.memory_space<vmem>> -> memref<128xf32, #tpu.memory_space<vmem>>
        tpu.wait_dma2 semaphore(%arg17 : memref<!tpu.dma_semaphore, #tpu.memory_space<semaphore_mem>>) src(%dma_wait3A_682 : memref<128xf32, #tpu.memory_space<vmem>>) dst(%dma_wait3A_679 : memref<128xf32, #tpu.memory_space<vmem_shared>>)
        %dma_wait3A_683 = arith.constant 11 : i32
        %dma_wait3A_684 = arith.constant 0 : i32
        %dma_wait3A_685 = tpu.memref_slice %arg10[%dma_wait3A_683, %dma_wait3A_684] : memref<21x128xf32, #tpu.memory_space<vmem>> -> memref<1x128xf32, #tpu.memory_space<vmem>>
        %dma_wait3A_686 = tpu.memref_squeeze %dma_wait3A_685 : memref<1x128xf32, #tpu.memory_space<vmem>> -> memref<128xf32, #tpu.memory_space<vmem>>
        %dma_wait3A_687 = arith.constant 0 : i32
        %dma_wait3A_688 = tpu.memref_slice %arg14[%dma_wait3A_687] : memref<1605632xf32, #tpu.memory_space<vmem_shared>> -> memref<128xf32, #tpu.memory_space<vmem_shared>>
        %dma_wait3A_689 = arith.constant 0 : i32
        %dma_wait3A_690 = tpu.memref_slice %arg14[%dma_wait3A_689] : memref<1605632xf32, #tpu.memory_space<vmem_shared>> -> memref<128xf32, #tpu.memory_space<vmem_shared>>
        %dma_wait3A_691 = arith.constant 0 : i32
        %dma_wait3A_692 = tpu.memref_slice %arg10[%dma_wait3A_683, %dma_wait3A_691] : memref<21x128xf32, #tpu.memory_space<vmem>> -> memref<1x128xf32, #tpu.memory_space<vmem>>
        %dma_wait3A_693 = tpu.memref_squeeze %dma_wait3A_692 : memref<1x128xf32, #tpu.memory_space<vmem>> -> memref<128xf32, #tpu.memory_space<vmem>>
        tpu.wait_dma2 semaphore(%arg17 : memref<!tpu.dma_semaphore, #tpu.memory_space<semaphore_mem>>) src(%dma_wait3A_693 : memref<128xf32, #tpu.memory_space<vmem>>) dst(%dma_wait3A_690 : memref<128xf32, #tpu.memory_space<vmem_shared>>)
        %dma_wait3A_694 = arith.constant 12 : i32
        %dma_wait3A_695 = arith.constant 0 : i32
        %dma_wait3A_696 = tpu.memref_slice %arg10[%dma_wait3A_694, %dma_wait3A_695] : memref<21x128xf32, #tpu.memory_space<vmem>> -> memref<1x128xf32, #tpu.memory_space<vmem>>
        %dma_wait3A_697 = tpu.memref_squeeze %dma_wait3A_696 : memref<1x128xf32, #tpu.memory_space<vmem>> -> memref<128xf32, #tpu.memory_space<vmem>>
        %dma_wait3A_698 = arith.constant 0 : i32
        %dma_wait3A_699 = tpu.memref_slice %arg14[%dma_wait3A_698] : memref<1605632xf32, #tpu.memory_space<vmem_shared>> -> memref<128xf32, #tpu.memory_space<vmem_shared>>
        %dma_wait3A_700 = arith.constant 0 : i32
        %dma_wait3A_701 = tpu.memref_slice %arg14[%dma_wait3A_700] : memref<1605632xf32, #tpu.memory_space<vmem_shared>> -> memref<128xf32, #tpu.memory_space<vmem_shared>>
        %dma_wait3A_702 = arith.constant 0 : i32
        %dma_wait3A_703 = tpu.memref_slice %arg10[%dma_wait3A_694, %dma_wait3A_702] : memref<21x128xf32, #tpu.memory_space<vmem>> -> memref<1x128xf32, #tpu.memory_space<vmem>>
        %dma_wait3A_704 = tpu.memref_squeeze %dma_wait3A_703 : memref<1x128xf32, #tpu.memory_space<vmem>> -> memref<128xf32, #tpu.memory_space<vmem>>
        tpu.wait_dma2 semaphore(%arg17 : memref<!tpu.dma_semaphore, #tpu.memory_space<semaphore_mem>>) src(%dma_wait3A_704 : memref<128xf32, #tpu.memory_space<vmem>>) dst(%dma_wait3A_701 : memref<128xf32, #tpu.memory_space<vmem_shared>>)
        %dma_wait3A_705 = arith.constant 13 : i32
        %dma_wait3A_706 = arith.constant 0 : i32
        %dma_wait3A_707 = tpu.memref_slice %arg10[%dma_wait3A_705, %dma_wait3A_706] : memref<21x128xf32, #tpu.memory_space<vmem>> -> memref<1x128xf32, #tpu.memory_space<vmem>>
        %dma_wait3A_708 = tpu.memref_squeeze %dma_wait3A_707 : memref<1x128xf32, #tpu.memory_space<vmem>> -> memref<128xf32, #tpu.memory_space<vmem>>
        %dma_wait3A_709 = arith.constant 0 : i32
        %dma_wait3A_710 = tpu.memref_slice %arg14[%dma_wait3A_709] : memref<1605632xf32, #tpu.memory_space<vmem_shared>> -> memref<128xf32, #tpu.memory_space<vmem_shared>>
        %dma_wait3A_711 = arith.constant 0 : i32
        %dma_wait3A_712 = tpu.memref_slice %arg14[%dma_wait3A_711] : memref<1605632xf32, #tpu.memory_space<vmem_shared>> -> memref<128xf32, #tpu.memory_space<vmem_shared>>
        %dma_wait3A_713 = arith.constant 0 : i32
        %dma_wait3A_714 = tpu.memref_slice %arg10[%dma_wait3A_705, %dma_wait3A_713] : memref<21x128xf32, #tpu.memory_space<vmem>> -> memref<1x128xf32, #tpu.memory_space<vmem>>
        %dma_wait3A_715 = tpu.memref_squeeze %dma_wait3A_714 : memref<1x128xf32, #tpu.memory_space<vmem>> -> memref<128xf32, #tpu.memory_space<vmem>>
        tpu.wait_dma2 semaphore(%arg17 : memref<!tpu.dma_semaphore, #tpu.memory_space<semaphore_mem>>) src(%dma_wait3A_715 : memref<128xf32, #tpu.memory_space<vmem>>) dst(%dma_wait3A_712 : memref<128xf32, #tpu.memory_space<vmem_shared>>)
        %dma_wait3A_716 = arith.constant 14 : i32
        %dma_wait3A_717 = arith.constant 0 : i32
        %dma_wait3A_718 = tpu.memref_slice %arg10[%dma_wait3A_716, %dma_wait3A_717] : memref<21x128xf32, #tpu.memory_space<vmem>> -> memref<1x128xf32, #tpu.memory_space<vmem>>
        %dma_wait3A_719 = tpu.memref_squeeze %dma_wait3A_718 : memref<1x128xf32, #tpu.memory_space<vmem>> -> memref<128xf32, #tpu.memory_space<vmem>>
        %dma_wait3A_720 = arith.constant 0 : i32
        %dma_wait3A_721 = tpu.memref_slice %arg14[%dma_wait3A_720] : memref<1605632xf32, #tpu.memory_space<vmem_shared>> -> memref<128xf32, #tpu.memory_space<vmem_shared>>
        %dma_wait3A_722 = arith.constant 0 : i32
        %dma_wait3A_723 = tpu.memref_slice %arg14[%dma_wait3A_722] : memref<1605632xf32, #tpu.memory_space<vmem_shared>> -> memref<128xf32, #tpu.memory_space<vmem_shared>>
        %dma_wait3A_724 = arith.constant 0 : i32
        %dma_wait3A_725 = tpu.memref_slice %arg10[%dma_wait3A_716, %dma_wait3A_724] : memref<21x128xf32, #tpu.memory_space<vmem>> -> memref<1x128xf32, #tpu.memory_space<vmem>>
        %dma_wait3A_726 = tpu.memref_squeeze %dma_wait3A_725 : memref<1x128xf32, #tpu.memory_space<vmem>> -> memref<128xf32, #tpu.memory_space<vmem>>
        tpu.wait_dma2 semaphore(%arg17 : memref<!tpu.dma_semaphore, #tpu.memory_space<semaphore_mem>>) src(%dma_wait3A_726 : memref<128xf32, #tpu.memory_space<vmem>>) dst(%dma_wait3A_723 : memref<128xf32, #tpu.memory_space<vmem_shared>>)
        %dma_wait3A_727 = arith.constant 15 : i32
        %dma_wait3A_728 = arith.constant 0 : i32
        %dma_wait3A_729 = tpu.memref_slice %arg10[%dma_wait3A_727, %dma_wait3A_728] : memref<21x128xf32, #tpu.memory_space<vmem>> -> memref<1x128xf32, #tpu.memory_space<vmem>>
        %dma_wait3A_730 = tpu.memref_squeeze %dma_wait3A_729 : memref<1x128xf32, #tpu.memory_space<vmem>> -> memref<128xf32, #tpu.memory_space<vmem>>
        %dma_wait3A_731 = arith.constant 0 : i32
        %dma_wait3A_732 = tpu.memref_slice %arg14[%dma_wait3A_731] : memref<1605632xf32, #tpu.memory_space<vmem_shared>> -> memref<128xf32, #tpu.memory_space<vmem_shared>>
        %dma_wait3A_733 = arith.constant 0 : i32
        %dma_wait3A_734 = tpu.memref_slice %arg14[%dma_wait3A_733] : memref<1605632xf32, #tpu.memory_space<vmem_shared>> -> memref<128xf32, #tpu.memory_space<vmem_shared>>
        %dma_wait3A_735 = arith.constant 0 : i32
        %dma_wait3A_736 = tpu.memref_slice %arg10[%dma_wait3A_727, %dma_wait3A_735] : memref<21x128xf32, #tpu.memory_space<vmem>> -> memref<1x128xf32, #tpu.memory_space<vmem>>
        %dma_wait3A_737 = tpu.memref_squeeze %dma_wait3A_736 : memref<1x128xf32, #tpu.memory_space<vmem>> -> memref<128xf32, #tpu.memory_space<vmem>>
        tpu.wait_dma2 semaphore(%arg17 : memref<!tpu.dma_semaphore, #tpu.memory_space<semaphore_mem>>) src(%dma_wait3A_737 : memref<128xf32, #tpu.memory_space<vmem>>) dst(%dma_wait3A_734 : memref<128xf32, #tpu.memory_space<vmem_shared>>)
        %dma_wait3A_738 = arith.constant 16 : i32
        %dma_wait3A_739 = arith.constant 0 : i32
        %dma_wait3A_740 = tpu.memref_slice %arg10[%dma_wait3A_738, %dma_wait3A_739] : memref<21x128xf32, #tpu.memory_space<vmem>> -> memref<1x128xf32, #tpu.memory_space<vmem>>
        %dma_wait3A_741 = tpu.memref_squeeze %dma_wait3A_740 : memref<1x128xf32, #tpu.memory_space<vmem>> -> memref<128xf32, #tpu.memory_space<vmem>>
        %dma_wait3A_742 = arith.constant 0 : i32
        %dma_wait3A_743 = tpu.memref_slice %arg14[%dma_wait3A_742] : memref<1605632xf32, #tpu.memory_space<vmem_shared>> -> memref<128xf32, #tpu.memory_space<vmem_shared>>
        %dma_wait3A_744 = arith.constant 0 : i32
        %dma_wait3A_745 = tpu.memref_slice %arg14[%dma_wait3A_744] : memref<1605632xf32, #tpu.memory_space<vmem_shared>> -> memref<128xf32, #tpu.memory_space<vmem_shared>>
        %dma_wait3A_746 = arith.constant 0 : i32
        %dma_wait3A_747 = tpu.memref_slice %arg10[%dma_wait3A_738, %dma_wait3A_746] : memref<21x128xf32, #tpu.memory_space<vmem>> -> memref<1x128xf32, #tpu.memory_space<vmem>>
        %dma_wait3A_748 = tpu.memref_squeeze %dma_wait3A_747 : memref<1x128xf32, #tpu.memory_space<vmem>> -> memref<128xf32, #tpu.memory_space<vmem>>
        tpu.wait_dma2 semaphore(%arg17 : memref<!tpu.dma_semaphore, #tpu.memory_space<semaphore_mem>>) src(%dma_wait3A_748 : memref<128xf32, #tpu.memory_space<vmem>>) dst(%dma_wait3A_745 : memref<128xf32, #tpu.memory_space<vmem_shared>>)
        %dma_wait3A_749 = arith.constant 17 : i32
        %dma_wait3A_750 = arith.constant 0 : i32
        %dma_wait3A_751 = tpu.memref_slice %arg10[%dma_wait3A_749, %dma_wait3A_750] : memref<21x128xf32, #tpu.memory_space<vmem>> -> memref<1x128xf32, #tpu.memory_space<vmem>>
        %dma_wait3A_752 = tpu.memref_squeeze %dma_wait3A_751 : memref<1x128xf32, #tpu.memory_space<vmem>> -> memref<128xf32, #tpu.memory_space<vmem>>
        %dma_wait3A_753 = arith.constant 0 : i32
        %dma_wait3A_754 = tpu.memref_slice %arg14[%dma_wait3A_753] : memref<1605632xf32, #tpu.memory_space<vmem_shared>> -> memref<128xf32, #tpu.memory_space<vmem_shared>>
        %dma_wait3A_755 = arith.constant 0 : i32
        %dma_wait3A_756 = tpu.memref_slice %arg14[%dma_wait3A_755] : memref<1605632xf32, #tpu.memory_space<vmem_shared>> -> memref<128xf32, #tpu.memory_space<vmem_shared>>
        %dma_wait3A_757 = arith.constant 0 : i32
        %dma_wait3A_758 = tpu.memref_slice %arg10[%dma_wait3A_749, %dma_wait3A_757] : memref<21x128xf32, #tpu.memory_space<vmem>> -> memref<1x128xf32, #tpu.memory_space<vmem>>
        %dma_wait3A_759 = tpu.memref_squeeze %dma_wait3A_758 : memref<1x128xf32, #tpu.memory_space<vmem>> -> memref<128xf32, #tpu.memory_space<vmem>>
        tpu.wait_dma2 semaphore(%arg17 : memref<!tpu.dma_semaphore, #tpu.memory_space<semaphore_mem>>) src(%dma_wait3A_759 : memref<128xf32, #tpu.memory_space<vmem>>) dst(%dma_wait3A_756 : memref<128xf32, #tpu.memory_space<vmem_shared>>)
        %dma_wait3A_760 = arith.constant 18 : i32
        %dma_wait3A_761 = arith.constant 0 : i32
        %dma_wait3A_762 = tpu.memref_slice %arg10[%dma_wait3A_760, %dma_wait3A_761] : memref<21x128xf32, #tpu.memory_space<vmem>> -> memref<1x128xf32, #tpu.memory_space<vmem>>
        %dma_wait3A_763 = tpu.memref_squeeze %dma_wait3A_762 : memref<1x128xf32, #tpu.memory_space<vmem>> -> memref<128xf32, #tpu.memory_space<vmem>>
        %dma_wait3A_764 = arith.constant 0 : i32
        %dma_wait3A_765 = tpu.memref_slice %arg14[%dma_wait3A_764] : memref<1605632xf32, #tpu.memory_space<vmem_shared>> -> memref<128xf32, #tpu.memory_space<vmem_shared>>
        %dma_wait3A_766 = arith.constant 0 : i32
        %dma_wait3A_767 = tpu.memref_slice %arg14[%dma_wait3A_766] : memref<1605632xf32, #tpu.memory_space<vmem_shared>> -> memref<128xf32, #tpu.memory_space<vmem_shared>>
        %dma_wait3A_768 = arith.constant 0 : i32
        %dma_wait3A_769 = tpu.memref_slice %arg10[%dma_wait3A_760, %dma_wait3A_768] : memref<21x128xf32, #tpu.memory_space<vmem>> -> memref<1x128xf32, #tpu.memory_space<vmem>>
        %dma_wait3A_770 = tpu.memref_squeeze %dma_wait3A_769 : memref<1x128xf32, #tpu.memory_space<vmem>> -> memref<128xf32, #tpu.memory_space<vmem>>
        tpu.wait_dma2 semaphore(%arg17 : memref<!tpu.dma_semaphore, #tpu.memory_space<semaphore_mem>>) src(%dma_wait3A_770 : memref<128xf32, #tpu.memory_space<vmem>>) dst(%dma_wait3A_767 : memref<128xf32, #tpu.memory_space<vmem_shared>>)
        %dma_wait3A_771 = arith.constant 19 : i32
        %dma_wait3A_772 = arith.constant 0 : i32
        %dma_wait3A_773 = tpu.memref_slice %arg10[%dma_wait3A_771, %dma_wait3A_772] : memref<21x128xf32, #tpu.memory_space<vmem>> -> memref<1x128xf32, #tpu.memory_space<vmem>>
        %dma_wait3A_774 = tpu.memref_squeeze %dma_wait3A_773 : memref<1x128xf32, #tpu.memory_space<vmem>> -> memref<128xf32, #tpu.memory_space<vmem>>
        %dma_wait3A_775 = arith.constant 0 : i32
        %dma_wait3A_776 = tpu.memref_slice %arg14[%dma_wait3A_775] : memref<1605632xf32, #tpu.memory_space<vmem_shared>> -> memref<128xf32, #tpu.memory_space<vmem_shared>>
        %dma_wait3A_777 = arith.constant 0 : i32
        %dma_wait3A_778 = tpu.memref_slice %arg14[%dma_wait3A_777] : memref<1605632xf32, #tpu.memory_space<vmem_shared>> -> memref<128xf32, #tpu.memory_space<vmem_shared>>
        %dma_wait3A_779 = arith.constant 0 : i32
        %dma_wait3A_780 = tpu.memref_slice %arg10[%dma_wait3A_771, %dma_wait3A_779] : memref<21x128xf32, #tpu.memory_space<vmem>> -> memref<1x128xf32, #tpu.memory_space<vmem>>
        %dma_wait3A_781 = tpu.memref_squeeze %dma_wait3A_780 : memref<1x128xf32, #tpu.memory_space<vmem>> -> memref<128xf32, #tpu.memory_space<vmem>>
        tpu.wait_dma2 semaphore(%arg17 : memref<!tpu.dma_semaphore, #tpu.memory_space<semaphore_mem>>) src(%dma_wait3A_781 : memref<128xf32, #tpu.memory_space<vmem>>) dst(%dma_wait3A_778 : memref<128xf32, #tpu.memory_space<vmem_shared>>)
        %dma_wait3A_782 = arith.constant 20 : i32
        %dma_wait3A_783 = arith.constant 0 : i32
        %dma_wait3A_784 = tpu.memref_slice %arg10[%dma_wait3A_782, %dma_wait3A_783] : memref<21x128xf32, #tpu.memory_space<vmem>> -> memref<1x128xf32, #tpu.memory_space<vmem>>
        %dma_wait3A_785 = tpu.memref_squeeze %dma_wait3A_784 : memref<1x128xf32, #tpu.memory_space<vmem>> -> memref<128xf32, #tpu.memory_space<vmem>>
        %dma_wait3A_786 = arith.constant 0 : i32
        %dma_wait3A_787 = tpu.memref_slice %arg14[%dma_wait3A_786] : memref<1605632xf32, #tpu.memory_space<vmem_shared>> -> memref<128xf32, #tpu.memory_space<vmem_shared>>
        %dma_wait3A_788 = arith.constant 0 : i32
        %dma_wait3A_789 = tpu.memref_slice %arg14[%dma_wait3A_788] : memref<1605632xf32, #tpu.memory_space<vmem_shared>> -> memref<128xf32, #tpu.memory_space<vmem_shared>>
        %dma_wait3A_790 = arith.constant 0 : i32
        %dma_wait3A_791 = tpu.memref_slice %arg10[%dma_wait3A_782, %dma_wait3A_790] : memref<21x128xf32, #tpu.memory_space<vmem>> -> memref<1x128xf32, #tpu.memory_space<vmem>>
        %dma_wait3A_792 = tpu.memref_squeeze %dma_wait3A_791 : memref<1x128xf32, #tpu.memory_space<vmem>> -> memref<128xf32, #tpu.memory_space<vmem>>
        tpu.wait_dma2 semaphore(%arg17 : memref<!tpu.dma_semaphore, #tpu.memory_space<semaphore_mem>>) src(%dma_wait3A_792 : memref<128xf32, #tpu.memory_space<vmem>>) dst(%dma_wait3A_789 : memref<128xf32, #tpu.memory_space<vmem_shared>>)
        %dma_wait3A_793 = arith.constant 0 : i32
        %dma_wait3A_794 = arith.constant 0 : i32
        %dma_wait3A_795 = tpu.memref_slice %arg12[%dma_wait3A_793, %dma_wait3A_794] : memref<21x128xf32, #tpu.memory_space<vmem>> -> memref<1x128xf32, #tpu.memory_space<vmem>>
        %dma_wait3A_796 = tpu.memref_squeeze %dma_wait3A_795 : memref<1x128xf32, #tpu.memory_space<vmem>> -> memref<128xf32, #tpu.memory_space<vmem>>
        %dma_wait3A_797 = arith.constant 0 : i32
        %dma_wait3A_798 = tpu.memref_slice %arg14[%dma_wait3A_797] : memref<1605632xf32, #tpu.memory_space<vmem_shared>> -> memref<128xf32, #tpu.memory_space<vmem_shared>>
        %dma_wait3A_799 = arith.constant 0 : i32
        %dma_wait3A_800 = tpu.memref_slice %arg14[%dma_wait3A_799] : memref<1605632xf32, #tpu.memory_space<vmem_shared>> -> memref<128xf32, #tpu.memory_space<vmem_shared>>
        %dma_wait3A_801 = arith.constant 0 : i32
        %dma_wait3A_802 = tpu.memref_slice %arg12[%dma_wait3A_793, %dma_wait3A_801] : memref<21x128xf32, #tpu.memory_space<vmem>> -> memref<1x128xf32, #tpu.memory_space<vmem>>
        %dma_wait3A_803 = tpu.memref_squeeze %dma_wait3A_802 : memref<1x128xf32, #tpu.memory_space<vmem>> -> memref<128xf32, #tpu.memory_space<vmem>>
        tpu.wait_dma2 semaphore(%arg18 : memref<!tpu.dma_semaphore, #tpu.memory_space<semaphore_mem>>) src(%dma_wait3A_803 : memref<128xf32, #tpu.memory_space<vmem>>) dst(%dma_wait3A_800 : memref<128xf32, #tpu.memory_space<vmem_shared>>)
        %dma_wait3A_804 = arith.constant 1 : i32
        %dma_wait3A_805 = arith.constant 0 : i32
        %dma_wait3A_806 = tpu.memref_slice %arg12[%dma_wait3A_804, %dma_wait3A_805] : memref<21x128xf32, #tpu.memory_space<vmem>> -> memref<1x128xf32, #tpu.memory_space<vmem>>
        %dma_wait3A_807 = tpu.memref_squeeze %dma_wait3A_806 : memref<1x128xf32, #tpu.memory_space<vmem>> -> memref<128xf32, #tpu.memory_space<vmem>>
        %dma_wait3A_808 = arith.constant 0 : i32
        %dma_wait3A_809 = tpu.memref_slice %arg14[%dma_wait3A_808] : memref<1605632xf32, #tpu.memory_space<vmem_shared>> -> memref<128xf32, #tpu.memory_space<vmem_shared>>
        %dma_wait3A_810 = arith.constant 0 : i32
        %dma_wait3A_811 = tpu.memref_slice %arg14[%dma_wait3A_810] : memref<1605632xf32, #tpu.memory_space<vmem_shared>> -> memref<128xf32, #tpu.memory_space<vmem_shared>>
        %dma_wait3A_812 = arith.constant 0 : i32
        %dma_wait3A_813 = tpu.memref_slice %arg12[%dma_wait3A_804, %dma_wait3A_812] : memref<21x128xf32, #tpu.memory_space<vmem>> -> memref<1x128xf32, #tpu.memory_space<vmem>>
        %dma_wait3A_814 = tpu.memref_squeeze %dma_wait3A_813 : memref<1x128xf32, #tpu.memory_space<vmem>> -> memref<128xf32, #tpu.memory_space<vmem>>
        tpu.wait_dma2 semaphore(%arg18 : memref<!tpu.dma_semaphore, #tpu.memory_space<semaphore_mem>>) src(%dma_wait3A_814 : memref<128xf32, #tpu.memory_space<vmem>>) dst(%dma_wait3A_811 : memref<128xf32, #tpu.memory_space<vmem_shared>>)
        %dma_wait3A_815 = arith.constant 2 : i32
        %dma_wait3A_816 = arith.constant 0 : i32
        %dma_wait3A_817 = tpu.memref_slice %arg12[%dma_wait3A_815, %dma_wait3A_816] : memref<21x128xf32, #tpu.memory_space<vmem>> -> memref<1x128xf32, #tpu.memory_space<vmem>>
        %dma_wait3A_818 = tpu.memref_squeeze %dma_wait3A_817 : memref<1x128xf32, #tpu.memory_space<vmem>> -> memref<128xf32, #tpu.memory_space<vmem>>
        %dma_wait3A_819 = arith.constant 0 : i32
        %dma_wait3A_820 = tpu.memref_slice %arg14[%dma_wait3A_819] : memref<1605632xf32, #tpu.memory_space<vmem_shared>> -> memref<128xf32, #tpu.memory_space<vmem_shared>>
        %dma_wait3A_821 = arith.constant 0 : i32
        %dma_wait3A_822 = tpu.memref_slice %arg14[%dma_wait3A_821] : memref<1605632xf32, #tpu.memory_space<vmem_shared>> -> memref<128xf32, #tpu.memory_space<vmem_shared>>
        %dma_wait3A_823 = arith.constant 0 : i32
        %dma_wait3A_824 = tpu.memref_slice %arg12[%dma_wait3A_815, %dma_wait3A_823] : memref<21x128xf32, #tpu.memory_space<vmem>> -> memref<1x128xf32, #tpu.memory_space<vmem>>
        %dma_wait3A_825 = tpu.memref_squeeze %dma_wait3A_824 : memref<1x128xf32, #tpu.memory_space<vmem>> -> memref<128xf32, #tpu.memory_space<vmem>>
        tpu.wait_dma2 semaphore(%arg18 : memref<!tpu.dma_semaphore, #tpu.memory_space<semaphore_mem>>) src(%dma_wait3A_825 : memref<128xf32, #tpu.memory_space<vmem>>) dst(%dma_wait3A_822 : memref<128xf32, #tpu.memory_space<vmem_shared>>)
        %dma_wait3A_826 = arith.constant 3 : i32
        %dma_wait3A_827 = arith.constant 0 : i32
        %dma_wait3A_828 = tpu.memref_slice %arg12[%dma_wait3A_826, %dma_wait3A_827] : memref<21x128xf32, #tpu.memory_space<vmem>> -> memref<1x128xf32, #tpu.memory_space<vmem>>
        %dma_wait3A_829 = tpu.memref_squeeze %dma_wait3A_828 : memref<1x128xf32, #tpu.memory_space<vmem>> -> memref<128xf32, #tpu.memory_space<vmem>>
        %dma_wait3A_830 = arith.constant 0 : i32
        %dma_wait3A_831 = tpu.memref_slice %arg14[%dma_wait3A_830] : memref<1605632xf32, #tpu.memory_space<vmem_shared>> -> memref<128xf32, #tpu.memory_space<vmem_shared>>
        %dma_wait3A_832 = arith.constant 0 : i32
        %dma_wait3A_833 = tpu.memref_slice %arg14[%dma_wait3A_832] : memref<1605632xf32, #tpu.memory_space<vmem_shared>> -> memref<128xf32, #tpu.memory_space<vmem_shared>>
        %dma_wait3A_834 = arith.constant 0 : i32
        %dma_wait3A_835 = tpu.memref_slice %arg12[%dma_wait3A_826, %dma_wait3A_834] : memref<21x128xf32, #tpu.memory_space<vmem>> -> memref<1x128xf32, #tpu.memory_space<vmem>>
        %dma_wait3A_836 = tpu.memref_squeeze %dma_wait3A_835 : memref<1x128xf32, #tpu.memory_space<vmem>> -> memref<128xf32, #tpu.memory_space<vmem>>
        tpu.wait_dma2 semaphore(%arg18 : memref<!tpu.dma_semaphore, #tpu.memory_space<semaphore_mem>>) src(%dma_wait3A_836 : memref<128xf32, #tpu.memory_space<vmem>>) dst(%dma_wait3A_833 : memref<128xf32, #tpu.memory_space<vmem_shared>>)
        %dma_wait3A_837 = arith.constant 4 : i32
        %dma_wait3A_838 = arith.constant 0 : i32
        %dma_wait3A_839 = tpu.memref_slice %arg12[%dma_wait3A_837, %dma_wait3A_838] : memref<21x128xf32, #tpu.memory_space<vmem>> -> memref<1x128xf32, #tpu.memory_space<vmem>>
        %dma_wait3A_840 = tpu.memref_squeeze %dma_wait3A_839 : memref<1x128xf32, #tpu.memory_space<vmem>> -> memref<128xf32, #tpu.memory_space<vmem>>
        %dma_wait3A_841 = arith.constant 0 : i32
        %dma_wait3A_842 = tpu.memref_slice %arg14[%dma_wait3A_841] : memref<1605632xf32, #tpu.memory_space<vmem_shared>> -> memref<128xf32, #tpu.memory_space<vmem_shared>>
        %dma_wait3A_843 = arith.constant 0 : i32
        %dma_wait3A_844 = tpu.memref_slice %arg14[%dma_wait3A_843] : memref<1605632xf32, #tpu.memory_space<vmem_shared>> -> memref<128xf32, #tpu.memory_space<vmem_shared>>
        %dma_wait3A_845 = arith.constant 0 : i32
        %dma_wait3A_846 = tpu.memref_slice %arg12[%dma_wait3A_837, %dma_wait3A_845] : memref<21x128xf32, #tpu.memory_space<vmem>> -> memref<1x128xf32, #tpu.memory_space<vmem>>
        %dma_wait3A_847 = tpu.memref_squeeze %dma_wait3A_846 : memref<1x128xf32, #tpu.memory_space<vmem>> -> memref<128xf32, #tpu.memory_space<vmem>>
        tpu.wait_dma2 semaphore(%arg18 : memref<!tpu.dma_semaphore, #tpu.memory_space<semaphore_mem>>) src(%dma_wait3A_847 : memref<128xf32, #tpu.memory_space<vmem>>) dst(%dma_wait3A_844 : memref<128xf32, #tpu.memory_space<vmem_shared>>)
        %dma_wait3A_848 = arith.constant 5 : i32
        %dma_wait3A_849 = arith.constant 0 : i32
        %dma_wait3A_850 = tpu.memref_slice %arg12[%dma_wait3A_848, %dma_wait3A_849] : memref<21x128xf32, #tpu.memory_space<vmem>> -> memref<1x128xf32, #tpu.memory_space<vmem>>
        %dma_wait3A_851 = tpu.memref_squeeze %dma_wait3A_850 : memref<1x128xf32, #tpu.memory_space<vmem>> -> memref<128xf32, #tpu.memory_space<vmem>>
        %dma_wait3A_852 = arith.constant 0 : i32
        %dma_wait3A_853 = tpu.memref_slice %arg14[%dma_wait3A_852] : memref<1605632xf32, #tpu.memory_space<vmem_shared>> -> memref<128xf32, #tpu.memory_space<vmem_shared>>
        %dma_wait3A_854 = arith.constant 0 : i32
        %dma_wait3A_855 = tpu.memref_slice %arg14[%dma_wait3A_854] : memref<1605632xf32, #tpu.memory_space<vmem_shared>> -> memref<128xf32, #tpu.memory_space<vmem_shared>>
        %dma_wait3A_856 = arith.constant 0 : i32
        %dma_wait3A_857 = tpu.memref_slice %arg12[%dma_wait3A_848, %dma_wait3A_856] : memref<21x128xf32, #tpu.memory_space<vmem>> -> memref<1x128xf32, #tpu.memory_space<vmem>>
        %dma_wait3A_858 = tpu.memref_squeeze %dma_wait3A_857 : memref<1x128xf32, #tpu.memory_space<vmem>> -> memref<128xf32, #tpu.memory_space<vmem>>
        tpu.wait_dma2 semaphore(%arg18 : memref<!tpu.dma_semaphore, #tpu.memory_space<semaphore_mem>>) src(%dma_wait3A_858 : memref<128xf32, #tpu.memory_space<vmem>>) dst(%dma_wait3A_855 : memref<128xf32, #tpu.memory_space<vmem_shared>>)
        %dma_wait3A_859 = arith.constant 6 : i32
        %dma_wait3A_860 = arith.constant 0 : i32
        %dma_wait3A_861 = tpu.memref_slice %arg12[%dma_wait3A_859, %dma_wait3A_860] : memref<21x128xf32, #tpu.memory_space<vmem>> -> memref<1x128xf32, #tpu.memory_space<vmem>>
        %dma_wait3A_862 = tpu.memref_squeeze %dma_wait3A_861 : memref<1x128xf32, #tpu.memory_space<vmem>> -> memref<128xf32, #tpu.memory_space<vmem>>
        %dma_wait3A_863 = arith.constant 0 : i32
        %dma_wait3A_864 = tpu.memref_slice %arg14[%dma_wait3A_863] : memref<1605632xf32, #tpu.memory_space<vmem_shared>> -> memref<128xf32, #tpu.memory_space<vmem_shared>>
        %dma_wait3A_865 = arith.constant 0 : i32
        %dma_wait3A_866 = tpu.memref_slice %arg14[%dma_wait3A_865] : memref<1605632xf32, #tpu.memory_space<vmem_shared>> -> memref<128xf32, #tpu.memory_space<vmem_shared>>
        %dma_wait3A_867 = arith.constant 0 : i32
        %dma_wait3A_868 = tpu.memref_slice %arg12[%dma_wait3A_859, %dma_wait3A_867] : memref<21x128xf32, #tpu.memory_space<vmem>> -> memref<1x128xf32, #tpu.memory_space<vmem>>
        %dma_wait3A_869 = tpu.memref_squeeze %dma_wait3A_868 : memref<1x128xf32, #tpu.memory_space<vmem>> -> memref<128xf32, #tpu.memory_space<vmem>>
        tpu.wait_dma2 semaphore(%arg18 : memref<!tpu.dma_semaphore, #tpu.memory_space<semaphore_mem>>) src(%dma_wait3A_869 : memref<128xf32, #tpu.memory_space<vmem>>) dst(%dma_wait3A_866 : memref<128xf32, #tpu.memory_space<vmem_shared>>)
        %dma_wait3A_870 = arith.constant 7 : i32
        %dma_wait3A_871 = arith.constant 0 : i32
        %dma_wait3A_872 = tpu.memref_slice %arg12[%dma_wait3A_870, %dma_wait3A_871] : memref<21x128xf32, #tpu.memory_space<vmem>> -> memref<1x128xf32, #tpu.memory_space<vmem>>
        %dma_wait3A_873 = tpu.memref_squeeze %dma_wait3A_872 : memref<1x128xf32, #tpu.memory_space<vmem>> -> memref<128xf32, #tpu.memory_space<vmem>>
        %dma_wait3A_874 = arith.constant 0 : i32
        %dma_wait3A_875 = tpu.memref_slice %arg14[%dma_wait3A_874] : memref<1605632xf32, #tpu.memory_space<vmem_shared>> -> memref<128xf32, #tpu.memory_space<vmem_shared>>
        %dma_wait3A_876 = arith.constant 0 : i32
        %dma_wait3A_877 = tpu.memref_slice %arg14[%dma_wait3A_876] : memref<1605632xf32, #tpu.memory_space<vmem_shared>> -> memref<128xf32, #tpu.memory_space<vmem_shared>>
        %dma_wait3A_878 = arith.constant 0 : i32
        %dma_wait3A_879 = tpu.memref_slice %arg12[%dma_wait3A_870, %dma_wait3A_878] : memref<21x128xf32, #tpu.memory_space<vmem>> -> memref<1x128xf32, #tpu.memory_space<vmem>>
        %dma_wait3A_880 = tpu.memref_squeeze %dma_wait3A_879 : memref<1x128xf32, #tpu.memory_space<vmem>> -> memref<128xf32, #tpu.memory_space<vmem>>
        tpu.wait_dma2 semaphore(%arg18 : memref<!tpu.dma_semaphore, #tpu.memory_space<semaphore_mem>>) src(%dma_wait3A_880 : memref<128xf32, #tpu.memory_space<vmem>>) dst(%dma_wait3A_877 : memref<128xf32, #tpu.memory_space<vmem_shared>>)
        %dma_wait3A_881 = arith.constant 8 : i32
        %dma_wait3A_882 = arith.constant 0 : i32
        %dma_wait3A_883 = tpu.memref_slice %arg12[%dma_wait3A_881, %dma_wait3A_882] : memref<21x128xf32, #tpu.memory_space<vmem>> -> memref<1x128xf32, #tpu.memory_space<vmem>>
        %dma_wait3A_884 = tpu.memref_squeeze %dma_wait3A_883 : memref<1x128xf32, #tpu.memory_space<vmem>> -> memref<128xf32, #tpu.memory_space<vmem>>
        %dma_wait3A_885 = arith.constant 0 : i32
        %dma_wait3A_886 = tpu.memref_slice %arg14[%dma_wait3A_885] : memref<1605632xf32, #tpu.memory_space<vmem_shared>> -> memref<128xf32, #tpu.memory_space<vmem_shared>>
        %dma_wait3A_887 = arith.constant 0 : i32
        %dma_wait3A_888 = tpu.memref_slice %arg14[%dma_wait3A_887] : memref<1605632xf32, #tpu.memory_space<vmem_shared>> -> memref<128xf32, #tpu.memory_space<vmem_shared>>
        %dma_wait3A_889 = arith.constant 0 : i32
        %dma_wait3A_890 = tpu.memref_slice %arg12[%dma_wait3A_881, %dma_wait3A_889] : memref<21x128xf32, #tpu.memory_space<vmem>> -> memref<1x128xf32, #tpu.memory_space<vmem>>
        %dma_wait3A_891 = tpu.memref_squeeze %dma_wait3A_890 : memref<1x128xf32, #tpu.memory_space<vmem>> -> memref<128xf32, #tpu.memory_space<vmem>>
        tpu.wait_dma2 semaphore(%arg18 : memref<!tpu.dma_semaphore, #tpu.memory_space<semaphore_mem>>) src(%dma_wait3A_891 : memref<128xf32, #tpu.memory_space<vmem>>) dst(%dma_wait3A_888 : memref<128xf32, #tpu.memory_space<vmem_shared>>)
        %dma_wait3A_892 = arith.constant 9 : i32
        %dma_wait3A_893 = arith.constant 0 : i32
        %dma_wait3A_894 = tpu.memref_slice %arg12[%dma_wait3A_892, %dma_wait3A_893] : memref<21x128xf32, #tpu.memory_space<vmem>> -> memref<1x128xf32, #tpu.memory_space<vmem>>
        %dma_wait3A_895 = tpu.memref_squeeze %dma_wait3A_894 : memref<1x128xf32, #tpu.memory_space<vmem>> -> memref<128xf32, #tpu.memory_space<vmem>>
        %dma_wait3A_896 = arith.constant 0 : i32
        %dma_wait3A_897 = tpu.memref_slice %arg14[%dma_wait3A_896] : memref<1605632xf32, #tpu.memory_space<vmem_shared>> -> memref<128xf32, #tpu.memory_space<vmem_shared>>
        %dma_wait3A_898 = arith.constant 0 : i32
        %dma_wait3A_899 = tpu.memref_slice %arg14[%dma_wait3A_898] : memref<1605632xf32, #tpu.memory_space<vmem_shared>> -> memref<128xf32, #tpu.memory_space<vmem_shared>>
        %dma_wait3A_900 = arith.constant 0 : i32
        %dma_wait3A_901 = tpu.memref_slice %arg12[%dma_wait3A_892, %dma_wait3A_900] : memref<21x128xf32, #tpu.memory_space<vmem>> -> memref<1x128xf32, #tpu.memory_space<vmem>>
        %dma_wait3A_902 = tpu.memref_squeeze %dma_wait3A_901 : memref<1x128xf32, #tpu.memory_space<vmem>> -> memref<128xf32, #tpu.memory_space<vmem>>
        tpu.wait_dma2 semaphore(%arg18 : memref<!tpu.dma_semaphore, #tpu.memory_space<semaphore_mem>>) src(%dma_wait3A_902 : memref<128xf32, #tpu.memory_space<vmem>>) dst(%dma_wait3A_899 : memref<128xf32, #tpu.memory_space<vmem_shared>>)
        %dma_wait3A_903 = arith.constant 10 : i32
        %dma_wait3A_904 = arith.constant 0 : i32
        %dma_wait3A_905 = tpu.memref_slice %arg12[%dma_wait3A_903, %dma_wait3A_904] : memref<21x128xf32, #tpu.memory_space<vmem>> -> memref<1x128xf32, #tpu.memory_space<vmem>>
        %dma_wait3A_906 = tpu.memref_squeeze %dma_wait3A_905 : memref<1x128xf32, #tpu.memory_space<vmem>> -> memref<128xf32, #tpu.memory_space<vmem>>
        %dma_wait3A_907 = arith.constant 0 : i32
        %dma_wait3A_908 = tpu.memref_slice %arg14[%dma_wait3A_907] : memref<1605632xf32, #tpu.memory_space<vmem_shared>> -> memref<128xf32, #tpu.memory_space<vmem_shared>>
        %dma_wait3A_909 = arith.constant 0 : i32
        %dma_wait3A_910 = tpu.memref_slice %arg14[%dma_wait3A_909] : memref<1605632xf32, #tpu.memory_space<vmem_shared>> -> memref<128xf32, #tpu.memory_space<vmem_shared>>
        %dma_wait3A_911 = arith.constant 0 : i32
        %dma_wait3A_912 = tpu.memref_slice %arg12[%dma_wait3A_903, %dma_wait3A_911] : memref<21x128xf32, #tpu.memory_space<vmem>> -> memref<1x128xf32, #tpu.memory_space<vmem>>
        %dma_wait3A_913 = tpu.memref_squeeze %dma_wait3A_912 : memref<1x128xf32, #tpu.memory_space<vmem>> -> memref<128xf32, #tpu.memory_space<vmem>>
        tpu.wait_dma2 semaphore(%arg18 : memref<!tpu.dma_semaphore, #tpu.memory_space<semaphore_mem>>) src(%dma_wait3A_913 : memref<128xf32, #tpu.memory_space<vmem>>) dst(%dma_wait3A_910 : memref<128xf32, #tpu.memory_space<vmem_shared>>)
        %dma_wait3A_914 = arith.constant 11 : i32
        %dma_wait3A_915 = arith.constant 0 : i32
        %dma_wait3A_916 = tpu.memref_slice %arg12[%dma_wait3A_914, %dma_wait3A_915] : memref<21x128xf32, #tpu.memory_space<vmem>> -> memref<1x128xf32, #tpu.memory_space<vmem>>
        %dma_wait3A_917 = tpu.memref_squeeze %dma_wait3A_916 : memref<1x128xf32, #tpu.memory_space<vmem>> -> memref<128xf32, #tpu.memory_space<vmem>>
        %dma_wait3A_918 = arith.constant 0 : i32
        %dma_wait3A_919 = tpu.memref_slice %arg14[%dma_wait3A_918] : memref<1605632xf32, #tpu.memory_space<vmem_shared>> -> memref<128xf32, #tpu.memory_space<vmem_shared>>
        %dma_wait3A_920 = arith.constant 0 : i32
        %dma_wait3A_921 = tpu.memref_slice %arg14[%dma_wait3A_920] : memref<1605632xf32, #tpu.memory_space<vmem_shared>> -> memref<128xf32, #tpu.memory_space<vmem_shared>>
        %dma_wait3A_922 = arith.constant 0 : i32
        %dma_wait3A_923 = tpu.memref_slice %arg12[%dma_wait3A_914, %dma_wait3A_922] : memref<21x128xf32, #tpu.memory_space<vmem>> -> memref<1x128xf32, #tpu.memory_space<vmem>>
        %dma_wait3A_924 = tpu.memref_squeeze %dma_wait3A_923 : memref<1x128xf32, #tpu.memory_space<vmem>> -> memref<128xf32, #tpu.memory_space<vmem>>
        tpu.wait_dma2 semaphore(%arg18 : memref<!tpu.dma_semaphore, #tpu.memory_space<semaphore_mem>>) src(%dma_wait3A_924 : memref<128xf32, #tpu.memory_space<vmem>>) dst(%dma_wait3A_921 : memref<128xf32, #tpu.memory_space<vmem_shared>>)
        %dma_wait3A_925 = arith.constant 12 : i32
        %dma_wait3A_926 = arith.constant 0 : i32
        %dma_wait3A_927 = tpu.memref_slice %arg12[%dma_wait3A_925, %dma_wait3A_926] : memref<21x128xf32, #tpu.memory_space<vmem>> -> memref<1x128xf32, #tpu.memory_space<vmem>>
        %dma_wait3A_928 = tpu.memref_squeeze %dma_wait3A_927 : memref<1x128xf32, #tpu.memory_space<vmem>> -> memref<128xf32, #tpu.memory_space<vmem>>
        %dma_wait3A_929 = arith.constant 0 : i32
        %dma_wait3A_930 = tpu.memref_slice %arg14[%dma_wait3A_929] : memref<1605632xf32, #tpu.memory_space<vmem_shared>> -> memref<128xf32, #tpu.memory_space<vmem_shared>>
        %dma_wait3A_931 = arith.constant 0 : i32
        %dma_wait3A_932 = tpu.memref_slice %arg14[%dma_wait3A_931] : memref<1605632xf32, #tpu.memory_space<vmem_shared>> -> memref<128xf32, #tpu.memory_space<vmem_shared>>
        %dma_wait3A_933 = arith.constant 0 : i32
        %dma_wait3A_934 = tpu.memref_slice %arg12[%dma_wait3A_925, %dma_wait3A_933] : memref<21x128xf32, #tpu.memory_space<vmem>> -> memref<1x128xf32, #tpu.memory_space<vmem>>
        %dma_wait3A_935 = tpu.memref_squeeze %dma_wait3A_934 : memref<1x128xf32, #tpu.memory_space<vmem>> -> memref<128xf32, #tpu.memory_space<vmem>>
        tpu.wait_dma2 semaphore(%arg18 : memref<!tpu.dma_semaphore, #tpu.memory_space<semaphore_mem>>) src(%dma_wait3A_935 : memref<128xf32, #tpu.memory_space<vmem>>) dst(%dma_wait3A_932 : memref<128xf32, #tpu.memory_space<vmem_shared>>)
        %dma_wait3A_936 = arith.constant 13 : i32
        %dma_wait3A_937 = arith.constant 0 : i32
        %dma_wait3A_938 = tpu.memref_slice %arg12[%dma_wait3A_936, %dma_wait3A_937] : memref<21x128xf32, #tpu.memory_space<vmem>> -> memref<1x128xf32, #tpu.memory_space<vmem>>
        %dma_wait3A_939 = tpu.memref_squeeze %dma_wait3A_938 : memref<1x128xf32, #tpu.memory_space<vmem>> -> memref<128xf32, #tpu.memory_space<vmem>>
        %dma_wait3A_940 = arith.constant 0 : i32
        %dma_wait3A_941 = tpu.memref_slice %arg14[%dma_wait3A_940] : memref<1605632xf32, #tpu.memory_space<vmem_shared>> -> memref<128xf32, #tpu.memory_space<vmem_shared>>
        %dma_wait3A_942 = arith.constant 0 : i32
        %dma_wait3A_943 = tpu.memref_slice %arg14[%dma_wait3A_942] : memref<1605632xf32, #tpu.memory_space<vmem_shared>> -> memref<128xf32, #tpu.memory_space<vmem_shared>>
        %dma_wait3A_944 = arith.constant 0 : i32
        %dma_wait3A_945 = tpu.memref_slice %arg12[%dma_wait3A_936, %dma_wait3A_944] : memref<21x128xf32, #tpu.memory_space<vmem>> -> memref<1x128xf32, #tpu.memory_space<vmem>>
        %dma_wait3A_946 = tpu.memref_squeeze %dma_wait3A_945 : memref<1x128xf32, #tpu.memory_space<vmem>> -> memref<128xf32, #tpu.memory_space<vmem>>
        tpu.wait_dma2 semaphore(%arg18 : memref<!tpu.dma_semaphore, #tpu.memory_space<semaphore_mem>>) src(%dma_wait3A_946 : memref<128xf32, #tpu.memory_space<vmem>>) dst(%dma_wait3A_943 : memref<128xf32, #tpu.memory_space<vmem_shared>>)
        %dma_wait3A_947 = arith.constant 14 : i32
        %dma_wait3A_948 = arith.constant 0 : i32
        %dma_wait3A_949 = tpu.memref_slice %arg12[%dma_wait3A_947, %dma_wait3A_948] : memref<21x128xf32, #tpu.memory_space<vmem>> -> memref<1x128xf32, #tpu.memory_space<vmem>>
        %dma_wait3A_950 = tpu.memref_squeeze %dma_wait3A_949 : memref<1x128xf32, #tpu.memory_space<vmem>> -> memref<128xf32, #tpu.memory_space<vmem>>
        %dma_wait3A_951 = arith.constant 0 : i32
        %dma_wait3A_952 = tpu.memref_slice %arg14[%dma_wait3A_951] : memref<1605632xf32, #tpu.memory_space<vmem_shared>> -> memref<128xf32, #tpu.memory_space<vmem_shared>>
        %dma_wait3A_953 = arith.constant 0 : i32
        %dma_wait3A_954 = tpu.memref_slice %arg14[%dma_wait3A_953] : memref<1605632xf32, #tpu.memory_space<vmem_shared>> -> memref<128xf32, #tpu.memory_space<vmem_shared>>
        %dma_wait3A_955 = arith.constant 0 : i32
        %dma_wait3A_956 = tpu.memref_slice %arg12[%dma_wait3A_947, %dma_wait3A_955] : memref<21x128xf32, #tpu.memory_space<vmem>> -> memref<1x128xf32, #tpu.memory_space<vmem>>
        %dma_wait3A_957 = tpu.memref_squeeze %dma_wait3A_956 : memref<1x128xf32, #tpu.memory_space<vmem>> -> memref<128xf32, #tpu.memory_space<vmem>>
        tpu.wait_dma2 semaphore(%arg18 : memref<!tpu.dma_semaphore, #tpu.memory_space<semaphore_mem>>) src(%dma_wait3A_957 : memref<128xf32, #tpu.memory_space<vmem>>) dst(%dma_wait3A_954 : memref<128xf32, #tpu.memory_space<vmem_shared>>)
        %dma_wait3A_958 = arith.constant 15 : i32
        %dma_wait3A_959 = arith.constant 0 : i32
        %dma_wait3A_960 = tpu.memref_slice %arg12[%dma_wait3A_958, %dma_wait3A_959] : memref<21x128xf32, #tpu.memory_space<vmem>> -> memref<1x128xf32, #tpu.memory_space<vmem>>
        %dma_wait3A_961 = tpu.memref_squeeze %dma_wait3A_960 : memref<1x128xf32, #tpu.memory_space<vmem>> -> memref<128xf32, #tpu.memory_space<vmem>>
        %dma_wait3A_962 = arith.constant 0 : i32
        %dma_wait3A_963 = tpu.memref_slice %arg14[%dma_wait3A_962] : memref<1605632xf32, #tpu.memory_space<vmem_shared>> -> memref<128xf32, #tpu.memory_space<vmem_shared>>
        %dma_wait3A_964 = arith.constant 0 : i32
        %dma_wait3A_965 = tpu.memref_slice %arg14[%dma_wait3A_964] : memref<1605632xf32, #tpu.memory_space<vmem_shared>> -> memref<128xf32, #tpu.memory_space<vmem_shared>>
        %dma_wait3A_966 = arith.constant 0 : i32
        %dma_wait3A_967 = tpu.memref_slice %arg12[%dma_wait3A_958, %dma_wait3A_966] : memref<21x128xf32, #tpu.memory_space<vmem>> -> memref<1x128xf32, #tpu.memory_space<vmem>>
        %dma_wait3A_968 = tpu.memref_squeeze %dma_wait3A_967 : memref<1x128xf32, #tpu.memory_space<vmem>> -> memref<128xf32, #tpu.memory_space<vmem>>
        tpu.wait_dma2 semaphore(%arg18 : memref<!tpu.dma_semaphore, #tpu.memory_space<semaphore_mem>>) src(%dma_wait3A_968 : memref<128xf32, #tpu.memory_space<vmem>>) dst(%dma_wait3A_965 : memref<128xf32, #tpu.memory_space<vmem_shared>>)
        %dma_wait3A_969 = arith.constant 16 : i32
        %dma_wait3A_970 = arith.constant 0 : i32
        %dma_wait3A_971 = tpu.memref_slice %arg12[%dma_wait3A_969, %dma_wait3A_970] : memref<21x128xf32, #tpu.memory_space<vmem>> -> memref<1x128xf32, #tpu.memory_space<vmem>>
        %dma_wait3A_972 = tpu.memref_squeeze %dma_wait3A_971 : memref<1x128xf32, #tpu.memory_space<vmem>> -> memref<128xf32, #tpu.memory_space<vmem>>
        %dma_wait3A_973 = arith.constant 0 : i32
        %dma_wait3A_974 = tpu.memref_slice %arg14[%dma_wait3A_973] : memref<1605632xf32, #tpu.memory_space<vmem_shared>> -> memref<128xf32, #tpu.memory_space<vmem_shared>>
        %dma_wait3A_975 = arith.constant 0 : i32
        %dma_wait3A_976 = tpu.memref_slice %arg14[%dma_wait3A_975] : memref<1605632xf32, #tpu.memory_space<vmem_shared>> -> memref<128xf32, #tpu.memory_space<vmem_shared>>
        %dma_wait3A_977 = arith.constant 0 : i32
        %dma_wait3A_978 = tpu.memref_slice %arg12[%dma_wait3A_969, %dma_wait3A_977] : memref<21x128xf32, #tpu.memory_space<vmem>> -> memref<1x128xf32, #tpu.memory_space<vmem>>
        %dma_wait3A_979 = tpu.memref_squeeze %dma_wait3A_978 : memref<1x128xf32, #tpu.memory_space<vmem>> -> memref<128xf32, #tpu.memory_space<vmem>>
        tpu.wait_dma2 semaphore(%arg18 : memref<!tpu.dma_semaphore, #tpu.memory_space<semaphore_mem>>) src(%dma_wait3A_979 : memref<128xf32, #tpu.memory_space<vmem>>) dst(%dma_wait3A_976 : memref<128xf32, #tpu.memory_space<vmem_shared>>)
        %dma_wait3A_980 = arith.constant 17 : i32
        %dma_wait3A_981 = arith.constant 0 : i32
        %dma_wait3A_982 = tpu.memref_slice %arg12[%dma_wait3A_980, %dma_wait3A_981] : memref<21x128xf32, #tpu.memory_space<vmem>> -> memref<1x128xf32, #tpu.memory_space<vmem>>
        %dma_wait3A_983 = tpu.memref_squeeze %dma_wait3A_982 : memref<1x128xf32, #tpu.memory_space<vmem>> -> memref<128xf32, #tpu.memory_space<vmem>>
        %dma_wait3A_984 = arith.constant 0 : i32
        %dma_wait3A_985 = tpu.memref_slice %arg14[%dma_wait3A_984] : memref<1605632xf32, #tpu.memory_space<vmem_shared>> -> memref<128xf32, #tpu.memory_space<vmem_shared>>
        %dma_wait3A_986 = arith.constant 0 : i32
        %dma_wait3A_987 = tpu.memref_slice %arg14[%dma_wait3A_986] : memref<1605632xf32, #tpu.memory_space<vmem_shared>> -> memref<128xf32, #tpu.memory_space<vmem_shared>>
        %dma_wait3A_988 = arith.constant 0 : i32
        %dma_wait3A_989 = tpu.memref_slice %arg12[%dma_wait3A_980, %dma_wait3A_988] : memref<21x128xf32, #tpu.memory_space<vmem>> -> memref<1x128xf32, #tpu.memory_space<vmem>>
        %dma_wait3A_990 = tpu.memref_squeeze %dma_wait3A_989 : memref<1x128xf32, #tpu.memory_space<vmem>> -> memref<128xf32, #tpu.memory_space<vmem>>
        tpu.wait_dma2 semaphore(%arg18 : memref<!tpu.dma_semaphore, #tpu.memory_space<semaphore_mem>>) src(%dma_wait3A_990 : memref<128xf32, #tpu.memory_space<vmem>>) dst(%dma_wait3A_987 : memref<128xf32, #tpu.memory_space<vmem_shared>>)
        %dma_wait3A_991 = arith.constant 18 : i32
        %dma_wait3A_992 = arith.constant 0 : i32
        %dma_wait3A_993 = tpu.memref_slice %arg12[%dma_wait3A_991, %dma_wait3A_992] : memref<21x128xf32, #tpu.memory_space<vmem>> -> memref<1x128xf32, #tpu.memory_space<vmem>>
        %dma_wait3A_994 = tpu.memref_squeeze %dma_wait3A_993 : memref<1x128xf32, #tpu.memory_space<vmem>> -> memref<128xf32, #tpu.memory_space<vmem>>
        %dma_wait3A_995 = arith.constant 0 : i32
        %dma_wait3A_996 = tpu.memref_slice %arg14[%dma_wait3A_995] : memref<1605632xf32, #tpu.memory_space<vmem_shared>> -> memref<128xf32, #tpu.memory_space<vmem_shared>>
        %dma_wait3A_997 = arith.constant 0 : i32
        %dma_wait3A_998 = tpu.memref_slice %arg14[%dma_wait3A_997] : memref<1605632xf32, #tpu.memory_space<vmem_shared>> -> memref<128xf32, #tpu.memory_space<vmem_shared>>
        %dma_wait3A_999 = arith.constant 0 : i32
        %dma_wait3A_1000 = tpu.memref_slice %arg12[%dma_wait3A_991, %dma_wait3A_999] : memref<21x128xf32, #tpu.memory_space<vmem>> -> memref<1x128xf32, #tpu.memory_space<vmem>>
        %dma_wait3A_1001 = tpu.memref_squeeze %dma_wait3A_1000 : memref<1x128xf32, #tpu.memory_space<vmem>> -> memref<128xf32, #tpu.memory_space<vmem>>
        tpu.wait_dma2 semaphore(%arg18 : memref<!tpu.dma_semaphore, #tpu.memory_space<semaphore_mem>>) src(%dma_wait3A_1001 : memref<128xf32, #tpu.memory_space<vmem>>) dst(%dma_wait3A_998 : memref<128xf32, #tpu.memory_space<vmem_shared>>)
        %dma_wait3A_1002 = arith.constant 19 : i32
        %dma_wait3A_1003 = arith.constant 0 : i32
        %dma_wait3A_1004 = tpu.memref_slice %arg12[%dma_wait3A_1002, %dma_wait3A_1003] : memref<21x128xf32, #tpu.memory_space<vmem>> -> memref<1x128xf32, #tpu.memory_space<vmem>>
        %dma_wait3A_1005 = tpu.memref_squeeze %dma_wait3A_1004 : memref<1x128xf32, #tpu.memory_space<vmem>> -> memref<128xf32, #tpu.memory_space<vmem>>
        %dma_wait3A_1006 = arith.constant 0 : i32
        %dma_wait3A_1007 = tpu.memref_slice %arg14[%dma_wait3A_1006] : memref<1605632xf32, #tpu.memory_space<vmem_shared>> -> memref<128xf32, #tpu.memory_space<vmem_shared>>
        %dma_wait3A_1008 = arith.constant 0 : i32
        %dma_wait3A_1009 = tpu.memref_slice %arg14[%dma_wait3A_1008] : memref<1605632xf32, #tpu.memory_space<vmem_shared>> -> memref<128xf32, #tpu.memory_space<vmem_shared>>
        %dma_wait3A_1010 = arith.constant 0 : i32
        %dma_wait3A_1011 = tpu.memref_slice %arg12[%dma_wait3A_1002, %dma_wait3A_1010] : memref<21x128xf32, #tpu.memory_space<vmem>> -> memref<1x128xf32, #tpu.memory_space<vmem>>
        %dma_wait3A_1012 = tpu.memref_squeeze %dma_wait3A_1011 : memref<1x128xf32, #tpu.memory_space<vmem>> -> memref<128xf32, #tpu.memory_space<vmem>>
        tpu.wait_dma2 semaphore(%arg18 : memref<!tpu.dma_semaphore, #tpu.memory_space<semaphore_mem>>) src(%dma_wait3A_1012 : memref<128xf32, #tpu.memory_space<vmem>>) dst(%dma_wait3A_1009 : memref<128xf32, #tpu.memory_space<vmem_shared>>)
        %dma_wait3A_1013 = arith.constant 20 : i32
        %dma_wait3A_1014 = arith.constant 0 : i32
        %dma_wait3A_1015 = tpu.memref_slice %arg12[%dma_wait3A_1013, %dma_wait3A_1014] : memref<21x128xf32, #tpu.memory_space<vmem>> -> memref<1x128xf32, #tpu.memory_space<vmem>>
        %dma_wait3A_1016 = tpu.memref_squeeze %dma_wait3A_1015 : memref<1x128xf32, #tpu.memory_space<vmem>> -> memref<128xf32, #tpu.memory_space<vmem>>
        %dma_wait3A_1017 = arith.constant 0 : i32
        %dma_wait3A_1018 = tpu.memref_slice %arg14[%dma_wait3A_1017] : memref<1605632xf32, #tpu.memory_space<vmem_shared>> -> memref<128xf32, #tpu.memory_space<vmem_shared>>
        %dma_wait3A_1019 = arith.constant 0 : i32
        %dma_wait3A_1020 = tpu.memref_slice %arg14[%dma_wait3A_1019] : memref<1605632xf32, #tpu.memory_space<vmem_shared>> -> memref<128xf32, #tpu.memory_space<vmem_shared>>
        %dma_wait3A_1021 = arith.constant 0 : i32
        %dma_wait3A_1022 = tpu.memref_slice %arg12[%dma_wait3A_1013, %dma_wait3A_1021] : memref<21x128xf32, #tpu.memory_space<vmem>> -> memref<1x128xf32, #tpu.memory_space<vmem>>
        %dma_wait3A_1023 = tpu.memref_squeeze %dma_wait3A_1022 : memref<1x128xf32, #tpu.memory_space<vmem>> -> memref<128xf32, #tpu.memory_space<vmem>>
        tpu.wait_dma2 semaphore(%arg18 : memref<!tpu.dma_semaphore, #tpu.memory_space<semaphore_mem>>) src(%dma_wait3A_1023 : memref<128xf32, #tpu.memory_space<vmem>>) dst(%dma_wait3A_1020 : memref<128xf32, #tpu.memory_space<vmem_shared>>)
        %barrier3A_1024 = arith.constant 0 : index
        tpu.barrier barrier_id(%barrier3A_1024)
        %mul3A_1025 = arith.constant 100352 : i32
        %mul3A_1026 = arith.muli %arg1, %mul3A_1025 : i32
        %mul3A_1027 = arith.constant 100352 : i32
        %mul3A_1028 = arith.muli %arg1, %mul3A_1027 : i32
        %add3A_1029 = arith.addi %add3A_35, %mul3A_1028 : i32
        "tpu.region"() ({
          %run_scoped3A = tpu.sem_alloc : memref<!tpu.dma_semaphore, #tpu.memory_space<semaphore_mem>>
          %dma_start3A_1030 = tpu.memref_slice %arg4[%add3A_1029] : memref<38535168xf32, #tpu.memory_space<hbm>> -> memref<100352xf32, #tpu.memory_space<hbm>>
          %dma_start3A_1031 = tpu.memref_slice %arg14[%mul3A_1026] : memref<1605632xf32, #tpu.memory_space<vmem_shared>> -> memref<100352xf32, #tpu.memory_space<vmem_shared>>
          tpu.enqueue_dma source(%dma_start3A_1031 : memref<100352xf32, #tpu.memory_space<vmem_shared>>) target(%dma_start3A_1030 : memref<100352xf32, #tpu.memory_space<hbm>>) target_semaphore(%run_scoped3A : memref<!tpu.dma_semaphore, #tpu.memory_space<semaphore_mem>>)
          %dma_wait3A_1032 = tpu.memref_slice %arg4[%add3A_1029] : memref<38535168xf32, #tpu.memory_space<hbm>> -> memref<100352xf32, #tpu.memory_space<hbm>>
          %dma_wait3A_1033 = tpu.memref_slice %arg14[%mul3A_1026] : memref<1605632xf32, #tpu.memory_space<vmem_shared>> -> memref<100352xf32, #tpu.memory_space<vmem_shared>>
          tpu.wait_dma2 semaphore(%run_scoped3A : memref<!tpu.dma_semaphore, #tpu.memory_space<semaphore_mem>>) src(%dma_wait3A_1033 : memref<100352xf32, #tpu.memory_space<vmem_shared>>) dst(%dma_wait3A_1032 : memref<100352xf32, #tpu.memory_space<hbm>>)
          tpu.yield
        }) : () -> ()
      }
      %scan3A_17 = arith.constant 3 : i32
    }
    %scan3A_9 = arith.constant 4 : i32
    return
  }
}

</mosaic_0001>

<sc_bundles>
// kernel: _unpool.3.cloned.1.call-start
scs
__scs_entry_jumppad:
0x0: {  	(pc) =	sbr.rel $0x88, $3  }
0x1: {  	(tag) =	ssettag $0x0;
	lr =	simm.s32 $0x1  }
0x2: {  	[smem:$0x3F9F] =	sst lr;
	_ =	strace $0xD0000000  }
0x3: {  	_ = 	snop  }
0x4: {  	_ = 	snop  }
0x5: {  	_ = 	snop  }
0x6: {  	_ = 	snop  }
0x7: {  	_ = 	snop  }
__scs_overlays_trampoline_lowered:
0x8: {  	[smem:$0x3FAE] =	sst s0  }
0x9: {  	[smem:$0x3FAF] =	sst s1  }
0xa: {  	[smem:$0x3FB0] =	sst s2  }
0xb: {  	[smem:$0x3FB1] =	sst s3  }
0xc: {  	[smem:$0x3FB2] =	sst s4  }
0xd: {  	[smem:$0x3FB3] =	sst s5  }
0xe: {  	[smem:$0x3FB4] =	sst s6  }
0xf: {  	[smem:$0x3FB5] =	sst s7  }
0x10: {  	[smem:$0x3FB6] =	sst s8  }
0x11: {  	[smem:$0x3FB7] =	sst s9;
	s0 =	simm.s32 @!p0 $0x0  }
0x12: {  	s1 =	sld [smem:$0x3F9D];
	s0 =	simm.s32 @p0 $0x1  }
0x13: {  	[smem:$0x3FB8] =	sst s0;
	s0 =	simm.s32 @!p1 $0x0  }
0x14: {  	s2 =	sld [smem:$0x3F9C];
	s0 =	simm.s32 @p1 $0x1  }
0x15: {  	[smem:$0x3FB9] =	sst s0;
	s0 =	simm.s32 @!p2 $0x0  }
0x16: {  	s3 =	sld [smem:$0x3FDB];
	s0 =	simm.s32 @p2 $0x1  }
0x17: {  	s4 =	simm.s32 $0x1BF5;
	[smem:$0x3FBB] =	sst s0  }
0x18: {  	s0 =	sld [smem:$0x3F9E];
	_ =	swait.ge [sflag:s4], $0x0  }
0x19: {  	s7 =	sld [smem:$0x3F9F]  }
0x1a: {  	s8 =	sadd.s32 $0xFFFFE003, lr  }
0x1b: {  	s9 =	sadd.s32 $0xFFFFFEF7, lr;
	s5 =	simm.s32 $0xFFFFFFFF;
	p2 =	slt.u32 s8, $0xFFFFF086  }
0x1c: {  	p1 =	slt.u32 s9, $0xF7A;
	s5 =	simm.s32 @!p2 $0x0  }
0x1d: {  	s5 =	simm.s32 @p1 $0x1;
	p0 =	seq.s32 s7, s2  }
0x1e: {  	s7 =	smul.u32 @!p0 $0xF7A, s2;
	p2 =	seq.s32 @!p0 s5, $0x0  }
0x1f: {  	s9 =	smul.u32 $0xF7A, s1;
	s8 =	simm.s32 @!p0 $0x1BF5;
	p2 =	por !p2, p0  }
0x20: {  	[sflag:s8] =	ssyncset.s32 @!p0 $0xFFFFF086;
	s6 =	sadd.s32 @!p0 s3, s7;
	s7 =	simm.s32 @!p0 $0x108  }
0x21: {  	s3 =	sadd.s32 s3, s9;
	s6 =	sadd.s32 @!p0 $0x88, s6;
	s7 =	simm.s32 @p2 $0x1082  }
0x22: {  	[simem:s7], [sflag:s8] =	dma.local @!p0 [hbm:s6], $0xF7A  }
0x23: {  	s9 =	sor.u32 $0xD0000000, s2;
	s6 =	simm.s32 $0x108;
	_ =	swait.ge @!p0 [sflag:s8], $0x0  }
0x24: {  	s3 =	sadd.s32 $0x88, s3;
	s6 =	simm.s32 @!p1 $0x1082;
	[sflag:s4] =	ssyncset.s32 $0xFFFFF086  }
0x25: {  	[simem:s6], [sflag:s4] =	dma.local [hbm:s3], $0xF7A  }
0x26: {  	[smem:$0x3F9F] =	sst s1;
	(tag) =	ssettag s2;
	_ =	strace s9  }
0x27: {  	s1 =	sld [smem:$0x3FAF]  }
0x28: {  	s2 =	sld [smem:$0x3FB0]  }
0x29: {  	s4 =	sld [smem:$0x3FB2]  }
0x2a: {  	p0 =	seq.s32 s5, $0x0;
	s5 =	sld [smem:$0x3FB3]  }
0x2b: {  	s6 =	sld [smem:$0x3FB4]  }
0x2c: {  	s7 =	sld [smem:$0x3FB5]  }
0x2d: {  	s3 =	simm.s32 $0x108;
	s8 =	sld [smem:$0x3FB6]  }
0x2e: {  	s3 =	simm.s32 @!p0 $0x1082;
	s9 =	sld [smem:$0x3FB7]  }
0x2f: {  	lr =	sadd.s32 s0, s3;
	s0 =	sld [smem:$0x3FAE]  }
0x30: {  	s3 =	sld [smem:$0x3FB1]  }
0x31: {  	[smem:$0x3FBA] =	sst s10  }
0x32: {  	s10 =	sld [smem:$0x3FB8];
	_ =	sdelay $0x3  }
0x33: {  	p0 =	seq.s32 s10, $0x1;
	s10 =	sld [smem:$0x3FBA];
	_ =	sdelay $0x3  }
0x34: {  	[smem:$0x3FBA] =	sst s10  }
0x35: {  	s10 =	sld [smem:$0x3FB9];
	_ =	sdelay $0x3  }
0x36: {  	p1 =	seq.s32 s10, $0x1;
	s10 =	sld [smem:$0x3FBA];
	_ =	sdelay $0x3  }
0x37: {  	[smem:$0x3FBA] =	sst s10  }
0x38: {  	s10 =	sld [smem:$0x3FBB]  }
0x39: {  	_ = 	snop;
	(pc) =	sbr.ind lr, $3  }
0x3a: {  	_ = 	snop  }
0x3b: {  	_ = 	snop  }
0x3c: {  	p2 =	seq.s32 s10, $0x1;
	s10 =	sld [smem:$0x3FBA]  }
0x3d: {  	_ =	shalt  }
0x3e: {  	_ =	shalt  }
0x3f: {  	_ =	shalt  }
0x40: {  	_ =	shalt  }
0x41: {  	_ =	shalt  }
0x42: {  	_ =	shalt  }
0x43: {  	_ =	shalt  }
0x44: {  	_ =	shalt  }
0x45: {  	_ =	shalt  }
0x46: {  	_ =	shalt  }
0x47: {  	_ =	shalt  }
0x48: {  	_ =	shalt  }
0x49: {  	_ =	shalt  }
0x4a: {  	_ =	shalt  }
0x4b: {  	_ =	shalt  }
0x4c: {  	_ =	shalt  }
0x4d: {  	_ =	shalt  }
0x4e: {  	_ =	shalt  }
0x4f: {  	_ =	shalt  }
0x50: {  	_ =	shalt  }
0x51: {  	_ =	shalt  }
0x52: {  	_ =	shalt  }
0x53: {  	_ =	shalt  }
0x54: {  	_ =	shalt  }
0x55: {  	_ =	shalt  }
0x56: {  	_ =	shalt  }
0x57: {  	_ =	shalt  }
0x58: {  	_ =	shalt  }
0x59: {  	_ =	shalt  }
0x5a: {  	_ =	shalt  }
0x5b: {  	_ =	shalt  }
0x5c: {  	_ =	shalt  }
0x5d: {  	_ =	shalt  }
0x5e: {  	_ =	shalt  }
0x5f: {  	_ =	shalt  }
0x60: {  	_ =	shalt  }
0x61: {  	_ =	shalt  }
0x62: {  	_ =	shalt  }
0x63: {  	_ =	shalt  }
0x64: {  	_ =	shalt  }
0x65: {  	_ =	shalt  }
0x66: {  	_ =	shalt  }
0x67: {  	_ =	shalt  }
0x68: {  	_ =	shalt  }
0x69: {  	_ =	shalt  }
0x6a: {  	_ =	shalt  }
0x6b: {  	_ =	shalt  }
0x6c: {  	_ =	shalt  }
0x6d: {  	_ =	shalt  }
0x6e: {  	_ =	shalt  }
0x6f: {  	_ =	shalt  }
0x70: {  	_ =	shalt  }
0x71: {  	_ =	shalt  }
0x72: {  	_ =	shalt  }
0x73: {  	_ =	shalt  }
0x74: {  	_ =	shalt  }
0x75: {  	_ =	shalt  }
0x76: {  	_ =	shalt  }
0x77: {  	_ =	shalt  }
0x78: {  	_ =	shalt  }
0x79: {  	_ =	shalt  }
0x7a: {  	_ =	shalt  }
0x7b: {  	_ =	shalt  }
0x7c: {  	_ =	shalt  }
0x7d: {  	_ =	shalt  }
0x7e: {  	_ =	shalt  }
0x7f: {  	_ =	shalt  }
0x80: {  	_ =	shalt  }
0x81: {  	_ =	shalt  }
0x82: {  	_ =	shalt  }
0x83: {  	_ =	shalt  }
0x84: {  	_ =	shalt  }
0x85: {  	_ =	shalt  }
0x86: {  	_ =	shalt  }
0x87: {  	_ =	shalt  }
.Lfunc_end0:
.L_simem_size_0:
called_computation_lowered:
.L_overlay_start_0:
0x88: {  	s2 =	sld [smem:$0x3FD9]  }
0x89: {  	s3 =	sld [smem:$0x3FFE];
	_ =	sdelay $0x1  }
0x8a: {  	s1 =	srdreg.scid  }
0x8b: {  	s0 =	sand.u32 $0x1, s1  }
0x8c: {  	s17 =	sshll.u32 s0, $0xA;
	s2 =	sadd.s32 s3, s2  }
0x8d: {  	s2 =	sadd.s32 s2, s17  }
0x8e: {  	[smem:$0x3FC6] =	sst s2  }
0x8f: {  	_ = 	snop  }
0x90: {  	s2 =	sld [smem:$0x3FD0];
	(tm) =	ssettm $0x1  }
0x91: {  	s18 =	sld [smem:$0x3FFB];
	_ =	sdelay $0x3  }
0x92: {  	_ =	strace s18  }
0x93: {  	s3 =	sld [smem:$0x3FFC];
	_ =	sdelay $0x3  }
0x94: {  	_ =	strace s3  }
0x95: {  	s3 =	sld [smem:$0x3FFD];
	_ =	sdelay $0x3  }
0x96: {  	_ =	strace s3  }
0x97: {  	_ =	strace $0x8FFFFFFF  }
0x98: {  	s19 =	sld [smem:$0x3FDB];
	_ =	sdelay $0x1  }
0x99: {  	s4 =	simm.s32 $_scs_section_size  }
0x9a: {  	s5 =	simm.s32 $_size__tile_overlayer_lowered;
	s6 =	simm.s32 $_tile_overlayer_lowered  }
0x9b: {  	s22 =	simm.s32 $0x1BFF;
	s21 =	sshll.u32 s6, $0x1;
	s3 =	sadd.s32 s4, s19  }
0x9c: {  	s7 =	simm.s32 $0x0;
	s20 =	sshll.u32 s5, $0x1;
	s5 =	sadd.s32 s21, s3  }
0x9d: {  	[timem:s7], [sflag:s22] =	dma.local [hbm:s5], s20  }
0x9e: {  	_ =	swait.ge [sflag:s22], s20  }
0x9f: {  	s4 =	ssub.s32 $0x0, s20;
	[sflag:s22] =	ssyncset.done $0x0  }
0xa0: {  	[sflag:s22] =	ssyncadd.s32 s4;
	_ =	sdelay $0x1  }
0xa1: {  	s23 =	simm.s32 $0x1B8B  }
0xa2: {  	_ =	swait.ge [sflag:s23], $0x1  }
0xa3: {  	[sflag:s23] =	ssyncset.done $0x0  }
0xa4: {  	s25 =	simm.s32 $0x1B8E;
	s24 =	sld [smem:$0x3FFE];
	[sflag:s23] =	ssyncadd.s32 $0xFFFFFFFF  }
0xa5: {  	s26 =	simm.s32 $execute0_lowered;
	[smem:$0x3FD2] =	sst s25  }
0xa6: {  	s5 =	sshll.u32 s26, $0x1;
	_ =	strace $0x80000046;
	[dreg:$0x1] =	wrdreg $0xFFFFFFFF  }
0xa7: {  	s28 =	simm.s32 $_size_execute0_lowered;
	s3 =	sadd.s32 s3, s5;
	[dreg:$0x0] =	wrdreg $0x0  }
0xa8: {  	s5 =	sshll.u32 s28, $0x1;
	[dreg:$0x2] =	wrdreg s3  }
0xa9: {  	[dreg:$0x3] =	wrdreg s5  }
0xaa: {  	[dreg:$0x4] =	wrdreg $0xC0  }
0xab: {  	_ =	task [dreg:s7], $0x5FFFF  }
0xac: {  	[dreg:$0x1] =	wrdreg $0xFFFFFFFF  }
0xad: {  	[dreg:$0x0] =	wrdreg $0x60  }
0xae: {  	[dreg:$0x2] =	wrdreg s24  }
0xaf: {  	[dreg:$0x3] =	wrdreg s2  }
0xb0: {  	[dreg:$0x4] =	wrdreg $0x6C800  }
0xb1: {  	[dreg:$0x5] =	wrdreg $0x9  }
0xb2: {  	_ =	task.clear_ibuf [dreg:s7], $0x6FFFF;
	_ =	strace $0x90000046  }
0xb3: {  	s29 =	simm.s32 $0x9;
	_ =	strace $0x80000048  }
0xb4: {  	_ =	swait.ge [sflag:s29], $0x1  }
0xb5: {  	[sflag:s29] =	ssyncadd.s32 $0xFFFFFFFF  }
0xb6: {  	_ =	strace $0x90000048  }
0xb7: {  	_ =	sfence  }
0xb8: {  	s30 =	sld [smem:$0x0];
	_ =	sdelay $0x2  }
0xb9: {  	s31 =	sshll.u32 s1, $0xD;
	s1 =	sshrl.u32 s1, $0x2  }
0xba: {  	s3 =	sand.u32 $0x4000, s31;
	s1 =	sadd.s32 s1, s30  }
0xbb: {  	s0 =	sor.u32 s3, s0;
	s1 =	sshll.u32 s1, $0x11  }
0xbc: {  	s0 =	sor.u32 s1, s0  }
0xbd: {  	s0 =	sadd.s32 $0x8F2B, s0  }
0xbe: {  	[sflag:s0] =	ssyncadd.remote.s32 $0x1  }
0xbf: {  	_ =	sfence.sel $0xFFFF  }
0xc0: {  	[dreg:$0x0] =	wrdreg $0xFFFFFFFF;
	(pc) =	sbr.abs _section_cstart, $3  }
0xc1: {  	[dreg:$0x1] =	wrdreg $0xFFFFFFFF  }
0xc2: {  	_ =	task.clear_ibuf [dreg:s7], $0x2FFFF;
	_ =	strace $0x9FFFFFFF  }
0xc3: {  	(tm) =	ssettm $0x7FFFFFFF  }
tec
execute0_lowered:
.L_overlay_start_1:
0x0: {  	(tag) =	ssettag $0x1  }
0x1: {  	s0 =	rddreg [dreg:$0x0]  }
0x2: {  	s2 =	rddreg [dreg:$0x2];
	s3 =	simm.s32 $0x0;
	s1 =	srdreg.scid  }
0x3: {  	s9 =	stileid.u32;
	s12 =	simm.s32 $0x6000;
	s13 =	simm.s32 $0x5  }
0x4: {  	s17 =	simm.s32 $0x1;
	s18 =	simm.s32 $0x80;
	s23 =	simm.s32 $0x2  }
0x5: {  	s19 =	simm.s32 $0x5C80;
	s20 =	simm.s32 $0x5100;
	s21 =	simm.s32 $0x5D00  }
0x6: {  	s22 =	simm.s32 $0x5180;
	s14 =	simm.s32 $0x5D80;
	s15 =	simm.s32 $0x5200  }
0x7: {  	s24 =	simm.s32 $0x5E00;
	s16 =	simm.s32 $0x3;
	[smem:$0x7FF] =	sst s3  }
0x8: {  	s1 =	sand.u32 $0x1, s1;
	s5 =	sadd.s32 $0x400, s0;
	s8 =	smul.u32 $0x62000, s9  }
0x9: {  	s28 =	smul.u32 $0x2A0, s9;
	s4 =	ssub.s32 $0x2, s1;
	s1 =	sshll.u32 s1, $0x2  }
0xa: {  	s26 =	smul.u32 $0x18800, s9;
	_ =	strace $0x80000047;
	[dreg:$0x5] =	wrdreg s1  }
0xb: {  	s6 =	sadd.s32 $0x150400, s0;
	s9 =	simm.s32 $0x5B80;
	[dreg:$0x6] =	wrdreg s28  }
0xc: {  	s7 =	sshrl.u32 s4, $0x1;
	s29 =	sshrl.u32 s8, $0x2;
	[dreg:$0x4] =	wrdreg s26  }
0xd: {  	s30 =	sadd.s32 s26, s2;
	s1 =	simm.s32 $0x5000;
	s26 =	simm.s32 $0x4  }
0xe: {  	s25 =	ssub.s32 s4, s7;
	s10 =	sadd.s32 s29, s2;
	s31 =	sshrl.u32 s30, $0x3  }
0xf: {  	s4 =	simm.s32 $0x5C00;
	s0 =	smax.u32 s25, $0x1;
	[dreg:$0x8] =	wrdreg s31  }
0x10: {  	v0 =	vimm.f32 $0.0e+00;
	s7 =	simm.s32 $0x0;
	s25 =	simm.s32 $0x5080;
	[dreg:$0x7] =	wrdreg s0  }
.LBB2_1:
0x11: {  	[dreg:$0x9] =	wrdreg s7;
	s0 =	simm.s32 $0x40;
	s8 =	simm.s32 $0x0  }
.LBB2_2:
0x12: {  	p0 =	sne.s32 s0, $0x30C0;
	[tilespmem:s8+$0x6000] =	vst v0;
	s8 =	smov.u32 s0;
	s0 =	sadd.s32 $0x40, s0  }
.Ltmp0:
0x13: {  	(pc) =	sbr.rel @p0 .LBB2_2-.Ltmp0, $2  }
0x14: {  	_ =	sdelay $0x2  }
0x15: {  	s8 =	sshra.s32 s8, $0x2  }
0x16: {  	[tilespmem:s8+$0x6000] =	vst v0;
	s7 =	simm.s32 $0x0  }
.LBB2_4:
0x17: {  	s0 =	rddreg [dreg:$0x5]  }
0x18: {  	s0 =	sadd.s32 s0, s7  }
0x19: {  	s8 =	smul.u32 $0x2A00, s0  }
0x1a: {  	s11 =	rddreg [dreg:$0x6]  }
0x1b: {  	s28 =	sadd.s32 s11, s8  }
0x1c: {  	s8 =	sshll.u32 s28, $0x4  }
0x1d: {  	[dreg:$0xa] =	wrdreg s7;
	s29 =	sadd.s32 s6, s8  }
0x1e: {  	s11 =	sor.u32 $0x180, s8;
	s30 =	sadd.s32 s5, s8;
	[dreg:$0xb] =	wrdreg s29  }
0x1f: {  	[dreg:$0xc] =	wrdreg s30;
	s31 =	sadd.s32 s6, s11  }
0x20: {  	s29 =	sadd.s32 s5, s11;
	s30 =	sadd.s32 $0x300, s8;
	[dreg:$0xd] =	wrdreg s31  }
0x21: {  	[dreg:$0xe] =	wrdreg s29;
	s31 =	sadd.s32 s6, s30  }
0x22: {  	s8 =	sadd.s32 $0x480, s8;
	s11 =	sadd.s32 s5, s30;
	[dreg:$0xf] =	wrdreg s31  }
0x23: {  	s29 =	sadd.s32 s6, s8;
	[dreg:$0x10] =	wrdreg s11  }
0x24: {  	s0 =	smul.u32 $0x498000, s0;
	[dreg:$0x11] =	wrdreg s29  }
0x25: {  	s30 =	sadd.s32 s5, s8;
	s31 =	rddreg [dreg:$0x4]  }
0x26: {  	[dreg:$0x12] =	wrdreg s30;
	s0 =	sadd.s32 s31, s0  }
0x27: {  	s11 =	simm.s32 $0x0;
	[dreg:$0x13] =	wrdreg s0  }
.LBB2_5:
0x28: {  	s0 =	sadd.s32 $0x0, s10  }
0x29: {  	[spmem:s0] =	stream.linear.scatter [tilespmem:s12], [sflag:$0x5], $0xC40, $0x38;
	[tilespmem:$0x1F480] =	vst v63  }
0x2a: {  	s0 =	simm.s32 $0x3100;
	_ =	swait.ge [sflag:s13], $0xC40  }
.LBB2_6:
0x2b: {  	s8 =	sshra.s32 s0, $0x2;
	[sflag:s13] =	ssyncset.done $0x0;
	p0 =	sne.s32 s0, $0x5EF00  }
.Ltmp1:
0x2c: {  	s8 =	sadd.s32 s8, s10;
	[sflag:s13] =	ssyncadd.s32 $0xFFFFF3C0;
	(pc) =	sbr.rel @p0 .LBB2_6-.Ltmp1, $3  }
0x2d: {  	[spmem:s8] =	stream.linear.scatter [tilespmem:s12], [sflag:$0x5], $0xC40, $0x38;
	[tilespmem:$0x1F480] =	vst v63  }
0x2e: {  	s0 =	sadd.s32 $0x3100, s0;
	_ =	sdelay $0x1  }
0x2f: {  	_ =	swait.ge [sflag:s13], $0xC40  }
0x30: {  	[sflag:s13] =	ssyncset.done $0x0  }
0x31: {  	[sflag:s13] =	ssyncadd.s32 $0xFFFFF3C0  }
0x32: {  	[bflag:$0x0] =	sbarrier.arrive $0xFFFF  }
0x33: {  	s0 =	simm.s32 $0x0;
	s7 =	rddreg [dreg:$0xb]  }
0x34: {  	[tilespmem:s0], [sflag:$0x1] =	stream.linear.gather [hbm4b:s7+s0], $0xC00, $0x38;
	[tilespmem:$0x1F480] =	vst v63  }
0x35: {  	s31 =	simm.s32 $0xC00;
	s8 =	rddreg [dreg:$0xc]  }
0x36: {  	[tilespmem:s31], [sflag:$0x1] =	stream.linear.gather [hbm4b:s8+s0], $0xC00, $0x38;
	[tilespmem:$0x1F480] =	vst v63  }
0x37: {  	s8 =	simm.s32 $0x1800;
	s31 =	rddreg [dreg:$0xd]  }
0x38: {  	[tilespmem:s8], [sflag:$0x2] =	stream.linear.gather [hbm4b:s31+s0], $0xC00, $0x38;
	[tilespmem:$0x1F480] =	vst v63  }
0x39: {  	s8 =	simm.s32 $0x2400;
	s31 =	rddreg [dreg:$0xe]  }
0x3a: {  	[tilespmem:s8], [sflag:$0x2] =	stream.linear.gather [hbm4b:s31+s0], $0xC00, $0x38;
	[tilespmem:$0x1F480] =	vst v63  }
0x3b: {  	_ =	swait.ge [sflag:s17], $0xC00  }
0x3c: {  	[sflag:s17] =	ssyncset.done $0x0  }
0x3d: {  	[sflag:s17] =	ssyncadd.s32 $0xFFFFF400  }
0x3e: {  	_ =	swait.ge [sflag:s17], $0xC00  }
0x3f: {  	[sflag:s17] =	ssyncset.done $0x0  }
0x40: {  	s29 =	simm.s32 $0x30;
	[sflag:s17] =	ssyncadd.s32 $0xFFFFF400  }
0x41: {  	v2 =	vld [tilespmem:s29+$0xFFFFFFD0];
	_ =	sdelay $0x1  }
0x42: {  	s31 =	smul.u32 $0x188000, s11  }
0x43: {  	s30 =	simm.s32 $0xC30  }
0x44: {  	v1 =	vmov s31;
	v3 =	vld [tilespmem:s30+$0xFFFFFFD0]  }
0x45: {  	v4 =	vsub.s32 v2, v1  }
0x46: {  	vm0 =	vge.s32 v2, v1;
	vm1 =	vlt.s32 v4, $0x188000  }
0x47: {  	v2 =	vshrl.u32 v2, $0x2;
	vm0 =	vmand vm0, vm1  }
0x48: {  	s0 =	simm.s32 $0x0;
	v2 =	vsel vm0, v4, v2  }
0x49: {  	v3 =	vnsel vm0, $0x0, v3;
	[tilespmem:s0+$0x3000] =	vst v2  }
0x4a: {  	[tilespmem:s0+$0x3C00] =	vst v3  }
0x4b: {  	v2 =	vld [tilespmem:s29+$0xFFFFFFE0];
	_ =	sdelay $0x3  }
0x4c: {  	v3 =	vld [tilespmem:s30+$0xFFFFFFE0]  }
0x4d: {  	v4 =	vsub.s32 v2, v1  }
0x4e: {  	vm6 =	vge.s32 v2, v1;
	vm7 =	vlt.s32 v4, $0x188000  }
0x4f: {  	v2 =	vshrl.u32 v2, $0x2;
	vm0 =	vmand vm6, vm7  }
0x50: {  	v2 =	vsel vm0, v4, v2  }
0x51: {  	v3 =	vnsel vm0, $0x0, v3;
	[tilespmem:s0+$0x3010] =	vst v2  }
0x52: {  	[tilespmem:s0+$0x3C10] =	vst v3  }
0x53: {  	v2 =	vld [tilespmem:s29+$0xFFFFFFF0];
	_ =	sdelay $0x3  }
0x54: {  	v3 =	vld [tilespmem:s30+$0xFFFFFFF0]  }
0x55: {  	v4 =	vsub.s32 v2, v1  }
0x56: {  	vm8 =	vge.s32 v2, v1;
	vm9 =	vlt.s32 v4, $0x188000  }
0x57: {  	v2 =	vshrl.u32 v2, $0x2;
	vm0 =	vmand vm8, vm9  }
0x58: {  	v2 =	vsel vm0, v4, v2  }
0x59: {  	v3 =	vnsel vm0, $0x0, v3;
	[tilespmem:s0+$0x3020] =	vst v2  }
0x5a: {  	[tilespmem:s0+$0x3C20] =	vst v3  }
0x5b: {  	v2 =	vld [tilespmem:s29+$0x0];
	_ =	sdelay $0x3  }
0x5c: {  	v3 =	vld [tilespmem:s30+$0x0]  }
0x5d: {  	v4 =	vsub.s32 v2, v1  }
0x5e: {  	vm10 =	vge.s32 v2, v1;
	vm11 =	vlt.s32 v4, $0x188000  }
0x5f: {  	v2 =	vshrl.u32 v2, $0x2;
	vm0 =	vmand vm10, vm11  }
0x60: {  	v2 =	vsel vm0, v4, v2  }
0x61: {  	v3 =	vnsel vm0, $0x0, v3;
	[tilespmem:s0+$0x3030] =	vst v2  }
0x62: {  	[tilespmem:s0+$0x3C30] =	vst v3  }
0x63: {  	v2 =	vld [tilespmem:s29+$0x10];
	_ =	sdelay $0x3  }
0x64: {  	v3 =	vld [tilespmem:s30+$0x10]  }
0x65: {  	v4 =	vsub.s32 v2, v1  }
0x66: {  	vm12 =	vge.s32 v2, v1;
	vm13 =	vlt.s32 v4, $0x188000  }
0x67: {  	v2 =	vshrl.u32 v2, $0x2;
	vm0 =	vmand vm12, vm13  }
0x68: {  	v2 =	vsel vm0, v4, v2  }
0x69: {  	v3 =	vnsel vm0, $0x0, v3;
	[tilespmem:s0+$0x3040] =	vst v2  }
0x6a: {  	[tilespmem:s0+$0x3C40] =	vst v3  }
0x6b: {  	v2 =	vld [tilespmem:s29+$0x20];
	_ =	sdelay $0x3  }
0x6c: {  	v3 =	vld [tilespmem:s30+$0x20]  }
0x6d: {  	v4 =	vsub.s32 v2, v1  }
0x6e: {  	vm14 =	vge.s32 v2, v1;
	vm15 =	vlt.s32 v4, $0x188000  }
0x6f: {  	v2 =	vshrl.u32 v2, $0x2;
	vm0 =	vmand vm14, vm15  }
0x70: {  	v2 =	vsel vm0, v4, v2  }
0x71: {  	v3 =	vnsel vm0, $0x0, v3;
	[tilespmem:s0+$0x3050] =	vst v2  }
0x72: {  	[tilespmem:s0+$0x3C50] =	vst v3  }
0x73: {  	[dreg:$0x14] =	wrdreg s11;
	v3 =	vld [tilespmem:s29+$0x30]  }
0x74: {  	[dreg:$0x15] =	wrdreg s31;
	s11 =	simm.s32 $0x1C0;
	v2 =	vld [tilespmem:s30+$0x30]  }
.LBB2_8:
0x75: {  	_ = 	snop  }
0x76: {  	p0 =	sne.s32 s11, $0x2840;
	s30 =	sadd.s32 $0x80, s30;
	s29 =	sadd.s32 $0x80, s29  }
0x77: {  	s8 =	smov.u32 s11;
	s11 =	sadd.s32 $0x1C0, s11  }
0x78: {  	v4 =	vsub.s32 v3, v1;
	vm0 =	vge.s32 v3, v1;
	v3 =	vshrl.u32 v3, $0x2  }
0x79: {  	vm1 =	vlt.s32 v4, $0x188000  }
0x7a: {  	vm0 =	vmand vm0, vm1  }
0x7b: {  	v3 =	vsel vm0, v4, v3;
	v2 =	vnsel vm0, $0x0, v2  }
0x7c: {  	[tilespmem:s0+$0x3060] =	vst v3  }
0x7d: {  	[tilespmem:s0+$0x3C60] =	vst v2  }
0x7e: {  	v2 =	vld [tilespmem:s29+$0xFFFFFFD0];
	_ =	sdelay $0x2  }
0x7f: {  	v3 =	vld [tilespmem:s30+$0xFFFFFFD0];
	_ =	sdelay $0x1  }
0x80: {  	v4 =	vsub.s32 v2, v1  }
0x81: {  	vm0 =	vge.s32 v2, v1;
	vm1 =	vlt.s32 v4, $0x188000  }
0x82: {  	v2 =	vshrl.u32 v2, $0x2;
	vm0 =	vmand vm0, vm1  }
0x83: {  	s0 =	sshra.s32 s8, $0x2;
	v2 =	vsel vm0, v4, v2;
	v3 =	vnsel vm0, $0x0, v3  }
0x84: {  	[tilespmem:s0+$0x3000] =	vst v2  }
0x85: {  	[tilespmem:s0+$0x3C00] =	vst v3  }
0x86: {  	v2 =	vld [tilespmem:s29+$0xFFFFFFE0];
	_ =	sdelay $0x2  }
0x87: {  	v3 =	vld [tilespmem:s30+$0xFFFFFFE0];
	_ =	sdelay $0x1  }
0x88: {  	v4 =	vsub.s32 v2, v1;
	vm0 =	vge.s32 v2, v1  }
0x89: {  	v2 =	vshrl.u32 v2, $0x2;
	vm1 =	vlt.s32 v4, $0x188000  }
0x8a: {  	vm0 =	vmand vm0, vm1  }
0x8b: {  	v2 =	vsel vm0, v4, v2;
	v3 =	vnsel vm0, $0x0, v3  }
0x8c: {  	[tilespmem:s0+$0x3010] =	vst v2  }
0x8d: {  	[tilespmem:s0+$0x3C10] =	vst v3  }
0x8e: {  	v2 =	vld [tilespmem:s29+$0xFFFFFFF0];
	_ =	sdelay $0x2  }
0x8f: {  	v3 =	vld [tilespmem:s30+$0xFFFFFFF0];
	_ =	sdelay $0x1  }
0x90: {  	v4 =	vsub.s32 v2, v1;
	vm0 =	vge.s32 v2, v1;
	v2 =	vshrl.u32 v2, $0x2  }
0x91: {  	vm1 =	vlt.s32 v4, $0x188000  }
0x92: {  	vm0 =	vmand vm0, vm1  }
0x93: {  	v2 =	vsel vm0, v4, v2;
	v3 =	vnsel vm0, $0x0, v3  }
0x94: {  	[tilespmem:s0+$0x3020] =	vst v2  }
0x95: {  	[tilespmem:s0+$0x3C20] =	vst v3  }
0x96: {  	v2 =	vld [tilespmem:s29+$0x0];
	_ =	sdelay $0x2  }
0x97: {  	v3 =	vld [tilespmem:s30+$0x0];
	_ =	sdelay $0x1  }
0x98: {  	v4 =	vsub.s32 v2, v1;
	vm0 =	vge.s32 v2, v1;
	v2 =	vshrl.u32 v2, $0x2  }
0x99: {  	vm1 =	vlt.s32 v4, $0x188000  }
0x9a: {  	vm0 =	vmand vm0, vm1  }
0x9b: {  	v2 =	vsel vm0, v4, v2;
	v3 =	vnsel vm0, $0x0, v3  }
0x9c: {  	[tilespmem:s0+$0x3030] =	vst v2  }
0x9d: {  	[tilespmem:s0+$0x3C30] =	vst v3  }
0x9e: {  	v2 =	vld [tilespmem:s29+$0x10]  }
0x9f: {  	v3 =	vld [tilespmem:s30+$0x10];
	_ =	sdelay $0x3  }
0xa0: {  	v4 =	vsub.s32 v2, v1;
	vm0 =	vge.s32 v2, v1;
	v2 =	vshrl.u32 v2, $0x2  }
0xa1: {  	vm1 =	vlt.s32 v4, $0x188000  }
0xa2: {  	vm0 =	vmand vm0, vm1  }
0xa3: {  	v2 =	vsel vm0, v4, v2;
	v3 =	vnsel vm0, $0x0, v3  }
0xa4: {  	[tilespmem:s0+$0x3040] =	vst v2  }
0xa5: {  	[tilespmem:s0+$0x3C40] =	vst v3  }
0xa6: {  	v2 =	vld [tilespmem:s29+$0x20]  }
0xa7: {  	v3 =	vld [tilespmem:s30+$0x20];
	_ =	sdelay $0x3  }
0xa8: {  	v4 =	vsub.s32 v2, v1;
	vm0 =	vge.s32 v2, v1;
	v2 =	vshrl.u32 v2, $0x2  }
0xa9: {  	vm1 =	vlt.s32 v4, $0x188000  }
0xaa: {  	vm0 =	vmand vm0, vm1  }
.Ltmp2:
0xab: {  	v2 =	vsel vm0, v4, v2;
	v3 =	vnsel vm0, $0x0, v3;
	(pc) =	sbr.rel @p0 .LBB2_8-.Ltmp2, $4  }
0xac: {  	[tilespmem:s0+$0x3050] =	vst v2  }
0xad: {  	[tilespmem:s0+$0x3C50] =	vst v3  }
0xae: {  	v3 =	vld [tilespmem:s29+$0x30]  }
0xaf: {  	v2 =	vld [tilespmem:s30+$0x30]  }
0xb0: {  	_ =	sdelay $0x2  }
0xb1: {  	v4 =	vsub.s32 v3, v1  }
0xb2: {  	vm0 =	vge.s32 v3, v1;
	vm1 =	vlt.s32 v4, $0x188000  }
0xb3: {  	v3 =	vshrl.u32 v3, $0x2;
	vm0 =	vmand vm0, vm1  }
0xb4: {  	v3 =	vsel vm0, v4, v3  }
0xb5: {  	v2 =	vnsel vm0, $0x0, v2;
	[tilespmem:s0+$0x3060] =	vst v3  }
0xb6: {  	s8 =	simm.s32 $0x3000;
	s7 =	simm.s32 $0x3C00;
	[tilespmem:s0+$0x3C60] =	vst v2  }
0xb7: {  	[spmem:s2] =	stream.indirect.scatter.add.f32 [tilespmem:s7], [sflag:$0x3], $0x1, s8, s18, $0xb8;
	[tilespmem:$0x1F480] =	vst v63  }
0xb8: {  	s11 =	simm.s32 $0x3080;
	s31 =	simm.s32 $0x3C80  }
0xb9: {  	[spmem:s2] =	stream.indirect.scatter.add.f32 [tilespmem:s31], [sflag:$0x3], $0x1, s11, s18, $0xb8;
	[tilespmem:$0x1F480] =	vst v63  }
0xba: {  	s7 =	simm.s32 $0x3100;
	s8 =	simm.s32 $0x3D00  }
0xbb: {  	[spmem:s2] =	stream.indirect.scatter.add.f32 [tilespmem:s8], [sflag:$0x3], $0x1, s7, s18, $0xb8;
	[tilespmem:$0x1F480] =	vst v63  }
0xbc: {  	s11 =	simm.s32 $0x3180;
	s31 =	simm.s32 $0x3D80  }
0xbd: {  	[spmem:s2] =	stream.indirect.scatter.add.f32 [tilespmem:s31], [sflag:$0x3], $0x1, s11, s18, $0xb8;
	[tilespmem:$0x1F480] =	vst v63  }
0xbe: {  	s7 =	simm.s32 $0x3200;
	s8 =	simm.s32 $0x3E00  }
0xbf: {  	[spmem:s2] =	stream.indirect.scatter.add.f32 [tilespmem:s8], [sflag:$0x3], $0x1, s7, s18, $0xb8;
	[tilespmem:$0x1F480] =	vst v63  }
0xc0: {  	s11 =	simm.s32 $0x3280;
	s31 =	simm.s32 $0x3E80  }
0xc1: {  	[spmem:s2] =	stream.indirect.scatter.add.f32 [tilespmem:s31], [sflag:$0x3], $0x1, s11, s18, $0xb8;
	[tilespmem:$0x1F480] =	vst v63  }
0xc2: {  	s7 =	simm.s32 $0x3300;
	s8 =	simm.s32 $0x3F00  }
0xc3: {  	[spmem:s2] =	stream.indirect.scatter.add.f32 [tilespmem:s8], [sflag:$0x3], $0x1, s7, s18, $0xb8;
	[tilespmem:$0x1F480] =	vst v63  }
0xc4: {  	s11 =	simm.s32 $0x3380;
	s31 =	simm.s32 $0x3F80  }
0xc5: {  	[spmem:s2] =	stream.indirect.scatter.add.f32 [tilespmem:s31], [sflag:$0x3], $0x1, s11, s18, $0xb8;
	[tilespmem:$0x1F480] =	vst v63  }
0xc6: {  	s7 =	simm.s32 $0x3400;
	s8 =	simm.s32 $0x4000  }
0xc7: {  	[spmem:s2] =	stream.indirect.scatter.add.f32 [tilespmem:s8], [sflag:$0x3], $0x1, s7, s18, $0xb8;
	[tilespmem:$0x1F480] =	vst v63  }
0xc8: {  	s11 =	simm.s32 $0x3480;
	s31 =	simm.s32 $0x4080  }
0xc9: {  	[spmem:s2] =	stream.indirect.scatter.add.f32 [tilespmem:s31], [sflag:$0x3], $0x1, s11, s18, $0xb8;
	[tilespmem:$0x1F480] =	vst v63  }
0xca: {  	s7 =	simm.s32 $0x3500;
	s8 =	simm.s32 $0x4100  }
0xcb: {  	[spmem:s2] =	stream.indirect.scatter.add.f32 [tilespmem:s8], [sflag:$0x3], $0x1, s7, s18, $0xb8;
	[tilespmem:$0x1F480] =	vst v63  }
0xcc: {  	s11 =	simm.s32 $0x3580;
	s31 =	simm.s32 $0x4180  }
0xcd: {  	[spmem:s2] =	stream.indirect.scatter.add.f32 [tilespmem:s31], [sflag:$0x3], $0x1, s11, s18, $0xb8;
	[tilespmem:$0x1F480] =	vst v63  }
0xce: {  	s7 =	simm.s32 $0x3600;
	s8 =	simm.s32 $0x4200  }
0xcf: {  	[spmem:s2] =	stream.indirect.scatter.add.f32 [tilespmem:s8], [sflag:$0x3], $0x1, s7, s18, $0xb8;
	[tilespmem:$0x1F480] =	vst v63  }
0xd0: {  	s11 =	simm.s32 $0x3680;
	s31 =	simm.s32 $0x4280  }
0xd1: {  	[spmem:s2] =	stream.indirect.scatter.add.f32 [tilespmem:s31], [sflag:$0x3], $0x1, s11, s18, $0xb8;
	[tilespmem:$0x1F480] =	vst v63  }
0xd2: {  	s7 =	simm.s32 $0x3700;
	s8 =	simm.s32 $0x4300  }
0xd3: {  	[spmem:s2] =	stream.indirect.scatter.add.f32 [tilespmem:s8], [sflag:$0x3], $0x1, s7, s18, $0xb8;
	[tilespmem:$0x1F480] =	vst v63  }
0xd4: {  	s11 =	simm.s32 $0x3780;
	s31 =	simm.s32 $0x4380  }
0xd5: {  	[spmem:s2] =	stream.indirect.scatter.add.f32 [tilespmem:s31], [sflag:$0x3], $0x1, s11, s18, $0xb8;
	[tilespmem:$0x1F480] =	vst v63  }
0xd6: {  	s7 =	simm.s32 $0x3800;
	s8 =	simm.s32 $0x4400  }
0xd7: {  	[spmem:s2] =	stream.indirect.scatter.add.f32 [tilespmem:s8], [sflag:$0x3], $0x1, s7, s18, $0xb8;
	[tilespmem:$0x1F480] =	vst v63  }
0xd8: {  	s11 =	simm.s32 $0x3880;
	s31 =	simm.s32 $0x4480  }
0xd9: {  	[spmem:s2] =	stream.indirect.scatter.add.f32 [tilespmem:s31], [sflag:$0x3], $0x1, s11, s18, $0xb8;
	[tilespmem:$0x1F480] =	vst v63  }
0xda: {  	s7 =	simm.s32 $0x3900;
	s8 =	simm.s32 $0x4500  }
0xdb: {  	[spmem:s2] =	stream.indirect.scatter.add.f32 [tilespmem:s8], [sflag:$0x3], $0x1, s7, s18, $0xb8;
	[tilespmem:$0x1F480] =	vst v63  }
0xdc: {  	s11 =	simm.s32 $0x3980;
	s31 =	simm.s32 $0x4580  }
0xdd: {  	[spmem:s2] =	stream.indirect.scatter.add.f32 [tilespmem:s31], [sflag:$0x3], $0x1, s11, s18, $0xb8;
	[tilespmem:$0x1F480] =	vst v63  }
0xde: {  	s7 =	simm.s32 $0x3A00;
	s8 =	simm.s32 $0x4600  }
0xdf: {  	[spmem:s2] =	stream.indirect.scatter.add.f32 [tilespmem:s8], [sflag:$0x3], $0x1, s7, s18, $0xb8;
	[tilespmem:$0x1F480] =	vst v63  }
0xe0: {  	s0 =	simm.s32 $0x0;
	s11 =	rddreg [dreg:$0xf]  }
0xe1: {  	[tilespmem:s0], [sflag:$0x1] =	stream.linear.gather [hbm4b:s11+s0], $0xC00, $0x38;
	[tilespmem:$0x1F480] =	vst v63  }
0xe2: {  	s31 =	simm.s32 $0xC00;
	s8 =	rddreg [dreg:$0x10]  }
0xe3: {  	[tilespmem:s31], [sflag:$0x1] =	stream.linear.gather [hbm4b:s8+s0], $0xC00, $0x38;
	[tilespmem:$0x1F480] =	vst v63  }
0xe4: {  	_ =	swait.ge [sflag:s23], $0xC00  }
0xe5: {  	[sflag:s23] =	ssyncset.done $0x0  }
0xe6: {  	[sflag:s23] =	ssyncadd.s32 $0xFFFFF400  }
0xe7: {  	_ =	swait.ge [sflag:s23], $0xC00  }
0xe8: {  	[sflag:s23] =	ssyncset.done $0x0  }
0xe9: {  	s29 =	simm.s32 $0x1830;
	[sflag:s23] =	ssyncadd.s32 $0xFFFFF400  }
0xea: {  	v2 =	vld [tilespmem:s29+$0xFFFFFFD0];
	_ =	sdelay $0x2  }
0xeb: {  	s30 =	simm.s32 $0x2430  }
0xec: {  	v3 =	vld [tilespmem:s30+$0xFFFFFFD0]  }
0xed: {  	v4 =	vsub.s32 v2, v1  }
0xee: {  	vm4 =	vge.s32 v2, v1;
	vm5 =	vlt.s32 v4, $0x188000  }
0xef: {  	v2 =	vshrl.u32 v2, $0x2;
	vm0 =	vmand vm4, vm5  }
0xf0: {  	s0 =	simm.s32 $0x0;
	v2 =	vsel vm0, v4, v2  }
0xf1: {  	v3 =	vnsel vm0, $0x0, v3;
	[tilespmem:s0+$0x4800] =	vst v2  }
0xf2: {  	[tilespmem:s0+$0x5400] =	vst v3  }
0xf3: {  	v2 =	vld [tilespmem:s29+$0xFFFFFFE0];
	_ =	sdelay $0x3  }
0xf4: {  	v3 =	vld [tilespmem:s30+$0xFFFFFFE0]  }
0xf5: {  	v4 =	vsub.s32 v2, v1  }
0xf6: {  	vm6 =	vge.s32 v2, v1;
	vm7 =	vlt.s32 v4, $0x188000  }
0xf7: {  	v2 =	vshrl.u32 v2, $0x2;
	vm0 =	vmand vm6, vm7  }
0xf8: {  	v2 =	vsel vm0, v4, v2  }
0xf9: {  	v3 =	vnsel vm0, $0x0, v3;
	[tilespmem:s0+$0x4810] =	vst v2  }
0xfa: {  	[tilespmem:s0+$0x5410] =	vst v3  }
0xfb: {  	v2 =	vld [tilespmem:s29+$0xFFFFFFF0];
	_ =	sdelay $0x3  }
0xfc: {  	v3 =	vld [tilespmem:s30+$0xFFFFFFF0]  }
0xfd: {  	v4 =	vsub.s32 v2, v1  }
0xfe: {  	vm8 =	vge.s32 v2, v1;
	vm9 =	vlt.s32 v4, $0x188000  }
0xff: {  	v2 =	vshrl.u32 v2, $0x2;
	vm0 =	vmand vm8, vm9  }
0x100: {  	v2 =	vsel vm0, v4, v2  }
0x101: {  	v3 =	vnsel vm0, $0x0, v3;
	[tilespmem:s0+$0x4820] =	vst v2  }
0x102: {  	[tilespmem:s0+$0x5420] =	vst v3  }
0x103: {  	v2 =	vld [tilespmem:s29+$0x0];
	_ =	sdelay $0x3  }
0x104: {  	v3 =	vld [tilespmem:s30+$0x0]  }
0x105: {  	v4 =	vsub.s32 v2, v1  }
0x106: {  	vm10 =	vge.s32 v2, v1;
	vm11 =	vlt.s32 v4, $0x188000  }
0x107: {  	v2 =	vshrl.u32 v2, $0x2;
	vm0 =	vmand vm10, vm11  }
0x108: {  	v2 =	vsel vm0, v4, v2  }
0x109: {  	v3 =	vnsel vm0, $0x0, v3;
	[tilespmem:s0+$0x4830] =	vst v2  }
0x10a: {  	[tilespmem:s0+$0x5430] =	vst v3  }
0x10b: {  	v2 =	vld [tilespmem:s29+$0x10];
	_ =	sdelay $0x3  }
0x10c: {  	v3 =	vld [tilespmem:s30+$0x10]  }
0x10d: {  	v4 =	vsub.s32 v2, v1  }
0x10e: {  	vm12 =	vge.s32 v2, v1;
	vm13 =	vlt.s32 v4, $0x188000  }
0x10f: {  	v2 =	vshrl.u32 v2, $0x2;
	vm0 =	vmand vm12, vm13  }
0x110: {  	v2 =	vsel vm0, v4, v2  }
0x111: {  	v3 =	vnsel vm0, $0x0, v3;
	[tilespmem:s0+$0x4840] =	vst v2  }
0x112: {  	[tilespmem:s0+$0x5440] =	vst v3  }
0x113: {  	v2 =	vld [tilespmem:s29+$0x20];
	_ =	sdelay $0x3  }
0x114: {  	v3 =	vld [tilespmem:s30+$0x20]  }
0x115: {  	v4 =	vsub.s32 v2, v1  }
0x116: {  	vm14 =	vge.s32 v2, v1;
	vm15 =	vlt.s32 v4, $0x188000  }
0x117: {  	v2 =	vshrl.u32 v2, $0x2;
	vm0 =	vmand vm14, vm15  }
0x118: {  	v2 =	vsel vm0, v4, v2  }
0x119: {  	v3 =	vnsel vm0, $0x0, v3;
	[tilespmem:s0+$0x4850] =	vst v2  }
0x11a: {  	[tilespmem:s0+$0x5450] =	vst v3  }
0x11b: {  	v3 =	vld [tilespmem:s29+$0x30]  }
0x11c: {  	s11 =	simm.s32 $0x1C0;
	v2 =	vld [tilespmem:s30+$0x30]  }
.LBB2_10:
0x11d: {  	_ = 	snop  }
0x11e: {  	p0 =	sne.s32 s11, $0x2840;
	s30 =	sadd.s32 $0x80, s30;
	s29 =	sadd.s32 $0x80, s29  }
0x11f: {  	s8 =	smov.u32 s11;
	s11 =	sadd.s32 $0x1C0, s11  }
0x120: {  	v4 =	vsub.s32 v3, v1;
	vm0 =	vge.s32 v3, v1;
	v3 =	vshrl.u32 v3, $0x2  }
0x121: {  	vm1 =	vlt.s32 v4, $0x188000  }
0x122: {  	vm0 =	vmand vm0, vm1  }
0x123: {  	v3 =	vsel vm0, v4, v3;
	v2 =	vnsel vm0, $0x0, v2  }
0x124: {  	[tilespmem:s0+$0x4860] =	vst v3  }
0x125: {  	[tilespmem:s0+$0x5460] =	vst v2  }
0x126: {  	v2 =	vld [tilespmem:s29+$0xFFFFFFD0];
	_ =	sdelay $0x2  }
0x127: {  	v3 =	vld [tilespmem:s30+$0xFFFFFFD0];
	_ =	sdelay $0x1  }
0x128: {  	v4 =	vsub.s32 v2, v1  }
0x129: {  	vm0 =	vge.s32 v2, v1;
	vm1 =	vlt.s32 v4, $0x188000  }
0x12a: {  	v2 =	vshrl.u32 v2, $0x2;
	vm0 =	vmand vm0, vm1  }
0x12b: {  	s0 =	sshra.s32 s8, $0x2;
	v2 =	vsel vm0, v4, v2;
	v3 =	vnsel vm0, $0x0, v3  }
0x12c: {  	[tilespmem:s0+$0x4800] =	vst v2  }
0x12d: {  	[tilespmem:s0+$0x5400] =	vst v3  }
0x12e: {  	v2 =	vld [tilespmem:s29+$0xFFFFFFE0];
	_ =	sdelay $0x2  }
0x12f: {  	v3 =	vld [tilespmem:s30+$0xFFFFFFE0];
	_ =	sdelay $0x1  }
0x130: {  	v4 =	vsub.s32 v2, v1;
	vm0 =	vge.s32 v2, v1  }
0x131: {  	v2 =	vshrl.u32 v2, $0x2;
	vm1 =	vlt.s32 v4, $0x188000  }
0x132: {  	vm0 =	vmand vm0, vm1  }
0x133: {  	v2 =	vsel vm0, v4, v2;
	v3 =	vnsel vm0, $0x0, v3  }
0x134: {  	[tilespmem:s0+$0x4810] =	vst v2  }
0x135: {  	[tilespmem:s0+$0x5410] =	vst v3  }
0x136: {  	v2 =	vld [tilespmem:s29+$0xFFFFFFF0];
	_ =	sdelay $0x2  }
0x137: {  	v3 =	vld [tilespmem:s30+$0xFFFFFFF0];
	_ =	sdelay $0x1  }
0x138: {  	v4 =	vsub.s32 v2, v1;
	vm0 =	vge.s32 v2, v1;
	v2 =	vshrl.u32 v2, $0x2  }
0x139: {  	vm1 =	vlt.s32 v4, $0x188000  }
0x13a: {  	vm0 =	vmand vm0, vm1  }
0x13b: {  	v2 =	vsel vm0, v4, v2;
	v3 =	vnsel vm0, $0x0, v3  }
0x13c: {  	[tilespmem:s0+$0x4820] =	vst v2  }
0x13d: {  	[tilespmem:s0+$0x5420] =	vst v3  }
0x13e: {  	v2 =	vld [tilespmem:s29+$0x0];
	_ =	sdelay $0x2  }
0x13f: {  	v3 =	vld [tilespmem:s30+$0x0];
	_ =	sdelay $0x1  }
0x140: {  	v4 =	vsub.s32 v2, v1;
	vm0 =	vge.s32 v2, v1;
	v2 =	vshrl.u32 v2, $0x2  }
0x141: {  	vm1 =	vlt.s32 v4, $0x188000  }
0x142: {  	vm0 =	vmand vm0, vm1  }
0x143: {  	v2 =	vsel vm0, v4, v2;
	v3 =	vnsel vm0, $0x0, v3  }
0x144: {  	[tilespmem:s0+$0x4830] =	vst v2  }
0x145: {  	[tilespmem:s0+$0x5430] =	vst v3  }
0x146: {  	v2 =	vld [tilespmem:s29+$0x10]  }
0x147: {  	v3 =	vld [tilespmem:s30+$0x10];
	_ =	sdelay $0x3  }
0x148: {  	v4 =	vsub.s32 v2, v1;
	vm0 =	vge.s32 v2, v1;
	v2 =	vshrl.u32 v2, $0x2  }
0x149: {  	vm1 =	vlt.s32 v4, $0x188000  }
0x14a: {  	vm0 =	vmand vm0, vm1  }
0x14b: {  	v2 =	vsel vm0, v4, v2;
	v3 =	vnsel vm0, $0x0, v3  }
0x14c: {  	[tilespmem:s0+$0x4840] =	vst v2  }
0x14d: {  	[tilespmem:s0+$0x5440] =	vst v3  }
0x14e: {  	v2 =	vld [tilespmem:s29+$0x20]  }
0x14f: {  	v3 =	vld [tilespmem:s30+$0x20];
	_ =	sdelay $0x3  }
0x150: {  	v4 =	vsub.s32 v2, v1;
	vm0 =	vge.s32 v2, v1;
	v2 =	vshrl.u32 v2, $0x2  }
0x151: {  	vm1 =	vlt.s32 v4, $0x188000  }
0x152: {  	vm0 =	vmand vm0, vm1  }
.Ltmp3:
0x153: {  	v2 =	vsel vm0, v4, v2;
	v3 =	vnsel vm0, $0x0, v3;
	(pc) =	sbr.rel @p0 .LBB2_10-.Ltmp3, $4  }
0x154: {  	[tilespmem:s0+$0x4850] =	vst v2  }
0x155: {  	[tilespmem:s0+$0x5450] =	vst v3  }
0x156: {  	v3 =	vld [tilespmem:s29+$0x30]  }
0x157: {  	v2 =	vld [tilespmem:s30+$0x30]  }
0x158: {  	_ =	sdelay $0x2  }
0x159: {  	v4 =	vsub.s32 v3, v1  }
0x15a: {  	vm0 =	vge.s32 v3, v1;
	vm1 =	vlt.s32 v4, $0x188000  }
0x15b: {  	v3 =	vshrl.u32 v3, $0x2;
	vm0 =	vmand vm0, vm1  }
0x15c: {  	v3 =	vsel vm0, v4, v3  }
0x15d: {  	v2 =	vnsel vm0, $0x0, v2;
	[tilespmem:s0+$0x4860] =	vst v3  }
0x15e: {  	s31 =	simm.s32 $0x4800;
	s7 =	simm.s32 $0x5400;
	[tilespmem:s0+$0x5460] =	vst v2  }
0x15f: {  	[spmem:s2] =	stream.indirect.scatter.add.f32 [tilespmem:s7], [sflag:$0x4], $0x1, s31, s18, $0xb8;
	[tilespmem:$0x1F480] =	vst v63  }
0x160: {  	s8 =	simm.s32 $0x4880;
	s11 =	simm.s32 $0x5480  }
0x161: {  	[spmem:s2] =	stream.indirect.scatter.add.f32 [tilespmem:s11], [sflag:$0x4], $0x1, s8, s18, $0xb8;
	[tilespmem:$0x1F480] =	vst v63  }
0x162: {  	s30 =	simm.s32 $0x4900;
	s31 =	simm.s32 $0x5500  }
0x163: {  	[spmem:s2] =	stream.indirect.scatter.add.f32 [tilespmem:s31], [sflag:$0x4], $0x1, s30, s18, $0xb8;
	[tilespmem:$0x1F480] =	vst v63  }
0x164: {  	s8 =	simm.s32 $0x4980;
	s11 =	simm.s32 $0x5580  }
0x165: {  	[spmem:s2] =	stream.indirect.scatter.add.f32 [tilespmem:s11], [sflag:$0x4], $0x1, s8, s18, $0xb8;
	[tilespmem:$0x1F480] =	vst v63  }
0x166: {  	s30 =	simm.s32 $0x4A00;
	s31 =	simm.s32 $0x5600  }
0x167: {  	[spmem:s2] =	stream.indirect.scatter.add.f32 [tilespmem:s31], [sflag:$0x4], $0x1, s30, s18, $0xb8;
	[tilespmem:$0x1F480] =	vst v63  }
0x168: {  	s8 =	simm.s32 $0x4A80;
	s11 =	simm.s32 $0x5680  }
0x169: {  	[spmem:s2] =	stream.indirect.scatter.add.f32 [tilespmem:s11], [sflag:$0x4], $0x1, s8, s18, $0xb8;
	[tilespmem:$0x1F480] =	vst v63  }
0x16a: {  	s30 =	simm.s32 $0x4B00;
	s31 =	simm.s32 $0x5700  }
0x16b: {  	[spmem:s2] =	stream.indirect.scatter.add.f32 [tilespmem:s31], [sflag:$0x4], $0x1, s30, s18, $0xb8;
	[tilespmem:$0x1F480] =	vst v63  }
0x16c: {  	s8 =	simm.s32 $0x4B80;
	s11 =	simm.s32 $0x5780  }
0x16d: {  	[spmem:s2] =	stream.indirect.scatter.add.f32 [tilespmem:s11], [sflag:$0x4], $0x1, s8, s18, $0xb8;
	[tilespmem:$0x1F480] =	vst v63  }
0x16e: {  	s30 =	simm.s32 $0x4C00;
	s31 =	simm.s32 $0x5800  }
0x16f: {  	[spmem:s2] =	stream.indirect.scatter.add.f32 [tilespmem:s31], [sflag:$0x4], $0x1, s30, s18, $0xb8;
	[tilespmem:$0x1F480] =	vst v63  }
0x170: {  	s8 =	simm.s32 $0x4C80;
	s11 =	simm.s32 $0x5880  }
0x171: {  	[spmem:s2] =	stream.indirect.scatter.add.f32 [tilespmem:s11], [sflag:$0x4], $0x1, s8, s18, $0xb8;
	[tilespmem:$0x1F480] =	vst v63  }
0x172: {  	s30 =	simm.s32 $0x4D00;
	s31 =	simm.s32 $0x5900  }
0x173: {  	[spmem:s2] =	stream.indirect.scatter.add.f32 [tilespmem:s31], [sflag:$0x4], $0x1, s30, s18, $0xb8;
	[tilespmem:$0x1F480] =	vst v63  }
0x174: {  	s8 =	simm.s32 $0x4D80;
	s11 =	simm.s32 $0x5980  }
0x175: {  	[spmem:s2] =	stream.indirect.scatter.add.f32 [tilespmem:s11], [sflag:$0x4], $0x1, s8, s18, $0xb8;
	[tilespmem:$0x1F480] =	vst v63  }
0x176: {  	s30 =	simm.s32 $0x4E00;
	s31 =	simm.s32 $0x5A00  }
0x177: {  	[spmem:s2] =	stream.indirect.scatter.add.f32 [tilespmem:s31], [sflag:$0x4], $0x1, s30, s18, $0xb8;
	[tilespmem:$0x1F480] =	vst v63  }
0x178: {  	s8 =	simm.s32 $0x4E80;
	s11 =	simm.s32 $0x5A80  }
0x179: {  	[spmem:s2] =	stream.indirect.scatter.add.f32 [tilespmem:s11], [sflag:$0x4], $0x1, s8, s18, $0xb8;
	[tilespmem:$0x1F480] =	vst v63  }
0x17a: {  	s30 =	simm.s32 $0x4F00;
	s31 =	simm.s32 $0x5B00  }
0x17b: {  	[spmem:s2] =	stream.indirect.scatter.add.f32 [tilespmem:s31], [sflag:$0x4], $0x1, s30, s18, $0xb8;
	[tilespmem:$0x1F480] =	vst v63  }
0x17c: {  	s7 =	simm.s32 $0x4F80  }
0x17d: {  	[spmem:s2] =	stream.indirect.scatter.add.f32 [tilespmem:s9], [sflag:$0x4], $0x1, s7, s18, $0xb8;
	[tilespmem:$0x1F480] =	vst v63  }
0x17e: {  	_ = 	snop  }
0x17f: {  	[spmem:s2] =	stream.indirect.scatter.add.f32 [tilespmem:s4], [sflag:$0x4], $0x1, s1, s18, $0xb8;
	[tilespmem:$0x1F480] =	vst v63  }
0x180: {  	_ = 	snop  }
0x181: {  	[spmem:s2] =	stream.indirect.scatter.add.f32 [tilespmem:s19], [sflag:$0x4], $0x1, s25, s18, $0xb8;
	[tilespmem:$0x1F480] =	vst v63  }
0x182: {  	_ = 	snop  }
0x183: {  	[spmem:s2] =	stream.indirect.scatter.add.f32 [tilespmem:s21], [sflag:$0x4], $0x1, s20, s18, $0xb8;
	[tilespmem:$0x1F480] =	vst v63  }
0x184: {  	_ = 	snop  }
0x185: {  	[spmem:s2] =	stream.indirect.scatter.add.f32 [tilespmem:s14], [sflag:$0x4], $0x1, s22, s18, $0xb8;
	[tilespmem:$0x1F480] =	vst v63  }
0x186: {  	_ = 	snop  }
0x187: {  	[spmem:s2] =	stream.indirect.scatter.add.f32 [tilespmem:s24], [sflag:$0x4], $0x1, s15, s18, $0xb8;
	[tilespmem:$0x1F480] =	vst v63  }
0x188: {  	s29 =	simm.s32 $0x0;
	s8 =	simm.s32 $0x1800;
	s11 =	rddreg [dreg:$0x11]  }
0x189: {  	[tilespmem:s8], [sflag:$0x2] =	stream.linear.gather [hbm4b:s11+s29], $0xC00, $0x38;
	[tilespmem:$0x1F480] =	vst v63  }
0x18a: {  	s30 =	simm.s32 $0x2400;
	s31 =	rddreg [dreg:$0x12]  }
0x18b: {  	[tilespmem:s30], [sflag:$0x2] =	stream.linear.gather [hbm4b:s31+s29], $0xC00, $0x38;
	[tilespmem:$0x1F480] =	vst v63  }
.LBB2_12:
0x18c: {  	_ =	swait.ge [sflag:s17], $0xC00  }
0x18d: {  	[sflag:s17] =	ssyncset.done $0x0  }
0x18e: {  	[sflag:s17] =	ssyncadd.s32 $0xFFFFF400  }
0x18f: {  	_ =	swait.ge [sflag:s17], $0xC00  }
0x190: {  	[sflag:s17] =	ssyncset.done $0x0  }
0x191: {  	[sflag:s17] =	ssyncadd.s32 $0xFFFFF400  }
0x192: {  	_ =	swait.ge [sflag:s16], $0x80  }
0x193: {  	[sflag:s16] =	ssyncset.done $0x0  }
0x194: {  	[sflag:s16] =	ssyncadd.s32 $0xFFFFFF80  }
0x195: {  	_ =	swait.ge [sflag:s16], $0x80  }
0x196: {  	[sflag:s16] =	ssyncset.done $0x0  }
0x197: {  	[sflag:s16] =	ssyncadd.s32 $0xFFFFFF80  }
0x198: {  	_ =	swait.ge [sflag:s16], $0x80  }
0x199: {  	[sflag:s16] =	ssyncset.done $0x0  }
0x19a: {  	[sflag:s16] =	ssyncadd.s32 $0xFFFFFF80  }
0x19b: {  	_ =	swait.ge [sflag:s16], $0x80  }
0x19c: {  	[sflag:s16] =	ssyncset.done $0x0  }
0x19d: {  	[sflag:s16] =	ssyncadd.s32 $0xFFFFFF80  }
0x19e: {  	_ =	swait.ge [sflag:s16], $0x80  }
0x19f: {  	[sflag:s16] =	ssyncset.done $0x0  }
0x1a0: {  	[sflag:s16] =	ssyncadd.s32 $0xFFFFFF80  }
0x1a1: {  	_ =	swait.ge [sflag:s16], $0x80  }
0x1a2: {  	[sflag:s16] =	ssyncset.done $0x0  }
0x1a3: {  	[sflag:s16] =	ssyncadd.s32 $0xFFFFFF80  }
0x1a4: {  	_ =	swait.ge [sflag:s16], $0x80  }
0x1a5: {  	[sflag:s16] =	ssyncset.done $0x0  }
0x1a6: {  	[sflag:s16] =	ssyncadd.s32 $0xFFFFFF80  }
0x1a7: {  	_ =	swait.ge [sflag:s16], $0x80  }
0x1a8: {  	[sflag:s16] =	ssyncset.done $0x0  }
0x1a9: {  	[sflag:s16] =	ssyncadd.s32 $0xFFFFFF80  }
0x1aa: {  	_ =	swait.ge [sflag:s16], $0x80  }
0x1ab: {  	[sflag:s16] =	ssyncset.done $0x0  }
0x1ac: {  	[sflag:s16] =	ssyncadd.s32 $0xFFFFFF80  }
0x1ad: {  	_ =	swait.ge [sflag:s16], $0x80  }
0x1ae: {  	[sflag:s16] =	ssyncset.done $0x0  }
0x1af: {  	[sflag:s16] =	ssyncadd.s32 $0xFFFFFF80  }
0x1b0: {  	_ =	swait.ge [sflag:s16], $0x80  }
0x1b1: {  	[sflag:s16] =	ssyncset.done $0x0  }
0x1b2: {  	[sflag:s16] =	ssyncadd.s32 $0xFFFFFF80  }
0x1b3: {  	_ =	swait.ge [sflag:s16], $0x80  }
0x1b4: {  	[sflag:s16] =	ssyncset.done $0x0  }
0x1b5: {  	[sflag:s16] =	ssyncadd.s32 $0xFFFFFF80  }
0x1b6: {  	_ =	swait.ge [sflag:s16], $0x80  }
0x1b7: {  	[sflag:s16] =	ssyncset.done $0x0  }
0x1b8: {  	[sflag:s16] =	ssyncadd.s32 $0xFFFFFF80  }
0x1b9: {  	_ =	swait.ge [sflag:s16], $0x80  }
0x1ba: {  	[sflag:s16] =	ssyncset.done $0x0  }
0x1bb: {  	[sflag:s16] =	ssyncadd.s32 $0xFFFFFF80  }
0x1bc: {  	_ =	swait.ge [sflag:s16], $0x80  }
0x1bd: {  	[sflag:s16] =	ssyncset.done $0x0  }
0x1be: {  	[sflag:s16] =	ssyncadd.s32 $0xFFFFFF80  }
0x1bf: {  	_ =	swait.ge [sflag:s16], $0x80  }
0x1c0: {  	[sflag:s16] =	ssyncset.done $0x0  }
0x1c1: {  	[sflag:s16] =	ssyncadd.s32 $0xFFFFFF80  }
0x1c2: {  	_ =	swait.ge [sflag:s16], $0x80  }
0x1c3: {  	[sflag:s16] =	ssyncset.done $0x0  }
0x1c4: {  	[sflag:s16] =	ssyncadd.s32 $0xFFFFFF80  }
0x1c5: {  	_ =	swait.ge [sflag:s16], $0x80  }
0x1c6: {  	[sflag:s16] =	ssyncset.done $0x0  }
0x1c7: {  	[sflag:s16] =	ssyncadd.s32 $0xFFFFFF80  }
0x1c8: {  	_ =	swait.ge [sflag:s16], $0x80  }
0x1c9: {  	[sflag:s16] =	ssyncset.done $0x0  }
0x1ca: {  	[sflag:s16] =	ssyncadd.s32 $0xFFFFFF80  }
0x1cb: {  	_ =	swait.ge [sflag:s16], $0x80  }
0x1cc: {  	[sflag:s16] =	ssyncset.done $0x0  }
0x1cd: {  	[sflag:s16] =	ssyncadd.s32 $0xFFFFFF80  }
0x1ce: {  	_ =	swait.ge [sflag:s16], $0x80  }
0x1cf: {  	[sflag:s16] =	ssyncset.done $0x0  }
0x1d0: {  	s30 =	simm.s32 $0x30;
	[sflag:s16] =	ssyncadd.s32 $0xFFFFFF80  }
0x1d1: {  	v2 =	vld [tilespmem:s30+$0xFFFFFFD0];
	_ =	sdelay $0x2  }
0x1d2: {  	s31 =	simm.s32 $0xC30  }
0x1d3: {  	v3 =	vld [tilespmem:s31+$0xFFFFFFD0]  }
0x1d4: {  	v4 =	vsub.s32 v2, v1  }
0x1d5: {  	vm0 =	vge.s32 v2, v1;
	vm1 =	vlt.s32 v4, $0x188000  }
0x1d6: {  	v2 =	vshrl.u32 v2, $0x2;
	vm0 =	vmand vm0, vm1  }
0x1d7: {  	s0 =	simm.s32 $0x0;
	v2 =	vsel vm0, v4, v2  }
0x1d8: {  	v3 =	vnsel vm0, $0x0, v3;
	[tilespmem:s0+$0x3000] =	vst v2  }
0x1d9: {  	[tilespmem:s0+$0x3C00] =	vst v3  }
0x1da: {  	v2 =	vld [tilespmem:s30+$0xFFFFFFE0];
	_ =	sdelay $0x3  }
0x1db: {  	v3 =	vld [tilespmem:s31+$0xFFFFFFE0]  }
0x1dc: {  	v4 =	vsub.s32 v2, v1  }
0x1dd: {  	vm6 =	vge.s32 v2, v1;
	vm7 =	vlt.s32 v4, $0x188000  }
0x1de: {  	v2 =	vshrl.u32 v2, $0x2;
	vm0 =	vmand vm6, vm7  }
0x1df: {  	v2 =	vsel vm0, v4, v2  }
0x1e0: {  	v3 =	vnsel vm0, $0x0, v3;
	[tilespmem:s0+$0x3010] =	vst v2  }
0x1e1: {  	[tilespmem:s0+$0x3C10] =	vst v3  }
0x1e2: {  	v2 =	vld [tilespmem:s30+$0xFFFFFFF0];
	_ =	sdelay $0x3  }
0x1e3: {  	v3 =	vld [tilespmem:s31+$0xFFFFFFF0]  }
0x1e4: {  	v4 =	vsub.s32 v2, v1  }
0x1e5: {  	vm8 =	vge.s32 v2, v1;
	vm9 =	vlt.s32 v4, $0x188000  }
0x1e6: {  	v2 =	vshrl.u32 v2, $0x2;
	vm0 =	vmand vm8, vm9  }
0x1e7: {  	v2 =	vsel vm0, v4, v2  }
0x1e8: {  	v3 =	vnsel vm0, $0x0, v3;
	[tilespmem:s0+$0x3020] =	vst v2  }
0x1e9: {  	[tilespmem:s0+$0x3C20] =	vst v3  }
0x1ea: {  	v2 =	vld [tilespmem:s30+$0x0];
	_ =	sdelay $0x3  }
0x1eb: {  	v3 =	vld [tilespmem:s31+$0x0]  }
0x1ec: {  	v4 =	vsub.s32 v2, v1  }
0x1ed: {  	vm10 =	vge.s32 v2, v1;
	vm11 =	vlt.s32 v4, $0x188000  }
0x1ee: {  	v2 =	vshrl.u32 v2, $0x2;
	vm0 =	vmand vm10, vm11  }
0x1ef: {  	v2 =	vsel vm0, v4, v2  }
0x1f0: {  	v3 =	vnsel vm0, $0x0, v3;
	[tilespmem:s0+$0x3030] =	vst v2  }
0x1f1: {  	[tilespmem:s0+$0x3C30] =	vst v3  }
0x1f2: {  	v2 =	vld [tilespmem:s30+$0x10];
	_ =	sdelay $0x3  }
0x1f3: {  	v3 =	vld [tilespmem:s31+$0x10]  }
0x1f4: {  	v4 =	vsub.s32 v2, v1  }
0x1f5: {  	vm12 =	vge.s32 v2, v1;
	vm13 =	vlt.s32 v4, $0x188000  }
0x1f6: {  	v2 =	vshrl.u32 v2, $0x2;
	vm0 =	vmand vm12, vm13  }
0x1f7: {  	v2 =	vsel vm0, v4, v2  }
0x1f8: {  	v3 =	vnsel vm0, $0x0, v3;
	[tilespmem:s0+$0x3040] =	vst v2  }
0x1f9: {  	[tilespmem:s0+$0x3C40] =	vst v3  }
0x1fa: {  	v2 =	vld [tilespmem:s30+$0x20];
	_ =	sdelay $0x3  }
0x1fb: {  	v3 =	vld [tilespmem:s31+$0x20]  }
0x1fc: {  	v4 =	vsub.s32 v2, v1  }
0x1fd: {  	vm14 =	vge.s32 v2, v1;
	vm15 =	vlt.s32 v4, $0x188000  }
0x1fe: {  	v2 =	vshrl.u32 v2, $0x2;
	vm0 =	vmand vm14, vm15  }
0x1ff: {  	v2 =	vsel vm0, v4, v2  }
0x200: {  	v3 =	vnsel vm0, $0x0, v3;
	[tilespmem:s0+$0x3050] =	vst v2  }
0x201: {  	[tilespmem:s0+$0x3C50] =	vst v3  }
0x202: {  	v3 =	vld [tilespmem:s30+$0x30]  }
0x203: {  	s11 =	simm.s32 $0x1C0;
	v2 =	vld [tilespmem:s31+$0x30]  }
.LBB2_13:
0x204: {  	_ = 	snop  }
0x205: {  	p0 =	sne.s32 s11, $0x2840;
	s31 =	sadd.s32 $0x80, s31;
	s30 =	sadd.s32 $0x80, s30  }
0x206: {  	s8 =	smov.u32 s11;
	s11 =	sadd.s32 $0x1C0, s11  }
0x207: {  	v4 =	vsub.s32 v3, v1;
	vm0 =	vge.s32 v3, v1;
	v3 =	vshrl.u32 v3, $0x2  }
0x208: {  	vm1 =	vlt.s32 v4, $0x188000  }
0x209: {  	vm0 =	vmand vm0, vm1  }
0x20a: {  	v3 =	vsel vm0, v4, v3;
	v2 =	vnsel vm0, $0x0, v2  }
0x20b: {  	[tilespmem:s0+$0x3060] =	vst v3  }
0x20c: {  	[tilespmem:s0+$0x3C60] =	vst v2  }
0x20d: {  	v2 =	vld [tilespmem:s30+$0xFFFFFFD0];
	_ =	sdelay $0x2  }
0x20e: {  	v3 =	vld [tilespmem:s31+$0xFFFFFFD0];
	_ =	sdelay $0x1  }
0x20f: {  	v4 =	vsub.s32 v2, v1  }
0x210: {  	vm0 =	vge.s32 v2, v1;
	vm1 =	vlt.s32 v4, $0x188000  }
0x211: {  	v2 =	vshrl.u32 v2, $0x2;
	vm0 =	vmand vm0, vm1  }
0x212: {  	s0 =	sshra.s32 s8, $0x2;
	v2 =	vsel vm0, v4, v2;
	v3 =	vnsel vm0, $0x0, v3  }
0x213: {  	[tilespmem:s0+$0x3000] =	vst v2  }
0x214: {  	[tilespmem:s0+$0x3C00] =	vst v3  }
0x215: {  	v2 =	vld [tilespmem:s30+$0xFFFFFFE0];
	_ =	sdelay $0x2  }
0x216: {  	v3 =	vld [tilespmem:s31+$0xFFFFFFE0];
	_ =	sdelay $0x1  }
0x217: {  	v4 =	vsub.s32 v2, v1;
	vm0 =	vge.s32 v2, v1  }
0x218: {  	v2 =	vshrl.u32 v2, $0x2;
	vm1 =	vlt.s32 v4, $0x188000  }
0x219: {  	vm0 =	vmand vm0, vm1  }
0x21a: {  	v2 =	vsel vm0, v4, v2;
	v3 =	vnsel vm0, $0x0, v3  }
0x21b: {  	[tilespmem:s0+$0x3010] =	vst v2  }
0x21c: {  	[tilespmem:s0+$0x3C10] =	vst v3  }
0x21d: {  	v2 =	vld [tilespmem:s30+$0xFFFFFFF0];
	_ =	sdelay $0x2  }
0x21e: {  	v3 =	vld [tilespmem:s31+$0xFFFFFFF0];
	_ =	sdelay $0x1  }
0x21f: {  	v4 =	vsub.s32 v2, v1;
	vm0 =	vge.s32 v2, v1;
	v2 =	vshrl.u32 v2, $0x2  }
0x220: {  	vm1 =	vlt.s32 v4, $0x188000  }
0x221: {  	vm0 =	vmand vm0, vm1  }
0x222: {  	v2 =	vsel vm0, v4, v2;
	v3 =	vnsel vm0, $0x0, v3  }
0x223: {  	[tilespmem:s0+$0x3020] =	vst v2  }
0x224: {  	[tilespmem:s0+$0x3C20] =	vst v3  }
0x225: {  	v2 =	vld [tilespmem:s30+$0x0];
	_ =	sdelay $0x2  }
0x226: {  	v3 =	vld [tilespmem:s31+$0x0];
	_ =	sdelay $0x1  }
0x227: {  	v4 =	vsub.s32 v2, v1;
	vm0 =	vge.s32 v2, v1;
	v2 =	vshrl.u32 v2, $0x2  }
0x228: {  	vm1 =	vlt.s32 v4, $0x188000  }
0x229: {  	vm0 =	vmand vm0, vm1  }
0x22a: {  	v2 =	vsel vm0, v4, v2;
	v3 =	vnsel vm0, $0x0, v3  }
0x22b: {  	[tilespmem:s0+$0x3030] =	vst v2  }
0x22c: {  	[tilespmem:s0+$0x3C30] =	vst v3  }
0x22d: {  	v2 =	vld [tilespmem:s30+$0x10]  }
0x22e: {  	v3 =	vld [tilespmem:s31+$0x10];
	_ =	sdelay $0x3  }
0x22f: {  	v4 =	vsub.s32 v2, v1;
	vm0 =	vge.s32 v2, v1;
	v2 =	vshrl.u32 v2, $0x2  }
0x230: {  	vm1 =	vlt.s32 v4, $0x188000  }
0x231: {  	vm0 =	vmand vm0, vm1  }
0x232: {  	v2 =	vsel vm0, v4, v2;
	v3 =	vnsel vm0, $0x0, v3  }
0x233: {  	[tilespmem:s0+$0x3040] =	vst v2  }
0x234: {  	[tilespmem:s0+$0x3C40] =	vst v3  }
0x235: {  	v2 =	vld [tilespmem:s30+$0x20]  }
0x236: {  	v3 =	vld [tilespmem:s31+$0x20];
	_ =	sdelay $0x3  }
0x237: {  	v4 =	vsub.s32 v2, v1;
	vm0 =	vge.s32 v2, v1;
	v2 =	vshrl.u32 v2, $0x2  }
0x238: {  	vm1 =	vlt.s32 v4, $0x188000  }
0x239: {  	vm0 =	vmand vm0, vm1  }
.Ltmp4:
0x23a: {  	v2 =	vsel vm0, v4, v2;
	v3 =	vnsel vm0, $0x0, v3;
	(pc) =	sbr.rel @p0 .LBB2_13-.Ltmp4, $4  }
0x23b: {  	[tilespmem:s0+$0x3050] =	vst v2  }
0x23c: {  	[tilespmem:s0+$0x3C50] =	vst v3  }
0x23d: {  	v3 =	vld [tilespmem:s30+$0x30]  }
0x23e: {  	v2 =	vld [tilespmem:s31+$0x30]  }
0x23f: {  	_ =	sdelay $0x2  }
0x240: {  	v4 =	vsub.s32 v3, v1  }
0x241: {  	vm0 =	vge.s32 v3, v1;
	vm1 =	vlt.s32 v4, $0x188000  }
0x242: {  	v3 =	vshrl.u32 v3, $0x2;
	vm0 =	vmand vm0, vm1  }
0x243: {  	v3 =	vsel vm0, v4, v3  }
0x244: {  	v2 =	vnsel vm0, $0x0, v2;
	[tilespmem:s0+$0x3060] =	vst v3  }
0x245: {  	s11 =	simm.s32 $0x3000;
	s7 =	simm.s32 $0x3C00;
	[tilespmem:s0+$0x3C60] =	vst v2  }
0x246: {  	[spmem:s2] =	stream.indirect.scatter.add.f32 [tilespmem:s7], [sflag:$0x3], $0x1, s11, s18, $0xb8;
	[tilespmem:$0x1F480] =	vst v63  }
0x247: {  	s8 =	simm.s32 $0x3080;
	s11 =	simm.s32 $0x3C80  }
0x248: {  	[spmem:s2] =	stream.indirect.scatter.add.f32 [tilespmem:s11], [sflag:$0x3], $0x1, s8, s18, $0xb8;
	[tilespmem:$0x1F480] =	vst v63  }
0x249: {  	s8 =	simm.s32 $0x3100;
	s11 =	simm.s32 $0x3D00  }
0x24a: {  	[spmem:s2] =	stream.indirect.scatter.add.f32 [tilespmem:s11], [sflag:$0x3], $0x1, s8, s18, $0xb8;
	[tilespmem:$0x1F480] =	vst v63  }
0x24b: {  	s8 =	simm.s32 $0x3180;
	s11 =	simm.s32 $0x3D80  }
0x24c: {  	[spmem:s2] =	stream.indirect.scatter.add.f32 [tilespmem:s11], [sflag:$0x3], $0x1, s8, s18, $0xb8;
	[tilespmem:$0x1F480] =	vst v63  }
0x24d: {  	s8 =	simm.s32 $0x3200;
	s11 =	simm.s32 $0x3E00  }
0x24e: {  	[spmem:s2] =	stream.indirect.scatter.add.f32 [tilespmem:s11], [sflag:$0x3], $0x1, s8, s18, $0xb8;
	[tilespmem:$0x1F480] =	vst v63  }
0x24f: {  	s8 =	simm.s32 $0x3280;
	s11 =	simm.s32 $0x3E80  }
0x250: {  	[spmem:s2] =	stream.indirect.scatter.add.f32 [tilespmem:s11], [sflag:$0x3], $0x1, s8, s18, $0xb8;
	[tilespmem:$0x1F480] =	vst v63  }
0x251: {  	s8 =	simm.s32 $0x3300;
	s11 =	simm.s32 $0x3F00  }
0x252: {  	[spmem:s2] =	stream.indirect.scatter.add.f32 [tilespmem:s11], [sflag:$0x3], $0x1, s8, s18, $0xb8;
	[tilespmem:$0x1F480] =	vst v63  }
0x253: {  	s8 =	simm.s32 $0x3380;
	s11 =	simm.s32 $0x3F80  }
0x254: {  	[spmem:s2] =	stream.indirect.scatter.add.f32 [tilespmem:s11], [sflag:$0x3], $0x1, s8, s18, $0xb8;
	[tilespmem:$0x1F480] =	vst v63  }
0x255: {  	s8 =	simm.s32 $0x3400;
	s11 =	simm.s32 $0x4000  }
0x256: {  	[spmem:s2] =	stream.indirect.scatter.add.f32 [tilespmem:s11], [sflag:$0x3], $0x1, s8, s18, $0xb8;
	[tilespmem:$0x1F480] =	vst v63  }
0x257: {  	s8 =	simm.s32 $0x3480;
	s11 =	simm.s32 $0x4080  }
0x258: {  	[spmem:s2] =	stream.indirect.scatter.add.f32 [tilespmem:s11], [sflag:$0x3], $0x1, s8, s18, $0xb8;
	[tilespmem:$0x1F480] =	vst v63  }
0x259: {  	s8 =	simm.s32 $0x3500;
	s11 =	simm.s32 $0x4100  }
0x25a: {  	[spmem:s2] =	stream.indirect.scatter.add.f32 [tilespmem:s11], [sflag:$0x3], $0x1, s8, s18, $0xb8;
	[tilespmem:$0x1F480] =	vst v63  }
0x25b: {  	s8 =	simm.s32 $0x3580;
	s11 =	simm.s32 $0x4180  }
0x25c: {  	[spmem:s2] =	stream.indirect.scatter.add.f32 [tilespmem:s11], [sflag:$0x3], $0x1, s8, s18, $0xb8;
	[tilespmem:$0x1F480] =	vst v63  }
0x25d: {  	s8 =	simm.s32 $0x3600;
	s11 =	simm.s32 $0x4200  }
0x25e: {  	[spmem:s2] =	stream.indirect.scatter.add.f32 [tilespmem:s11], [sflag:$0x3], $0x1, s8, s18, $0xb8;
	[tilespmem:$0x1F480] =	vst v63  }
0x25f: {  	s8 =	simm.s32 $0x3680;
	s11 =	simm.s32 $0x4280  }
0x260: {  	[spmem:s2] =	stream.indirect.scatter.add.f32 [tilespmem:s11], [sflag:$0x3], $0x1, s8, s18, $0xb8;
	[tilespmem:$0x1F480] =	vst v63  }
0x261: {  	s8 =	simm.s32 $0x3700;
	s11 =	simm.s32 $0x4300  }
0x262: {  	[spmem:s2] =	stream.indirect.scatter.add.f32 [tilespmem:s11], [sflag:$0x3], $0x1, s8, s18, $0xb8;
	[tilespmem:$0x1F480] =	vst v63  }
0x263: {  	s8 =	simm.s32 $0x3780;
	s11 =	simm.s32 $0x4380  }
0x264: {  	[spmem:s2] =	stream.indirect.scatter.add.f32 [tilespmem:s11], [sflag:$0x3], $0x1, s8, s18, $0xb8;
	[tilespmem:$0x1F480] =	vst v63  }
0x265: {  	s8 =	simm.s32 $0x3800;
	s11 =	simm.s32 $0x4400  }
0x266: {  	[spmem:s2] =	stream.indirect.scatter.add.f32 [tilespmem:s11], [sflag:$0x3], $0x1, s8, s18, $0xb8;
	[tilespmem:$0x1F480] =	vst v63  }
0x267: {  	s8 =	simm.s32 $0x3880;
	s11 =	simm.s32 $0x4480  }
0x268: {  	[spmem:s2] =	stream.indirect.scatter.add.f32 [tilespmem:s11], [sflag:$0x3], $0x1, s8, s18, $0xb8;
	[tilespmem:$0x1F480] =	vst v63  }
0x269: {  	s8 =	simm.s32 $0x3900;
	s11 =	simm.s32 $0x4500  }
0x26a: {  	[spmem:s2] =	stream.indirect.scatter.add.f32 [tilespmem:s11], [sflag:$0x3], $0x1, s8, s18, $0xb8;
	[tilespmem:$0x1F480] =	vst v63  }
0x26b: {  	s30 =	sshll.u32 s29, $0x1;
	s8 =	simm.s32 $0x3980;
	s11 =	simm.s32 $0x4580  }
0x26c: {  	[spmem:s2] =	stream.indirect.scatter.add.f32 [tilespmem:s11], [sflag:$0x3], $0x1, s8, s18, $0xb8;
	[tilespmem:$0x1F480] =	vst v63  }
0x26d: {  	s7 =	sadd.s32 $0x4, s30;
	s8 =	simm.s32 $0x3A00;
	s11 =	simm.s32 $0x4600  }
0x26e: {  	[spmem:s2] =	stream.indirect.scatter.add.f32 [tilespmem:s11], [sflag:$0x3], $0x1, s8, s18, $0xb8;
	[tilespmem:$0x1F480] =	vst v63  }
0x26f: {  	s8 =	smul.u32 $0x18, s7  }
0x270: {  	p0 =	seq.s32 s7, $0x1C  }
0x271: {  	s8 =	simm.s32 @p0 $0x0  }
0x272: {  	s11 =	sadd.s32 s28, s8  }
0x273: {  	s0 =	sshll.u32 s11, $0x4  }
0x274: {  	s11 =	simm.s32 $0x0;
	s7 =	sadd.s32 s6, s0  }
0x275: {  	[tilespmem:s11], [sflag:$0x1] =	stream.linear.gather [hbm4b:s7+s11], $0xC00, $0x38;
	[tilespmem:$0x1F480] =	vst v63  }
0x276: {  	s8 =	simm.s32 $0xC00;
	s0 =	sadd.s32 s5, s0  }
0x277: {  	[tilespmem:s8], [sflag:$0x1] =	stream.linear.gather [hbm4b:s0+s11], $0xC00, $0x38;
	[tilespmem:$0x1F480] =	vst v63  }
0x278: {  	_ =	swait.ge [sflag:s23], $0xC00  }
0x279: {  	[sflag:s23] =	ssyncset.done $0x0  }
0x27a: {  	[sflag:s23] =	ssyncadd.s32 $0xFFFFF400  }
0x27b: {  	_ =	swait.ge [sflag:s23], $0xC00  }
0x27c: {  	[sflag:s23] =	ssyncset.done $0x0  }
0x27d: {  	[sflag:s23] =	ssyncadd.s32 $0xFFFFF400  }
0x27e: {  	_ =	swait.ge [sflag:s26], $0x80  }
0x27f: {  	[sflag:s26] =	ssyncset.done $0x0  }
0x280: {  	[sflag:s26] =	ssyncadd.s32 $0xFFFFFF80  }
0x281: {  	_ =	swait.ge [sflag:s26], $0x80  }
0x282: {  	[sflag:s26] =	ssyncset.done $0x0  }
0x283: {  	[sflag:s26] =	ssyncadd.s32 $0xFFFFFF80  }
0x284: {  	_ =	swait.ge [sflag:s26], $0x80  }
0x285: {  	[sflag:s26] =	ssyncset.done $0x0  }
0x286: {  	[sflag:s26] =	ssyncadd.s32 $0xFFFFFF80  }
0x287: {  	_ =	swait.ge [sflag:s26], $0x80  }
0x288: {  	[sflag:s26] =	ssyncset.done $0x0  }
0x289: {  	[sflag:s26] =	ssyncadd.s32 $0xFFFFFF80  }
0x28a: {  	_ =	swait.ge [sflag:s26], $0x80  }
0x28b: {  	[sflag:s26] =	ssyncset.done $0x0  }
0x28c: {  	[sflag:s26] =	ssyncadd.s32 $0xFFFFFF80  }
0x28d: {  	_ =	swait.ge [sflag:s26], $0x80  }
0x28e: {  	[sflag:s26] =	ssyncset.done $0x0  }
0x28f: {  	[sflag:s26] =	ssyncadd.s32 $0xFFFFFF80  }
0x290: {  	_ =	swait.ge [sflag:s26], $0x80  }
0x291: {  	[sflag:s26] =	ssyncset.done $0x0  }
0x292: {  	[sflag:s26] =	ssyncadd.s32 $0xFFFFFF80  }
0x293: {  	_ =	swait.ge [sflag:s26], $0x80  }
0x294: {  	[sflag:s26] =	ssyncset.done $0x0  }
0x295: {  	[sflag:s26] =	ssyncadd.s32 $0xFFFFFF80  }
0x296: {  	_ =	swait.ge [sflag:s26], $0x80  }
0x297: {  	[sflag:s26] =	ssyncset.done $0x0  }
0x298: {  	[sflag:s26] =	ssyncadd.s32 $0xFFFFFF80  }
0x299: {  	_ =	swait.ge [sflag:s26], $0x80  }
0x29a: {  	[sflag:s26] =	ssyncset.done $0x0  }
0x29b: {  	[sflag:s26] =	ssyncadd.s32 $0xFFFFFF80  }
0x29c: {  	_ =	swait.ge [sflag:s26], $0x80  }
0x29d: {  	[sflag:s26] =	ssyncset.done $0x0  }
0x29e: {  	[sflag:s26] =	ssyncadd.s32 $0xFFFFFF80  }
0x29f: {  	_ =	swait.ge [sflag:s26], $0x80  }
0x2a0: {  	[sflag:s26] =	ssyncset.done $0x0  }
0x2a1: {  	[sflag:s26] =	ssyncadd.s32 $0xFFFFFF80  }
0x2a2: {  	_ =	swait.ge [sflag:s26], $0x80  }
0x2a3: {  	[sflag:s26] =	ssyncset.done $0x0  }
0x2a4: {  	[sflag:s26] =	ssyncadd.s32 $0xFFFFFF80  }
0x2a5: {  	_ =	swait.ge [sflag:s26], $0x80  }
0x2a6: {  	[sflag:s26] =	ssyncset.done $0x0  }
0x2a7: {  	[sflag:s26] =	ssyncadd.s32 $0xFFFFFF80  }
0x2a8: {  	_ =	swait.ge [sflag:s26], $0x80  }
0x2a9: {  	[sflag:s26] =	ssyncset.done $0x0  }
0x2aa: {  	[sflag:s26] =	ssyncadd.s32 $0xFFFFFF80  }
0x2ab: {  	_ =	swait.ge [sflag:s26], $0x80  }
0x2ac: {  	[sflag:s26] =	ssyncset.done $0x0  }
0x2ad: {  	[sflag:s26] =	ssyncadd.s32 $0xFFFFFF80  }
0x2ae: {  	_ =	swait.ge [sflag:s26], $0x80  }
0x2af: {  	[sflag:s26] =	ssyncset.done $0x0  }
0x2b0: {  	[sflag:s26] =	ssyncadd.s32 $0xFFFFFF80  }
0x2b1: {  	_ =	swait.ge [sflag:s26], $0x80  }
0x2b2: {  	[sflag:s26] =	ssyncset.done $0x0  }
0x2b3: {  	[sflag:s26] =	ssyncadd.s32 $0xFFFFFF80  }
0x2b4: {  	_ =	swait.ge [sflag:s26], $0x80  }
0x2b5: {  	[sflag:s26] =	ssyncset.done $0x0  }
0x2b6: {  	[sflag:s26] =	ssyncadd.s32 $0xFFFFFF80  }
0x2b7: {  	_ =	swait.ge [sflag:s26], $0x80  }
0x2b8: {  	[sflag:s26] =	ssyncset.done $0x0  }
0x2b9: {  	[sflag:s26] =	ssyncadd.s32 $0xFFFFFF80  }
0x2ba: {  	_ =	swait.ge [sflag:s26], $0x80  }
0x2bb: {  	[sflag:s26] =	ssyncset.done $0x0  }
0x2bc: {  	s31 =	simm.s32 $0x1830;
	[sflag:s26] =	ssyncadd.s32 $0xFFFFFF80  }
0x2bd: {  	v2 =	vld [tilespmem:s31+$0xFFFFFFD0];
	_ =	sdelay $0x2  }
0x2be: {  	s0 =	simm.s32 $0x2430  }
0x2bf: {  	v3 =	vld [tilespmem:s0+$0xFFFFFFD0]  }
0x2c0: {  	v4 =	vsub.s32 v2, v1  }
0x2c1: {  	vm4 =	vge.s32 v2, v1;
	vm5 =	vlt.s32 v4, $0x188000  }
0x2c2: {  	v2 =	vshrl.u32 v2, $0x2;
	vm0 =	vmand vm4, vm5  }
0x2c3: {  	s11 =	simm.s32 $0x0;
	v2 =	vsel vm0, v4, v2  }
0x2c4: {  	v3 =	vnsel vm0, $0x0, v3;
	[tilespmem:s11+$0x4800] =	vst v2  }
0x2c5: {  	[tilespmem:s11+$0x5400] =	vst v3  }
0x2c6: {  	v2 =	vld [tilespmem:s31+$0xFFFFFFE0];
	_ =	sdelay $0x3  }
0x2c7: {  	v3 =	vld [tilespmem:s0+$0xFFFFFFE0]  }
0x2c8: {  	v4 =	vsub.s32 v2, v1  }
0x2c9: {  	vm6 =	vge.s32 v2, v1;
	vm7 =	vlt.s32 v4, $0x188000  }
0x2ca: {  	v2 =	vshrl.u32 v2, $0x2;
	vm0 =	vmand vm6, vm7  }
0x2cb: {  	v2 =	vsel vm0, v4, v2  }
0x2cc: {  	v3 =	vnsel vm0, $0x0, v3;
	[tilespmem:s11+$0x4810] =	vst v2  }
0x2cd: {  	[tilespmem:s11+$0x5410] =	vst v3  }
0x2ce: {  	v2 =	vld [tilespmem:s31+$0xFFFFFFF0];
	_ =	sdelay $0x3  }
0x2cf: {  	v3 =	vld [tilespmem:s0+$0xFFFFFFF0]  }
0x2d0: {  	v4 =	vsub.s32 v2, v1  }
0x2d1: {  	vm8 =	vge.s32 v2, v1;
	vm9 =	vlt.s32 v4, $0x188000  }
0x2d2: {  	v2 =	vshrl.u32 v2, $0x2;
	vm0 =	vmand vm8, vm9  }
0x2d3: {  	v2 =	vsel vm0, v4, v2  }
0x2d4: {  	v3 =	vnsel vm0, $0x0, v3;
	[tilespmem:s11+$0x4820] =	vst v2  }
0x2d5: {  	[tilespmem:s11+$0x5420] =	vst v3  }
0x2d6: {  	v2 =	vld [tilespmem:s31+$0x0];
	_ =	sdelay $0x3  }
0x2d7: {  	v3 =	vld [tilespmem:s0+$0x0]  }
0x2d8: {  	v4 =	vsub.s32 v2, v1  }
0x2d9: {  	vm10 =	vge.s32 v2, v1;
	vm11 =	vlt.s32 v4, $0x188000  }
0x2da: {  	v2 =	vshrl.u32 v2, $0x2;
	vm0 =	vmand vm10, vm11  }
0x2db: {  	v2 =	vsel vm0, v4, v2  }
0x2dc: {  	v3 =	vnsel vm0, $0x0, v3;
	[tilespmem:s11+$0x4830] =	vst v2  }
0x2dd: {  	[tilespmem:s11+$0x5430] =	vst v3  }
0x2de: {  	v2 =	vld [tilespmem:s31+$0x10];
	_ =	sdelay $0x3  }
0x2df: {  	v3 =	vld [tilespmem:s0+$0x10]  }
0x2e0: {  	v4 =	vsub.s32 v2, v1  }
0x2e1: {  	vm12 =	vge.s32 v2, v1;
	vm13 =	vlt.s32 v4, $0x188000  }
0x2e2: {  	v2 =	vshrl.u32 v2, $0x2;
	vm0 =	vmand vm12, vm13  }
0x2e3: {  	v2 =	vsel vm0, v4, v2  }
0x2e4: {  	v3 =	vnsel vm0, $0x0, v3;
	[tilespmem:s11+$0x4840] =	vst v2  }
0x2e5: {  	[tilespmem:s11+$0x5440] =	vst v3  }
0x2e6: {  	v2 =	vld [tilespmem:s31+$0x20];
	_ =	sdelay $0x3  }
0x2e7: {  	v3 =	vld [tilespmem:s0+$0x20]  }
0x2e8: {  	v4 =	vsub.s32 v2, v1  }
0x2e9: {  	vm14 =	vge.s32 v2, v1;
	vm15 =	vlt.s32 v4, $0x188000  }
0x2ea: {  	v2 =	vshrl.u32 v2, $0x2;
	vm0 =	vmand vm14, vm15  }
0x2eb: {  	v2 =	vsel vm0, v4, v2  }
0x2ec: {  	v3 =	vnsel vm0, $0x0, v3;
	[tilespmem:s11+$0x4850] =	vst v2  }
0x2ed: {  	[tilespmem:s11+$0x5450] =	vst v3  }
0x2ee: {  	v3 =	vld [tilespmem:s31+$0x30]  }
0x2ef: {  	s8 =	simm.s32 $0x1C0;
	v2 =	vld [tilespmem:s0+$0x30]  }
.LBB2_15:
0x2f0: {  	_ = 	snop  }
0x2f1: {  	p0 =	sne.s32 s8, $0x2840;
	s0 =	sadd.s32 $0x80, s0;
	s31 =	sadd.s32 $0x80, s31  }
0x2f2: {  	s7 =	smov.u32 s8;
	s8 =	sadd.s32 $0x1C0, s8  }
0x2f3: {  	v4 =	vsub.s32 v3, v1;
	vm0 =	vge.s32 v3, v1;
	v3 =	vshrl.u32 v3, $0x2  }
0x2f4: {  	vm1 =	vlt.s32 v4, $0x188000  }
0x2f5: {  	vm0 =	vmand vm0, vm1  }
0x2f6: {  	v3 =	vsel vm0, v4, v3;
	v2 =	vnsel vm0, $0x0, v2  }
0x2f7: {  	[tilespmem:s11+$0x4860] =	vst v3  }
0x2f8: {  	[tilespmem:s11+$0x5460] =	vst v2  }
0x2f9: {  	v2 =	vld [tilespmem:s31+$0xFFFFFFD0];
	_ =	sdelay $0x2  }
0x2fa: {  	v3 =	vld [tilespmem:s0+$0xFFFFFFD0];
	_ =	sdelay $0x1  }
0x2fb: {  	v4 =	vsub.s32 v2, v1  }
0x2fc: {  	vm0 =	vge.s32 v2, v1;
	vm1 =	vlt.s32 v4, $0x188000  }
0x2fd: {  	v2 =	vshrl.u32 v2, $0x2;
	vm0 =	vmand vm0, vm1  }
0x2fe: {  	s11 =	sshra.s32 s7, $0x2;
	v2 =	vsel vm0, v4, v2;
	v3 =	vnsel vm0, $0x0, v3  }
0x2ff: {  	[tilespmem:s11+$0x4800] =	vst v2  }
0x300: {  	[tilespmem:s11+$0x5400] =	vst v3  }
0x301: {  	v2 =	vld [tilespmem:s31+$0xFFFFFFE0];
	_ =	sdelay $0x2  }
0x302: {  	v3 =	vld [tilespmem:s0+$0xFFFFFFE0];
	_ =	sdelay $0x1  }
0x303: {  	v4 =	vsub.s32 v2, v1;
	vm0 =	vge.s32 v2, v1  }
0x304: {  	v2 =	vshrl.u32 v2, $0x2;
	vm1 =	vlt.s32 v4, $0x188000  }
0x305: {  	vm0 =	vmand vm0, vm1  }
0x306: {  	v2 =	vsel vm0, v4, v2;
	v3 =	vnsel vm0, $0x0, v3  }
0x307: {  	[tilespmem:s11+$0x4810] =	vst v2  }
0x308: {  	[tilespmem:s11+$0x5410] =	vst v3  }
0x309: {  	v2 =	vld [tilespmem:s31+$0xFFFFFFF0];
	_ =	sdelay $0x2  }
0x30a: {  	v3 =	vld [tilespmem:s0+$0xFFFFFFF0];
	_ =	sdelay $0x1  }
0x30b: {  	v4 =	vsub.s32 v2, v1;
	vm0 =	vge.s32 v2, v1;
	v2 =	vshrl.u32 v2, $0x2  }
0x30c: {  	vm1 =	vlt.s32 v4, $0x188000  }
0x30d: {  	vm0 =	vmand vm0, vm1  }
0x30e: {  	v2 =	vsel vm0, v4, v2;
	v3 =	vnsel vm0, $0x0, v3  }
0x30f: {  	[tilespmem:s11+$0x4820] =	vst v2  }
0x310: {  	[tilespmem:s11+$0x5420] =	vst v3  }
0x311: {  	v2 =	vld [tilespmem:s31+$0x0];
	_ =	sdelay $0x2  }
0x312: {  	v3 =	vld [tilespmem:s0+$0x0];
	_ =	sdelay $0x1  }
0x313: {  	v4 =	vsub.s32 v2, v1;
	vm0 =	vge.s32 v2, v1;
	v2 =	vshrl.u32 v2, $0x2  }
0x314: {  	vm1 =	vlt.s32 v4, $0x188000  }
0x315: {  	vm0 =	vmand vm0, vm1  }
0x316: {  	v2 =	vsel vm0, v4, v2;
	v3 =	vnsel vm0, $0x0, v3  }
0x317: {  	[tilespmem:s11+$0x4830] =	vst v2  }
0x318: {  	[tilespmem:s11+$0x5430] =	vst v3  }
0x319: {  	v2 =	vld [tilespmem:s31+$0x10]  }
0x31a: {  	v3 =	vld [tilespmem:s0+$0x10];
	_ =	sdelay $0x3  }
0x31b: {  	v4 =	vsub.s32 v2, v1;
	vm0 =	vge.s32 v2, v1;
	v2 =	vshrl.u32 v2, $0x2  }
0x31c: {  	vm1 =	vlt.s32 v4, $0x188000  }
0x31d: {  	vm0 =	vmand vm0, vm1  }
0x31e: {  	v2 =	vsel vm0, v4, v2;
	v3 =	vnsel vm0, $0x0, v3  }
0x31f: {  	[tilespmem:s11+$0x4840] =	vst v2  }
0x320: {  	[tilespmem:s11+$0x5440] =	vst v3  }
0x321: {  	v2 =	vld [tilespmem:s31+$0x20]  }
0x322: {  	v3 =	vld [tilespmem:s0+$0x20];
	_ =	sdelay $0x3  }
0x323: {  	v4 =	vsub.s32 v2, v1;
	vm0 =	vge.s32 v2, v1;
	v2 =	vshrl.u32 v2, $0x2  }
0x324: {  	vm1 =	vlt.s32 v4, $0x188000  }
0x325: {  	vm0 =	vmand vm0, vm1  }
.Ltmp5:
0x326: {  	v2 =	vsel vm0, v4, v2;
	v3 =	vnsel vm0, $0x0, v3;
	(pc) =	sbr.rel @p0 .LBB2_15-.Ltmp5, $4  }
0x327: {  	[tilespmem:s11+$0x4850] =	vst v2  }
0x328: {  	[tilespmem:s11+$0x5450] =	vst v3  }
0x329: {  	v3 =	vld [tilespmem:s31+$0x30]  }
0x32a: {  	v2 =	vld [tilespmem:s0+$0x30]  }
0x32b: {  	_ =	sdelay $0x2  }
0x32c: {  	v4 =	vsub.s32 v3, v1  }
0x32d: {  	vm0 =	vge.s32 v3, v1;
	vm1 =	vlt.s32 v4, $0x188000  }
0x32e: {  	v3 =	vshrl.u32 v3, $0x2;
	vm0 =	vmand vm0, vm1  }
0x32f: {  	v3 =	vsel vm0, v4, v3  }
0x330: {  	v2 =	vnsel vm0, $0x0, v2;
	[tilespmem:s11+$0x4860] =	vst v3  }
0x331: {  	s0 =	simm.s32 $0x4800;
	s7 =	simm.s32 $0x5400;
	[tilespmem:s11+$0x5460] =	vst v2  }
0x332: {  	[spmem:s2] =	stream.indirect.scatter.add.f32 [tilespmem:s7], [sflag:$0x4], $0x1, s0, s18, $0xb8;
	[tilespmem:$0x1F480] =	vst v63  }
0x333: {  	s8 =	simm.s32 $0x5480;
	s7 =	simm.s32 $0x4880  }
0x334: {  	[spmem:s2] =	stream.indirect.scatter.add.f32 [tilespmem:s8], [sflag:$0x4], $0x1, s7, s18, $0xb8;
	[tilespmem:$0x1F480] =	vst v63  }
0x335: {  	s31 =	simm.s32 $0x5500;
	s11 =	simm.s32 $0x4900  }
0x336: {  	[spmem:s2] =	stream.indirect.scatter.add.f32 [tilespmem:s31], [sflag:$0x4], $0x1, s11, s18, $0xb8;
	[tilespmem:$0x1F480] =	vst v63  }
0x337: {  	s7 =	simm.s32 $0x4980;
	s8 =	simm.s32 $0x5580  }
0x338: {  	[spmem:s2] =	stream.indirect.scatter.add.f32 [tilespmem:s8], [sflag:$0x4], $0x1, s7, s18, $0xb8;
	[tilespmem:$0x1F480] =	vst v63  }
0x339: {  	s11 =	simm.s32 $0x4A00;
	s31 =	simm.s32 $0x5600  }
0x33a: {  	[spmem:s2] =	stream.indirect.scatter.add.f32 [tilespmem:s31], [sflag:$0x4], $0x1, s11, s18, $0xb8;
	[tilespmem:$0x1F480] =	vst v63  }
0x33b: {  	s7 =	simm.s32 $0x4A80;
	s8 =	simm.s32 $0x5680  }
0x33c: {  	[spmem:s2] =	stream.indirect.scatter.add.f32 [tilespmem:s8], [sflag:$0x4], $0x1, s7, s18, $0xb8;
	[tilespmem:$0x1F480] =	vst v63  }
0x33d: {  	s11 =	simm.s32 $0x4B00;
	s31 =	simm.s32 $0x5700  }
0x33e: {  	[spmem:s2] =	stream.indirect.scatter.add.f32 [tilespmem:s31], [sflag:$0x4], $0x1, s11, s18, $0xb8;
	[tilespmem:$0x1F480] =	vst v63  }
0x33f: {  	s7 =	simm.s32 $0x4B80;
	s8 =	simm.s32 $0x5780  }
0x340: {  	[spmem:s2] =	stream.indirect.scatter.add.f32 [tilespmem:s8], [sflag:$0x4], $0x1, s7, s18, $0xb8;
	[tilespmem:$0x1F480] =	vst v63  }
0x341: {  	s11 =	simm.s32 $0x4C00;
	s31 =	simm.s32 $0x5800  }
0x342: {  	[spmem:s2] =	stream.indirect.scatter.add.f32 [tilespmem:s31], [sflag:$0x4], $0x1, s11, s18, $0xb8;
	[tilespmem:$0x1F480] =	vst v63  }
0x343: {  	s7 =	simm.s32 $0x4C80;
	s8 =	simm.s32 $0x5880  }
0x344: {  	[spmem:s2] =	stream.indirect.scatter.add.f32 [tilespmem:s8], [sflag:$0x4], $0x1, s7, s18, $0xb8;
	[tilespmem:$0x1F480] =	vst v63  }
0x345: {  	s11 =	simm.s32 $0x4D00;
	s31 =	simm.s32 $0x5900  }
0x346: {  	[spmem:s2] =	stream.indirect.scatter.add.f32 [tilespmem:s31], [sflag:$0x4], $0x1, s11, s18, $0xb8;
	[tilespmem:$0x1F480] =	vst v63  }
0x347: {  	s7 =	simm.s32 $0x4D80;
	s8 =	simm.s32 $0x5980  }
0x348: {  	[spmem:s2] =	stream.indirect.scatter.add.f32 [tilespmem:s8], [sflag:$0x4], $0x1, s7, s18, $0xb8;
	[tilespmem:$0x1F480] =	vst v63  }
0x349: {  	s11 =	simm.s32 $0x4E00;
	s31 =	simm.s32 $0x5A00  }
0x34a: {  	[spmem:s2] =	stream.indirect.scatter.add.f32 [tilespmem:s31], [sflag:$0x4], $0x1, s11, s18, $0xb8;
	[tilespmem:$0x1F480] =	vst v63  }
0x34b: {  	s7 =	simm.s32 $0x4E80;
	s8 =	simm.s32 $0x5A80  }
0x34c: {  	[spmem:s2] =	stream.indirect.scatter.add.f32 [tilespmem:s8], [sflag:$0x4], $0x1, s7, s18, $0xb8;
	[tilespmem:$0x1F480] =	vst v63  }
0x34d: {  	s11 =	simm.s32 $0x4F00;
	s31 =	simm.s32 $0x5B00;
	s8 =	sadd.s32 $0x5, s30  }
0x34e: {  	[spmem:s2] =	stream.indirect.scatter.add.f32 [tilespmem:s31], [sflag:$0x4], $0x1, s11, s18, $0xb8;
	[tilespmem:$0x1F480] =	vst v63  }
0x34f: {  	s7 =	simm.s32 $0x4F80;
	s11 =	smulhi.u32 $0x92492493, s8  }
0x350: {  	[spmem:s2] =	stream.indirect.scatter.add.f32 [tilespmem:s9], [sflag:$0x4], $0x1, s7, s18, $0xb8;
	[tilespmem:$0x1F480] =	vst v63  }
0x351: {  	s7 =	sshrl.u32 s11, $0x4  }
0x352: {  	[spmem:s2] =	stream.indirect.scatter.add.f32 [tilespmem:s4], [sflag:$0x4], $0x1, s1, s18, $0xb8;
	[tilespmem:$0x1F480] =	vst v63  }
0x353: {  	s7 =	smul.u32 $0x1C, s7  }
0x354: {  	[spmem:s2] =	stream.indirect.scatter.add.f32 [tilespmem:s19], [sflag:$0x4], $0x1, s25, s18, $0xb8;
	[tilespmem:$0x1F480] =	vst v63  }
0x355: {  	s0 =	ssub.s32 s8, s7  }
0x356: {  	[spmem:s2] =	stream.indirect.scatter.add.f32 [tilespmem:s21], [sflag:$0x4], $0x1, s20, s18, $0xb8;
	[tilespmem:$0x1F480] =	vst v63  }
0x357: {  	s29 =	sadd.s32 $0x1, s29;
	s0 =	smul.u32 $0x18, s0  }
0x358: {  	[spmem:s2] =	stream.indirect.scatter.add.f32 [tilespmem:s14], [sflag:$0x4], $0x1, s22, s18, $0xb8;
	[tilespmem:$0x1F480] =	vst v63  }
0x359: {  	p0 =	sne.s32 s29, $0xD;
	s0 =	sadd.s32 s28, s0  }
0x35a: {  	[spmem:s2] =	stream.indirect.scatter.add.f32 [tilespmem:s24], [sflag:$0x4], $0x1, s15, s18, $0xb8;
	[tilespmem:$0x1F480] =	vst v63  }
.Ltmp6:
0x35b: {  	s0 =	sshll.u32 s0, $0x4;
	(pc) =	sbr.rel @p0 .LBB2_12-.Ltmp6, $4  }
0x35c: {  	s8 =	simm.s32 $0x1800;
	s30 =	sadd.s32 s6, s0  }
0x35d: {  	[tilespmem:s8], [sflag:$0x2] =	stream.linear.gather [hbm4b:s30+s3], $0xC00, $0x38;
	[tilespmem:$0x1F480] =	vst v63  }
0x35e: {  	s31 =	simm.s32 $0x2400;
	s0 =	sadd.s32 s5, s0  }
0x35f: {  	[tilespmem:s31], [sflag:$0x2] =	stream.linear.gather [hbm4b:s0+s3], $0xC00, $0x38;
	[tilespmem:$0x1F480] =	vst v63  }
0x360: {  	_ =	swait.ge [sflag:s17], $0xC00  }
0x361: {  	[sflag:s17] =	ssyncset.done $0x0  }
0x362: {  	[sflag:s17] =	ssyncadd.s32 $0xFFFFF400  }
0x363: {  	_ =	swait.ge [sflag:s17], $0xC00  }
0x364: {  	[sflag:s17] =	ssyncset.done $0x0  }
0x365: {  	[sflag:s17] =	ssyncadd.s32 $0xFFFFF400  }
0x366: {  	_ =	swait.ge [sflag:s23], $0xC00  }
0x367: {  	[sflag:s23] =	ssyncset.done $0x0  }
0x368: {  	[sflag:s23] =	ssyncadd.s32 $0xFFFFF400  }
0x369: {  	_ =	swait.ge [sflag:s23], $0xC00  }
0x36a: {  	[sflag:s23] =	ssyncset.done $0x0  }
0x36b: {  	[sflag:s23] =	ssyncadd.s32 $0xFFFFF400  }
0x36c: {  	_ =	swait.ge [sflag:s16], $0x80  }
0x36d: {  	[sflag:s16] =	ssyncset.done $0x0  }
0x36e: {  	[sflag:s16] =	ssyncadd.s32 $0xFFFFFF80  }
0x36f: {  	_ =	swait.ge [sflag:s16], $0x80  }
0x370: {  	[sflag:s16] =	ssyncset.done $0x0  }
0x371: {  	[sflag:s16] =	ssyncadd.s32 $0xFFFFFF80  }
0x372: {  	_ =	swait.ge [sflag:s16], $0x80  }
0x373: {  	[sflag:s16] =	ssyncset.done $0x0  }
0x374: {  	[sflag:s16] =	ssyncadd.s32 $0xFFFFFF80  }
0x375: {  	_ =	swait.ge [sflag:s16], $0x80  }
0x376: {  	[sflag:s16] =	ssyncset.done $0x0  }
0x377: {  	[sflag:s16] =	ssyncadd.s32 $0xFFFFFF80  }
0x378: {  	_ =	swait.ge [sflag:s16], $0x80  }
0x379: {  	[sflag:s16] =	ssyncset.done $0x0  }
0x37a: {  	[sflag:s16] =	ssyncadd.s32 $0xFFFFFF80  }
0x37b: {  	_ =	swait.ge [sflag:s16], $0x80  }
0x37c: {  	[sflag:s16] =	ssyncset.done $0x0  }
0x37d: {  	[sflag:s16] =	ssyncadd.s32 $0xFFFFFF80  }
0x37e: {  	_ =	swait.ge [sflag:s16], $0x80  }
0x37f: {  	[sflag:s16] =	ssyncset.done $0x0  }
0x380: {  	[sflag:s16] =	ssyncadd.s32 $0xFFFFFF80  }
0x381: {  	_ =	swait.ge [sflag:s16], $0x80  }
0x382: {  	[sflag:s16] =	ssyncset.done $0x0  }
0x383: {  	[sflag:s16] =	ssyncadd.s32 $0xFFFFFF80  }
0x384: {  	_ =	swait.ge [sflag:s16], $0x80  }
0x385: {  	[sflag:s16] =	ssyncset.done $0x0  }
0x386: {  	[sflag:s16] =	ssyncadd.s32 $0xFFFFFF80  }
0x387: {  	_ =	swait.ge [sflag:s16], $0x80  }
0x388: {  	[sflag:s16] =	ssyncset.done $0x0  }
0x389: {  	[sflag:s16] =	ssyncadd.s32 $0xFFFFFF80  }
0x38a: {  	_ =	swait.ge [sflag:s16], $0x80  }
0x38b: {  	[sflag:s16] =	ssyncset.done $0x0  }
0x38c: {  	[sflag:s16] =	ssyncadd.s32 $0xFFFFFF80  }
0x38d: {  	_ =	swait.ge [sflag:s16], $0x80  }
0x38e: {  	[sflag:s16] =	ssyncset.done $0x0  }
0x38f: {  	[sflag:s16] =	ssyncadd.s32 $0xFFFFFF80  }
0x390: {  	_ =	swait.ge [sflag:s16], $0x80  }
0x391: {  	[sflag:s16] =	ssyncset.done $0x0  }
0x392: {  	[sflag:s16] =	ssyncadd.s32 $0xFFFFFF80  }
0x393: {  	_ =	swait.ge [sflag:s16], $0x80  }
0x394: {  	[sflag:s16] =	ssyncset.done $0x0  }
0x395: {  	[sflag:s16] =	ssyncadd.s32 $0xFFFFFF80  }
0x396: {  	_ =	swait.ge [sflag:s16], $0x80  }
0x397: {  	[sflag:s16] =	ssyncset.done $0x0  }
0x398: {  	[sflag:s16] =	ssyncadd.s32 $0xFFFFFF80  }
0x399: {  	_ =	swait.ge [sflag:s16], $0x80  }
0x39a: {  	[sflag:s16] =	ssyncset.done $0x0  }
0x39b: {  	[sflag:s16] =	ssyncadd.s32 $0xFFFFFF80  }
0x39c: {  	_ =	swait.ge [sflag:s16], $0x80  }
0x39d: {  	[sflag:s16] =	ssyncset.done $0x0  }
0x39e: {  	[sflag:s16] =	ssyncadd.s32 $0xFFFFFF80  }
0x39f: {  	_ =	swait.ge [sflag:s16], $0x80  }
0x3a0: {  	[sflag:s16] =	ssyncset.done $0x0  }
0x3a1: {  	[sflag:s16] =	ssyncadd.s32 $0xFFFFFF80  }
0x3a2: {  	_ =	swait.ge [sflag:s16], $0x80  }
0x3a3: {  	[sflag:s16] =	ssyncset.done $0x0  }
0x3a4: {  	[sflag:s16] =	ssyncadd.s32 $0xFFFFFF80  }
0x3a5: {  	_ =	swait.ge [sflag:s16], $0x80  }
0x3a6: {  	[sflag:s16] =	ssyncset.done $0x0  }
0x3a7: {  	[sflag:s16] =	ssyncadd.s32 $0xFFFFFF80  }
0x3a8: {  	_ =	swait.ge [sflag:s16], $0x80  }
0x3a9: {  	[sflag:s16] =	ssyncset.done $0x0  }
0x3aa: {  	[sflag:s16] =	ssyncadd.s32 $0xFFFFFF80  }
0x3ab: {  	_ =	swait.ge [sflag:s26], $0x80  }
0x3ac: {  	[sflag:s26] =	ssyncset.done $0x0  }
0x3ad: {  	[sflag:s26] =	ssyncadd.s32 $0xFFFFFF80  }
0x3ae: {  	_ =	swait.ge [sflag:s26], $0x80  }
0x3af: {  	[sflag:s26] =	ssyncset.done $0x0  }
0x3b0: {  	[sflag:s26] =	ssyncadd.s32 $0xFFFFFF80  }
0x3b1: {  	_ =	swait.ge [sflag:s26], $0x80  }
0x3b2: {  	[sflag:s26] =	ssyncset.done $0x0  }
0x3b3: {  	[sflag:s26] =	ssyncadd.s32 $0xFFFFFF80  }
0x3b4: {  	_ =	swait.ge [sflag:s26], $0x80  }
0x3b5: {  	[sflag:s26] =	ssyncset.done $0x0  }
0x3b6: {  	[sflag:s26] =	ssyncadd.s32 $0xFFFFFF80  }
0x3b7: {  	_ =	swait.ge [sflag:s26], $0x80  }
0x3b8: {  	[sflag:s26] =	ssyncset.done $0x0  }
0x3b9: {  	[sflag:s26] =	ssyncadd.s32 $0xFFFFFF80  }
0x3ba: {  	_ =	swait.ge [sflag:s26], $0x80  }
0x3bb: {  	[sflag:s26] =	ssyncset.done $0x0  }
0x3bc: {  	[sflag:s26] =	ssyncadd.s32 $0xFFFFFF80  }
0x3bd: {  	_ =	swait.ge [sflag:s26], $0x80  }
0x3be: {  	[sflag:s26] =	ssyncset.done $0x0  }
0x3bf: {  	[sflag:s26] =	ssyncadd.s32 $0xFFFFFF80  }
0x3c0: {  	_ =	swait.ge [sflag:s26], $0x80  }
0x3c1: {  	[sflag:s26] =	ssyncset.done $0x0  }
0x3c2: {  	[sflag:s26] =	ssyncadd.s32 $0xFFFFFF80  }
0x3c3: {  	_ =	swait.ge [sflag:s26], $0x80  }
0x3c4: {  	[sflag:s26] =	ssyncset.done $0x0  }
0x3c5: {  	[sflag:s26] =	ssyncadd.s32 $0xFFFFFF80  }
0x3c6: {  	_ =	swait.ge [sflag:s26], $0x80  }
0x3c7: {  	[sflag:s26] =	ssyncset.done $0x0  }
0x3c8: {  	[sflag:s26] =	ssyncadd.s32 $0xFFFFFF80  }
0x3c9: {  	_ =	swait.ge [sflag:s26], $0x80  }
0x3ca: {  	[sflag:s26] =	ssyncset.done $0x0  }
0x3cb: {  	[sflag:s26] =	ssyncadd.s32 $0xFFFFFF80  }
0x3cc: {  	_ =	swait.ge [sflag:s26], $0x80  }
0x3cd: {  	[sflag:s26] =	ssyncset.done $0x0  }
0x3ce: {  	[sflag:s26] =	ssyncadd.s32 $0xFFFFFF80  }
0x3cf: {  	_ =	swait.ge [sflag:s26], $0x80  }
0x3d0: {  	[sflag:s26] =	ssyncset.done $0x0  }
0x3d1: {  	[sflag:s26] =	ssyncadd.s32 $0xFFFFFF80  }
0x3d2: {  	_ =	swait.ge [sflag:s26], $0x80  }
0x3d3: {  	[sflag:s26] =	ssyncset.done $0x0  }
0x3d4: {  	[sflag:s26] =	ssyncadd.s32 $0xFFFFFF80  }
0x3d5: {  	_ =	swait.ge [sflag:s26], $0x80  }
0x3d6: {  	[sflag:s26] =	ssyncset.done $0x0  }
0x3d7: {  	[sflag:s26] =	ssyncadd.s32 $0xFFFFFF80  }
0x3d8: {  	_ =	swait.ge [sflag:s26], $0x80  }
0x3d9: {  	[sflag:s26] =	ssyncset.done $0x0  }
0x3da: {  	[sflag:s26] =	ssyncadd.s32 $0xFFFFFF80  }
0x3db: {  	_ =	swait.ge [sflag:s26], $0x80  }
0x3dc: {  	[sflag:s26] =	ssyncset.done $0x0  }
0x3dd: {  	[sflag:s26] =	ssyncadd.s32 $0xFFFFFF80  }
0x3de: {  	_ =	swait.ge [sflag:s26], $0x80  }
0x3df: {  	[sflag:s26] =	ssyncset.done $0x0  }
0x3e0: {  	[sflag:s26] =	ssyncadd.s32 $0xFFFFFF80  }
0x3e1: {  	_ =	swait.ge [sflag:s26], $0x80  }
0x3e2: {  	[sflag:s26] =	ssyncset.done $0x0  }
0x3e3: {  	[sflag:s26] =	ssyncadd.s32 $0xFFFFFF80  }
0x3e4: {  	_ =	swait.ge [sflag:s26], $0x80  }
0x3e5: {  	[sflag:s26] =	ssyncset.done $0x0  }
0x3e6: {  	[sflag:s26] =	ssyncadd.s32 $0xFFFFFF80  }
0x3e7: {  	_ =	swait.ge [sflag:s26], $0x80  }
0x3e8: {  	[sflag:s26] =	ssyncset.done $0x0;
	s0 =	rddreg [dreg:$0x13]  }
0x3e9: {  	s7 =	rddreg [dreg:$0x15];
	[sflag:s26] =	ssyncadd.s32 $0xFFFFFF80  }
0x3ea: {  	s30 =	stileid.u32;
	s0 =	sadd.s32 s7, s0;
	[bflag:$0x0] =	sbarrier.arrive $0xFFFF  }
0x3eb: {  	s7 =	sshll.u32 s30, $0x6;
	s0 =	sshrl.u32 s0, $0x3;
	s8 =	rddreg [dreg:$0x1]  }
0x3ec: {  	s7 =	sor.u32 $0x1C05, s7;
	s31 =	rddreg [dreg:$0x8];
	s0 =	sadd.s32 s8, s0  }
0x3ed: {  	[hbm:s0], [sflag:s7] =	dma.local [spmem:s31], $0x3100  }
0x3ee: {  	_ =	swait.ge [sflag:s13], $0x3100  }
0x3ef: {  	s11 =	rddreg [dreg:$0x14]  }
0x3f0: {  	s11 =	sadd.s32 $0x1, s11  }
0x3f1: {  	p0 =	sne.s32 s11, $0x3  }
.Ltmp7:
0x3f2: {  	_ = 	snop;
	(pc) =	sbr.rel @p0 .LBB2_5-.Ltmp7, $3  }
0x3f3: {  	_ =	sdelay $0x1  }
0x3f4: {  	[sflag:s13] =	ssyncset.done $0x0  }
0x3f5: {  	[sflag:s13] =	ssyncadd.s32 $0xFFFFCF00  }
0x3f6: {  	s7 =	rddreg [dreg:$0xa]  }
0x3f7: {  	s7 =	sadd.s32 $0x1, s7  }
0x3f8: {  	p0 =	sne.s32 s7, $0x4  }
.Ltmp8:
0x3f9: {  	_ = 	snop;
	(pc) =	sbr.rel @p0 .LBB2_4-.Ltmp8, $1  }
0x3fa: {  	_ =	sdelay $0x3  }
0x3fb: {  	s7 =	rddreg [dreg:$0x9]  }
0x3fc: {  	s0 =	rddreg [dreg:$0x7];
	s7 =	sadd.s32 $0x1, s7  }
0x3fd: {  	p0 =	sne.s32 s7, s0  }
.Ltmp9:
0x3fe: {  	_ = 	snop;
	(pc) =	sbr.rel @p0 .LBB2_1-.Ltmp9, $1  }
0x3ff: {  	_ =	sdelay $0x3  }
0x400: {  	_ =	sfence.sel $0x180000  }
0x401: {  	[bflag:$0x0] =	sbarrier.arrive $0xFFFF  }
0x402: {  	_ =	strace $0x90000047  }
0x403: {  	s0 =	stileid.u32;
	[bflag:$0x2] =	sbarrier.arrive $0xFFFF  }
0x404: {  	p0 =	sne.s32 s0, $0x0;
	s0 =	rddreg [dreg:$0x3]  }
0x405: {  	s0 =	sadd.s32 @!p0 $0x100000, s0  }
0x406: {  	[sflag:s0] =	ssyncadd.tile.s32 @!p0 $0x1;
	_ =	shalt  }
.Lfunc_end2:
_tile_overlayer_lowered:
.L_overlay_start_2:
0x407: {  	(tag) =	ssettag $0x2  }
0x408: {  	s0 =	rddreg [dreg:$0x0];
	s2 =	stileid.u32  }
0x409: {  	s1 =	rddreg [dreg:$0x1];
	p0 =	sne.s32 s2, $0x0  }
0x40a: {  	s3 =	rddreg [dreg:$0x2];
	[bflag:$0x3] =	sbarrier.arrive $0xFFFF;
	s2 =	simm.s32 @!p0 $0x1C05  }
0x40b: {  	[timem:s3], [sflag:s2] =	dma.local @!p0 [hbm:s0], s1  }
0x40c: {  	s0 =	simm.s32 @!p0 $0x5  }
0x40d: {  	_ =	swait.ge @!p0 [sflag:s0], s1  }
0x40e: {  	s1 =	ssub.s32 @!p0 $0x0, s1;
	[sflag:s0] =	ssyncset.done @!p0 $0x0  }
0x40f: {  	[sflag:s0] =	ssyncadd.s32 @!p0 s1  }
0x410: {  	[bflag:$0x3] =	sbarrier.arrive $0xFFFF  }
0x411: {  	_ =	shalt  }

</sc_bundles>
